<compile_context>
chip_gen: v7x
topology: tpu7x:2x2x1
jax: 0.10.2.dev20260603
libtpu: 0.0.44.dev20260713+nightly
codegen_flags: <defaults>
</compile_context>

<pallas_src>
import functools

import jax
import jax.numpy as jnp
from jax import lax
from jax.experimental import pallas as pl
from jax.experimental.pallas import tpu as pltpu
from jax.experimental.pallas import tpu_sc as plsc

N = 50000
D = 128
G = 1024
GP = 1152
SUB = 80
ROWS_PER_SUBCORE = GP // 16
F32 = jnp.float32

_mesh = plsc.VectorSubcoreMesh(core_axis_name="c", subcore_axis_name="s")


def _worker_layout():
    cid = lax.axis_index("c")
    sid = lax.axis_index("s")
    wid = sid * 2 + cid
    base = jnp.where(wid < 17, wid * 1600, 27200 + (wid - 17) * 1520)
    nsub = jnp.where(wid < 17, 20, 19)
    return cid, sid, base, nsub


def _sc_segsum_body(rows_hbm, gid_hbm, zeros_hbm, out_hbm, idx_v, rows_v,
                    acc_sh, sem):
    cid, sid, base, nsub = _worker_layout()
    r0 = sid * ROWS_PER_SUBCORE
    pltpu.sync_copy(zeros_hbm.at[pl.ds(r0, ROWS_PER_SUBCORE)],
                    acc_sh.at[pl.ds(r0, ROWS_PER_SUBCORE)])
    plsc.subcore_barrier()

    def step(j, _):
        off = base + j * SUB
        pltpu.sync_copy(gid_hbm.at[pl.ds(off, SUB)], idx_v)
        pltpu.async_copy(rows_hbm.at[pl.ds(off, SUB)], rows_v, sem).wait()
        pltpu.sync_copy(rows_v, acc_sh.at[idx_v], add=True)
        return 0

    lax.fori_loop(0, nsub, step, 0)
    plsc.subcore_barrier()
    pltpu.sync_copy(acc_sh.at[pl.ds(r0, ROWS_PER_SUBCORE)],
                    out_hbm.at[cid, pl.ds(r0, ROWS_PER_SUBCORE)])


@functools.lru_cache(maxsize=None)
def _sc_segsum_call(ncols):
    return pl.kernel(
        _sc_segsum_body,
        out_type=jax.ShapeDtypeStruct((2, GP, ncols), F32),
        mesh=_mesh,
        scratch_types=[
            pltpu.VMEM((SUB,), jnp.int32),
            pltpu.VMEM((SUB, ncols), F32),
            pltpu.VMEM_SHARED((GP, ncols), F32),
            pltpu.SemaphoreType.DMA,
        ],
    )


def _sc_segsum(rows, gid, zeros):
    return _sc_segsum_call(rows.shape[1])(rows, gid, zeros)


def _sc_segsum2_body(rh_hbm, re_hbm, gid_hbm, zeros_hbm, ph_hbm, pe_hbm,
                     idx_v, rh_v, re_v, acch_sh, acce_sh, sem):
    cid, sid, base, nsub = _worker_layout()
    r0 = sid * ROWS_PER_SUBCORE
    pltpu.sync_copy(zeros_hbm.at[pl.ds(r0, ROWS_PER_SUBCORE)],
                    acch_sh.at[pl.ds(r0, ROWS_PER_SUBCORE)])
    pltpu.sync_copy(zeros_hbm.at[pl.ds(r0, ROWS_PER_SUBCORE)],
                    acce_sh.at[pl.ds(r0, ROWS_PER_SUBCORE)])
    plsc.subcore_barrier()

    def step(j, _):
        off = base + j * SUB
        pltpu.sync_copy(gid_hbm.at[pl.ds(off, SUB)], idx_v)
        cp = pltpu.async_copy(rh_hbm.at[pl.ds(off, SUB)], rh_v, sem)
        pltpu.sync_copy(re_hbm.at[pl.ds(off, SUB)], re_v)
        cp.wait()
        pltpu.sync_copy(rh_v, acch_sh.at[idx_v], add=True)
        pltpu.sync_copy(re_v, acce_sh.at[idx_v], add=True)
        return 0

    lax.fori_loop(0, nsub, step, 0)
    plsc.subcore_barrier()
    pltpu.sync_copy(acch_sh.at[pl.ds(r0, ROWS_PER_SUBCORE)],
                    ph_hbm.at[cid, pl.ds(r0, ROWS_PER_SUBCORE)])
    pltpu.sync_copy(acce_sh.at[pl.ds(r0, ROWS_PER_SUBCORE)],
                    pe_hbm.at[cid, pl.ds(r0, ROWS_PER_SUBCORE)])


_sc_segsum2 = pl.kernel(
    _sc_segsum2_body,
    out_type=(jax.ShapeDtypeStruct((2, GP, D), F32),
              jax.ShapeDtypeStruct((2, GP, D), F32)),
    mesh=_mesh,
    scratch_types=[
        pltpu.VMEM((SUB,), jnp.int32),
        pltpu.VMEM((SUB, D), F32),
        pltpu.VMEM((SUB, D), F32),
        pltpu.VMEM_SHARED((GP, D), F32),
        pltpu.VMEM_SHARED((GP, D), F32),
        pltpu.SemaphoreType.DMA,
    ],
)


def _sc_gather_body(tab_hbm, gid_hbm, out_hbm, idx_v, rows_v, sem):
    _, _, base, nsub = _worker_layout()

    def step(j, _):
        off = base + j * SUB
        pltpu.sync_copy(gid_hbm.at[pl.ds(off, SUB)], idx_v)
        pltpu.async_copy(tab_hbm.at[idx_v], rows_v, sem).wait()
        pltpu.sync_copy(rows_v, out_hbm.at[pl.ds(off, SUB)])
        return 0

    lax.fori_loop(0, nsub, step, 0)


@functools.lru_cache(maxsize=None)
def _sc_gather_call(ncols):
    return pl.kernel(
        _sc_gather_body,
        out_type=jax.ShapeDtypeStruct((N, ncols), F32),
        mesh=_mesh,
        scratch_types=[
            pltpu.VMEM((SUB,), jnp.int32),
            pltpu.VMEM((SUB, ncols), F32),
            pltpu.SemaphoreType.DMA,
        ],
    )


def _sc_gather(tab, gid):
    return _sc_gather_call(tab.shape[1])(tab, gid)


def _leaky(x):
    return jnp.where(x >= 0, x, 0.01 * x)


def _dot(a, b):
    return jnp.dot(a, b, preferred_element_type=F32)


def _gru_step(gi, gh, h):
    r = jax.nn.sigmoid(gi[:, :D] + gh[:, :D])
    zz = jax.nn.sigmoid(gi[:, D:2 * D] + gh[:, D:2 * D])
    n = jnp.tanh(gi[:, 2 * D:] + r * gh[:, 2 * D:])
    return (1.0 - zz) * n + zz * h


def _tc_d0_body(p_ref, ot_ref):
    ot_ref[...] = p_ref[0, :G, :] + p_ref[1, :G, :]


def _tc_d0(partials):
    return pl.pallas_call(
        _tc_d0_body,
        out_shape=jax.ShapeDtypeStruct((G, D), F32),
    )(partials)


def _tc_group_body(full, sh_ref, se_ref, t_ref, wmsgT, bmsg, wgbT, wguT, bg,
                   wihbT, whhbT, bihb, bhhb, ot_ref):
    Sem = sh_ref[0, :G, :] + sh_ref[1, :G, :]
    Se = se_ref[0, :G, :1] + se_ref[1, :G, :1]
    br = t_ref[:, :D]
    u = _leaky(Sem / jnp.maximum(Se, 1e-9))
    g = jax.nn.sigmoid(_dot(br, wgbT[...]) + _dot(u, wguT[...]) + bg[...])
    bwg = (1.0 - g) * u + g * br
    gi = _dot(u, wihbT[...]) + bihb[...]
    gh = _dot(bwg, whhbT[...]) + bhhb[...]
    bnew = _gru_step(gi, gh, bwg)
    ub = _leaky(_dot(bnew, wmsgT[...]) + bmsg[...])
    if full:
        ot_ref[...] = jnp.concatenate([bnew, ub], axis=1)
    else:
        ot_ref[...] = ub


def _tc_group(full, sh, se, t, *weights):
    ncols = 2 * D if full else D
    return pl.pallas_call(
        functools.partial(_tc_group_body, full),
        out_shape=jax.ShapeDtypeStruct((G, ncols), F32),
    )(sh, se, t, *weights)


def _tc_b2u_body(p_ref, wmsgT, bmsg, ou_ref):
    br = p_ref[0, :G, :] + p_ref[1, :G, :]
    ou_ref[...] = _leaky(_dot(br, wmsgT[...]) + bmsg[...])


def _tc_b2u(partials, wmsgT, bmsg):
    return pl.pallas_call(
        _tc_b2u_body,
        out_shape=jax.ShapeDtypeStruct((G, D), F32),
    )(partials, wmsgT, bmsg)


_BLK = 2000
_row = lambda i: (i, 0)
_rep = lambda i: (0, 0)


def _tc_passa_body(h_ref, g_ref, wmsgT, bmsg, ewh_ref, ewe_ref):
    Hb = h_ref[...]
    Bp = g_ref[...]
    dot = jnp.sum(Hb * Bp, axis=1, keepdims=True)
    hn = jnp.sqrt(jnp.sum(Hb * Hb, axis=1, keepdims=True))
    bn = jnp.sqrt(jnp.sum(Bp * Bp, axis=1, keepdims=True))
    cos = dot / jnp.maximum(hn * bn, 1e-8)
    e = jnp.exp(cos - 1.0)
    msg = _dot(Hb, wmsgT[...]) + bmsg[...]
    ewh_ref[...] = e * msg
    ewe_ref[...] = jnp.concatenate(
        [e, jnp.zeros((_BLK, D - 1), F32)], axis=1)


def _tc_passa(h, g, wmsgT, bmsg):
    return pl.pallas_call(
        _tc_passa_body,
        grid=(N // _BLK,),
        in_specs=[
            pl.BlockSpec((_BLK, D), _row),
            pl.BlockSpec((_BLK, D), _row),
            pl.BlockSpec((D, D), _rep),
            pl.BlockSpec((1, D), _rep),
        ],
        out_specs=(pl.BlockSpec((_BLK, D), _row),
                   pl.BlockSpec((_BLK, D), _row)),
        out_shape=(jax.ShapeDtypeStruct((N, D), F32),
                   jax.ShapeDtypeStruct((N, D), F32)),
    )(h, g, wmsgT, bmsg)


def _tc_zupdate_body(z_ref, g2_ref, g3_ref, u3_ref, wgbT, wguT, bg, wihT,
                     whhT, bih, bhh, o_ref):
    Z = z_ref[...]
    for u in (g2_ref[...], g3_ref[...], u3_ref[...]):
        g = jax.nn.sigmoid(_dot(Z, wgbT[...]) + _dot(u, wguT[...]) + bg[...])
        m = (1.0 - g) * u + g * Z
        gi = _dot(m, wihT[...]) + bih[...]
        gh = _dot(Z, whhT[...]) + bhh[...]
        Z = _gru_step(gi, gh, Z)
    o_ref[...] = Z


def _tc_zupdate(z, g2, g3, u3, wgbT, wguT, bg, wihT, whhT, bih, bhh):
    ucol = lambda i: (i, 1)
    return pl.pallas_call(
        _tc_zupdate_body,
        grid=(N // _BLK,),
        in_specs=[
            pl.BlockSpec((_BLK, D), _row),
            pl.BlockSpec((_BLK, D), ucol),
            pl.BlockSpec((_BLK, D), ucol),
            pl.BlockSpec((_BLK, D), _row),
            pl.BlockSpec((D, D), _rep),
            pl.BlockSpec((D, D), _rep),
            pl.BlockSpec((1, D), _rep),
            pl.BlockSpec((D, 3 * D), _rep),
            pl.BlockSpec((D, 3 * D), _rep),
            pl.BlockSpec((1, 3 * D), _rep),
            pl.BlockSpec((1, 3 * D), _rep),
        ],
        out_specs=pl.BlockSpec((_BLK, D), _row),
        out_shape=jax.ShapeDtypeStruct((N, D), F32),
    )(z, g2, g3, u3, wgbT, wguT, bg, wihT, whhT, bih, bhh)


def _tc_hupdate_body(h_ref, uh_ref, wihT, whhT, bih, bhh, o_ref):
    Hb = h_ref[...]
    gi = _dot(uh_ref[...], wihT[...]) + bih[...]
    for _ in range(3):
        gh = _dot(Hb, whhT[...]) + bhh[...]
        Hb = _gru_step(gi, gh, Hb)
    o_ref[...] = Hb


def _tc_hupdate(h, uh, wihT, whhT, bih, bhh):
    return pl.pallas_call(
        _tc_hupdate_body,
        grid=(N // _BLK,),
        in_specs=[
            pl.BlockSpec((_BLK, D), _row),
            pl.BlockSpec((_BLK, D), _row),
            pl.BlockSpec((D, 3 * D), _rep),
            pl.BlockSpec((D, 3 * D), _rep),
            pl.BlockSpec((1, 3 * D), _rep),
            pl.BlockSpec((1, 3 * D), _rep),
        ],
        out_specs=pl.BlockSpec((_BLK, D), _row),
        out_shape=jax.ShapeDtypeStruct((N, D), F32),
    )(h, uh, wihT, whhT, bih, bhh)


def kernel(H_intra, Z_inter, group_assign, W_msg, b_msg, W_gB, b_gB, W_gu,
           b_gu, W_ih_b, W_hh_b, b_ih_b, b_hh_b, W_ih_a, W_hh_a, b_ih_a,
           b_hh_a):
    gid = group_assign.astype(jnp.int32)
    zeros128 = jnp.zeros((GP, D), F32)

    wmsgT = W_msg.T
    wgbT = W_gB.T
    wguT = W_gu.T
    wihbT = W_ih_b.T
    whhbT = W_hh_b.T
    wihaT = W_ih_a.T
    whhaT = W_hh_a.T
    bmsg = b_msg.reshape(1, D)
    bg = (b_gB + b_gu).reshape(1, D)
    bihb = b_ih_b.reshape(1, 3 * D)
    bhhb = b_hh_b.reshape(1, 3 * D)
    biha = b_ih_a.reshape(1, 3 * D)
    bhha = b_hh_a.reshape(1, 3 * D)
    gw = (wmsgT, bmsg, wgbT, wguT, bg, wihbT, whhbT, bihb, bhhb)

    p0 = _sc_segsum(Z_inter, gid, zeros128)
    t1 = _tc_d0(p0)

    g1 = _sc_gather(t1, gid)
    s1h, s1e = _sc_segsum2(*_tc_passa(H_intra, g1, wmsgT, bmsg), gid, zeros128)
    t2 = _tc_group(True, s1h, s1e, t1, *gw)

    g2 = _sc_gather(t2, gid)
    s2h, s2e = _sc_segsum2(*_tc_passa(H_intra, g2, wmsgT, bmsg), gid, zeros128)
    t3 = _tc_group(True, s2h, s2e, t2, *gw)

    g3 = _sc_gather(t3, gid)
    s3h, s3e = _sc_segsum2(*_tc_passa(H_intra, g3, wmsgT, bmsg), gid, zeros128)
    u3t = _tc_group(False, s3h, s3e, t3, *gw)

    u3 = _sc_gather(u3t, gid)
    z_final = _tc_zupdate(Z_inter, g2, g3, u3, wgbT, wguT, bg, wihaT, whhaT,
                          biha, bhha)

    p2 = _sc_segsum(z_final, gid, zeros128)
    uh = _sc_gather(_tc_b2u(p2, wmsgT, bmsg), gid)
    h_final = _tc_hupdate(H_intra, uh, wihaT, whhaT, biha, bhha)

    return (z_final, h_final)

# --- scband reference (transcript-rebuilt; emitter-appended) ---
"""Pipeline reference for scband-atom-level-interactive-ligand-44779329028360 (READ-ONLY COPY).

The authoritative reference and input builder live on the scoring server;
editing this copy changes nothing except your own understanding.
"""

import jax, jax.numpy as jnp
import numpy as np

L_ATOM = 3
D = 128
N = 50000
NUM_GROUPS = 1024


def leaky_relu(x):
    return jnp.where(x >= 0, x, 0.01 * x)


def gru_cell(x, h, W_ih, W_hh, b_ih, b_hh):
    gi = x @ W_ih.T + b_ih
    gh = h @ W_hh.T + b_hh
    i_r, i_z, i_n = jnp.split(gi, 3, axis=-1)
    h_r, h_z, h_n = jnp.split(gh, 3, axis=-1)
    r = jax.nn.sigmoid(i_r + h_r)
    z = jax.nn.sigmoid(i_z + h_z)
    n = jnp.tanh(i_n + r * h_n)
    return (1.0 - z) * n + z * h


def warp_gate(B, u, W_gB, b_gB, W_gu, b_gu):
    g = jax.nn.sigmoid(B @ W_gB.T + b_gB + u @ W_gu.T + b_gu)
    return (1.0 - g) * u + g * B


def setup_inputs(seed: int = 0):
    key = jax.random.key(seed)
    ks = jax.random.split(key, 20)
    s = 1.0 / np.sqrt(D)
    def U(k, shape):
        return jax.random.uniform(k, shape, minval=-s, maxval=s, dtype=jnp.float32)
    return {
        "H_intra": jax.random.normal(ks[0], (N, D), dtype=jnp.float32),
        "Z_inter": jax.random.normal(ks[1], (N, D), dtype=jnp.float32),
        "group_assign": jnp.sort(jax.random.randint(ks[2], (N,), 0, NUM_GROUPS)),
        "W_msg": U(ks[3], (D, D)),
        "b_msg": U(ks[4], (D,)),
        "W_gB": U(ks[5], (D, D)),
        "b_gB": U(ks[6], (D,)),
        "W_gu": U(ks[7], (D, D)),
        "b_gu": U(ks[8], (D,)),
        "W_ih_b": U(ks[9], (3 * D, D)),
        "W_hh_b": U(ks[10], (3 * D, D)),
        "b_ih_b": U(ks[11], (3 * D,)),
        "b_hh_b": U(ks[12], (3 * D,)),
        "W_ih_a": U(ks[13], (3 * D, D)),
        "W_hh_a": U(ks[14], (3 * D, D)),
        "b_ih_a": U(ks[15], (3 * D,)),
        "b_hh_a": U(ks[16], (3 * D,)),
    }


def reference(H_intra, Z_inter, group_assign, W_msg, b_msg, W_gB, b_gB, W_gu, b_gu,
              W_ih_b, W_hh_b, b_ih_b, b_hh_b, W_ih_a, W_hh_a, b_ih_a, b_hh_a):
    gid = group_assign
    G = NUM_GROUPS
    H = H_intra
    Z = Z_inter
    # initial bridge: per-group sum of inter representations
    bridge = jax.ops.segment_sum(Z, gid, num_segments=G)
    for _ in range(L_ATOM):
        B_pa = bridge[gid]  # gather bridge to atoms
        num = jnp.sum(H * B_pa, axis=1)
        den = jnp.maximum(jnp.linalg.norm(H, axis=1) * jnp.linalg.norm(B_pa, axis=1), 1e-8)
        cos = num / den
        msg = H @ W_msg.T + b_msg
        # per-group softmax over cosine similarities
        m = jax.ops.segment_max(cos, gid, num_segments=G)
        e = jnp.exp(cos - m[gid])
        denom = jnp.maximum(jax.ops.segment_sum(e, gid, num_segments=G), 1e-9)
        w = e / denom[gid]
        u_a2b = leaky_relu(jax.ops.segment_sum(w[:, None] * msg, gid, num_segments=G))
        B_wg = warp_gate(bridge, u_a2b, W_gB, b_gB, W_gu, b_gu)
        B_new = gru_cell(u_a2b, B_wg, W_ih_b, W_hh_b, b_ih_b, b_hh_b)
        u_b2a = leaky_relu(B_new @ W_msg.T + b_msg)
        u_atom = u_b2a[gid]
        msg_atom = warp_gate(Z, u_atom, W_gB, b_gB, W_gu, b_gu)
        Z = gru_cell(msg_atom, Z, W_ih_a, W_hh_a, b_ih_a, b_hh_a)
        bridge = B_new
    Z_final = Z
    # inter -> intra phase: constant message per group, GRU applied L_ATOM times
    B2 = jax.ops.segment_sum(Z_final, gid, num_segments=G)
    u_b2h = leaky_relu(B2 @ W_msg.T + b_msg)[gid]
    for _ in range(L_ATOM):
        H = gru_cell(u_b2h, H, W_ih_a, W_hh_a, b_ih_a, b_hh_a)
    return (Z_final, H)

if __name__ == "__main__":
    import jax
    _d = setup_inputs()
    print(jax.jit(kernel)(*tuple(_d.values())))

</pallas_src>

<mosaic_0001>
#map = affine_map<(d0, d1) -> (0, 0)>
#map1 = affine_map<(d0, d1) -> (0)>
module attributes {stable_mosaic.version = 14 : i64} {
  func.func @_sc_gather_body(%arg0: i32, %arg1: i32, %arg2: memref<1024x256xf32, #tpu.memory_space<hbm>>, %arg3: memref<50000xi32, #tpu.memory_space<hbm>>, %arg4: memref<50000x256xf32, #tpu.memory_space<hbm>>, %arg5: memref<80xi32, #tpu.memory_space<vmem>>, %arg6: memref<80x256xf32, #tpu.memory_space<vmem>>, %arg7: memref<!tpu.dma_semaphore, #tpu.memory_space<semaphore_mem>>) attributes {dimension_semantics = [#tpu.dimension_semantics<core_parallel>, #tpu.dimension_semantics<subcore_parallel>], iteration_bounds = array<i64: 2, 16>, scalar_prefetch = 0 : i64, scratch_operands = 3 : i64, tpu.core_type = #tpu.core_type<sc_vector_subcore>, window_params = [{transform_indices = #map}, {transform_indices = #map1}, {transform_indices = #map}]} {
    %mul3A = arith.constant 2 : i32
    %mul3A_0 = arith.muli %arg1, %mul3A : i32
    %add3A = arith.addi %mul3A_0, %arg0 : i32
    %lt3A = arith.constant 17 : i32
    %lt3A_1 = arith.cmpi slt, %add3A, %lt3A : i32
    %mul3A_2 = arith.constant 1600 : i32
    %mul3A_3 = arith.muli %add3A, %mul3A_2 : i32
    %sub3A = arith.constant 17 : i32
    %sub3A_4 = arith.subi %add3A, %sub3A : i32
    %mul3A_5 = arith.constant 1520 : i32
    %mul3A_6 = arith.muli %sub3A_4, %mul3A_5 : i32
    %add3A_7 = arith.constant 27200 : i32
    %add3A_8 = arith.addi %add3A_7, %mul3A_6 : i32
    %select_n3A = arith.select %lt3A_1, %mul3A_3, %add3A_8 : i32
    %lt3A_9 = arith.constant 17 : i32
    %lt3A_10 = arith.cmpi slt, %add3A, %lt3A_9 : i32
    %jit3A = arith.constant 20 : i32
    %jit3A_11 = arith.constant 19 : i32
    %select_n3A_12 = arith.select %lt3A_10, %jit3A, %jit3A_11 : i32
    %while3A = arith.constant 0 : i32
    %while3A_13 = arith.constant 0 : i32
    %while3A_14 = arith.subi %select_n3A_12, %while3A : i32
    %while3A_15 = arith.addi %while3A, %while3A_14 : i32
    %while3A_16 = arith.constant 1 : i32
    %while3A_17 = arith.divsi %while3A_14, %while3A_16 : i32
    %while3A_18 = arith.muli %while3A_17, %while3A_16 : i32
    %while3A_19 = arith.addi %while3A, %while3A_18 : i32
    %while3A_20 = arith.constant 1 : i32
    %while3A_21 = scf.for %while3A_24 = %while3A to %while3A_19 step %while3A_20 iter_args(%while3A_25 = %while3A_13) -> (i32)  : i32 {
      %mul3A_26 = arith.constant 80 : i32
      %mul3A_27 = arith.muli %while3A_24, %mul3A_26 : i32
      %add3A_28 = arith.addi %select_n3A, %mul3A_27 : i32
      "tpu.region"() ({
        %run_scoped3A = tpu.sem_alloc : memref<!tpu.dma_semaphore, #tpu.memory_space<semaphore_mem>>
        %dma_start3A_34 = tpu.memref_slice %arg3[%add3A_28] : memref<50000xi32, #tpu.memory_space<hbm>> -> memref<80xi32, #tpu.memory_space<hbm>>
        %dma_start3A_35 = tpu.memref_slice %arg3[%add3A_28] : memref<50000xi32, #tpu.memory_space<hbm>> -> memref<80xi32, #tpu.memory_space<hbm>>
        tpu.enqueue_dma source(%dma_start3A_35 : memref<80xi32, #tpu.memory_space<hbm>>) target(%arg5 : memref<80xi32, #tpu.memory_space<vmem>>) target_semaphore(%run_scoped3A : memref<!tpu.dma_semaphore, #tpu.memory_space<semaphore_mem>>)
        %dma_wait3A_36 = tpu.memref_slice %arg3[%add3A_28] : memref<50000xi32, #tpu.memory_space<hbm>> -> memref<80xi32, #tpu.memory_space<hbm>>
        %dma_wait3A_37 = tpu.memref_slice %arg3[%add3A_28] : memref<50000xi32, #tpu.memory_space<hbm>> -> memref<80xi32, #tpu.memory_space<hbm>>
        tpu.wait_dma2 semaphore(%run_scoped3A : memref<!tpu.dma_semaphore, #tpu.memory_space<semaphore_mem>>) src(%dma_wait3A_37 : memref<80xi32, #tpu.memory_space<hbm>>) dst(%arg5 : memref<80xi32, #tpu.memory_space<vmem>>)
        tpu.yield
      }) : () -> ()
      %dma_start3A = arith.constant 0 : i32
      %dma_start3A_29 = arith.constant 0 : i32
      %dma_start3A_30 = tpu.memref_slice %arg2[%dma_start3A, %dma_start3A_29] : memref<1024x256xf32, #tpu.memory_space<hbm>> -> memref<1024x256xf32, #tpu.memory_space<hbm>>
      tpu.enqueue_indirect_dma source(%dma_start3A_30 : memref<1024x256xf32, #tpu.memory_space<hbm>>) target(%arg6 : memref<80x256xf32, #tpu.memory_space<vmem>>) offsets(%arg5 : memref<80xi32, #tpu.memory_space<vmem>>) semaphore(%arg7 : memref<!tpu.dma_semaphore, #tpu.memory_space<semaphore_mem>>)
      %dma_wait3A = arith.constant 0 : i32
      %dma_wait3A_31 = arith.constant 0 : i32
      %dma_wait3A_32 = tpu.memref_slice %arg2[%dma_wait3A, %dma_wait3A_31] : memref<1024x256xf32, #tpu.memory_space<hbm>> -> memref<1024x256xf32, #tpu.memory_space<hbm>>
      tpu.wait_indirect_dma semaphore(%arg7 : memref<!tpu.dma_semaphore, #tpu.memory_space<semaphore_mem>>) src(%dma_wait3A_32 : memref<1024x256xf32, #tpu.memory_space<hbm>>) dst(%arg6 : memref<80x256xf32, #tpu.memory_space<vmem>>)
      "tpu.region"() ({
        %run_scoped3A = tpu.sem_alloc : memref<!tpu.dma_semaphore, #tpu.memory_space<semaphore_mem>>
        %dma_start3A_34 = arith.constant 0 : i32
        %dma_start3A_35 = tpu.memref_slice %arg4[%add3A_28, %dma_start3A_34] : memref<50000x256xf32, #tpu.memory_space<hbm>> -> memref<80x256xf32, #tpu.memory_space<hbm>>
        %dma_start3A_36 = arith.constant 0 : i32
        %dma_start3A_37 = tpu.memref_slice %arg4[%add3A_28, %dma_start3A_36] : memref<50000x256xf32, #tpu.memory_space<hbm>> -> memref<80x256xf32, #tpu.memory_space<hbm>>
        tpu.enqueue_dma source(%arg6 : memref<80x256xf32, #tpu.memory_space<vmem>>) target(%dma_start3A_37 : memref<80x256xf32, #tpu.memory_space<hbm>>) target_semaphore(%run_scoped3A : memref<!tpu.dma_semaphore, #tpu.memory_space<semaphore_mem>>)
        %dma_wait3A_38 = arith.constant 0 : i32
        %dma_wait3A_39 = tpu.memref_slice %arg4[%add3A_28, %dma_wait3A_38] : memref<50000x256xf32, #tpu.memory_space<hbm>> -> memref<80x256xf32, #tpu.memory_space<hbm>>
        %dma_wait3A_40 = arith.constant 0 : i32
        %dma_wait3A_41 = tpu.memref_slice %arg4[%add3A_28, %dma_wait3A_40] : memref<50000x256xf32, #tpu.memory_space<hbm>> -> memref<80x256xf32, #tpu.memory_space<hbm>>
        tpu.wait_dma2 semaphore(%run_scoped3A : memref<!tpu.dma_semaphore, #tpu.memory_space<semaphore_mem>>) src(%arg6 : memref<80x256xf32, #tpu.memory_space<vmem>>) dst(%dma_wait3A_41 : memref<80x256xf32, #tpu.memory_space<hbm>>)
        tpu.yield
      }) : () -> ()
      %while3A_33 = arith.constant 0 : i32
      scf.yield %while3A_33 : i32
    }
    %while3A_22 = arith.constant 1 : i32
    %while3A_23 = scf.for %while3A_24 = %while3A_19 to %while3A_15 step %while3A_22 iter_args(%while3A_25 = %while3A_21) -> (i32)  : i32 {
      %mul3A_26 = arith.constant 80 : i32
      %mul3A_27 = arith.muli %while3A_24, %mul3A_26 : i32
      %add3A_28 = arith.addi %select_n3A, %mul3A_27 : i32
      "tpu.region"() ({
        %run_scoped3A = tpu.sem_alloc : memref<!tpu.dma_semaphore, #tpu.memory_space<semaphore_mem>>
        %dma_start3A_34 = tpu.memref_slice %arg3[%add3A_28] : memref<50000xi32, #tpu.memory_space<hbm>> -> memref<80xi32, #tpu.memory_space<hbm>>
        %dma_start3A_35 = tpu.memref_slice %arg3[%add3A_28] : memref<50000xi32, #tpu.memory_space<hbm>> -> memref<80xi32, #tpu.memory_space<hbm>>
        tpu.enqueue_dma source(%dma_start3A_35 : memref<80xi32, #tpu.memory_space<hbm>>) target(%arg5 : memref<80xi32, #tpu.memory_space<vmem>>) target_semaphore(%run_scoped3A : memref<!tpu.dma_semaphore, #tpu.memory_space<semaphore_mem>>)
        %dma_wait3A_36 = tpu.memref_slice %arg3[%add3A_28] : memref<50000xi32, #tpu.memory_space<hbm>> -> memref<80xi32, #tpu.memory_space<hbm>>
        %dma_wait3A_37 = tpu.memref_slice %arg3[%add3A_28] : memref<50000xi32, #tpu.memory_space<hbm>> -> memref<80xi32, #tpu.memory_space<hbm>>
        tpu.wait_dma2 semaphore(%run_scoped3A : memref<!tpu.dma_semaphore, #tpu.memory_space<semaphore_mem>>) src(%dma_wait3A_37 : memref<80xi32, #tpu.memory_space<hbm>>) dst(%arg5 : memref<80xi32, #tpu.memory_space<vmem>>)
        tpu.yield
      }) : () -> ()
      %dma_start3A = arith.constant 0 : i32
      %dma_start3A_29 = arith.constant 0 : i32
      %dma_start3A_30 = tpu.memref_slice %arg2[%dma_start3A, %dma_start3A_29] : memref<1024x256xf32, #tpu.memory_space<hbm>> -> memref<1024x256xf32, #tpu.memory_space<hbm>>
      tpu.enqueue_indirect_dma source(%dma_start3A_30 : memref<1024x256xf32, #tpu.memory_space<hbm>>) target(%arg6 : memref<80x256xf32, #tpu.memory_space<vmem>>) offsets(%arg5 : memref<80xi32, #tpu.memory_space<vmem>>) semaphore(%arg7 : memref<!tpu.dma_semaphore, #tpu.memory_space<semaphore_mem>>)
      %dma_wait3A = arith.constant 0 : i32
      %dma_wait3A_31 = arith.constant 0 : i32
      %dma_wait3A_32 = tpu.memref_slice %arg2[%dma_wait3A, %dma_wait3A_31] : memref<1024x256xf32, #tpu.memory_space<hbm>> -> memref<1024x256xf32, #tpu.memory_space<hbm>>
      tpu.wait_indirect_dma semaphore(%arg7 : memref<!tpu.dma_semaphore, #tpu.memory_space<semaphore_mem>>) src(%dma_wait3A_32 : memref<1024x256xf32, #tpu.memory_space<hbm>>) dst(%arg6 : memref<80x256xf32, #tpu.memory_space<vmem>>)
      "tpu.region"() ({
        %run_scoped3A = tpu.sem_alloc : memref<!tpu.dma_semaphore, #tpu.memory_space<semaphore_mem>>
        %dma_start3A_34 = arith.constant 0 : i32
        %dma_start3A_35 = tpu.memref_slice %arg4[%add3A_28, %dma_start3A_34] : memref<50000x256xf32, #tpu.memory_space<hbm>> -> memref<80x256xf32, #tpu.memory_space<hbm>>
        %dma_start3A_36 = arith.constant 0 : i32
        %dma_start3A_37 = tpu.memref_slice %arg4[%add3A_28, %dma_start3A_36] : memref<50000x256xf32, #tpu.memory_space<hbm>> -> memref<80x256xf32, #tpu.memory_space<hbm>>
        tpu.enqueue_dma source(%arg6 : memref<80x256xf32, #tpu.memory_space<vmem>>) target(%dma_start3A_37 : memref<80x256xf32, #tpu.memory_space<hbm>>) target_semaphore(%run_scoped3A : memref<!tpu.dma_semaphore, #tpu.memory_space<semaphore_mem>>)
        %dma_wait3A_38 = arith.constant 0 : i32
        %dma_wait3A_39 = tpu.memref_slice %arg4[%add3A_28, %dma_wait3A_38] : memref<50000x256xf32, #tpu.memory_space<hbm>> -> memref<80x256xf32, #tpu.memory_space<hbm>>
        %dma_wait3A_40 = arith.constant 0 : i32
        %dma_wait3A_41 = tpu.memref_slice %arg4[%add3A_28, %dma_wait3A_40] : memref<50000x256xf32, #tpu.memory_space<hbm>> -> memref<80x256xf32, #tpu.memory_space<hbm>>
        tpu.wait_dma2 semaphore(%run_scoped3A : memref<!tpu.dma_semaphore, #tpu.memory_space<semaphore_mem>>) src(%arg6 : memref<80x256xf32, #tpu.memory_space<vmem>>) dst(%dma_wait3A_41 : memref<80x256xf32, #tpu.memory_space<hbm>>)
        tpu.yield
      }) : () -> ()
      %while3A_33 = arith.constant 0 : i32
      scf.yield %while3A_33 : i32
    }
    return
  }
}

#map = affine_map<(d0, d1) -> (0, 0)>
#map1 = affine_map<(d0, d1) -> (0)>
#map2 = affine_map<(d0, d1) -> (0, 0, 0)>
module attributes {stable_mosaic.version = 14 : i64} {
  func.func @_sc_segsum_body(%arg0: i32, %arg1: i32, %arg2: memref<50000x128xf32, #tpu.memory_space<hbm>>, %arg3: memref<50000xi32, #tpu.memory_space<hbm>>, %arg4: memref<1152x128xf32, #tpu.memory_space<hbm>>, %arg5: memref<2x1152x128xf32, #tpu.memory_space<hbm>>, %arg6: memref<80xi32, #tpu.memory_space<vmem>>, %arg7: memref<80x128xf32, #tpu.memory_space<vmem>>, %arg8: memref<1152x128xf32, #tpu.memory_space<vmem_shared>>, %arg9: memref<!tpu.dma_semaphore, #tpu.memory_space<semaphore_mem>>) attributes {dimension_semantics = [#tpu.dimension_semantics<core_parallel>, #tpu.dimension_semantics<subcore_parallel>], iteration_bounds = array<i64: 2, 16>, scalar_prefetch = 0 : i64, scratch_operands = 4 : i64, tpu.core_type = #tpu.core_type<sc_vector_subcore>, window_params = [{transform_indices = #map}, {transform_indices = #map1}, {transform_indices = #map}, {transform_indices = #map2}]} {
    %mul3A = arith.constant 2 : i32
    %mul3A_0 = arith.muli %arg1, %mul3A : i32
    %add3A = arith.addi %mul3A_0, %arg0 : i32
    %lt3A = arith.constant 17 : i32
    %lt3A_1 = arith.cmpi slt, %add3A, %lt3A : i32
    %mul3A_2 = arith.constant 1600 : i32
    %mul3A_3 = arith.muli %add3A, %mul3A_2 : i32
    %sub3A = arith.constant 17 : i32
    %sub3A_4 = arith.subi %add3A, %sub3A : i32
    %mul3A_5 = arith.constant 1520 : i32
    %mul3A_6 = arith.muli %sub3A_4, %mul3A_5 : i32
    %add3A_7 = arith.constant 27200 : i32
    %add3A_8 = arith.addi %add3A_7, %mul3A_6 : i32
    %select_n3A = arith.select %lt3A_1, %mul3A_3, %add3A_8 : i32
    %lt3A_9 = arith.constant 17 : i32
    %lt3A_10 = arith.cmpi slt, %add3A, %lt3A_9 : i32
    %jit3A = arith.constant 20 : i32
    %jit3A_11 = arith.constant 19 : i32
    %select_n3A_12 = arith.select %lt3A_10, %jit3A, %jit3A_11 : i32
    %mul3A_13 = arith.constant 72 : i32
    %mul3A_14 = arith.muli %arg1, %mul3A_13 : i32
    "tpu.region"() ({
      %run_scoped3A = tpu.sem_alloc : memref<!tpu.dma_semaphore, #tpu.memory_space<semaphore_mem>>
      %dma_start3A = arith.constant 0 : i32
      %dma_start3A_27 = tpu.memref_slice %arg8[%mul3A_14, %dma_start3A] : memref<1152x128xf32, #tpu.memory_space<vmem_shared>> -> memref<72x128xf32, #tpu.memory_space<vmem_shared>>
      %dma_start3A_28 = arith.constant 0 : i32
      %dma_start3A_29 = tpu.memref_slice %arg4[%mul3A_14, %dma_start3A_28] : memref<1152x128xf32, #tpu.memory_space<hbm>> -> memref<72x128xf32, #tpu.memory_space<hbm>>
      tpu.enqueue_dma source(%dma_start3A_29 : memref<72x128xf32, #tpu.memory_space<hbm>>) target(%dma_start3A_27 : memref<72x128xf32, #tpu.memory_space<vmem_shared>>) target_semaphore(%run_scoped3A : memref<!tpu.dma_semaphore, #tpu.memory_space<semaphore_mem>>)
      %dma_wait3A = arith.constant 0 : i32
      %dma_wait3A_30 = tpu.memref_slice %arg8[%mul3A_14, %dma_wait3A] : memref<1152x128xf32, #tpu.memory_space<vmem_shared>> -> memref<72x128xf32, #tpu.memory_space<vmem_shared>>
      %dma_wait3A_31 = arith.constant 0 : i32
      %dma_wait3A_32 = tpu.memref_slice %arg4[%mul3A_14, %dma_wait3A_31] : memref<1152x128xf32, #tpu.memory_space<hbm>> -> memref<72x128xf32, #tpu.memory_space<hbm>>
      tpu.wait_dma2 semaphore(%run_scoped3A : memref<!tpu.dma_semaphore, #tpu.memory_space<semaphore_mem>>) src(%dma_wait3A_32 : memref<72x128xf32, #tpu.memory_space<hbm>>) dst(%dma_wait3A_30 : memref<72x128xf32, #tpu.memory_space<vmem_shared>>)
      tpu.yield
    }) : () -> ()
    %barrier3A = arith.constant 0 : index
    tpu.barrier barrier_id(%barrier3A)
    %while3A = arith.constant 0 : i32
    %while3A_15 = arith.constant 0 : i32
    %while3A_16 = arith.subi %select_n3A_12, %while3A : i32
    %while3A_17 = arith.addi %while3A, %while3A_16 : i32
    %while3A_18 = arith.constant 1 : i32
    %while3A_19 = arith.divsi %while3A_16, %while3A_18 : i32
    %while3A_20 = arith.muli %while3A_19, %while3A_18 : i32
    %while3A_21 = arith.addi %while3A, %while3A_20 : i32
    %while3A_22 = arith.constant 1 : i32
    %while3A_23 = scf.for %while3A_27 = %while3A to %while3A_21 step %while3A_22 iter_args(%while3A_28 = %while3A_15) -> (i32)  : i32 {
      %mul3A_29 = arith.constant 80 : i32
      %mul3A_30 = arith.muli %while3A_27, %mul3A_29 : i32
      %add3A_31 = arith.addi %select_n3A, %mul3A_30 : i32
      "tpu.region"() ({
        %run_scoped3A = tpu.sem_alloc : memref<!tpu.dma_semaphore, #tpu.memory_space<semaphore_mem>>
        %dma_start3A_39 = tpu.memref_slice %arg3[%add3A_31] : memref<50000xi32, #tpu.memory_space<hbm>> -> memref<80xi32, #tpu.memory_space<hbm>>
        %dma_start3A_40 = tpu.memref_slice %arg3[%add3A_31] : memref<50000xi32, #tpu.memory_space<hbm>> -> memref<80xi32, #tpu.memory_space<hbm>>
        tpu.enqueue_dma source(%dma_start3A_40 : memref<80xi32, #tpu.memory_space<hbm>>) target(%arg6 : memref<80xi32, #tpu.memory_space<vmem>>) target_semaphore(%run_scoped3A : memref<!tpu.dma_semaphore, #tpu.memory_space<semaphore_mem>>)
        %dma_wait3A_41 = tpu.memref_slice %arg3[%add3A_31] : memref<50000xi32, #tpu.memory_space<hbm>> -> memref<80xi32, #tpu.memory_space<hbm>>
        %dma_wait3A_42 = tpu.memref_slice %arg3[%add3A_31] : memref<50000xi32, #tpu.memory_space<hbm>> -> memref<80xi32, #tpu.memory_space<hbm>>
        tpu.wait_dma2 semaphore(%run_scoped3A : memref<!tpu.dma_semaphore, #tpu.memory_space<semaphore_mem>>) src(%dma_wait3A_42 : memref<80xi32, #tpu.memory_space<hbm>>) dst(%arg6 : memref<80xi32, #tpu.memory_space<vmem>>)
        tpu.yield
      }) : () -> ()
      %dma_start3A = arith.constant 0 : i32
      %dma_start3A_32 = tpu.memref_slice %arg2[%add3A_31, %dma_start3A] : memref<50000x128xf32, #tpu.memory_space<hbm>> -> memref<80x128xf32, #tpu.memory_space<hbm>>
      %dma_start3A_33 = arith.constant 0 : i32
      %dma_start3A_34 = tpu.memref_slice %arg2[%add3A_31, %dma_start3A_33] : memref<50000x128xf32, #tpu.memory_space<hbm>> -> memref<80x128xf32, #tpu.memory_space<hbm>>
      tpu.enqueue_dma source(%dma_start3A_34 : memref<80x128xf32, #tpu.memory_space<hbm>>) target(%arg7 : memref<80x128xf32, #tpu.memory_space<vmem>>) target_semaphore(%arg9 : memref<!tpu.dma_semaphore, #tpu.memory_space<semaphore_mem>>)
      %dma_wait3A = arith.constant 0 : i32
      %dma_wait3A_35 = tpu.memref_slice %arg2[%add3A_31, %dma_wait3A] : memref<50000x128xf32, #tpu.memory_space<hbm>> -> memref<80x128xf32, #tpu.memory_space<hbm>>
      %dma_wait3A_36 = arith.constant 0 : i32
      %dma_wait3A_37 = tpu.memref_slice %arg2[%add3A_31, %dma_wait3A_36] : memref<50000x128xf32, #tpu.memory_space<hbm>> -> memref<80x128xf32, #tpu.memory_space<hbm>>
      tpu.wait_dma2 semaphore(%arg9 : memref<!tpu.dma_semaphore, #tpu.memory_space<semaphore_mem>>) src(%dma_wait3A_37 : memref<80x128xf32, #tpu.memory_space<hbm>>) dst(%arg7 : memref<80x128xf32, #tpu.memory_space<vmem>>)
      "tpu.region"() ({
        %run_scoped3A = tpu.sem_alloc : memref<!tpu.dma_semaphore, #tpu.memory_space<semaphore_mem>>
        %dma_start3A_39 = arith.constant 0 : i32
        %dma_start3A_40 = arith.constant 0 : i32
        %dma_start3A_41 = tpu.memref_slice %arg8[%dma_start3A_39, %dma_start3A_40] : memref<1152x128xf32, #tpu.memory_space<vmem_shared>> -> memref<1152x128xf32, #tpu.memory_space<vmem_shared>>
        tpu.enqueue_indirect_dma source(%arg7 : memref<80x128xf32, #tpu.memory_space<vmem>>) target(%dma_start3A_41 : memref<1152x128xf32, #tpu.memory_space<vmem_shared>>) offsets(%arg6 : memref<80xi32, #tpu.memory_space<vmem>>) semaphore(%run_scoped3A : memref<!tpu.dma_semaphore, #tpu.memory_space<semaphore_mem>>) {add = true}
        %dma_wait3A_42 = arith.constant 0 : i32
        %dma_wait3A_43 = arith.constant 0 : i32
        %dma_wait3A_44 = tpu.memref_slice %arg8[%dma_wait3A_42, %dma_wait3A_43] : memref<1152x128xf32, #tpu.memory_space<vmem_shared>> -> memref<1152x128xf32, #tpu.memory_space<vmem_shared>>
        tpu.wait_indirect_dma semaphore(%run_scoped3A : memref<!tpu.dma_semaphore, #tpu.memory_space<semaphore_mem>>) src(%arg7 : memref<80x128xf32, #tpu.memory_space<vmem>>) dst(%dma_wait3A_44 : memref<1152x128xf32, #tpu.memory_space<vmem_shared>>)
        tpu.yield
      }) : () -> ()
      %while3A_38 = arith.constant 0 : i32
      scf.yield %while3A_38 : i32
    }
    %while3A_24 = arith.constant 1 : i32
    %while3A_25 = scf.for %while3A_27 = %while3A_21 to %while3A_17 step %while3A_24 iter_args(%while3A_28 = %while3A_23) -> (i32)  : i32 {
      %mul3A_29 = arith.constant 80 : i32
      %mul3A_30 = arith.muli %while3A_27, %mul3A_29 : i32
      %add3A_31 = arith.addi %select_n3A, %mul3A_30 : i32
      "tpu.region"() ({
        %run_scoped3A = tpu.sem_alloc : memref<!tpu.dma_semaphore, #tpu.memory_space<semaphore_mem>>
        %dma_start3A_39 = tpu.memref_slice %arg3[%add3A_31] : memref<50000xi32, #tpu.memory_space<hbm>> -> memref<80xi32, #tpu.memory_space<hbm>>
        %dma_start3A_40 = tpu.memref_slice %arg3[%add3A_31] : memref<50000xi32, #tpu.memory_space<hbm>> -> memref<80xi32, #tpu.memory_space<hbm>>
        tpu.enqueue_dma source(%dma_start3A_40 : memref<80xi32, #tpu.memory_space<hbm>>) target(%arg6 : memref<80xi32, #tpu.memory_space<vmem>>) target_semaphore(%run_scoped3A : memref<!tpu.dma_semaphore, #tpu.memory_space<semaphore_mem>>)
        %dma_wait3A_41 = tpu.memref_slice %arg3[%add3A_31] : memref<50000xi32, #tpu.memory_space<hbm>> -> memref<80xi32, #tpu.memory_space<hbm>>
        %dma_wait3A_42 = tpu.memref_slice %arg3[%add3A_31] : memref<50000xi32, #tpu.memory_space<hbm>> -> memref<80xi32, #tpu.memory_space<hbm>>
        tpu.wait_dma2 semaphore(%run_scoped3A : memref<!tpu.dma_semaphore, #tpu.memory_space<semaphore_mem>>) src(%dma_wait3A_42 : memref<80xi32, #tpu.memory_space<hbm>>) dst(%arg6 : memref<80xi32, #tpu.memory_space<vmem>>)
        tpu.yield
      }) : () -> ()
      %dma_start3A = arith.constant 0 : i32
      %dma_start3A_32 = tpu.memref_slice %arg2[%add3A_31, %dma_start3A] : memref<50000x128xf32, #tpu.memory_space<hbm>> -> memref<80x128xf32, #tpu.memory_space<hbm>>
      %dma_start3A_33 = arith.constant 0 : i32
      %dma_start3A_34 = tpu.memref_slice %arg2[%add3A_31, %dma_start3A_33] : memref<50000x128xf32, #tpu.memory_space<hbm>> -> memref<80x128xf32, #tpu.memory_space<hbm>>
      tpu.enqueue_dma source(%dma_start3A_34 : memref<80x128xf32, #tpu.memory_space<hbm>>) target(%arg7 : memref<80x128xf32, #tpu.memory_space<vmem>>) target_semaphore(%arg9 : memref<!tpu.dma_semaphore, #tpu.memory_space<semaphore_mem>>)
      %dma_wait3A = arith.constant 0 : i32
      %dma_wait3A_35 = tpu.memref_slice %arg2[%add3A_31, %dma_wait3A] : memref<50000x128xf32, #tpu.memory_space<hbm>> -> memref<80x128xf32, #tpu.memory_space<hbm>>
      %dma_wait3A_36 = arith.constant 0 : i32
      %dma_wait3A_37 = tpu.memref_slice %arg2[%add3A_31, %dma_wait3A_36] : memref<50000x128xf32, #tpu.memory_space<hbm>> -> memref<80x128xf32, #tpu.memory_space<hbm>>
      tpu.wait_dma2 semaphore(%arg9 : memref<!tpu.dma_semaphore, #tpu.memory_space<semaphore_mem>>) src(%dma_wait3A_37 : memref<80x128xf32, #tpu.memory_space<hbm>>) dst(%arg7 : memref<80x128xf32, #tpu.memory_space<vmem>>)
      "tpu.region"() ({
        %run_scoped3A = tpu.sem_alloc : memref<!tpu.dma_semaphore, #tpu.memory_space<semaphore_mem>>
        %dma_start3A_39 = arith.constant 0 : i32
        %dma_start3A_40 = arith.constant 0 : i32
        %dma_start3A_41 = tpu.memref_slice %arg8[%dma_start3A_39, %dma_start3A_40] : memref<1152x128xf32, #tpu.memory_space<vmem_shared>> -> memref<1152x128xf32, #tpu.memory_space<vmem_shared>>
        tpu.enqueue_indirect_dma source(%arg7 : memref<80x128xf32, #tpu.memory_space<vmem>>) target(%dma_start3A_41 : memref<1152x128xf32, #tpu.memory_space<vmem_shared>>) offsets(%arg6 : memref<80xi32, #tpu.memory_space<vmem>>) semaphore(%run_scoped3A : memref<!tpu.dma_semaphore, #tpu.memory_space<semaphore_mem>>) {add = true}
        %dma_wait3A_42 = arith.constant 0 : i32
        %dma_wait3A_43 = arith.constant 0 : i32
        %dma_wait3A_44 = tpu.memref_slice %arg8[%dma_wait3A_42, %dma_wait3A_43] : memref<1152x128xf32, #tpu.memory_space<vmem_shared>> -> memref<1152x128xf32, #tpu.memory_space<vmem_shared>>
        tpu.wait_indirect_dma semaphore(%run_scoped3A : memref<!tpu.dma_semaphore, #tpu.memory_space<semaphore_mem>>) src(%arg7 : memref<80x128xf32, #tpu.memory_space<vmem>>) dst(%dma_wait3A_44 : memref<1152x128xf32, #tpu.memory_space<vmem_shared>>)
        tpu.yield
      }) : () -> ()
      %while3A_38 = arith.constant 0 : i32
      scf.yield %while3A_38 : i32
    }
    %barrier3A_26 = arith.constant 0 : index
    tpu.barrier barrier_id(%barrier3A_26)
    "tpu.region"() ({
      %run_scoped3A = tpu.sem_alloc : memref<!tpu.dma_semaphore, #tpu.memory_space<semaphore_mem>>
      %dma_start3A = arith.constant 0 : i32
      %dma_start3A_27 = tpu.memref_slice %arg5[%arg0, %mul3A_14, %dma_start3A] : memref<2x1152x128xf32, #tpu.memory_space<hbm>> -> memref<1x72x128xf32, #tpu.memory_space<hbm>>
      %dma_start3A_28 = tpu.memref_squeeze %dma_start3A_27 : memref<1x72x128xf32, #tpu.memory_space<hbm>> -> memref<72x128xf32, #tpu.memory_space<hbm>>
      %dma_start3A_29 = arith.constant 0 : i32
      %dma_start3A_30 = tpu.memref_slice %arg8[%mul3A_14, %dma_start3A_29] : memref<1152x128xf32, #tpu.memory_space<vmem_shared>> -> memref<72x128xf32, #tpu.memory_space<vmem_shared>>
      tpu.enqueue_dma source(%dma_start3A_30 : memref<72x128xf32, #tpu.memory_space<vmem_shared>>) target(%dma_start3A_28 : memref<72x128xf32, #tpu.memory_space<hbm>>) target_semaphore(%run_scoped3A : memref<!tpu.dma_semaphore, #tpu.memory_space<semaphore_mem>>)
      %dma_wait3A = arith.constant 0 : i32
      %dma_wait3A_31 = tpu.memref_slice %arg5[%arg0, %mul3A_14, %dma_wait3A] : memref<2x1152x128xf32, #tpu.memory_space<hbm>> -> memref<1x72x128xf32, #tpu.memory_space<hbm>>
      %dma_wait3A_32 = tpu.memref_squeeze %dma_wait3A_31 : memref<1x72x128xf32, #tpu.memory_space<hbm>> -> memref<72x128xf32, #tpu.memory_space<hbm>>
      %dma_wait3A_33 = arith.constant 0 : i32
      %dma_wait3A_34 = tpu.memref_slice %arg8[%mul3A_14, %dma_wait3A_33] : memref<1152x128xf32, #tpu.memory_space<vmem_shared>> -> memref<72x128xf32, #tpu.memory_space<vmem_shared>>
      tpu.wait_dma2 semaphore(%run_scoped3A : memref<!tpu.dma_semaphore, #tpu.memory_space<semaphore_mem>>) src(%dma_wait3A_34 : memref<72x128xf32, #tpu.memory_space<vmem_shared>>) dst(%dma_wait3A_32 : memref<72x128xf32, #tpu.memory_space<hbm>>)
      tpu.yield
    }) : () -> ()
    return
  }
}

#map = affine_map<(d0, d1) -> (0, 0)>
#map1 = affine_map<(d0, d1) -> (0)>
#map2 = affine_map<(d0, d1) -> (0, 0, 0)>
module attributes {stable_mosaic.version = 14 : i64} {
  func.func @_sc_segsum2_body(%arg0: i32, %arg1: i32, %arg2: memref<50000x128xf32, #tpu.memory_space<hbm>>, %arg3: memref<50000x128xf32, #tpu.memory_space<hbm>>, %arg4: memref<50000xi32, #tpu.memory_space<hbm>>, %arg5: memref<1152x128xf32, #tpu.memory_space<hbm>>, %arg6: memref<2x1152x128xf32, #tpu.memory_space<hbm>>, %arg7: memref<2x1152x128xf32, #tpu.memory_space<hbm>>, %arg8: memref<80xi32, #tpu.memory_space<vmem>>, %arg9: memref<80x128xf32, #tpu.memory_space<vmem>>, %arg10: memref<80x128xf32, #tpu.memory_space<vmem>>, %arg11: memref<1152x128xf32, #tpu.memory_space<vmem_shared>>, %arg12: memref<1152x128xf32, #tpu.memory_space<vmem_shared>>, %arg13: memref<!tpu.dma_semaphore, #tpu.memory_space<semaphore_mem>>) attributes {dimension_semantics = [#tpu.dimension_semantics<core_parallel>, #tpu.dimension_semantics<subcore_parallel>], iteration_bounds = array<i64: 2, 16>, scalar_prefetch = 0 : i64, scratch_operands = 6 : i64, tpu.core_type = #tpu.core_type<sc_vector_subcore>, window_params = [{transform_indices = #map}, {transform_indices = #map}, {transform_indices = #map1}, {transform_indices = #map}, {transform_indices = #map2}, {transform_indices = #map2}]} {
    %mul3A = arith.constant 2 : i32
    %mul3A_0 = arith.muli %arg1, %mul3A : i32
    %add3A = arith.addi %mul3A_0, %arg0 : i32
    %lt3A = arith.constant 17 : i32
    %lt3A_1 = arith.cmpi slt, %add3A, %lt3A : i32
    %mul3A_2 = arith.constant 1600 : i32
    %mul3A_3 = arith.muli %add3A, %mul3A_2 : i32
    %sub3A = arith.constant 17 : i32
    %sub3A_4 = arith.subi %add3A, %sub3A : i32
    %mul3A_5 = arith.constant 1520 : i32
    %mul3A_6 = arith.muli %sub3A_4, %mul3A_5 : i32
    %add3A_7 = arith.constant 27200 : i32
    %add3A_8 = arith.addi %add3A_7, %mul3A_6 : i32
    %select_n3A = arith.select %lt3A_1, %mul3A_3, %add3A_8 : i32
    %lt3A_9 = arith.constant 17 : i32
    %lt3A_10 = arith.cmpi slt, %add3A, %lt3A_9 : i32
    %jit3A = arith.constant 20 : i32
    %jit3A_11 = arith.constant 19 : i32
    %select_n3A_12 = arith.select %lt3A_10, %jit3A, %jit3A_11 : i32
    %mul3A_13 = arith.constant 72 : i32
    %mul3A_14 = arith.muli %arg1, %mul3A_13 : i32
    "tpu.region"() ({
      %run_scoped3A = tpu.sem_alloc : memref<!tpu.dma_semaphore, #tpu.memory_space<semaphore_mem>>
      %dma_start3A = arith.constant 0 : i32
      %dma_start3A_27 = tpu.memref_slice %arg11[%mul3A_14, %dma_start3A] : memref<1152x128xf32, #tpu.memory_space<vmem_shared>> -> memref<72x128xf32, #tpu.memory_space<vmem_shared>>
      %dma_start3A_28 = arith.constant 0 : i32
      %dma_start3A_29 = tpu.memref_slice %arg5[%mul3A_14, %dma_start3A_28] : memref<1152x128xf32, #tpu.memory_space<hbm>> -> memref<72x128xf32, #tpu.memory_space<hbm>>
      tpu.enqueue_dma source(%dma_start3A_29 : memref<72x128xf32, #tpu.memory_space<hbm>>) target(%dma_start3A_27 : memref<72x128xf32, #tpu.memory_space<vmem_shared>>) target_semaphore(%run_scoped3A : memref<!tpu.dma_semaphore, #tpu.memory_space<semaphore_mem>>)
      %dma_wait3A = arith.constant 0 : i32
      %dma_wait3A_30 = tpu.memref_slice %arg11[%mul3A_14, %dma_wait3A] : memref<1152x128xf32, #tpu.memory_space<vmem_shared>> -> memref<72x128xf32, #tpu.memory_space<vmem_shared>>
      %dma_wait3A_31 = arith.constant 0 : i32
      %dma_wait3A_32 = tpu.memref_slice %arg5[%mul3A_14, %dma_wait3A_31] : memref<1152x128xf32, #tpu.memory_space<hbm>> -> memref<72x128xf32, #tpu.memory_space<hbm>>
      tpu.wait_dma2 semaphore(%run_scoped3A : memref<!tpu.dma_semaphore, #tpu.memory_space<semaphore_mem>>) src(%dma_wait3A_32 : memref<72x128xf32, #tpu.memory_space<hbm>>) dst(%dma_wait3A_30 : memref<72x128xf32, #tpu.memory_space<vmem_shared>>)
      tpu.yield
    }) : () -> ()
    "tpu.region"() ({
      %run_scoped3A = tpu.sem_alloc : memref<!tpu.dma_semaphore, #tpu.memory_space<semaphore_mem>>
      %dma_start3A = arith.constant 0 : i32
      %dma_start3A_27 = tpu.memref_slice %arg12[%mul3A_14, %dma_start3A] : memref<1152x128xf32, #tpu.memory_space<vmem_shared>> -> memref<72x128xf32, #tpu.memory_space<vmem_shared>>
      %dma_start3A_28 = arith.constant 0 : i32
      %dma_start3A_29 = tpu.memref_slice %arg5[%mul3A_14, %dma_start3A_28] : memref<1152x128xf32, #tpu.memory_space<hbm>> -> memref<72x128xf32, #tpu.memory_space<hbm>>
      tpu.enqueue_dma source(%dma_start3A_29 : memref<72x128xf32, #tpu.memory_space<hbm>>) target(%dma_start3A_27 : memref<72x128xf32, #tpu.memory_space<vmem_shared>>) target_semaphore(%run_scoped3A : memref<!tpu.dma_semaphore, #tpu.memory_space<semaphore_mem>>)
      %dma_wait3A = arith.constant 0 : i32
      %dma_wait3A_30 = tpu.memref_slice %arg12[%mul3A_14, %dma_wait3A] : memref<1152x128xf32, #tpu.memory_space<vmem_shared>> -> memref<72x128xf32, #tpu.memory_space<vmem_shared>>
      %dma_wait3A_31 = arith.constant 0 : i32
      %dma_wait3A_32 = tpu.memref_slice %arg5[%mul3A_14, %dma_wait3A_31] : memref<1152x128xf32, #tpu.memory_space<hbm>> -> memref<72x128xf32, #tpu.memory_space<hbm>>
      tpu.wait_dma2 semaphore(%run_scoped3A : memref<!tpu.dma_semaphore, #tpu.memory_space<semaphore_mem>>) src(%dma_wait3A_32 : memref<72x128xf32, #tpu.memory_space<hbm>>) dst(%dma_wait3A_30 : memref<72x128xf32, #tpu.memory_space<vmem_shared>>)
      tpu.yield
    }) : () -> ()
    %barrier3A = arith.constant 0 : index
    tpu.barrier barrier_id(%barrier3A)
    %while3A = arith.constant 0 : i32
    %while3A_15 = arith.constant 0 : i32
    %while3A_16 = arith.subi %select_n3A_12, %while3A : i32
    %while3A_17 = arith.addi %while3A, %while3A_16 : i32
    %while3A_18 = arith.constant 1 : i32
    %while3A_19 = arith.divsi %while3A_16, %while3A_18 : i32
    %while3A_20 = arith.muli %while3A_19, %while3A_18 : i32
    %while3A_21 = arith.addi %while3A, %while3A_20 : i32
    %while3A_22 = arith.constant 1 : i32
    %while3A_23 = scf.for %while3A_27 = %while3A to %while3A_21 step %while3A_22 iter_args(%while3A_28 = %while3A_15) -> (i32)  : i32 {
      %mul3A_29 = arith.constant 80 : i32
      %mul3A_30 = arith.muli %while3A_27, %mul3A_29 : i32
      %add3A_31 = arith.addi %select_n3A, %mul3A_30 : i32
      "tpu.region"() ({
        %run_scoped3A = tpu.sem_alloc : memref<!tpu.dma_semaphore, #tpu.memory_space<semaphore_mem>>
        %dma_start3A_39 = tpu.memref_slice %arg4[%add3A_31] : memref<50000xi32, #tpu.memory_space<hbm>> -> memref<80xi32, #tpu.memory_space<hbm>>
        %dma_start3A_40 = tpu.memref_slice %arg4[%add3A_31] : memref<50000xi32, #tpu.memory_space<hbm>> -> memref<80xi32, #tpu.memory_space<hbm>>
        tpu.enqueue_dma source(%dma_start3A_40 : memref<80xi32, #tpu.memory_space<hbm>>) target(%arg8 : memref<80xi32, #tpu.memory_space<vmem>>) target_semaphore(%run_scoped3A : memref<!tpu.dma_semaphore, #tpu.memory_space<semaphore_mem>>)
        %dma_wait3A_41 = tpu.memref_slice %arg4[%add3A_31] : memref<50000xi32, #tpu.memory_space<hbm>> -> memref<80xi32, #tpu.memory_space<hbm>>
        %dma_wait3A_42 = tpu.memref_slice %arg4[%add3A_31] : memref<50000xi32, #tpu.memory_space<hbm>> -> memref<80xi32, #tpu.memory_space<hbm>>
        tpu.wait_dma2 semaphore(%run_scoped3A : memref<!tpu.dma_semaphore, #tpu.memory_space<semaphore_mem>>) src(%dma_wait3A_42 : memref<80xi32, #tpu.memory_space<hbm>>) dst(%arg8 : memref<80xi32, #tpu.memory_space<vmem>>)
        tpu.yield
      }) : () -> ()
      %dma_start3A = arith.constant 0 : i32
      %dma_start3A_32 = tpu.memref_slice %arg2[%add3A_31, %dma_start3A] : memref<50000x128xf32, #tpu.memory_space<hbm>> -> memref<80x128xf32, #tpu.memory_space<hbm>>
      %dma_start3A_33 = arith.constant 0 : i32
      %dma_start3A_34 = tpu.memref_slice %arg2[%add3A_31, %dma_start3A_33] : memref<50000x128xf32, #tpu.memory_space<hbm>> -> memref<80x128xf32, #tpu.memory_space<hbm>>
      tpu.enqueue_dma source(%dma_start3A_34 : memref<80x128xf32, #tpu.memory_space<hbm>>) target(%arg9 : memref<80x128xf32, #tpu.memory_space<vmem>>) target_semaphore(%arg13 : memref<!tpu.dma_semaphore, #tpu.memory_space<semaphore_mem>>)
      "tpu.region"() ({
        %run_scoped3A = tpu.sem_alloc : memref<!tpu.dma_semaphore, #tpu.memory_space<semaphore_mem>>
        %dma_start3A_39 = arith.constant 0 : i32
        %dma_start3A_40 = tpu.memref_slice %arg3[%add3A_31, %dma_start3A_39] : memref<50000x128xf32, #tpu.memory_space<hbm>> -> memref<80x128xf32, #tpu.memory_space<hbm>>
        %dma_start3A_41 = arith.constant 0 : i32
        %dma_start3A_42 = tpu.memref_slice %arg3[%add3A_31, %dma_start3A_41] : memref<50000x128xf32, #tpu.memory_space<hbm>> -> memref<80x128xf32, #tpu.memory_space<hbm>>
        tpu.enqueue_dma source(%dma_start3A_42 : memref<80x128xf32, #tpu.memory_space<hbm>>) target(%arg10 : memref<80x128xf32, #tpu.memory_space<vmem>>) target_semaphore(%run_scoped3A : memref<!tpu.dma_semaphore, #tpu.memory_space<semaphore_mem>>)
        %dma_wait3A_43 = arith.constant 0 : i32
        %dma_wait3A_44 = tpu.memref_slice %arg3[%add3A_31, %dma_wait3A_43] : memref<50000x128xf32, #tpu.memory_space<hbm>> -> memref<80x128xf32, #tpu.memory_space<hbm>>
        %dma_wait3A_45 = arith.constant 0 : i32
        %dma_wait3A_46 = tpu.memref_slice %arg3[%add3A_31, %dma_wait3A_45] : memref<50000x128xf32, #tpu.memory_space<hbm>> -> memref<80x128xf32, #tpu.memory_space<hbm>>
        tpu.wait_dma2 semaphore(%run_scoped3A : memref<!tpu.dma_semaphore, #tpu.memory_space<semaphore_mem>>) src(%dma_wait3A_46 : memref<80x128xf32, #tpu.memory_space<hbm>>) dst(%arg10 : memref<80x128xf32, #tpu.memory_space<vmem>>)
        tpu.yield
      }) : () -> ()
      %dma_wait3A = arith.constant 0 : i32
      %dma_wait3A_35 = tpu.memref_slice %arg2[%add3A_31, %dma_wait3A] : memref<50000x128xf32, #tpu.memory_space<hbm>> -> memref<80x128xf32, #tpu.memory_space<hbm>>
      %dma_wait3A_36 = arith.constant 0 : i32
      %dma_wait3A_37 = tpu.memref_slice %arg2[%add3A_31, %dma_wait3A_36] : memref<50000x128xf32, #tpu.memory_space<hbm>> -> memref<80x128xf32, #tpu.memory_space<hbm>>
      tpu.wait_dma2 semaphore(%arg13 : memref<!tpu.dma_semaphore, #tpu.memory_space<semaphore_mem>>) src(%dma_wait3A_37 : memref<80x128xf32, #tpu.memory_space<hbm>>) dst(%arg9 : memref<80x128xf32, #tpu.memory_space<vmem>>)
      "tpu.region"() ({
        %run_scoped3A = tpu.sem_alloc : memref<!tpu.dma_semaphore, #tpu.memory_space<semaphore_mem>>
        %dma_start3A_39 = arith.constant 0 : i32
        %dma_start3A_40 = arith.constant 0 : i32
        %dma_start3A_41 = tpu.memref_slice %arg11[%dma_start3A_39, %dma_start3A_40] : memref<1152x128xf32, #tpu.memory_space<vmem_shared>> -> memref<1152x128xf32, #tpu.memory_space<vmem_shared>>
        tpu.enqueue_indirect_dma source(%arg9 : memref<80x128xf32, #tpu.memory_space<vmem>>) target(%dma_start3A_41 : memref<1152x128xf32, #tpu.memory_space<vmem_shared>>) offsets(%arg8 : memref<80xi32, #tpu.memory_space<vmem>>) semaphore(%run_scoped3A : memref<!tpu.dma_semaphore, #tpu.memory_space<semaphore_mem>>) {add = true}
        %dma_wait3A_42 = arith.constant 0 : i32
        %dma_wait3A_43 = arith.constant 0 : i32
        %dma_wait3A_44 = tpu.memref_slice %arg11[%dma_wait3A_42, %dma_wait3A_43] : memref<1152x128xf32, #tpu.memory_space<vmem_shared>> -> memref<1152x128xf32, #tpu.memory_space<vmem_shared>>
        tpu.wait_indirect_dma semaphore(%run_scoped3A : memref<!tpu.dma_semaphore, #tpu.memory_space<semaphore_mem>>) src(%arg9 : memref<80x128xf32, #tpu.memory_space<vmem>>) dst(%dma_wait3A_44 : memref<1152x128xf32, #tpu.memory_space<vmem_shared>>)
        tpu.yield
      }) : () -> ()
      "tpu.region"() ({
        %run_scoped3A = tpu.sem_alloc : memref<!tpu.dma_semaphore, #tpu.memory_space<semaphore_mem>>
        %dma_start3A_39 = arith.constant 0 : i32
        %dma_start3A_40 = arith.constant 0 : i32
        %dma_start3A_41 = tpu.memref_slice %arg12[%dma_start3A_39, %dma_start3A_40] : memref<1152x128xf32, #tpu.memory_space<vmem_shared>> -> memref<1152x128xf32, #tpu.memory_space<vmem_shared>>
        tpu.enqueue_indirect_dma source(%arg10 : memref<80x128xf32, #tpu.memory_space<vmem>>) target(%dma_start3A_41 : memref<1152x128xf32, #tpu.memory_space<vmem_shared>>) offsets(%arg8 : memref<80xi32, #tpu.memory_space<vmem>>) semaphore(%run_scoped3A : memref<!tpu.dma_semaphore, #tpu.memory_space<semaphore_mem>>) {add = true}
        %dma_wait3A_42 = arith.constant 0 : i32
        %dma_wait3A_43 = arith.constant 0 : i32
        %dma_wait3A_44 = tpu.memref_slice %arg12[%dma_wait3A_42, %dma_wait3A_43] : memref<1152x128xf32, #tpu.memory_space<vmem_shared>> -> memref<1152x128xf32, #tpu.memory_space<vmem_shared>>
        tpu.wait_indirect_dma semaphore(%run_scoped3A : memref<!tpu.dma_semaphore, #tpu.memory_space<semaphore_mem>>) src(%arg10 : memref<80x128xf32, #tpu.memory_space<vmem>>) dst(%dma_wait3A_44 : memref<1152x128xf32, #tpu.memory_space<vmem_shared>>)
        tpu.yield
      }) : () -> ()
      %while3A_38 = arith.constant 0 : i32
      scf.yield %while3A_38 : i32
    }
    %while3A_24 = arith.constant 1 : i32
    %while3A_25 = scf.for %while3A_27 = %while3A_21 to %while3A_17 step %while3A_24 iter_args(%while3A_28 = %while3A_23) -> (i32)  : i32 {
      %mul3A_29 = arith.constant 80 : i32
      %mul3A_30 = arith.muli %while3A_27, %mul3A_29 : i32
      %add3A_31 = arith.addi %select_n3A, %mul3A_30 : i32
      "tpu.region"() ({
        %run_scoped3A = tpu.sem_alloc : memref<!tpu.dma_semaphore, #tpu.memory_space<semaphore_mem>>
        %dma_start3A_39 = tpu.memref_slice %arg4[%add3A_31] : memref<50000xi32, #tpu.memory_space<hbm>> -> memref<80xi32, #tpu.memory_space<hbm>>
        %dma_start3A_40 = tpu.memref_slice %arg4[%add3A_31] : memref<50000xi32, #tpu.memory_space<hbm>> -> memref<80xi32, #tpu.memory_space<hbm>>
        tpu.enqueue_dma source(%dma_start3A_40 : memref<80xi32, #tpu.memory_space<hbm>>) target(%arg8 : memref<80xi32, #tpu.memory_space<vmem>>) target_semaphore(%run_scoped3A : memref<!tpu.dma_semaphore, #tpu.memory_space<semaphore_mem>>)
        %dma_wait3A_41 = tpu.memref_slice %arg4[%add3A_31] : memref<50000xi32, #tpu.memory_space<hbm>> -> memref<80xi32, #tpu.memory_space<hbm>>
        %dma_wait3A_42 = tpu.memref_slice %arg4[%add3A_31] : memref<50000xi32, #tpu.memory_space<hbm>> -> memref<80xi32, #tpu.memory_space<hbm>>
        tpu.wait_dma2 semaphore(%run_scoped3A : memref<!tpu.dma_semaphore, #tpu.memory_space<semaphore_mem>>) src(%dma_wait3A_42 : memref<80xi32, #tpu.memory_space<hbm>>) dst(%arg8 : memref<80xi32, #tpu.memory_space<vmem>>)
        tpu.yield
      }) : () -> ()
      %dma_start3A = arith.constant 0 : i32
      %dma_start3A_32 = tpu.memref_slice %arg2[%add3A_31, %dma_start3A] : memref<50000x128xf32, #tpu.memory_space<hbm>> -> memref<80x128xf32, #tpu.memory_space<hbm>>
      %dma_start3A_33 = arith.constant 0 : i32
      %dma_start3A_34 = tpu.memref_slice %arg2[%add3A_31, %dma_start3A_33] : memref<50000x128xf32, #tpu.memory_space<hbm>> -> memref<80x128xf32, #tpu.memory_space<hbm>>
      tpu.enqueue_dma source(%dma_start3A_34 : memref<80x128xf32, #tpu.memory_space<hbm>>) target(%arg9 : memref<80x128xf32, #tpu.memory_space<vmem>>) target_semaphore(%arg13 : memref<!tpu.dma_semaphore, #tpu.memory_space<semaphore_mem>>)
      "tpu.region"() ({
        %run_scoped3A = tpu.sem_alloc : memref<!tpu.dma_semaphore, #tpu.memory_space<semaphore_mem>>
        %dma_start3A_39 = arith.constant 0 : i32
        %dma_start3A_40 = tpu.memref_slice %arg3[%add3A_31, %dma_start3A_39] : memref<50000x128xf32, #tpu.memory_space<hbm>> -> memref<80x128xf32, #tpu.memory_space<hbm>>
        %dma_start3A_41 = arith.constant 0 : i32
        %dma_start3A_42 = tpu.memref_slice %arg3[%add3A_31, %dma_start3A_41] : memref<50000x128xf32, #tpu.memory_space<hbm>> -> memref<80x128xf32, #tpu.memory_space<hbm>>
        tpu.enqueue_dma source(%dma_start3A_42 : memref<80x128xf32, #tpu.memory_space<hbm>>) target(%arg10 : memref<80x128xf32, #tpu.memory_space<vmem>>) target_semaphore(%run_scoped3A : memref<!tpu.dma_semaphore, #tpu.memory_space<semaphore_mem>>)
        %dma_wait3A_43 = arith.constant 0 : i32
        %dma_wait3A_44 = tpu.memref_slice %arg3[%add3A_31, %dma_wait3A_43] : memref<50000x128xf32, #tpu.memory_space<hbm>> -> memref<80x128xf32, #tpu.memory_space<hbm>>
        %dma_wait3A_45 = arith.constant 0 : i32
        %dma_wait3A_46 = tpu.memref_slice %arg3[%add3A_31, %dma_wait3A_45] : memref<50000x128xf32, #tpu.memory_space<hbm>> -> memref<80x128xf32, #tpu.memory_space<hbm>>
        tpu.wait_dma2 semaphore(%run_scoped3A : memref<!tpu.dma_semaphore, #tpu.memory_space<semaphore_mem>>) src(%dma_wait3A_46 : memref<80x128xf32, #tpu.memory_space<hbm>>) dst(%arg10 : memref<80x128xf32, #tpu.memory_space<vmem>>)
        tpu.yield
      }) : () -> ()
      %dma_wait3A = arith.constant 0 : i32
      %dma_wait3A_35 = tpu.memref_slice %arg2[%add3A_31, %dma_wait3A] : memref<50000x128xf32, #tpu.memory_space<hbm>> -> memref<80x128xf32, #tpu.memory_space<hbm>>
      %dma_wait3A_36 = arith.constant 0 : i32
      %dma_wait3A_37 = tpu.memref_slice %arg2[%add3A_31, %dma_wait3A_36] : memref<50000x128xf32, #tpu.memory_space<hbm>> -> memref<80x128xf32, #tpu.memory_space<hbm>>
      tpu.wait_dma2 semaphore(%arg13 : memref<!tpu.dma_semaphore, #tpu.memory_space<semaphore_mem>>) src(%dma_wait3A_37 : memref<80x128xf32, #tpu.memory_space<hbm>>) dst(%arg9 : memref<80x128xf32, #tpu.memory_space<vmem>>)
      "tpu.region"() ({
        %run_scoped3A = tpu.sem_alloc : memref<!tpu.dma_semaphore, #tpu.memory_space<semaphore_mem>>
        %dma_start3A_39 = arith.constant 0 : i32
        %dma_start3A_40 = arith.constant 0 : i32
        %dma_start3A_41 = tpu.memref_slice %arg11[%dma_start3A_39, %dma_start3A_40] : memref<1152x128xf32, #tpu.memory_space<vmem_shared>> -> memref<1152x128xf32, #tpu.memory_space<vmem_shared>>
        tpu.enqueue_indirect_dma source(%arg9 : memref<80x128xf32, #tpu.memory_space<vmem>>) target(%dma_start3A_41 : memref<1152x128xf32, #tpu.memory_space<vmem_shared>>) offsets(%arg8 : memref<80xi32, #tpu.memory_space<vmem>>) semaphore(%run_scoped3A : memref<!tpu.dma_semaphore, #tpu.memory_space<semaphore_mem>>) {add = true}
        %dma_wait3A_42 = arith.constant 0 : i32
        %dma_wait3A_43 = arith.constant 0 : i32
        %dma_wait3A_44 = tpu.memref_slice %arg11[%dma_wait3A_42, %dma_wait3A_43] : memref<1152x128xf32, #tpu.memory_space<vmem_shared>> -> memref<1152x128xf32, #tpu.memory_space<vmem_shared>>
        tpu.wait_indirect_dma semaphore(%run_scoped3A : memref<!tpu.dma_semaphore, #tpu.memory_space<semaphore_mem>>) src(%arg9 : memref<80x128xf32, #tpu.memory_space<vmem>>) dst(%dma_wait3A_44 : memref<1152x128xf32, #tpu.memory_space<vmem_shared>>)
        tpu.yield
      }) : () -> ()
      "tpu.region"() ({
        %run_scoped3A = tpu.sem_alloc : memref<!tpu.dma_semaphore, #tpu.memory_space<semaphore_mem>>
        %dma_start3A_39 = arith.constant 0 : i32
        %dma_start3A_40 = arith.constant 0 : i32
        %dma_start3A_41 = tpu.memref_slice %arg12[%dma_start3A_39, %dma_start3A_40] : memref<1152x128xf32, #tpu.memory_space<vmem_shared>> -> memref<1152x128xf32, #tpu.memory_space<vmem_shared>>
        tpu.enqueue_indirect_dma source(%arg10 : memref<80x128xf32, #tpu.memory_space<vmem>>) target(%dma_start3A_41 : memref<1152x128xf32, #tpu.memory_space<vmem_shared>>) offsets(%arg8 : memref<80xi32, #tpu.memory_space<vmem>>) semaphore(%run_scoped3A : memref<!tpu.dma_semaphore, #tpu.memory_space<semaphore_mem>>) {add = true}
        %dma_wait3A_42 = arith.constant 0 : i32
        %dma_wait3A_43 = arith.constant 0 : i32
        %dma_wait3A_44 = tpu.memref_slice %arg12[%dma_wait3A_42, %dma_wait3A_43] : memref<1152x128xf32, #tpu.memory_space<vmem_shared>> -> memref<1152x128xf32, #tpu.memory_space<vmem_shared>>
        tpu.wait_indirect_dma semaphore(%run_scoped3A : memref<!tpu.dma_semaphore, #tpu.memory_space<semaphore_mem>>) src(%arg10 : memref<80x128xf32, #tpu.memory_space<vmem>>) dst(%dma_wait3A_44 : memref<1152x128xf32, #tpu.memory_space<vmem_shared>>)
        tpu.yield
      }) : () -> ()
      %while3A_38 = arith.constant 0 : i32
      scf.yield %while3A_38 : i32
    }
    %barrier3A_26 = arith.constant 0 : index
    tpu.barrier barrier_id(%barrier3A_26)
    "tpu.region"() ({
      %run_scoped3A = tpu.sem_alloc : memref<!tpu.dma_semaphore, #tpu.memory_space<semaphore_mem>>
      %dma_start3A = arith.constant 0 : i32
      %dma_start3A_27 = tpu.memref_slice %arg6[%arg0, %mul3A_14, %dma_start3A] : memref<2x1152x128xf32, #tpu.memory_space<hbm>> -> memref<1x72x128xf32, #tpu.memory_space<hbm>>
      %dma_start3A_28 = tpu.memref_squeeze %dma_start3A_27 : memref<1x72x128xf32, #tpu.memory_space<hbm>> -> memref<72x128xf32, #tpu.memory_space<hbm>>
      %dma_start3A_29 = arith.constant 0 : i32
      %dma_start3A_30 = tpu.memref_slice %arg11[%mul3A_14, %dma_start3A_29] : memref<1152x128xf32, #tpu.memory_space<vmem_shared>> -> memref<72x128xf32, #tpu.memory_space<vmem_shared>>
      tpu.enqueue_dma source(%dma_start3A_30 : memref<72x128xf32, #tpu.memory_space<vmem_shared>>) target(%dma_start3A_28 : memref<72x128xf32, #tpu.memory_space<hbm>>) target_semaphore(%run_scoped3A : memref<!tpu.dma_semaphore, #tpu.memory_space<semaphore_mem>>)
      %dma_wait3A = arith.constant 0 : i32
      %dma_wait3A_31 = tpu.memref_slice %arg6[%arg0, %mul3A_14, %dma_wait3A] : memref<2x1152x128xf32, #tpu.memory_space<hbm>> -> memref<1x72x128xf32, #tpu.memory_space<hbm>>
      %dma_wait3A_32 = tpu.memref_squeeze %dma_wait3A_31 : memref<1x72x128xf32, #tpu.memory_space<hbm>> -> memref<72x128xf32, #tpu.memory_space<hbm>>
      %dma_wait3A_33 = arith.constant 0 : i32
      %dma_wait3A_34 = tpu.memref_slice %arg11[%mul3A_14, %dma_wait3A_33] : memref<1152x128xf32, #tpu.memory_space<vmem_shared>> -> memref<72x128xf32, #tpu.memory_space<vmem_shared>>
      tpu.wait_dma2 semaphore(%run_scoped3A : memref<!tpu.dma_semaphore, #tpu.memory_space<semaphore_mem>>) src(%dma_wait3A_34 : memref<72x128xf32, #tpu.memory_space<vmem_shared>>) dst(%dma_wait3A_32 : memref<72x128xf32, #tpu.memory_space<hbm>>)
      tpu.yield
    }) : () -> ()
    "tpu.region"() ({
      %run_scoped3A = tpu.sem_alloc : memref<!tpu.dma_semaphore, #tpu.memory_space<semaphore_mem>>
      %dma_start3A = arith.constant 0 : i32
      %dma_start3A_27 = tpu.memref_slice %arg7[%arg0, %mul3A_14, %dma_start3A] : memref<2x1152x128xf32, #tpu.memory_space<hbm>> -> memref<1x72x128xf32, #tpu.memory_space<hbm>>
      %dma_start3A_28 = tpu.memref_squeeze %dma_start3A_27 : memref<1x72x128xf32, #tpu.memory_space<hbm>> -> memref<72x128xf32, #tpu.memory_space<hbm>>
      %dma_start3A_29 = arith.constant 0 : i32
      %dma_start3A_30 = tpu.memref_slice %arg12[%mul3A_14, %dma_start3A_29] : memref<1152x128xf32, #tpu.memory_space<vmem_shared>> -> memref<72x128xf32, #tpu.memory_space<vmem_shared>>
      tpu.enqueue_dma source(%dma_start3A_30 : memref<72x128xf32, #tpu.memory_space<vmem_shared>>) target(%dma_start3A_28 : memref<72x128xf32, #tpu.memory_space<hbm>>) target_semaphore(%run_scoped3A : memref<!tpu.dma_semaphore, #tpu.memory_space<semaphore_mem>>)
      %dma_wait3A = arith.constant 0 : i32
      %dma_wait3A_31 = tpu.memref_slice %arg7[%arg0, %mul3A_14, %dma_wait3A] : memref<2x1152x128xf32, #tpu.memory_space<hbm>> -> memref<1x72x128xf32, #tpu.memory_space<hbm>>
      %dma_wait3A_32 = tpu.memref_squeeze %dma_wait3A_31 : memref<1x72x128xf32, #tpu.memory_space<hbm>> -> memref<72x128xf32, #tpu.memory_space<hbm>>
      %dma_wait3A_33 = arith.constant 0 : i32
      %dma_wait3A_34 = tpu.memref_slice %arg12[%mul3A_14, %dma_wait3A_33] : memref<1152x128xf32, #tpu.memory_space<vmem_shared>> -> memref<72x128xf32, #tpu.memory_space<vmem_shared>>
      tpu.wait_dma2 semaphore(%run_scoped3A : memref<!tpu.dma_semaphore, #tpu.memory_space<semaphore_mem>>) src(%dma_wait3A_34 : memref<72x128xf32, #tpu.memory_space<vmem_shared>>) dst(%dma_wait3A_32 : memref<72x128xf32, #tpu.memory_space<hbm>>)
      tpu.yield
    }) : () -> ()
    return
  }
}

#map = affine_map<(d0, d1) -> (0, 0)>
#map1 = affine_map<(d0, d1) -> (0)>
module attributes {stable_mosaic.version = 14 : i64} {
  func.func @_sc_gather_body(%arg0: i32, %arg1: i32, %arg2: memref<1024x128xf32, #tpu.memory_space<hbm>>, %arg3: memref<50000xi32, #tpu.memory_space<hbm>>, %arg4: memref<50000x128xf32, #tpu.memory_space<hbm>>, %arg5: memref<80xi32, #tpu.memory_space<vmem>>, %arg6: memref<80x128xf32, #tpu.memory_space<vmem>>, %arg7: memref<!tpu.dma_semaphore, #tpu.memory_space<semaphore_mem>>) attributes {dimension_semantics = [#tpu.dimension_semantics<core_parallel>, #tpu.dimension_semantics<subcore_parallel>], iteration_bounds = array<i64: 2, 16>, scalar_prefetch = 0 : i64, scratch_operands = 3 : i64, tpu.core_type = #tpu.core_type<sc_vector_subcore>, window_params = [{transform_indices = #map}, {transform_indices = #map1}, {transform_indices = #map}]} {
    %mul3A = arith.constant 2 : i32
    %mul3A_0 = arith.muli %arg1, %mul3A : i32
    %add3A = arith.addi %mul3A_0, %arg0 : i32
    %lt3A = arith.constant 17 : i32
    %lt3A_1 = arith.cmpi slt, %add3A, %lt3A : i32
    %mul3A_2 = arith.constant 1600 : i32
    %mul3A_3 = arith.muli %add3A, %mul3A_2 : i32
    %sub3A = arith.constant 17 : i32
    %sub3A_4 = arith.subi %add3A, %sub3A : i32
    %mul3A_5 = arith.constant 1520 : i32
    %mul3A_6 = arith.muli %sub3A_4, %mul3A_5 : i32
    %add3A_7 = arith.constant 27200 : i32
    %add3A_8 = arith.addi %add3A_7, %mul3A_6 : i32
    %select_n3A = arith.select %lt3A_1, %mul3A_3, %add3A_8 : i32
    %lt3A_9 = arith.constant 17 : i32
    %lt3A_10 = arith.cmpi slt, %add3A, %lt3A_9 : i32
    %jit3A = arith.constant 20 : i32
    %jit3A_11 = arith.constant 19 : i32
    %select_n3A_12 = arith.select %lt3A_10, %jit3A, %jit3A_11 : i32
    %while3A = arith.constant 0 : i32
    %while3A_13 = arith.constant 0 : i32
    %while3A_14 = arith.subi %select_n3A_12, %while3A : i32
    %while3A_15 = arith.addi %while3A, %while3A_14 : i32
    %while3A_16 = arith.constant 1 : i32
    %while3A_17 = arith.divsi %while3A_14, %while3A_16 : i32
    %while3A_18 = arith.muli %while3A_17, %while3A_16 : i32
    %while3A_19 = arith.addi %while3A, %while3A_18 : i32
    %while3A_20 = arith.constant 1 : i32
    %while3A_21 = scf.for %while3A_24 = %while3A to %while3A_19 step %while3A_20 iter_args(%while3A_25 = %while3A_13) -> (i32)  : i32 {
      %mul3A_26 = arith.constant 80 : i32
      %mul3A_27 = arith.muli %while3A_24, %mul3A_26 : i32
      %add3A_28 = arith.addi %select_n3A, %mul3A_27 : i32
      "tpu.region"() ({
        %run_scoped3A = tpu.sem_alloc : memref<!tpu.dma_semaphore, #tpu.memory_space<semaphore_mem>>
        %dma_start3A_34 = tpu.memref_slice %arg3[%add3A_28] : memref<50000xi32, #tpu.memory_space<hbm>> -> memref<80xi32, #tpu.memory_space<hbm>>
        %dma_start3A_35 = tpu.memref_slice %arg3[%add3A_28] : memref<50000xi32, #tpu.memory_space<hbm>> -> memref<80xi32, #tpu.memory_space<hbm>>
        tpu.enqueue_dma source(%dma_start3A_35 : memref<80xi32, #tpu.memory_space<hbm>>) target(%arg5 : memref<80xi32, #tpu.memory_space<vmem>>) target_semaphore(%run_scoped3A : memref<!tpu.dma_semaphore, #tpu.memory_space<semaphore_mem>>)
        %dma_wait3A_36 = tpu.memref_slice %arg3[%add3A_28] : memref<50000xi32, #tpu.memory_space<hbm>> -> memref<80xi32, #tpu.memory_space<hbm>>
        %dma_wait3A_37 = tpu.memref_slice %arg3[%add3A_28] : memref<50000xi32, #tpu.memory_space<hbm>> -> memref<80xi32, #tpu.memory_space<hbm>>
        tpu.wait_dma2 semaphore(%run_scoped3A : memref<!tpu.dma_semaphore, #tpu.memory_space<semaphore_mem>>) src(%dma_wait3A_37 : memref<80xi32, #tpu.memory_space<hbm>>) dst(%arg5 : memref<80xi32, #tpu.memory_space<vmem>>)
        tpu.yield
      }) : () -> ()
      %dma_start3A = arith.constant 0 : i32
      %dma_start3A_29 = arith.constant 0 : i32
      %dma_start3A_30 = tpu.memref_slice %arg2[%dma_start3A, %dma_start3A_29] : memref<1024x128xf32, #tpu.memory_space<hbm>> -> memref<1024x128xf32, #tpu.memory_space<hbm>>
      tpu.enqueue_indirect_dma source(%dma_start3A_30 : memref<1024x128xf32, #tpu.memory_space<hbm>>) target(%arg6 : memref<80x128xf32, #tpu.memory_space<vmem>>) offsets(%arg5 : memref<80xi32, #tpu.memory_space<vmem>>) semaphore(%arg7 : memref<!tpu.dma_semaphore, #tpu.memory_space<semaphore_mem>>)
      %dma_wait3A = arith.constant 0 : i32
      %dma_wait3A_31 = arith.constant 0 : i32
      %dma_wait3A_32 = tpu.memref_slice %arg2[%dma_wait3A, %dma_wait3A_31] : memref<1024x128xf32, #tpu.memory_space<hbm>> -> memref<1024x128xf32, #tpu.memory_space<hbm>>
      tpu.wait_indirect_dma semaphore(%arg7 : memref<!tpu.dma_semaphore, #tpu.memory_space<semaphore_mem>>) src(%dma_wait3A_32 : memref<1024x128xf32, #tpu.memory_space<hbm>>) dst(%arg6 : memref<80x128xf32, #tpu.memory_space<vmem>>)
      "tpu.region"() ({
        %run_scoped3A = tpu.sem_alloc : memref<!tpu.dma_semaphore, #tpu.memory_space<semaphore_mem>>
        %dma_start3A_34 = arith.constant 0 : i32
        %dma_start3A_35 = tpu.memref_slice %arg4[%add3A_28, %dma_start3A_34] : memref<50000x128xf32, #tpu.memory_space<hbm>> -> memref<80x128xf32, #tpu.memory_space<hbm>>
        %dma_start3A_36 = arith.constant 0 : i32
        %dma_start3A_37 = tpu.memref_slice %arg4[%add3A_28, %dma_start3A_36] : memref<50000x128xf32, #tpu.memory_space<hbm>> -> memref<80x128xf32, #tpu.memory_space<hbm>>
        tpu.enqueue_dma source(%arg6 : memref<80x128xf32, #tpu.memory_space<vmem>>) target(%dma_start3A_37 : memref<80x128xf32, #tpu.memory_space<hbm>>) target_semaphore(%run_scoped3A : memref<!tpu.dma_semaphore, #tpu.memory_space<semaphore_mem>>)
        %dma_wait3A_38 = arith.constant 0 : i32
        %dma_wait3A_39 = tpu.memref_slice %arg4[%add3A_28, %dma_wait3A_38] : memref<50000x128xf32, #tpu.memory_space<hbm>> -> memref<80x128xf32, #tpu.memory_space<hbm>>
        %dma_wait3A_40 = arith.constant 0 : i32
        %dma_wait3A_41 = tpu.memref_slice %arg4[%add3A_28, %dma_wait3A_40] : memref<50000x128xf32, #tpu.memory_space<hbm>> -> memref<80x128xf32, #tpu.memory_space<hbm>>
        tpu.wait_dma2 semaphore(%run_scoped3A : memref<!tpu.dma_semaphore, #tpu.memory_space<semaphore_mem>>) src(%arg6 : memref<80x128xf32, #tpu.memory_space<vmem>>) dst(%dma_wait3A_41 : memref<80x128xf32, #tpu.memory_space<hbm>>)
        tpu.yield
      }) : () -> ()
      %while3A_33 = arith.constant 0 : i32
      scf.yield %while3A_33 : i32
    }
    %while3A_22 = arith.constant 1 : i32
    %while3A_23 = scf.for %while3A_24 = %while3A_19 to %while3A_15 step %while3A_22 iter_args(%while3A_25 = %while3A_21) -> (i32)  : i32 {
      %mul3A_26 = arith.constant 80 : i32
      %mul3A_27 = arith.muli %while3A_24, %mul3A_26 : i32
      %add3A_28 = arith.addi %select_n3A, %mul3A_27 : i32
      "tpu.region"() ({
        %run_scoped3A = tpu.sem_alloc : memref<!tpu.dma_semaphore, #tpu.memory_space<semaphore_mem>>
        %dma_start3A_34 = tpu.memref_slice %arg3[%add3A_28] : memref<50000xi32, #tpu.memory_space<hbm>> -> memref<80xi32, #tpu.memory_space<hbm>>
        %dma_start3A_35 = tpu.memref_slice %arg3[%add3A_28] : memref<50000xi32, #tpu.memory_space<hbm>> -> memref<80xi32, #tpu.memory_space<hbm>>
        tpu.enqueue_dma source(%dma_start3A_35 : memref<80xi32, #tpu.memory_space<hbm>>) target(%arg5 : memref<80xi32, #tpu.memory_space<vmem>>) target_semaphore(%run_scoped3A : memref<!tpu.dma_semaphore, #tpu.memory_space<semaphore_mem>>)
        %dma_wait3A_36 = tpu.memref_slice %arg3[%add3A_28] : memref<50000xi32, #tpu.memory_space<hbm>> -> memref<80xi32, #tpu.memory_space<hbm>>
        %dma_wait3A_37 = tpu.memref_slice %arg3[%add3A_28] : memref<50000xi32, #tpu.memory_space<hbm>> -> memref<80xi32, #tpu.memory_space<hbm>>
        tpu.wait_dma2 semaphore(%run_scoped3A : memref<!tpu.dma_semaphore, #tpu.memory_space<semaphore_mem>>) src(%dma_wait3A_37 : memref<80xi32, #tpu.memory_space<hbm>>) dst(%arg5 : memref<80xi32, #tpu.memory_space<vmem>>)
        tpu.yield
      }) : () -> ()
      %dma_start3A = arith.constant 0 : i32
      %dma_start3A_29 = arith.constant 0 : i32
      %dma_start3A_30 = tpu.memref_slice %arg2[%dma_start3A, %dma_start3A_29] : memref<1024x128xf32, #tpu.memory_space<hbm>> -> memref<1024x128xf32, #tpu.memory_space<hbm>>
      tpu.enqueue_indirect_dma source(%dma_start3A_30 : memref<1024x128xf32, #tpu.memory_space<hbm>>) target(%arg6 : memref<80x128xf32, #tpu.memory_space<vmem>>) offsets(%arg5 : memref<80xi32, #tpu.memory_space<vmem>>) semaphore(%arg7 : memref<!tpu.dma_semaphore, #tpu.memory_space<semaphore_mem>>)
      %dma_wait3A = arith.constant 0 : i32
      %dma_wait3A_31 = arith.constant 0 : i32
      %dma_wait3A_32 = tpu.memref_slice %arg2[%dma_wait3A, %dma_wait3A_31] : memref<1024x128xf32, #tpu.memory_space<hbm>> -> memref<1024x128xf32, #tpu.memory_space<hbm>>
      tpu.wait_indirect_dma semaphore(%arg7 : memref<!tpu.dma_semaphore, #tpu.memory_space<semaphore_mem>>) src(%dma_wait3A_32 : memref<1024x128xf32, #tpu.memory_space<hbm>>) dst(%arg6 : memref<80x128xf32, #tpu.memory_space<vmem>>)
      "tpu.region"() ({
        %run_scoped3A = tpu.sem_alloc : memref<!tpu.dma_semaphore, #tpu.memory_space<semaphore_mem>>
        %dma_start3A_34 = arith.constant 0 : i32
        %dma_start3A_35 = tpu.memref_slice %arg4[%add3A_28, %dma_start3A_34] : memref<50000x128xf32, #tpu.memory_space<hbm>> -> memref<80x128xf32, #tpu.memory_space<hbm>>
        %dma_start3A_36 = arith.constant 0 : i32
        %dma_start3A_37 = tpu.memref_slice %arg4[%add3A_28, %dma_start3A_36] : memref<50000x128xf32, #tpu.memory_space<hbm>> -> memref<80x128xf32, #tpu.memory_space<hbm>>
        tpu.enqueue_dma source(%arg6 : memref<80x128xf32, #tpu.memory_space<vmem>>) target(%dma_start3A_37 : memref<80x128xf32, #tpu.memory_space<hbm>>) target_semaphore(%run_scoped3A : memref<!tpu.dma_semaphore, #tpu.memory_space<semaphore_mem>>)
        %dma_wait3A_38 = arith.constant 0 : i32
        %dma_wait3A_39 = tpu.memref_slice %arg4[%add3A_28, %dma_wait3A_38] : memref<50000x128xf32, #tpu.memory_space<hbm>> -> memref<80x128xf32, #tpu.memory_space<hbm>>
        %dma_wait3A_40 = arith.constant 0 : i32
        %dma_wait3A_41 = tpu.memref_slice %arg4[%add3A_28, %dma_wait3A_40] : memref<50000x128xf32, #tpu.memory_space<hbm>> -> memref<80x128xf32, #tpu.memory_space<hbm>>
        tpu.wait_dma2 semaphore(%run_scoped3A : memref<!tpu.dma_semaphore, #tpu.memory_space<semaphore_mem>>) src(%arg6 : memref<80x128xf32, #tpu.memory_space<vmem>>) dst(%dma_wait3A_41 : memref<80x128xf32, #tpu.memory_space<hbm>>)
        tpu.yield
      }) : () -> ()
      %while3A_33 = arith.constant 0 : i32
      scf.yield %while3A_33 : i32
    }
    return
  }
}

#map = affine_map<(d0, d1) -> (0, 0)>
#map1 = affine_map<(d0, d1) -> (0)>
#map2 = affine_map<(d0, d1) -> (0, 0, 0)>
module attributes {stable_mosaic.version = 14 : i64} {
  func.func @_sc_segsum2_body(%arg0: i32, %arg1: i32, %arg2: memref<50000x128xf32, #tpu.memory_space<hbm>>, %arg3: memref<50000x128xf32, #tpu.memory_space<hbm>>, %arg4: memref<50000xi32, #tpu.memory_space<hbm>>, %arg5: memref<1152x128xf32, #tpu.memory_space<hbm>>, %arg6: memref<2x1152x128xf32, #tpu.memory_space<hbm>>, %arg7: memref<2x1152x128xf32, #tpu.memory_space<hbm>>, %arg8: memref<80xi32, #tpu.memory_space<vmem>>, %arg9: memref<80x128xf32, #tpu.memory_space<vmem>>, %arg10: memref<80x128xf32, #tpu.memory_space<vmem>>, %arg11: memref<1152x128xf32, #tpu.memory_space<vmem_shared>>, %arg12: memref<1152x128xf32, #tpu.memory_space<vmem_shared>>, %arg13: memref<!tpu.dma_semaphore, #tpu.memory_space<semaphore_mem>>) attributes {dimension_semantics = [#tpu.dimension_semantics<core_parallel>, #tpu.dimension_semantics<subcore_parallel>], iteration_bounds = array<i64: 2, 16>, scalar_prefetch = 0 : i64, scratch_operands = 6 : i64, tpu.core_type = #tpu.core_type<sc_vector_subcore>, window_params = [{transform_indices = #map}, {transform_indices = #map}, {transform_indices = #map1}, {transform_indices = #map}, {transform_indices = #map2}, {transform_indices = #map2}]} {
    %mul3A = arith.constant 2 : i32
    %mul3A_0 = arith.muli %arg1, %mul3A : i32
    %add3A = arith.addi %mul3A_0, %arg0 : i32
    %lt3A = arith.constant 17 : i32
    %lt3A_1 = arith.cmpi slt, %add3A, %lt3A : i32
    %mul3A_2 = arith.constant 1600 : i32
    %mul3A_3 = arith.muli %add3A, %mul3A_2 : i32
    %sub3A = arith.constant 17 : i32
    %sub3A_4 = arith.subi %add3A, %sub3A : i32
    %mul3A_5 = arith.constant 1520 : i32
    %mul3A_6 = arith.muli %sub3A_4, %mul3A_5 : i32
    %add3A_7 = arith.constant 27200 : i32
    %add3A_8 = arith.addi %add3A_7, %mul3A_6 : i32
    %select_n3A = arith.select %lt3A_1, %mul3A_3, %add3A_8 : i32
    %lt3A_9 = arith.constant 17 : i32
    %lt3A_10 = arith.cmpi slt, %add3A, %lt3A_9 : i32
    %jit3A = arith.constant 20 : i32
    %jit3A_11 = arith.constant 19 : i32
    %select_n3A_12 = arith.select %lt3A_10, %jit3A, %jit3A_11 : i32
    %mul3A_13 = arith.constant 72 : i32
    %mul3A_14 = arith.muli %arg1, %mul3A_13 : i32
    "tpu.region"() ({
      %run_scoped3A = tpu.sem_alloc : memref<!tpu.dma_semaphore, #tpu.memory_space<semaphore_mem>>
      %dma_start3A = arith.constant 0 : i32
      %dma_start3A_27 = tpu.memref_slice %arg11[%mul3A_14, %dma_start3A] : memref<1152x128xf32, #tpu.memory_space<vmem_shared>> -> memref<72x128xf32, #tpu.memory_space<vmem_shared>>
      %dma_start3A_28 = arith.constant 0 : i32
      %dma_start3A_29 = tpu.memref_slice %arg5[%mul3A_14, %dma_start3A_28] : memref<1152x128xf32, #tpu.memory_space<hbm>> -> memref<72x128xf32, #tpu.memory_space<hbm>>
      tpu.enqueue_dma source(%dma_start3A_29 : memref<72x128xf32, #tpu.memory_space<hbm>>) target(%dma_start3A_27 : memref<72x128xf32, #tpu.memory_space<vmem_shared>>) target_semaphore(%run_scoped3A : memref<!tpu.dma_semaphore, #tpu.memory_space<semaphore_mem>>)
      %dma_wait3A = arith.constant 0 : i32
      %dma_wait3A_30 = tpu.memref_slice %arg11[%mul3A_14, %dma_wait3A] : memref<1152x128xf32, #tpu.memory_space<vmem_shared>> -> memref<72x128xf32, #tpu.memory_space<vmem_shared>>
      %dma_wait3A_31 = arith.constant 0 : i32
      %dma_wait3A_32 = tpu.memref_slice %arg5[%mul3A_14, %dma_wait3A_31] : memref<1152x128xf32, #tpu.memory_space<hbm>> -> memref<72x128xf32, #tpu.memory_space<hbm>>
      tpu.wait_dma2 semaphore(%run_scoped3A : memref<!tpu.dma_semaphore, #tpu.memory_space<semaphore_mem>>) src(%dma_wait3A_32 : memref<72x128xf32, #tpu.memory_space<hbm>>) dst(%dma_wait3A_30 : memref<72x128xf32, #tpu.memory_space<vmem_shared>>)
      tpu.yield
    }) : () -> ()
    "tpu.region"() ({
      %run_scoped3A = tpu.sem_alloc : memref<!tpu.dma_semaphore, #tpu.memory_space<semaphore_mem>>
      %dma_start3A = arith.constant 0 : i32
      %dma_start3A_27 = tpu.memref_slice %arg12[%mul3A_14, %dma_start3A] : memref<1152x128xf32, #tpu.memory_space<vmem_shared>> -> memref<72x128xf32, #tpu.memory_space<vmem_shared>>
      %dma_start3A_28 = arith.constant 0 : i32
      %dma_start3A_29 = tpu.memref_slice %arg5[%mul3A_14, %dma_start3A_28] : memref<1152x128xf32, #tpu.memory_space<hbm>> -> memref<72x128xf32, #tpu.memory_space<hbm>>
      tpu.enqueue_dma source(%dma_start3A_29 : memref<72x128xf32, #tpu.memory_space<hbm>>) target(%dma_start3A_27 : memref<72x128xf32, #tpu.memory_space<vmem_shared>>) target_semaphore(%run_scoped3A : memref<!tpu.dma_semaphore, #tpu.memory_space<semaphore_mem>>)
      %dma_wait3A = arith.constant 0 : i32
      %dma_wait3A_30 = tpu.memref_slice %arg12[%mul3A_14, %dma_wait3A] : memref<1152x128xf32, #tpu.memory_space<vmem_shared>> -> memref<72x128xf32, #tpu.memory_space<vmem_shared>>
      %dma_wait3A_31 = arith.constant 0 : i32
      %dma_wait3A_32 = tpu.memref_slice %arg5[%mul3A_14, %dma_wait3A_31] : memref<1152x128xf32, #tpu.memory_space<hbm>> -> memref<72x128xf32, #tpu.memory_space<hbm>>
      tpu.wait_dma2 semaphore(%run_scoped3A : memref<!tpu.dma_semaphore, #tpu.memory_space<semaphore_mem>>) src(%dma_wait3A_32 : memref<72x128xf32, #tpu.memory_space<hbm>>) dst(%dma_wait3A_30 : memref<72x128xf32, #tpu.memory_space<vmem_shared>>)
      tpu.yield
    }) : () -> ()
    %barrier3A = arith.constant 0 : index
    tpu.barrier barrier_id(%barrier3A)
    %while3A = arith.constant 0 : i32
    %while3A_15 = arith.constant 0 : i32
    %while3A_16 = arith.subi %select_n3A_12, %while3A : i32
    %while3A_17 = arith.addi %while3A, %while3A_16 : i32
    %while3A_18 = arith.constant 1 : i32
    %while3A_19 = arith.divsi %while3A_16, %while3A_18 : i32
    %while3A_20 = arith.muli %while3A_19, %while3A_18 : i32
    %while3A_21 = arith.addi %while3A, %while3A_20 : i32
    %while3A_22 = arith.constant 1 : i32
    %while3A_23 = scf.for %while3A_27 = %while3A to %while3A_21 step %while3A_22 iter_args(%while3A_28 = %while3A_15) -> (i32)  : i32 {
      %mul3A_29 = arith.constant 80 : i32
      %mul3A_30 = arith.muli %while3A_27, %mul3A_29 : i32
      %add3A_31 = arith.addi %select_n3A, %mul3A_30 : i32
      "tpu.region"() ({
        %run_scoped3A = tpu.sem_alloc : memref<!tpu.dma_semaphore, #tpu.memory_space<semaphore_mem>>
        %dma_start3A_39 = tpu.memref_slice %arg4[%add3A_31] : memref<50000xi32, #tpu.memory_space<hbm>> -> memref<80xi32, #tpu.memory_space<hbm>>
        %dma_start3A_40 = tpu.memref_slice %arg4[%add3A_31] : memref<50000xi32, #tpu.memory_space<hbm>> -> memref<80xi32, #tpu.memory_space<hbm>>
        tpu.enqueue_dma source(%dma_start3A_40 : memref<80xi32, #tpu.memory_space<hbm>>) target(%arg8 : memref<80xi32, #tpu.memory_space<vmem>>) target_semaphore(%run_scoped3A : memref<!tpu.dma_semaphore, #tpu.memory_space<semaphore_mem>>)
        %dma_wait3A_41 = tpu.memref_slice %arg4[%add3A_31] : memref<50000xi32, #tpu.memory_space<hbm>> -> memref<80xi32, #tpu.memory_space<hbm>>
        %dma_wait3A_42 = tpu.memref_slice %arg4[%add3A_31] : memref<50000xi32, #tpu.memory_space<hbm>> -> memref<80xi32, #tpu.memory_space<hbm>>
        tpu.wait_dma2 semaphore(%run_scoped3A : memref<!tpu.dma_semaphore, #tpu.memory_space<semaphore_mem>>) src(%dma_wait3A_42 : memref<80xi32, #tpu.memory_space<hbm>>) dst(%arg8 : memref<80xi32, #tpu.memory_space<vmem>>)
        tpu.yield
      }) : () -> ()
      %dma_start3A = arith.constant 0 : i32
      %dma_start3A_32 = tpu.memref_slice %arg2[%add3A_31, %dma_start3A] : memref<50000x128xf32, #tpu.memory_space<hbm>> -> memref<80x128xf32, #tpu.memory_space<hbm>>
      %dma_start3A_33 = arith.constant 0 : i32
      %dma_start3A_34 = tpu.memref_slice %arg2[%add3A_31, %dma_start3A_33] : memref<50000x128xf32, #tpu.memory_space<hbm>> -> memref<80x128xf32, #tpu.memory_space<hbm>>
      tpu.enqueue_dma source(%dma_start3A_34 : memref<80x128xf32, #tpu.memory_space<hbm>>) target(%arg9 : memref<80x128xf32, #tpu.memory_space<vmem>>) target_semaphore(%arg13 : memref<!tpu.dma_semaphore, #tpu.memory_space<semaphore_mem>>)
      "tpu.region"() ({
        %run_scoped3A = tpu.sem_alloc : memref<!tpu.dma_semaphore, #tpu.memory_space<semaphore_mem>>
        %dma_start3A_39 = arith.constant 0 : i32
        %dma_start3A_40 = tpu.memref_slice %arg3[%add3A_31, %dma_start3A_39] : memref<50000x128xf32, #tpu.memory_space<hbm>> -> memref<80x128xf32, #tpu.memory_space<hbm>>
        %dma_start3A_41 = arith.constant 0 : i32
        %dma_start3A_42 = tpu.memref_slice %arg3[%add3A_31, %dma_start3A_41] : memref<50000x128xf32, #tpu.memory_space<hbm>> -> memref<80x128xf32, #tpu.memory_space<hbm>>
        tpu.enqueue_dma source(%dma_start3A_42 : memref<80x128xf32, #tpu.memory_space<hbm>>) target(%arg10 : memref<80x128xf32, #tpu.memory_space<vmem>>) target_semaphore(%run_scoped3A : memref<!tpu.dma_semaphore, #tpu.memory_space<semaphore_mem>>)
        %dma_wait3A_43 = arith.constant 0 : i32
        %dma_wait3A_44 = tpu.memref_slice %arg3[%add3A_31, %dma_wait3A_43] : memref<50000x128xf32, #tpu.memory_space<hbm>> -> memref<80x128xf32, #tpu.memory_space<hbm>>
        %dma_wait3A_45 = arith.constant 0 : i32
        %dma_wait3A_46 = tpu.memref_slice %arg3[%add3A_31, %dma_wait3A_45] : memref<50000x128xf32, #tpu.memory_space<hbm>> -> memref<80x128xf32, #tpu.memory_space<hbm>>
        tpu.wait_dma2 semaphore(%run_scoped3A : memref<!tpu.dma_semaphore, #tpu.memory_space<semaphore_mem>>) src(%dma_wait3A_46 : memref<80x128xf32, #tpu.memory_space<hbm>>) dst(%arg10 : memref<80x128xf32, #tpu.memory_space<vmem>>)
        tpu.yield
      }) : () -> ()
      %dma_wait3A = arith.constant 0 : i32
      %dma_wait3A_35 = tpu.memref_slice %arg2[%add3A_31, %dma_wait3A] : memref<50000x128xf32, #tpu.memory_space<hbm>> -> memref<80x128xf32, #tpu.memory_space<hbm>>
      %dma_wait3A_36 = arith.constant 0 : i32
      %dma_wait3A_37 = tpu.memref_slice %arg2[%add3A_31, %dma_wait3A_36] : memref<50000x128xf32, #tpu.memory_space<hbm>> -> memref<80x128xf32, #tpu.memory_space<hbm>>
      tpu.wait_dma2 semaphore(%arg13 : memref<!tpu.dma_semaphore, #tpu.memory_space<semaphore_mem>>) src(%dma_wait3A_37 : memref<80x128xf32, #tpu.memory_space<hbm>>) dst(%arg9 : memref<80x128xf32, #tpu.memory_space<vmem>>)
      "tpu.region"() ({
        %run_scoped3A = tpu.sem_alloc : memref<!tpu.dma_semaphore, #tpu.memory_space<semaphore_mem>>
        %dma_start3A_39 = arith.constant 0 : i32
        %dma_start3A_40 = arith.constant 0 : i32
        %dma_start3A_41 = tpu.memref_slice %arg11[%dma_start3A_39, %dma_start3A_40] : memref<1152x128xf32, #tpu.memory_space<vmem_shared>> -> memref<1152x128xf32, #tpu.memory_space<vmem_shared>>
        tpu.enqueue_indirect_dma source(%arg9 : memref<80x128xf32, #tpu.memory_space<vmem>>) target(%dma_start3A_41 : memref<1152x128xf32, #tpu.memory_space<vmem_shared>>) offsets(%arg8 : memref<80xi32, #tpu.memory_space<vmem>>) semaphore(%run_scoped3A : memref<!tpu.dma_semaphore, #tpu.memory_space<semaphore_mem>>) {add = true}
        %dma_wait3A_42 = arith.constant 0 : i32
        %dma_wait3A_43 = arith.constant 0 : i32
        %dma_wait3A_44 = tpu.memref_slice %arg11[%dma_wait3A_42, %dma_wait3A_43] : memref<1152x128xf32, #tpu.memory_space<vmem_shared>> -> memref<1152x128xf32, #tpu.memory_space<vmem_shared>>
        tpu.wait_indirect_dma semaphore(%run_scoped3A : memref<!tpu.dma_semaphore, #tpu.memory_space<semaphore_mem>>) src(%arg9 : memref<80x128xf32, #tpu.memory_space<vmem>>) dst(%dma_wait3A_44 : memref<1152x128xf32, #tpu.memory_space<vmem_shared>>)
        tpu.yield
      }) : () -> ()
      "tpu.region"() ({
        %run_scoped3A = tpu.sem_alloc : memref<!tpu.dma_semaphore, #tpu.memory_space<semaphore_mem>>
        %dma_start3A_39 = arith.constant 0 : i32
        %dma_start3A_40 = arith.constant 0 : i32
        %dma_start3A_41 = tpu.memref_slice %arg12[%dma_start3A_39, %dma_start3A_40] : memref<1152x128xf32, #tpu.memory_space<vmem_shared>> -> memref<1152x128xf32, #tpu.memory_space<vmem_shared>>
        tpu.enqueue_indirect_dma source(%arg10 : memref<80x128xf32, #tpu.memory_space<vmem>>) target(%dma_start3A_41 : memref<1152x128xf32, #tpu.memory_space<vmem_shared>>) offsets(%arg8 : memref<80xi32, #tpu.memory_space<vmem>>) semaphore(%run_scoped3A : memref<!tpu.dma_semaphore, #tpu.memory_space<semaphore_mem>>) {add = true}
        %dma_wait3A_42 = arith.constant 0 : i32
        %dma_wait3A_43 = arith.constant 0 : i32
        %dma_wait3A_44 = tpu.memref_slice %arg12[%dma_wait3A_42, %dma_wait3A_43] : memref<1152x128xf32, #tpu.memory_space<vmem_shared>> -> memref<1152x128xf32, #tpu.memory_space<vmem_shared>>
        tpu.wait_indirect_dma semaphore(%run_scoped3A : memref<!tpu.dma_semaphore, #tpu.memory_space<semaphore_mem>>) src(%arg10 : memref<80x128xf32, #tpu.memory_space<vmem>>) dst(%dma_wait3A_44 : memref<1152x128xf32, #tpu.memory_space<vmem_shared>>)
        tpu.yield
      }) : () -> ()
      %while3A_38 = arith.constant 0 : i32
      scf.yield %while3A_38 : i32
    }
    %while3A_24 = arith.constant 1 : i32
    %while3A_25 = scf.for %while3A_27 = %while3A_21 to %while3A_17 step %while3A_24 iter_args(%while3A_28 = %while3A_23) -> (i32)  : i32 {
      %mul3A_29 = arith.constant 80 : i32
      %mul3A_30 = arith.muli %while3A_27, %mul3A_29 : i32
      %add3A_31 = arith.addi %select_n3A, %mul3A_30 : i32
      "tpu.region"() ({
        %run_scoped3A = tpu.sem_alloc : memref<!tpu.dma_semaphore, #tpu.memory_space<semaphore_mem>>
        %dma_start3A_39 = tpu.memref_slice %arg4[%add3A_31] : memref<50000xi32, #tpu.memory_space<hbm>> -> memref<80xi32, #tpu.memory_space<hbm>>
        %dma_start3A_40 = tpu.memref_slice %arg4[%add3A_31] : memref<50000xi32, #tpu.memory_space<hbm>> -> memref<80xi32, #tpu.memory_space<hbm>>
        tpu.enqueue_dma source(%dma_start3A_40 : memref<80xi32, #tpu.memory_space<hbm>>) target(%arg8 : memref<80xi32, #tpu.memory_space<vmem>>) target_semaphore(%run_scoped3A : memref<!tpu.dma_semaphore, #tpu.memory_space<semaphore_mem>>)
        %dma_wait3A_41 = tpu.memref_slice %arg4[%add3A_31] : memref<50000xi32, #tpu.memory_space<hbm>> -> memref<80xi32, #tpu.memory_space<hbm>>
        %dma_wait3A_42 = tpu.memref_slice %arg4[%add3A_31] : memref<50000xi32, #tpu.memory_space<hbm>> -> memref<80xi32, #tpu.memory_space<hbm>>
        tpu.wait_dma2 semaphore(%run_scoped3A : memref<!tpu.dma_semaphore, #tpu.memory_space<semaphore_mem>>) src(%dma_wait3A_42 : memref<80xi32, #tpu.memory_space<hbm>>) dst(%arg8 : memref<80xi32, #tpu.memory_space<vmem>>)
        tpu.yield
      }) : () -> ()
      %dma_start3A = arith.constant 0 : i32
      %dma_start3A_32 = tpu.memref_slice %arg2[%add3A_31, %dma_start3A] : memref<50000x128xf32, #tpu.memory_space<hbm>> -> memref<80x128xf32, #tpu.memory_space<hbm>>
      %dma_start3A_33 = arith.constant 0 : i32
      %dma_start3A_34 = tpu.memref_slice %arg2[%add3A_31, %dma_start3A_33] : memref<50000x128xf32, #tpu.memory_space<hbm>> -> memref<80x128xf32, #tpu.memory_space<hbm>>
      tpu.enqueue_dma source(%dma_start3A_34 : memref<80x128xf32, #tpu.memory_space<hbm>>) target(%arg9 : memref<80x128xf32, #tpu.memory_space<vmem>>) target_semaphore(%arg13 : memref<!tpu.dma_semaphore, #tpu.memory_space<semaphore_mem>>)
      "tpu.region"() ({
        %run_scoped3A = tpu.sem_alloc : memref<!tpu.dma_semaphore, #tpu.memory_space<semaphore_mem>>
        %dma_start3A_39 = arith.constant 0 : i32
        %dma_start3A_40 = tpu.memref_slice %arg3[%add3A_31, %dma_start3A_39] : memref<50000x128xf32, #tpu.memory_space<hbm>> -> memref<80x128xf32, #tpu.memory_space<hbm>>
        %dma_start3A_41 = arith.constant 0 : i32
        %dma_start3A_42 = tpu.memref_slice %arg3[%add3A_31, %dma_start3A_41] : memref<50000x128xf32, #tpu.memory_space<hbm>> -> memref<80x128xf32, #tpu.memory_space<hbm>>
        tpu.enqueue_dma source(%dma_start3A_42 : memref<80x128xf32, #tpu.memory_space<hbm>>) target(%arg10 : memref<80x128xf32, #tpu.memory_space<vmem>>) target_semaphore(%run_scoped3A : memref<!tpu.dma_semaphore, #tpu.memory_space<semaphore_mem>>)
        %dma_wait3A_43 = arith.constant 0 : i32
        %dma_wait3A_44 = tpu.memref_slice %arg3[%add3A_31, %dma_wait3A_43] : memref<50000x128xf32, #tpu.memory_space<hbm>> -> memref<80x128xf32, #tpu.memory_space<hbm>>
        %dma_wait3A_45 = arith.constant 0 : i32
        %dma_wait3A_46 = tpu.memref_slice %arg3[%add3A_31, %dma_wait3A_45] : memref<50000x128xf32, #tpu.memory_space<hbm>> -> memref<80x128xf32, #tpu.memory_space<hbm>>
        tpu.wait_dma2 semaphore(%run_scoped3A : memref<!tpu.dma_semaphore, #tpu.memory_space<semaphore_mem>>) src(%dma_wait3A_46 : memref<80x128xf32, #tpu.memory_space<hbm>>) dst(%arg10 : memref<80x128xf32, #tpu.memory_space<vmem>>)
        tpu.yield
      }) : () -> ()
      %dma_wait3A = arith.constant 0 : i32
      %dma_wait3A_35 = tpu.memref_slice %arg2[%add3A_31, %dma_wait3A] : memref<50000x128xf32, #tpu.memory_space<hbm>> -> memref<80x128xf32, #tpu.memory_space<hbm>>
      %dma_wait3A_36 = arith.constant 0 : i32
      %dma_wait3A_37 = tpu.memref_slice %arg2[%add3A_31, %dma_wait3A_36] : memref<50000x128xf32, #tpu.memory_space<hbm>> -> memref<80x128xf32, #tpu.memory_space<hbm>>
      tpu.wait_dma2 semaphore(%arg13 : memref<!tpu.dma_semaphore, #tpu.memory_space<semaphore_mem>>) src(%dma_wait3A_37 : memref<80x128xf32, #tpu.memory_space<hbm>>) dst(%arg9 : memref<80x128xf32, #tpu.memory_space<vmem>>)
      "tpu.region"() ({
        %run_scoped3A = tpu.sem_alloc : memref<!tpu.dma_semaphore, #tpu.memory_space<semaphore_mem>>
        %dma_start3A_39 = arith.constant 0 : i32
        %dma_start3A_40 = arith.constant 0 : i32
        %dma_start3A_41 = tpu.memref_slice %arg11[%dma_start3A_39, %dma_start3A_40] : memref<1152x128xf32, #tpu.memory_space<vmem_shared>> -> memref<1152x128xf32, #tpu.memory_space<vmem_shared>>
        tpu.enqueue_indirect_dma source(%arg9 : memref<80x128xf32, #tpu.memory_space<vmem>>) target(%dma_start3A_41 : memref<1152x128xf32, #tpu.memory_space<vmem_shared>>) offsets(%arg8 : memref<80xi32, #tpu.memory_space<vmem>>) semaphore(%run_scoped3A : memref<!tpu.dma_semaphore, #tpu.memory_space<semaphore_mem>>) {add = true}
        %dma_wait3A_42 = arith.constant 0 : i32
        %dma_wait3A_43 = arith.constant 0 : i32
        %dma_wait3A_44 = tpu.memref_slice %arg11[%dma_wait3A_42, %dma_wait3A_43] : memref<1152x128xf32, #tpu.memory_space<vmem_shared>> -> memref<1152x128xf32, #tpu.memory_space<vmem_shared>>
        tpu.wait_indirect_dma semaphore(%run_scoped3A : memref<!tpu.dma_semaphore, #tpu.memory_space<semaphore_mem>>) src(%arg9 : memref<80x128xf32, #tpu.memory_space<vmem>>) dst(%dma_wait3A_44 : memref<1152x128xf32, #tpu.memory_space<vmem_shared>>)
        tpu.yield
      }) : () -> ()
      "tpu.region"() ({
        %run_scoped3A = tpu.sem_alloc : memref<!tpu.dma_semaphore, #tpu.memory_space<semaphore_mem>>
        %dma_start3A_39 = arith.constant 0 : i32
        %dma_start3A_40 = arith.constant 0 : i32
        %dma_start3A_41 = tpu.memref_slice %arg12[%dma_start3A_39, %dma_start3A_40] : memref<1152x128xf32, #tpu.memory_space<vmem_shared>> -> memref<1152x128xf32, #tpu.memory_space<vmem_shared>>
        tpu.enqueue_indirect_dma source(%arg10 : memref<80x128xf32, #tpu.memory_space<vmem>>) target(%dma_start3A_41 : memref<1152x128xf32, #tpu.memory_space<vmem_shared>>) offsets(%arg8 : memref<80xi32, #tpu.memory_space<vmem>>) semaphore(%run_scoped3A : memref<!tpu.dma_semaphore, #tpu.memory_space<semaphore_mem>>) {add = true}
        %dma_wait3A_42 = arith.constant 0 : i32
        %dma_wait3A_43 = arith.constant 0 : i32
        %dma_wait3A_44 = tpu.memref_slice %arg12[%dma_wait3A_42, %dma_wait3A_43] : memref<1152x128xf32, #tpu.memory_space<vmem_shared>> -> memref<1152x128xf32, #tpu.memory_space<vmem_shared>>
        tpu.wait_indirect_dma semaphore(%run_scoped3A : memref<!tpu.dma_semaphore, #tpu.memory_space<semaphore_mem>>) src(%arg10 : memref<80x128xf32, #tpu.memory_space<vmem>>) dst(%dma_wait3A_44 : memref<1152x128xf32, #tpu.memory_space<vmem_shared>>)
        tpu.yield
      }) : () -> ()
      %while3A_38 = arith.constant 0 : i32
      scf.yield %while3A_38 : i32
    }
    %barrier3A_26 = arith.constant 0 : index
    tpu.barrier barrier_id(%barrier3A_26)
    "tpu.region"() ({
      %run_scoped3A = tpu.sem_alloc : memref<!tpu.dma_semaphore, #tpu.memory_space<semaphore_mem>>
      %dma_start3A = arith.constant 0 : i32
      %dma_start3A_27 = tpu.memref_slice %arg6[%arg0, %mul3A_14, %dma_start3A] : memref<2x1152x128xf32, #tpu.memory_space<hbm>> -> memref<1x72x128xf32, #tpu.memory_space<hbm>>
      %dma_start3A_28 = tpu.memref_squeeze %dma_start3A_27 : memref<1x72x128xf32, #tpu.memory_space<hbm>> -> memref<72x128xf32, #tpu.memory_space<hbm>>
      %dma_start3A_29 = arith.constant 0 : i32
      %dma_start3A_30 = tpu.memref_slice %arg11[%mul3A_14, %dma_start3A_29] : memref<1152x128xf32, #tpu.memory_space<vmem_shared>> -> memref<72x128xf32, #tpu.memory_space<vmem_shared>>
      tpu.enqueue_dma source(%dma_start3A_30 : memref<72x128xf32, #tpu.memory_space<vmem_shared>>) target(%dma_start3A_28 : memref<72x128xf32, #tpu.memory_space<hbm>>) target_semaphore(%run_scoped3A : memref<!tpu.dma_semaphore, #tpu.memory_space<semaphore_mem>>)
      %dma_wait3A = arith.constant 0 : i32
      %dma_wait3A_31 = tpu.memref_slice %arg6[%arg0, %mul3A_14, %dma_wait3A] : memref<2x1152x128xf32, #tpu.memory_space<hbm>> -> memref<1x72x128xf32, #tpu.memory_space<hbm>>
      %dma_wait3A_32 = tpu.memref_squeeze %dma_wait3A_31 : memref<1x72x128xf32, #tpu.memory_space<hbm>> -> memref<72x128xf32, #tpu.memory_space<hbm>>
      %dma_wait3A_33 = arith.constant 0 : i32
      %dma_wait3A_34 = tpu.memref_slice %arg11[%mul3A_14, %dma_wait3A_33] : memref<1152x128xf32, #tpu.memory_space<vmem_shared>> -> memref<72x128xf32, #tpu.memory_space<vmem_shared>>
      tpu.wait_dma2 semaphore(%run_scoped3A : memref<!tpu.dma_semaphore, #tpu.memory_space<semaphore_mem>>) src(%dma_wait3A_34 : memref<72x128xf32, #tpu.memory_space<vmem_shared>>) dst(%dma_wait3A_32 : memref<72x128xf32, #tpu.memory_space<hbm>>)
      tpu.yield
    }) : () -> ()
    "tpu.region"() ({
      %run_scoped3A = tpu.sem_alloc : memref<!tpu.dma_semaphore, #tpu.memory_space<semaphore_mem>>
      %dma_start3A = arith.constant 0 : i32
      %dma_start3A_27 = tpu.memref_slice %arg7[%arg0, %mul3A_14, %dma_start3A] : memref<2x1152x128xf32, #tpu.memory_space<hbm>> -> memref<1x72x128xf32, #tpu.memory_space<hbm>>
      %dma_start3A_28 = tpu.memref_squeeze %dma_start3A_27 : memref<1x72x128xf32, #tpu.memory_space<hbm>> -> memref<72x128xf32, #tpu.memory_space<hbm>>
      %dma_start3A_29 = arith.constant 0 : i32
      %dma_start3A_30 = tpu.memref_slice %arg12[%mul3A_14, %dma_start3A_29] : memref<1152x128xf32, #tpu.memory_space<vmem_shared>> -> memref<72x128xf32, #tpu.memory_space<vmem_shared>>
      tpu.enqueue_dma source(%dma_start3A_30 : memref<72x128xf32, #tpu.memory_space<vmem_shared>>) target(%dma_start3A_28 : memref<72x128xf32, #tpu.memory_space<hbm>>) target_semaphore(%run_scoped3A : memref<!tpu.dma_semaphore, #tpu.memory_space<semaphore_mem>>)
      %dma_wait3A = arith.constant 0 : i32
      %dma_wait3A_31 = tpu.memref_slice %arg7[%arg0, %mul3A_14, %dma_wait3A] : memref<2x1152x128xf32, #tpu.memory_space<hbm>> -> memref<1x72x128xf32, #tpu.memory_space<hbm>>
      %dma_wait3A_32 = tpu.memref_squeeze %dma_wait3A_31 : memref<1x72x128xf32, #tpu.memory_space<hbm>> -> memref<72x128xf32, #tpu.memory_space<hbm>>
      %dma_wait3A_33 = arith.constant 0 : i32
      %dma_wait3A_34 = tpu.memref_slice %arg12[%mul3A_14, %dma_wait3A_33] : memref<1152x128xf32, #tpu.memory_space<vmem_shared>> -> memref<72x128xf32, #tpu.memory_space<vmem_shared>>
      tpu.wait_dma2 semaphore(%run_scoped3A : memref<!tpu.dma_semaphore, #tpu.memory_space<semaphore_mem>>) src(%dma_wait3A_34 : memref<72x128xf32, #tpu.memory_space<vmem_shared>>) dst(%dma_wait3A_32 : memref<72x128xf32, #tpu.memory_space<hbm>>)
      tpu.yield
    }) : () -> ()
    return
  }
}

#map = affine_map<(d0, d1) -> (0, 0)>
#map1 = affine_map<(d0, d1) -> (0)>
module attributes {stable_mosaic.version = 14 : i64} {
  func.func @_sc_gather_body(%arg0: i32, %arg1: i32, %arg2: memref<1024x256xf32, #tpu.memory_space<hbm>>, %arg3: memref<50000xi32, #tpu.memory_space<hbm>>, %arg4: memref<50000x256xf32, #tpu.memory_space<hbm>>, %arg5: memref<80xi32, #tpu.memory_space<vmem>>, %arg6: memref<80x256xf32, #tpu.memory_space<vmem>>, %arg7: memref<!tpu.dma_semaphore, #tpu.memory_space<semaphore_mem>>) attributes {dimension_semantics = [#tpu.dimension_semantics<core_parallel>, #tpu.dimension_semantics<subcore_parallel>], iteration_bounds = array<i64: 2, 16>, scalar_prefetch = 0 : i64, scratch_operands = 3 : i64, tpu.core_type = #tpu.core_type<sc_vector_subcore>, window_params = [{transform_indices = #map}, {transform_indices = #map1}, {transform_indices = #map}]} {
    %mul3A = arith.constant 2 : i32
    %mul3A_0 = arith.muli %arg1, %mul3A : i32
    %add3A = arith.addi %mul3A_0, %arg0 : i32
    %lt3A = arith.constant 17 : i32
    %lt3A_1 = arith.cmpi slt, %add3A, %lt3A : i32
    %mul3A_2 = arith.constant 1600 : i32
    %mul3A_3 = arith.muli %add3A, %mul3A_2 : i32
    %sub3A = arith.constant 17 : i32
    %sub3A_4 = arith.subi %add3A, %sub3A : i32
    %mul3A_5 = arith.constant 1520 : i32
    %mul3A_6 = arith.muli %sub3A_4, %mul3A_5 : i32
    %add3A_7 = arith.constant 27200 : i32
    %add3A_8 = arith.addi %add3A_7, %mul3A_6 : i32
    %select_n3A = arith.select %lt3A_1, %mul3A_3, %add3A_8 : i32
    %lt3A_9 = arith.constant 17 : i32
    %lt3A_10 = arith.cmpi slt, %add3A, %lt3A_9 : i32
    %jit3A = arith.constant 20 : i32
    %jit3A_11 = arith.constant 19 : i32
    %select_n3A_12 = arith.select %lt3A_10, %jit3A, %jit3A_11 : i32
    %while3A = arith.constant 0 : i32
    %while3A_13 = arith.constant 0 : i32
    %while3A_14 = arith.subi %select_n3A_12, %while3A : i32
    %while3A_15 = arith.addi %while3A, %while3A_14 : i32
    %while3A_16 = arith.constant 1 : i32
    %while3A_17 = arith.divsi %while3A_14, %while3A_16 : i32
    %while3A_18 = arith.muli %while3A_17, %while3A_16 : i32
    %while3A_19 = arith.addi %while3A, %while3A_18 : i32
    %while3A_20 = arith.constant 1 : i32
    %while3A_21 = scf.for %while3A_24 = %while3A to %while3A_19 step %while3A_20 iter_args(%while3A_25 = %while3A_13) -> (i32)  : i32 {
      %mul3A_26 = arith.constant 80 : i32
      %mul3A_27 = arith.muli %while3A_24, %mul3A_26 : i32
      %add3A_28 = arith.addi %select_n3A, %mul3A_27 : i32
      "tpu.region"() ({
        %run_scoped3A = tpu.sem_alloc : memref<!tpu.dma_semaphore, #tpu.memory_space<semaphore_mem>>
        %dma_start3A_34 = tpu.memref_slice %arg3[%add3A_28] : memref<50000xi32, #tpu.memory_space<hbm>> -> memref<80xi32, #tpu.memory_space<hbm>>
        %dma_start3A_35 = tpu.memref_slice %arg3[%add3A_28] : memref<50000xi32, #tpu.memory_space<hbm>> -> memref<80xi32, #tpu.memory_space<hbm>>
        tpu.enqueue_dma source(%dma_start3A_35 : memref<80xi32, #tpu.memory_space<hbm>>) target(%arg5 : memref<80xi32, #tpu.memory_space<vmem>>) target_semaphore(%run_scoped3A : memref<!tpu.dma_semaphore, #tpu.memory_space<semaphore_mem>>)
        %dma_wait3A_36 = tpu.memref_slice %arg3[%add3A_28] : memref<50000xi32, #tpu.memory_space<hbm>> -> memref<80xi32, #tpu.memory_space<hbm>>
        %dma_wait3A_37 = tpu.memref_slice %arg3[%add3A_28] : memref<50000xi32, #tpu.memory_space<hbm>> -> memref<80xi32, #tpu.memory_space<hbm>>
        tpu.wait_dma2 semaphore(%run_scoped3A : memref<!tpu.dma_semaphore, #tpu.memory_space<semaphore_mem>>) src(%dma_wait3A_37 : memref<80xi32, #tpu.memory_space<hbm>>) dst(%arg5 : memref<80xi32, #tpu.memory_space<vmem>>)
        tpu.yield
      }) : () -> ()
      %dma_start3A = arith.constant 0 : i32
      %dma_start3A_29 = arith.constant 0 : i32
      %dma_start3A_30 = tpu.memref_slice %arg2[%dma_start3A, %dma_start3A_29] : memref<1024x256xf32, #tpu.memory_space<hbm>> -> memref<1024x256xf32, #tpu.memory_space<hbm>>
      tpu.enqueue_indirect_dma source(%dma_start3A_30 : memref<1024x256xf32, #tpu.memory_space<hbm>>) target(%arg6 : memref<80x256xf32, #tpu.memory_space<vmem>>) offsets(%arg5 : memref<80xi32, #tpu.memory_space<vmem>>) semaphore(%arg7 : memref<!tpu.dma_semaphore, #tpu.memory_space<semaphore_mem>>)
      %dma_wait3A = arith.constant 0 : i32
      %dma_wait3A_31 = arith.constant 0 : i32
      %dma_wait3A_32 = tpu.memref_slice %arg2[%dma_wait3A, %dma_wait3A_31] : memref<1024x256xf32, #tpu.memory_space<hbm>> -> memref<1024x256xf32, #tpu.memory_space<hbm>>
      tpu.wait_indirect_dma semaphore(%arg7 : memref<!tpu.dma_semaphore, #tpu.memory_space<semaphore_mem>>) src(%dma_wait3A_32 : memref<1024x256xf32, #tpu.memory_space<hbm>>) dst(%arg6 : memref<80x256xf32, #tpu.memory_space<vmem>>)
      "tpu.region"() ({
        %run_scoped3A = tpu.sem_alloc : memref<!tpu.dma_semaphore, #tpu.memory_space<semaphore_mem>>
        %dma_start3A_34 = arith.constant 0 : i32
        %dma_start3A_35 = tpu.memref_slice %arg4[%add3A_28, %dma_start3A_34] : memref<50000x256xf32, #tpu.memory_space<hbm>> -> memref<80x256xf32, #tpu.memory_space<hbm>>
        %dma_start3A_36 = arith.constant 0 : i32
        %dma_start3A_37 = tpu.memref_slice %arg4[%add3A_28, %dma_start3A_36] : memref<50000x256xf32, #tpu.memory_space<hbm>> -> memref<80x256xf32, #tpu.memory_space<hbm>>
        tpu.enqueue_dma source(%arg6 : memref<80x256xf32, #tpu.memory_space<vmem>>) target(%dma_start3A_37 : memref<80x256xf32, #tpu.memory_space<hbm>>) target_semaphore(%run_scoped3A : memref<!tpu.dma_semaphore, #tpu.memory_space<semaphore_mem>>)
        %dma_wait3A_38 = arith.constant 0 : i32
        %dma_wait3A_39 = tpu.memref_slice %arg4[%add3A_28, %dma_wait3A_38] : memref<50000x256xf32, #tpu.memory_space<hbm>> -> memref<80x256xf32, #tpu.memory_space<hbm>>
        %dma_wait3A_40 = arith.constant 0 : i32
        %dma_wait3A_41 = tpu.memref_slice %arg4[%add3A_28, %dma_wait3A_40] : memref<50000x256xf32, #tpu.memory_space<hbm>> -> memref<80x256xf32, #tpu.memory_space<hbm>>
        tpu.wait_dma2 semaphore(%run_scoped3A : memref<!tpu.dma_semaphore, #tpu.memory_space<semaphore_mem>>) src(%arg6 : memref<80x256xf32, #tpu.memory_space<vmem>>) dst(%dma_wait3A_41 : memref<80x256xf32, #tpu.memory_space<hbm>>)
        tpu.yield
      }) : () -> ()
      %while3A_33 = arith.constant 0 : i32
      scf.yield %while3A_33 : i32
    }
    %while3A_22 = arith.constant 1 : i32
    %while3A_23 = scf.for %while3A_24 = %while3A_19 to %while3A_15 step %while3A_22 iter_args(%while3A_25 = %while3A_21) -> (i32)  : i32 {
      %mul3A_26 = arith.constant 80 : i32
      %mul3A_27 = arith.muli %while3A_24, %mul3A_26 : i32
      %add3A_28 = arith.addi %select_n3A, %mul3A_27 : i32
      "tpu.region"() ({
        %run_scoped3A = tpu.sem_alloc : memref<!tpu.dma_semaphore, #tpu.memory_space<semaphore_mem>>
        %dma_start3A_34 = tpu.memref_slice %arg3[%add3A_28] : memref<50000xi32, #tpu.memory_space<hbm>> -> memref<80xi32, #tpu.memory_space<hbm>>
        %dma_start3A_35 = tpu.memref_slice %arg3[%add3A_28] : memref<50000xi32, #tpu.memory_space<hbm>> -> memref<80xi32, #tpu.memory_space<hbm>>
        tpu.enqueue_dma source(%dma_start3A_35 : memref<80xi32, #tpu.memory_space<hbm>>) target(%arg5 : memref<80xi32, #tpu.memory_space<vmem>>) target_semaphore(%run_scoped3A : memref<!tpu.dma_semaphore, #tpu.memory_space<semaphore_mem>>)
        %dma_wait3A_36 = tpu.memref_slice %arg3[%add3A_28] : memref<50000xi32, #tpu.memory_space<hbm>> -> memref<80xi32, #tpu.memory_space<hbm>>
        %dma_wait3A_37 = tpu.memref_slice %arg3[%add3A_28] : memref<50000xi32, #tpu.memory_space<hbm>> -> memref<80xi32, #tpu.memory_space<hbm>>
        tpu.wait_dma2 semaphore(%run_scoped3A : memref<!tpu.dma_semaphore, #tpu.memory_space<semaphore_mem>>) src(%dma_wait3A_37 : memref<80xi32, #tpu.memory_space<hbm>>) dst(%arg5 : memref<80xi32, #tpu.memory_space<vmem>>)
        tpu.yield
      }) : () -> ()
      %dma_start3A = arith.constant 0 : i32
      %dma_start3A_29 = arith.constant 0 : i32
      %dma_start3A_30 = tpu.memref_slice %arg2[%dma_start3A, %dma_start3A_29] : memref<1024x256xf32, #tpu.memory_space<hbm>> -> memref<1024x256xf32, #tpu.memory_space<hbm>>
      tpu.enqueue_indirect_dma source(%dma_start3A_30 : memref<1024x256xf32, #tpu.memory_space<hbm>>) target(%arg6 : memref<80x256xf32, #tpu.memory_space<vmem>>) offsets(%arg5 : memref<80xi32, #tpu.memory_space<vmem>>) semaphore(%arg7 : memref<!tpu.dma_semaphore, #tpu.memory_space<semaphore_mem>>)
      %dma_wait3A = arith.constant 0 : i32
      %dma_wait3A_31 = arith.constant 0 : i32
      %dma_wait3A_32 = tpu.memref_slice %arg2[%dma_wait3A, %dma_wait3A_31] : memref<1024x256xf32, #tpu.memory_space<hbm>> -> memref<1024x256xf32, #tpu.memory_space<hbm>>
      tpu.wait_indirect_dma semaphore(%arg7 : memref<!tpu.dma_semaphore, #tpu.memory_space<semaphore_mem>>) src(%dma_wait3A_32 : memref<1024x256xf32, #tpu.memory_space<hbm>>) dst(%arg6 : memref<80x256xf32, #tpu.memory_space<vmem>>)
      "tpu.region"() ({
        %run_scoped3A = tpu.sem_alloc : memref<!tpu.dma_semaphore, #tpu.memory_space<semaphore_mem>>
        %dma_start3A_34 = arith.constant 0 : i32
        %dma_start3A_35 = tpu.memref_slice %arg4[%add3A_28, %dma_start3A_34] : memref<50000x256xf32, #tpu.memory_space<hbm>> -> memref<80x256xf32, #tpu.memory_space<hbm>>
        %dma_start3A_36 = arith.constant 0 : i32
        %dma_start3A_37 = tpu.memref_slice %arg4[%add3A_28, %dma_start3A_36] : memref<50000x256xf32, #tpu.memory_space<hbm>> -> memref<80x256xf32, #tpu.memory_space<hbm>>
        tpu.enqueue_dma source(%arg6 : memref<80x256xf32, #tpu.memory_space<vmem>>) target(%dma_start3A_37 : memref<80x256xf32, #tpu.memory_space<hbm>>) target_semaphore(%run_scoped3A : memref<!tpu.dma_semaphore, #tpu.memory_space<semaphore_mem>>)
        %dma_wait3A_38 = arith.constant 0 : i32
        %dma_wait3A_39 = tpu.memref_slice %arg4[%add3A_28, %dma_wait3A_38] : memref<50000x256xf32, #tpu.memory_space<hbm>> -> memref<80x256xf32, #tpu.memory_space<hbm>>
        %dma_wait3A_40 = arith.constant 0 : i32
        %dma_wait3A_41 = tpu.memref_slice %arg4[%add3A_28, %dma_wait3A_40] : memref<50000x256xf32, #tpu.memory_space<hbm>> -> memref<80x256xf32, #tpu.memory_space<hbm>>
        tpu.wait_dma2 semaphore(%run_scoped3A : memref<!tpu.dma_semaphore, #tpu.memory_space<semaphore_mem>>) src(%arg6 : memref<80x256xf32, #tpu.memory_space<vmem>>) dst(%dma_wait3A_41 : memref<80x256xf32, #tpu.memory_space<hbm>>)
        tpu.yield
      }) : () -> ()
      %while3A_33 = arith.constant 0 : i32
      scf.yield %while3A_33 : i32
    }
    return
  }
}

#map = affine_map<(d0, d1) -> (0, 0)>
#map1 = affine_map<(d0, d1) -> (0)>
#map2 = affine_map<(d0, d1) -> (0, 0, 0)>
module attributes {stable_mosaic.version = 14 : i64} {
  func.func @_sc_segsum2_body(%arg0: i32, %arg1: i32, %arg2: memref<50000x128xf32, #tpu.memory_space<hbm>>, %arg3: memref<50000x128xf32, #tpu.memory_space<hbm>>, %arg4: memref<50000xi32, #tpu.memory_space<hbm>>, %arg5: memref<1152x128xf32, #tpu.memory_space<hbm>>, %arg6: memref<2x1152x128xf32, #tpu.memory_space<hbm>>, %arg7: memref<2x1152x128xf32, #tpu.memory_space<hbm>>, %arg8: memref<80xi32, #tpu.memory_space<vmem>>, %arg9: memref<80x128xf32, #tpu.memory_space<vmem>>, %arg10: memref<80x128xf32, #tpu.memory_space<vmem>>, %arg11: memref<1152x128xf32, #tpu.memory_space<vmem_shared>>, %arg12: memref<1152x128xf32, #tpu.memory_space<vmem_shared>>, %arg13: memref<!tpu.dma_semaphore, #tpu.memory_space<semaphore_mem>>) attributes {dimension_semantics = [#tpu.dimension_semantics<core_parallel>, #tpu.dimension_semantics<subcore_parallel>], iteration_bounds = array<i64: 2, 16>, scalar_prefetch = 0 : i64, scratch_operands = 6 : i64, tpu.core_type = #tpu.core_type<sc_vector_subcore>, window_params = [{transform_indices = #map}, {transform_indices = #map}, {transform_indices = #map1}, {transform_indices = #map}, {transform_indices = #map2}, {transform_indices = #map2}]} {
    %mul3A = arith.constant 2 : i32
    %mul3A_0 = arith.muli %arg1, %mul3A : i32
    %add3A = arith.addi %mul3A_0, %arg0 : i32
    %lt3A = arith.constant 17 : i32
    %lt3A_1 = arith.cmpi slt, %add3A, %lt3A : i32
    %mul3A_2 = arith.constant 1600 : i32
    %mul3A_3 = arith.muli %add3A, %mul3A_2 : i32
    %sub3A = arith.constant 17 : i32
    %sub3A_4 = arith.subi %add3A, %sub3A : i32
    %mul3A_5 = arith.constant 1520 : i32
    %mul3A_6 = arith.muli %sub3A_4, %mul3A_5 : i32
    %add3A_7 = arith.constant 27200 : i32
    %add3A_8 = arith.addi %add3A_7, %mul3A_6 : i32
    %select_n3A = arith.select %lt3A_1, %mul3A_3, %add3A_8 : i32
    %lt3A_9 = arith.constant 17 : i32
    %lt3A_10 = arith.cmpi slt, %add3A, %lt3A_9 : i32
    %jit3A = arith.constant 20 : i32
    %jit3A_11 = arith.constant 19 : i32
    %select_n3A_12 = arith.select %lt3A_10, %jit3A, %jit3A_11 : i32
    %mul3A_13 = arith.constant 72 : i32
    %mul3A_14 = arith.muli %arg1, %mul3A_13 : i32
    "tpu.region"() ({
      %run_scoped3A = tpu.sem_alloc : memref<!tpu.dma_semaphore, #tpu.memory_space<semaphore_mem>>
      %dma_start3A = arith.constant 0 : i32
      %dma_start3A_27 = tpu.memref_slice %arg11[%mul3A_14, %dma_start3A] : memref<1152x128xf32, #tpu.memory_space<vmem_shared>> -> memref<72x128xf32, #tpu.memory_space<vmem_shared>>
      %dma_start3A_28 = arith.constant 0 : i32
      %dma_start3A_29 = tpu.memref_slice %arg5[%mul3A_14, %dma_start3A_28] : memref<1152x128xf32, #tpu.memory_space<hbm>> -> memref<72x128xf32, #tpu.memory_space<hbm>>
      tpu.enqueue_dma source(%dma_start3A_29 : memref<72x128xf32, #tpu.memory_space<hbm>>) target(%dma_start3A_27 : memref<72x128xf32, #tpu.memory_space<vmem_shared>>) target_semaphore(%run_scoped3A : memref<!tpu.dma_semaphore, #tpu.memory_space<semaphore_mem>>)
      %dma_wait3A = arith.constant 0 : i32
      %dma_wait3A_30 = tpu.memref_slice %arg11[%mul3A_14, %dma_wait3A] : memref<1152x128xf32, #tpu.memory_space<vmem_shared>> -> memref<72x128xf32, #tpu.memory_space<vmem_shared>>
      %dma_wait3A_31 = arith.constant 0 : i32
      %dma_wait3A_32 = tpu.memref_slice %arg5[%mul3A_14, %dma_wait3A_31] : memref<1152x128xf32, #tpu.memory_space<hbm>> -> memref<72x128xf32, #tpu.memory_space<hbm>>
      tpu.wait_dma2 semaphore(%run_scoped3A : memref<!tpu.dma_semaphore, #tpu.memory_space<semaphore_mem>>) src(%dma_wait3A_32 : memref<72x128xf32, #tpu.memory_space<hbm>>) dst(%dma_wait3A_30 : memref<72x128xf32, #tpu.memory_space<vmem_shared>>)
      tpu.yield
    }) : () -> ()
    "tpu.region"() ({
      %run_scoped3A = tpu.sem_alloc : memref<!tpu.dma_semaphore, #tpu.memory_space<semaphore_mem>>
      %dma_start3A = arith.constant 0 : i32
      %dma_start3A_27 = tpu.memref_slice %arg12[%mul3A_14, %dma_start3A] : memref<1152x128xf32, #tpu.memory_space<vmem_shared>> -> memref<72x128xf32, #tpu.memory_space<vmem_shared>>
      %dma_start3A_28 = arith.constant 0 : i32
      %dma_start3A_29 = tpu.memref_slice %arg5[%mul3A_14, %dma_start3A_28] : memref<1152x128xf32, #tpu.memory_space<hbm>> -> memref<72x128xf32, #tpu.memory_space<hbm>>
      tpu.enqueue_dma source(%dma_start3A_29 : memref<72x128xf32, #tpu.memory_space<hbm>>) target(%dma_start3A_27 : memref<72x128xf32, #tpu.memory_space<vmem_shared>>) target_semaphore(%run_scoped3A : memref<!tpu.dma_semaphore, #tpu.memory_space<semaphore_mem>>)
      %dma_wait3A = arith.constant 0 : i32
      %dma_wait3A_30 = tpu.memref_slice %arg12[%mul3A_14, %dma_wait3A] : memref<1152x128xf32, #tpu.memory_space<vmem_shared>> -> memref<72x128xf32, #tpu.memory_space<vmem_shared>>
      %dma_wait3A_31 = arith.constant 0 : i32
      %dma_wait3A_32 = tpu.memref_slice %arg5[%mul3A_14, %dma_wait3A_31] : memref<1152x128xf32, #tpu.memory_space<hbm>> -> memref<72x128xf32, #tpu.memory_space<hbm>>
      tpu.wait_dma2 semaphore(%run_scoped3A : memref<!tpu.dma_semaphore, #tpu.memory_space<semaphore_mem>>) src(%dma_wait3A_32 : memref<72x128xf32, #tpu.memory_space<hbm>>) dst(%dma_wait3A_30 : memref<72x128xf32, #tpu.memory_space<vmem_shared>>)
      tpu.yield
    }) : () -> ()
    %barrier3A = arith.constant 0 : index
    tpu.barrier barrier_id(%barrier3A)
    %while3A = arith.constant 0 : i32
    %while3A_15 = arith.constant 0 : i32
    %while3A_16 = arith.subi %select_n3A_12, %while3A : i32
    %while3A_17 = arith.addi %while3A, %while3A_16 : i32
    %while3A_18 = arith.constant 1 : i32
    %while3A_19 = arith.divsi %while3A_16, %while3A_18 : i32
    %while3A_20 = arith.muli %while3A_19, %while3A_18 : i32
    %while3A_21 = arith.addi %while3A, %while3A_20 : i32
    %while3A_22 = arith.constant 1 : i32
    %while3A_23 = scf.for %while3A_27 = %while3A to %while3A_21 step %while3A_22 iter_args(%while3A_28 = %while3A_15) -> (i32)  : i32 {
      %mul3A_29 = arith.constant 80 : i32
      %mul3A_30 = arith.muli %while3A_27, %mul3A_29 : i32
      %add3A_31 = arith.addi %select_n3A, %mul3A_30 : i32
      "tpu.region"() ({
        %run_scoped3A = tpu.sem_alloc : memref<!tpu.dma_semaphore, #tpu.memory_space<semaphore_mem>>
        %dma_start3A_39 = tpu.memref_slice %arg4[%add3A_31] : memref<50000xi32, #tpu.memory_space<hbm>> -> memref<80xi32, #tpu.memory_space<hbm>>
        %dma_start3A_40 = tpu.memref_slice %arg4[%add3A_31] : memref<50000xi32, #tpu.memory_space<hbm>> -> memref<80xi32, #tpu.memory_space<hbm>>
        tpu.enqueue_dma source(%dma_start3A_40 : memref<80xi32, #tpu.memory_space<hbm>>) target(%arg8 : memref<80xi32, #tpu.memory_space<vmem>>) target_semaphore(%run_scoped3A : memref<!tpu.dma_semaphore, #tpu.memory_space<semaphore_mem>>)
        %dma_wait3A_41 = tpu.memref_slice %arg4[%add3A_31] : memref<50000xi32, #tpu.memory_space<hbm>> -> memref<80xi32, #tpu.memory_space<hbm>>
        %dma_wait3A_42 = tpu.memref_slice %arg4[%add3A_31] : memref<50000xi32, #tpu.memory_space<hbm>> -> memref<80xi32, #tpu.memory_space<hbm>>
        tpu.wait_dma2 semaphore(%run_scoped3A : memref<!tpu.dma_semaphore, #tpu.memory_space<semaphore_mem>>) src(%dma_wait3A_42 : memref<80xi32, #tpu.memory_space<hbm>>) dst(%arg8 : memref<80xi32, #tpu.memory_space<vmem>>)
        tpu.yield
      }) : () -> ()
      %dma_start3A = arith.constant 0 : i32
      %dma_start3A_32 = tpu.memref_slice %arg2[%add3A_31, %dma_start3A] : memref<50000x128xf32, #tpu.memory_space<hbm>> -> memref<80x128xf32, #tpu.memory_space<hbm>>
      %dma_start3A_33 = arith.constant 0 : i32
      %dma_start3A_34 = tpu.memref_slice %arg2[%add3A_31, %dma_start3A_33] : memref<50000x128xf32, #tpu.memory_space<hbm>> -> memref<80x128xf32, #tpu.memory_space<hbm>>
      tpu.enqueue_dma source(%dma_start3A_34 : memref<80x128xf32, #tpu.memory_space<hbm>>) target(%arg9 : memref<80x128xf32, #tpu.memory_space<vmem>>) target_semaphore(%arg13 : memref<!tpu.dma_semaphore, #tpu.memory_space<semaphore_mem>>)
      "tpu.region"() ({
        %run_scoped3A = tpu.sem_alloc : memref<!tpu.dma_semaphore, #tpu.memory_space<semaphore_mem>>
        %dma_start3A_39 = arith.constant 0 : i32
        %dma_start3A_40 = tpu.memref_slice %arg3[%add3A_31, %dma_start3A_39] : memref<50000x128xf32, #tpu.memory_space<hbm>> -> memref<80x128xf32, #tpu.memory_space<hbm>>
        %dma_start3A_41 = arith.constant 0 : i32
        %dma_start3A_42 = tpu.memref_slice %arg3[%add3A_31, %dma_start3A_41] : memref<50000x128xf32, #tpu.memory_space<hbm>> -> memref<80x128xf32, #tpu.memory_space<hbm>>
        tpu.enqueue_dma source(%dma_start3A_42 : memref<80x128xf32, #tpu.memory_space<hbm>>) target(%arg10 : memref<80x128xf32, #tpu.memory_space<vmem>>) target_semaphore(%run_scoped3A : memref<!tpu.dma_semaphore, #tpu.memory_space<semaphore_mem>>)
        %dma_wait3A_43 = arith.constant 0 : i32
        %dma_wait3A_44 = tpu.memref_slice %arg3[%add3A_31, %dma_wait3A_43] : memref<50000x128xf32, #tpu.memory_space<hbm>> -> memref<80x128xf32, #tpu.memory_space<hbm>>
        %dma_wait3A_45 = arith.constant 0 : i32
        %dma_wait3A_46 = tpu.memref_slice %arg3[%add3A_31, %dma_wait3A_45] : memref<50000x128xf32, #tpu.memory_space<hbm>> -> memref<80x128xf32, #tpu.memory_space<hbm>>
        tpu.wait_dma2 semaphore(%run_scoped3A : memref<!tpu.dma_semaphore, #tpu.memory_space<semaphore_mem>>) src(%dma_wait3A_46 : memref<80x128xf32, #tpu.memory_space<hbm>>) dst(%arg10 : memref<80x128xf32, #tpu.memory_space<vmem>>)
        tpu.yield
      }) : () -> ()
      %dma_wait3A = arith.constant 0 : i32
      %dma_wait3A_35 = tpu.memref_slice %arg2[%add3A_31, %dma_wait3A] : memref<50000x128xf32, #tpu.memory_space<hbm>> -> memref<80x128xf32, #tpu.memory_space<hbm>>
      %dma_wait3A_36 = arith.constant 0 : i32
      %dma_wait3A_37 = tpu.memref_slice %arg2[%add3A_31, %dma_wait3A_36] : memref<50000x128xf32, #tpu.memory_space<hbm>> -> memref<80x128xf32, #tpu.memory_space<hbm>>
      tpu.wait_dma2 semaphore(%arg13 : memref<!tpu.dma_semaphore, #tpu.memory_space<semaphore_mem>>) src(%dma_wait3A_37 : memref<80x128xf32, #tpu.memory_space<hbm>>) dst(%arg9 : memref<80x128xf32, #tpu.memory_space<vmem>>)
      "tpu.region"() ({
        %run_scoped3A = tpu.sem_alloc : memref<!tpu.dma_semaphore, #tpu.memory_space<semaphore_mem>>
        %dma_start3A_39 = arith.constant 0 : i32
        %dma_start3A_40 = arith.constant 0 : i32
        %dma_start3A_41 = tpu.memref_slice %arg11[%dma_start3A_39, %dma_start3A_40] : memref<1152x128xf32, #tpu.memory_space<vmem_shared>> -> memref<1152x128xf32, #tpu.memory_space<vmem_shared>>
        tpu.enqueue_indirect_dma source(%arg9 : memref<80x128xf32, #tpu.memory_space<vmem>>) target(%dma_start3A_41 : memref<1152x128xf32, #tpu.memory_space<vmem_shared>>) offsets(%arg8 : memref<80xi32, #tpu.memory_space<vmem>>) semaphore(%run_scoped3A : memref<!tpu.dma_semaphore, #tpu.memory_space<semaphore_mem>>) {add = true}
        %dma_wait3A_42 = arith.constant 0 : i32
        %dma_wait3A_43 = arith.constant 0 : i32
        %dma_wait3A_44 = tpu.memref_slice %arg11[%dma_wait3A_42, %dma_wait3A_43] : memref<1152x128xf32, #tpu.memory_space<vmem_shared>> -> memref<1152x128xf32, #tpu.memory_space<vmem_shared>>
        tpu.wait_indirect_dma semaphore(%run_scoped3A : memref<!tpu.dma_semaphore, #tpu.memory_space<semaphore_mem>>) src(%arg9 : memref<80x128xf32, #tpu.memory_space<vmem>>) dst(%dma_wait3A_44 : memref<1152x128xf32, #tpu.memory_space<vmem_shared>>)
        tpu.yield
      }) : () -> ()
      "tpu.region"() ({
        %run_scoped3A = tpu.sem_alloc : memref<!tpu.dma_semaphore, #tpu.memory_space<semaphore_mem>>
        %dma_start3A_39 = arith.constant 0 : i32
        %dma_start3A_40 = arith.constant 0 : i32
        %dma_start3A_41 = tpu.memref_slice %arg12[%dma_start3A_39, %dma_start3A_40] : memref<1152x128xf32, #tpu.memory_space<vmem_shared>> -> memref<1152x128xf32, #tpu.memory_space<vmem_shared>>
        tpu.enqueue_indirect_dma source(%arg10 : memref<80x128xf32, #tpu.memory_space<vmem>>) target(%dma_start3A_41 : memref<1152x128xf32, #tpu.memory_space<vmem_shared>>) offsets(%arg8 : memref<80xi32, #tpu.memory_space<vmem>>) semaphore(%run_scoped3A : memref<!tpu.dma_semaphore, #tpu.memory_space<semaphore_mem>>) {add = true}
        %dma_wait3A_42 = arith.constant 0 : i32
        %dma_wait3A_43 = arith.constant 0 : i32
        %dma_wait3A_44 = tpu.memref_slice %arg12[%dma_wait3A_42, %dma_wait3A_43] : memref<1152x128xf32, #tpu.memory_space<vmem_shared>> -> memref<1152x128xf32, #tpu.memory_space<vmem_shared>>
        tpu.wait_indirect_dma semaphore(%run_scoped3A : memref<!tpu.dma_semaphore, #tpu.memory_space<semaphore_mem>>) src(%arg10 : memref<80x128xf32, #tpu.memory_space<vmem>>) dst(%dma_wait3A_44 : memref<1152x128xf32, #tpu.memory_space<vmem_shared>>)
        tpu.yield
      }) : () -> ()
      %while3A_38 = arith.constant 0 : i32
      scf.yield %while3A_38 : i32
    }
    %while3A_24 = arith.constant 1 : i32
    %while3A_25 = scf.for %while3A_27 = %while3A_21 to %while3A_17 step %while3A_24 iter_args(%while3A_28 = %while3A_23) -> (i32)  : i32 {
      %mul3A_29 = arith.constant 80 : i32
      %mul3A_30 = arith.muli %while3A_27, %mul3A_29 : i32
      %add3A_31 = arith.addi %select_n3A, %mul3A_30 : i32
      "tpu.region"() ({
        %run_scoped3A = tpu.sem_alloc : memref<!tpu.dma_semaphore, #tpu.memory_space<semaphore_mem>>
        %dma_start3A_39 = tpu.memref_slice %arg4[%add3A_31] : memref<50000xi32, #tpu.memory_space<hbm>> -> memref<80xi32, #tpu.memory_space<hbm>>
        %dma_start3A_40 = tpu.memref_slice %arg4[%add3A_31] : memref<50000xi32, #tpu.memory_space<hbm>> -> memref<80xi32, #tpu.memory_space<hbm>>
        tpu.enqueue_dma source(%dma_start3A_40 : memref<80xi32, #tpu.memory_space<hbm>>) target(%arg8 : memref<80xi32, #tpu.memory_space<vmem>>) target_semaphore(%run_scoped3A : memref<!tpu.dma_semaphore, #tpu.memory_space<semaphore_mem>>)
        %dma_wait3A_41 = tpu.memref_slice %arg4[%add3A_31] : memref<50000xi32, #tpu.memory_space<hbm>> -> memref<80xi32, #tpu.memory_space<hbm>>
        %dma_wait3A_42 = tpu.memref_slice %arg4[%add3A_31] : memref<50000xi32, #tpu.memory_space<hbm>> -> memref<80xi32, #tpu.memory_space<hbm>>
        tpu.wait_dma2 semaphore(%run_scoped3A : memref<!tpu.dma_semaphore, #tpu.memory_space<semaphore_mem>>) src(%dma_wait3A_42 : memref<80xi32, #tpu.memory_space<hbm>>) dst(%arg8 : memref<80xi32, #tpu.memory_space<vmem>>)
        tpu.yield
      }) : () -> ()
      %dma_start3A = arith.constant 0 : i32
      %dma_start3A_32 = tpu.memref_slice %arg2[%add3A_31, %dma_start3A] : memref<50000x128xf32, #tpu.memory_space<hbm>> -> memref<80x128xf32, #tpu.memory_space<hbm>>
      %dma_start3A_33 = arith.constant 0 : i32
      %dma_start3A_34 = tpu.memref_slice %arg2[%add3A_31, %dma_start3A_33] : memref<50000x128xf32, #tpu.memory_space<hbm>> -> memref<80x128xf32, #tpu.memory_space<hbm>>
      tpu.enqueue_dma source(%dma_start3A_34 : memref<80x128xf32, #tpu.memory_space<hbm>>) target(%arg9 : memref<80x128xf32, #tpu.memory_space<vmem>>) target_semaphore(%arg13 : memref<!tpu.dma_semaphore, #tpu.memory_space<semaphore_mem>>)
      "tpu.region"() ({
        %run_scoped3A = tpu.sem_alloc : memref<!tpu.dma_semaphore, #tpu.memory_space<semaphore_mem>>
        %dma_start3A_39 = arith.constant 0 : i32
        %dma_start3A_40 = tpu.memref_slice %arg3[%add3A_31, %dma_start3A_39] : memref<50000x128xf32, #tpu.memory_space<hbm>> -> memref<80x128xf32, #tpu.memory_space<hbm>>
        %dma_start3A_41 = arith.constant 0 : i32
        %dma_start3A_42 = tpu.memref_slice %arg3[%add3A_31, %dma_start3A_41] : memref<50000x128xf32, #tpu.memory_space<hbm>> -> memref<80x128xf32, #tpu.memory_space<hbm>>
        tpu.enqueue_dma source(%dma_start3A_42 : memref<80x128xf32, #tpu.memory_space<hbm>>) target(%arg10 : memref<80x128xf32, #tpu.memory_space<vmem>>) target_semaphore(%run_scoped3A : memref<!tpu.dma_semaphore, #tpu.memory_space<semaphore_mem>>)
        %dma_wait3A_43 = arith.constant 0 : i32
        %dma_wait3A_44 = tpu.memref_slice %arg3[%add3A_31, %dma_wait3A_43] : memref<50000x128xf32, #tpu.memory_space<hbm>> -> memref<80x128xf32, #tpu.memory_space<hbm>>
        %dma_wait3A_45 = arith.constant 0 : i32
        %dma_wait3A_46 = tpu.memref_slice %arg3[%add3A_31, %dma_wait3A_45] : memref<50000x128xf32, #tpu.memory_space<hbm>> -> memref<80x128xf32, #tpu.memory_space<hbm>>
        tpu.wait_dma2 semaphore(%run_scoped3A : memref<!tpu.dma_semaphore, #tpu.memory_space<semaphore_mem>>) src(%dma_wait3A_46 : memref<80x128xf32, #tpu.memory_space<hbm>>) dst(%arg10 : memref<80x128xf32, #tpu.memory_space<vmem>>)
        tpu.yield
      }) : () -> ()
      %dma_wait3A = arith.constant 0 : i32
      %dma_wait3A_35 = tpu.memref_slice %arg2[%add3A_31, %dma_wait3A] : memref<50000x128xf32, #tpu.memory_space<hbm>> -> memref<80x128xf32, #tpu.memory_space<hbm>>
      %dma_wait3A_36 = arith.constant 0 : i32
      %dma_wait3A_37 = tpu.memref_slice %arg2[%add3A_31, %dma_wait3A_36] : memref<50000x128xf32, #tpu.memory_space<hbm>> -> memref<80x128xf32, #tpu.memory_space<hbm>>
      tpu.wait_dma2 semaphore(%arg13 : memref<!tpu.dma_semaphore, #tpu.memory_space<semaphore_mem>>) src(%dma_wait3A_37 : memref<80x128xf32, #tpu.memory_space<hbm>>) dst(%arg9 : memref<80x128xf32, #tpu.memory_space<vmem>>)
      "tpu.region"() ({
        %run_scoped3A = tpu.sem_alloc : memref<!tpu.dma_semaphore, #tpu.memory_space<semaphore_mem>>
        %dma_start3A_39 = arith.constant 0 : i32
        %dma_start3A_40 = arith.constant 0 : i32
        %dma_start3A_41 = tpu.memref_slice %arg11[%dma_start3A_39, %dma_start3A_40] : memref<1152x128xf32, #tpu.memory_space<vmem_shared>> -> memref<1152x128xf32, #tpu.memory_space<vmem_shared>>
        tpu.enqueue_indirect_dma source(%arg9 : memref<80x128xf32, #tpu.memory_space<vmem>>) target(%dma_start3A_41 : memref<1152x128xf32, #tpu.memory_space<vmem_shared>>) offsets(%arg8 : memref<80xi32, #tpu.memory_space<vmem>>) semaphore(%run_scoped3A : memref<!tpu.dma_semaphore, #tpu.memory_space<semaphore_mem>>) {add = true}
        %dma_wait3A_42 = arith.constant 0 : i32
        %dma_wait3A_43 = arith.constant 0 : i32
        %dma_wait3A_44 = tpu.memref_slice %arg11[%dma_wait3A_42, %dma_wait3A_43] : memref<1152x128xf32, #tpu.memory_space<vmem_shared>> -> memref<1152x128xf32, #tpu.memory_space<vmem_shared>>
        tpu.wait_indirect_dma semaphore(%run_scoped3A : memref<!tpu.dma_semaphore, #tpu.memory_space<semaphore_mem>>) src(%arg9 : memref<80x128xf32, #tpu.memory_space<vmem>>) dst(%dma_wait3A_44 : memref<1152x128xf32, #tpu.memory_space<vmem_shared>>)
        tpu.yield
      }) : () -> ()
      "tpu.region"() ({
        %run_scoped3A = tpu.sem_alloc : memref<!tpu.dma_semaphore, #tpu.memory_space<semaphore_mem>>
        %dma_start3A_39 = arith.constant 0 : i32
        %dma_start3A_40 = arith.constant 0 : i32
        %dma_start3A_41 = tpu.memref_slice %arg12[%dma_start3A_39, %dma_start3A_40] : memref<1152x128xf32, #tpu.memory_space<vmem_shared>> -> memref<1152x128xf32, #tpu.memory_space<vmem_shared>>
        tpu.enqueue_indirect_dma source(%arg10 : memref<80x128xf32, #tpu.memory_space<vmem>>) target(%dma_start3A_41 : memref<1152x128xf32, #tpu.memory_space<vmem_shared>>) offsets(%arg8 : memref<80xi32, #tpu.memory_space<vmem>>) semaphore(%run_scoped3A : memref<!tpu.dma_semaphore, #tpu.memory_space<semaphore_mem>>) {add = true}
        %dma_wait3A_42 = arith.constant 0 : i32
        %dma_wait3A_43 = arith.constant 0 : i32
        %dma_wait3A_44 = tpu.memref_slice %arg12[%dma_wait3A_42, %dma_wait3A_43] : memref<1152x128xf32, #tpu.memory_space<vmem_shared>> -> memref<1152x128xf32, #tpu.memory_space<vmem_shared>>
        tpu.wait_indirect_dma semaphore(%run_scoped3A : memref<!tpu.dma_semaphore, #tpu.memory_space<semaphore_mem>>) src(%arg10 : memref<80x128xf32, #tpu.memory_space<vmem>>) dst(%dma_wait3A_44 : memref<1152x128xf32, #tpu.memory_space<vmem_shared>>)
        tpu.yield
      }) : () -> ()
      %while3A_38 = arith.constant 0 : i32
      scf.yield %while3A_38 : i32
    }
    %barrier3A_26 = arith.constant 0 : index
    tpu.barrier barrier_id(%barrier3A_26)
    "tpu.region"() ({
      %run_scoped3A = tpu.sem_alloc : memref<!tpu.dma_semaphore, #tpu.memory_space<semaphore_mem>>
      %dma_start3A = arith.constant 0 : i32
      %dma_start3A_27 = tpu.memref_slice %arg6[%arg0, %mul3A_14, %dma_start3A] : memref<2x1152x128xf32, #tpu.memory_space<hbm>> -> memref<1x72x128xf32, #tpu.memory_space<hbm>>
      %dma_start3A_28 = tpu.memref_squeeze %dma_start3A_27 : memref<1x72x128xf32, #tpu.memory_space<hbm>> -> memref<72x128xf32, #tpu.memory_space<hbm>>
      %dma_start3A_29 = arith.constant 0 : i32
      %dma_start3A_30 = tpu.memref_slice %arg11[%mul3A_14, %dma_start3A_29] : memref<1152x128xf32, #tpu.memory_space<vmem_shared>> -> memref<72x128xf32, #tpu.memory_space<vmem_shared>>
      tpu.enqueue_dma source(%dma_start3A_30 : memref<72x128xf32, #tpu.memory_space<vmem_shared>>) target(%dma_start3A_28 : memref<72x128xf32, #tpu.memory_space<hbm>>) target_semaphore(%run_scoped3A : memref<!tpu.dma_semaphore, #tpu.memory_space<semaphore_mem>>)
      %dma_wait3A = arith.constant 0 : i32
      %dma_wait3A_31 = tpu.memref_slice %arg6[%arg0, %mul3A_14, %dma_wait3A] : memref<2x1152x128xf32, #tpu.memory_space<hbm>> -> memref<1x72x128xf32, #tpu.memory_space<hbm>>
      %dma_wait3A_32 = tpu.memref_squeeze %dma_wait3A_31 : memref<1x72x128xf32, #tpu.memory_space<hbm>> -> memref<72x128xf32, #tpu.memory_space<hbm>>
      %dma_wait3A_33 = arith.constant 0 : i32
      %dma_wait3A_34 = tpu.memref_slice %arg11[%mul3A_14, %dma_wait3A_33] : memref<1152x128xf32, #tpu.memory_space<vmem_shared>> -> memref<72x128xf32, #tpu.memory_space<vmem_shared>>
      tpu.wait_dma2 semaphore(%run_scoped3A : memref<!tpu.dma_semaphore, #tpu.memory_space<semaphore_mem>>) src(%dma_wait3A_34 : memref<72x128xf32, #tpu.memory_space<vmem_shared>>) dst(%dma_wait3A_32 : memref<72x128xf32, #tpu.memory_space<hbm>>)
      tpu.yield
    }) : () -> ()
    "tpu.region"() ({
      %run_scoped3A = tpu.sem_alloc : memref<!tpu.dma_semaphore, #tpu.memory_space<semaphore_mem>>
      %dma_start3A = arith.constant 0 : i32
      %dma_start3A_27 = tpu.memref_slice %arg7[%arg0, %mul3A_14, %dma_start3A] : memref<2x1152x128xf32, #tpu.memory_space<hbm>> -> memref<1x72x128xf32, #tpu.memory_space<hbm>>
      %dma_start3A_28 = tpu.memref_squeeze %dma_start3A_27 : memref<1x72x128xf32, #tpu.memory_space<hbm>> -> memref<72x128xf32, #tpu.memory_space<hbm>>
      %dma_start3A_29 = arith.constant 0 : i32
      %dma_start3A_30 = tpu.memref_slice %arg12[%mul3A_14, %dma_start3A_29] : memref<1152x128xf32, #tpu.memory_space<vmem_shared>> -> memref<72x128xf32, #tpu.memory_space<vmem_shared>>
      tpu.enqueue_dma source(%dma_start3A_30 : memref<72x128xf32, #tpu.memory_space<vmem_shared>>) target(%dma_start3A_28 : memref<72x128xf32, #tpu.memory_space<hbm>>) target_semaphore(%run_scoped3A : memref<!tpu.dma_semaphore, #tpu.memory_space<semaphore_mem>>)
      %dma_wait3A = arith.constant 0 : i32
      %dma_wait3A_31 = tpu.memref_slice %arg7[%arg0, %mul3A_14, %dma_wait3A] : memref<2x1152x128xf32, #tpu.memory_space<hbm>> -> memref<1x72x128xf32, #tpu.memory_space<hbm>>
      %dma_wait3A_32 = tpu.memref_squeeze %dma_wait3A_31 : memref<1x72x128xf32, #tpu.memory_space<hbm>> -> memref<72x128xf32, #tpu.memory_space<hbm>>
      %dma_wait3A_33 = arith.constant 0 : i32
      %dma_wait3A_34 = tpu.memref_slice %arg12[%mul3A_14, %dma_wait3A_33] : memref<1152x128xf32, #tpu.memory_space<vmem_shared>> -> memref<72x128xf32, #tpu.memory_space<vmem_shared>>
      tpu.wait_dma2 semaphore(%run_scoped3A : memref<!tpu.dma_semaphore, #tpu.memory_space<semaphore_mem>>) src(%dma_wait3A_34 : memref<72x128xf32, #tpu.memory_space<vmem_shared>>) dst(%dma_wait3A_32 : memref<72x128xf32, #tpu.memory_space<hbm>>)
      tpu.yield
    }) : () -> ()
    return
  }
}

#map = affine_map<(d0, d1) -> (0, 0)>
#map1 = affine_map<(d0, d1) -> (0)>
module attributes {stable_mosaic.version = 14 : i64} {
  func.func @_sc_gather_body(%arg0: i32, %arg1: i32, %arg2: memref<1024x128xf32, #tpu.memory_space<hbm>>, %arg3: memref<50000xi32, #tpu.memory_space<hbm>>, %arg4: memref<50000x128xf32, #tpu.memory_space<hbm>>, %arg5: memref<80xi32, #tpu.memory_space<vmem>>, %arg6: memref<80x128xf32, #tpu.memory_space<vmem>>, %arg7: memref<!tpu.dma_semaphore, #tpu.memory_space<semaphore_mem>>) attributes {dimension_semantics = [#tpu.dimension_semantics<core_parallel>, #tpu.dimension_semantics<subcore_parallel>], iteration_bounds = array<i64: 2, 16>, scalar_prefetch = 0 : i64, scratch_operands = 3 : i64, tpu.core_type = #tpu.core_type<sc_vector_subcore>, window_params = [{transform_indices = #map}, {transform_indices = #map1}, {transform_indices = #map}]} {
    %mul3A = arith.constant 2 : i32
    %mul3A_0 = arith.muli %arg1, %mul3A : i32
    %add3A = arith.addi %mul3A_0, %arg0 : i32
    %lt3A = arith.constant 17 : i32
    %lt3A_1 = arith.cmpi slt, %add3A, %lt3A : i32
    %mul3A_2 = arith.constant 1600 : i32
    %mul3A_3 = arith.muli %add3A, %mul3A_2 : i32
    %sub3A = arith.constant 17 : i32
    %sub3A_4 = arith.subi %add3A, %sub3A : i32
    %mul3A_5 = arith.constant 1520 : i32
    %mul3A_6 = arith.muli %sub3A_4, %mul3A_5 : i32
    %add3A_7 = arith.constant 27200 : i32
    %add3A_8 = arith.addi %add3A_7, %mul3A_6 : i32
    %select_n3A = arith.select %lt3A_1, %mul3A_3, %add3A_8 : i32
    %lt3A_9 = arith.constant 17 : i32
    %lt3A_10 = arith.cmpi slt, %add3A, %lt3A_9 : i32
    %jit3A = arith.constant 20 : i32
    %jit3A_11 = arith.constant 19 : i32
    %select_n3A_12 = arith.select %lt3A_10, %jit3A, %jit3A_11 : i32
    %while3A = arith.constant 0 : i32
    %while3A_13 = arith.constant 0 : i32
    %while3A_14 = arith.subi %select_n3A_12, %while3A : i32
    %while3A_15 = arith.addi %while3A, %while3A_14 : i32
    %while3A_16 = arith.constant 1 : i32
    %while3A_17 = arith.divsi %while3A_14, %while3A_16 : i32
    %while3A_18 = arith.muli %while3A_17, %while3A_16 : i32
    %while3A_19 = arith.addi %while3A, %while3A_18 : i32
    %while3A_20 = arith.constant 1 : i32
    %while3A_21 = scf.for %while3A_24 = %while3A to %while3A_19 step %while3A_20 iter_args(%while3A_25 = %while3A_13) -> (i32)  : i32 {
      %mul3A_26 = arith.constant 80 : i32
      %mul3A_27 = arith.muli %while3A_24, %mul3A_26 : i32
      %add3A_28 = arith.addi %select_n3A, %mul3A_27 : i32
      "tpu.region"() ({
        %run_scoped3A = tpu.sem_alloc : memref<!tpu.dma_semaphore, #tpu.memory_space<semaphore_mem>>
        %dma_start3A_34 = tpu.memref_slice %arg3[%add3A_28] : memref<50000xi32, #tpu.memory_space<hbm>> -> memref<80xi32, #tpu.memory_space<hbm>>
        %dma_start3A_35 = tpu.memref_slice %arg3[%add3A_28] : memref<50000xi32, #tpu.memory_space<hbm>> -> memref<80xi32, #tpu.memory_space<hbm>>
        tpu.enqueue_dma source(%dma_start3A_35 : memref<80xi32, #tpu.memory_space<hbm>>) target(%arg5 : memref<80xi32, #tpu.memory_space<vmem>>) target_semaphore(%run_scoped3A : memref<!tpu.dma_semaphore, #tpu.memory_space<semaphore_mem>>)
        %dma_wait3A_36 = tpu.memref_slice %arg3[%add3A_28] : memref<50000xi32, #tpu.memory_space<hbm>> -> memref<80xi32, #tpu.memory_space<hbm>>
        %dma_wait3A_37 = tpu.memref_slice %arg3[%add3A_28] : memref<50000xi32, #tpu.memory_space<hbm>> -> memref<80xi32, #tpu.memory_space<hbm>>
        tpu.wait_dma2 semaphore(%run_scoped3A : memref<!tpu.dma_semaphore, #tpu.memory_space<semaphore_mem>>) src(%dma_wait3A_37 : memref<80xi32, #tpu.memory_space<hbm>>) dst(%arg5 : memref<80xi32, #tpu.memory_space<vmem>>)
        tpu.yield
      }) : () -> ()
      %dma_start3A = arith.constant 0 : i32
      %dma_start3A_29 = arith.constant 0 : i32
      %dma_start3A_30 = tpu.memref_slice %arg2[%dma_start3A, %dma_start3A_29] : memref<1024x128xf32, #tpu.memory_space<hbm>> -> memref<1024x128xf32, #tpu.memory_space<hbm>>
      tpu.enqueue_indirect_dma source(%dma_start3A_30 : memref<1024x128xf32, #tpu.memory_space<hbm>>) target(%arg6 : memref<80x128xf32, #tpu.memory_space<vmem>>) offsets(%arg5 : memref<80xi32, #tpu.memory_space<vmem>>) semaphore(%arg7 : memref<!tpu.dma_semaphore, #tpu.memory_space<semaphore_mem>>)
      %dma_wait3A = arith.constant 0 : i32
      %dma_wait3A_31 = arith.constant 0 : i32
      %dma_wait3A_32 = tpu.memref_slice %arg2[%dma_wait3A, %dma_wait3A_31] : memref<1024x128xf32, #tpu.memory_space<hbm>> -> memref<1024x128xf32, #tpu.memory_space<hbm>>
      tpu.wait_indirect_dma semaphore(%arg7 : memref<!tpu.dma_semaphore, #tpu.memory_space<semaphore_mem>>) src(%dma_wait3A_32 : memref<1024x128xf32, #tpu.memory_space<hbm>>) dst(%arg6 : memref<80x128xf32, #tpu.memory_space<vmem>>)
      "tpu.region"() ({
        %run_scoped3A = tpu.sem_alloc : memref<!tpu.dma_semaphore, #tpu.memory_space<semaphore_mem>>
        %dma_start3A_34 = arith.constant 0 : i32
        %dma_start3A_35 = tpu.memref_slice %arg4[%add3A_28, %dma_start3A_34] : memref<50000x128xf32, #tpu.memory_space<hbm>> -> memref<80x128xf32, #tpu.memory_space<hbm>>
        %dma_start3A_36 = arith.constant 0 : i32
        %dma_start3A_37 = tpu.memref_slice %arg4[%add3A_28, %dma_start3A_36] : memref<50000x128xf32, #tpu.memory_space<hbm>> -> memref<80x128xf32, #tpu.memory_space<hbm>>
        tpu.enqueue_dma source(%arg6 : memref<80x128xf32, #tpu.memory_space<vmem>>) target(%dma_start3A_37 : memref<80x128xf32, #tpu.memory_space<hbm>>) target_semaphore(%run_scoped3A : memref<!tpu.dma_semaphore, #tpu.memory_space<semaphore_mem>>)
        %dma_wait3A_38 = arith.constant 0 : i32
        %dma_wait3A_39 = tpu.memref_slice %arg4[%add3A_28, %dma_wait3A_38] : memref<50000x128xf32, #tpu.memory_space<hbm>> -> memref<80x128xf32, #tpu.memory_space<hbm>>
        %dma_wait3A_40 = arith.constant 0 : i32
        %dma_wait3A_41 = tpu.memref_slice %arg4[%add3A_28, %dma_wait3A_40] : memref<50000x128xf32, #tpu.memory_space<hbm>> -> memref<80x128xf32, #tpu.memory_space<hbm>>
        tpu.wait_dma2 semaphore(%run_scoped3A : memref<!tpu.dma_semaphore, #tpu.memory_space<semaphore_mem>>) src(%arg6 : memref<80x128xf32, #tpu.memory_space<vmem>>) dst(%dma_wait3A_41 : memref<80x128xf32, #tpu.memory_space<hbm>>)
        tpu.yield
      }) : () -> ()
      %while3A_33 = arith.constant 0 : i32
      scf.yield %while3A_33 : i32
    }
    %while3A_22 = arith.constant 1 : i32
    %while3A_23 = scf.for %while3A_24 = %while3A_19 to %while3A_15 step %while3A_22 iter_args(%while3A_25 = %while3A_21) -> (i32)  : i32 {
      %mul3A_26 = arith.constant 80 : i32
      %mul3A_27 = arith.muli %while3A_24, %mul3A_26 : i32
      %add3A_28 = arith.addi %select_n3A, %mul3A_27 : i32
      "tpu.region"() ({
        %run_scoped3A = tpu.sem_alloc : memref<!tpu.dma_semaphore, #tpu.memory_space<semaphore_mem>>
        %dma_start3A_34 = tpu.memref_slice %arg3[%add3A_28] : memref<50000xi32, #tpu.memory_space<hbm>> -> memref<80xi32, #tpu.memory_space<hbm>>
        %dma_start3A_35 = tpu.memref_slice %arg3[%add3A_28] : memref<50000xi32, #tpu.memory_space<hbm>> -> memref<80xi32, #tpu.memory_space<hbm>>
        tpu.enqueue_dma source(%dma_start3A_35 : memref<80xi32, #tpu.memory_space<hbm>>) target(%arg5 : memref<80xi32, #tpu.memory_space<vmem>>) target_semaphore(%run_scoped3A : memref<!tpu.dma_semaphore, #tpu.memory_space<semaphore_mem>>)
        %dma_wait3A_36 = tpu.memref_slice %arg3[%add3A_28] : memref<50000xi32, #tpu.memory_space<hbm>> -> memref<80xi32, #tpu.memory_space<hbm>>
        %dma_wait3A_37 = tpu.memref_slice %arg3[%add3A_28] : memref<50000xi32, #tpu.memory_space<hbm>> -> memref<80xi32, #tpu.memory_space<hbm>>
        tpu.wait_dma2 semaphore(%run_scoped3A : memref<!tpu.dma_semaphore, #tpu.memory_space<semaphore_mem>>) src(%dma_wait3A_37 : memref<80xi32, #tpu.memory_space<hbm>>) dst(%arg5 : memref<80xi32, #tpu.memory_space<vmem>>)
        tpu.yield
      }) : () -> ()
      %dma_start3A = arith.constant 0 : i32
      %dma_start3A_29 = arith.constant 0 : i32
      %dma_start3A_30 = tpu.memref_slice %arg2[%dma_start3A, %dma_start3A_29] : memref<1024x128xf32, #tpu.memory_space<hbm>> -> memref<1024x128xf32, #tpu.memory_space<hbm>>
      tpu.enqueue_indirect_dma source(%dma_start3A_30 : memref<1024x128xf32, #tpu.memory_space<hbm>>) target(%arg6 : memref<80x128xf32, #tpu.memory_space<vmem>>) offsets(%arg5 : memref<80xi32, #tpu.memory_space<vmem>>) semaphore(%arg7 : memref<!tpu.dma_semaphore, #tpu.memory_space<semaphore_mem>>)
      %dma_wait3A = arith.constant 0 : i32
      %dma_wait3A_31 = arith.constant 0 : i32
      %dma_wait3A_32 = tpu.memref_slice %arg2[%dma_wait3A, %dma_wait3A_31] : memref<1024x128xf32, #tpu.memory_space<hbm>> -> memref<1024x128xf32, #tpu.memory_space<hbm>>
      tpu.wait_indirect_dma semaphore(%arg7 : memref<!tpu.dma_semaphore, #tpu.memory_space<semaphore_mem>>) src(%dma_wait3A_32 : memref<1024x128xf32, #tpu.memory_space<hbm>>) dst(%arg6 : memref<80x128xf32, #tpu.memory_space<vmem>>)
      "tpu.region"() ({
        %run_scoped3A = tpu.sem_alloc : memref<!tpu.dma_semaphore, #tpu.memory_space<semaphore_mem>>
        %dma_start3A_34 = arith.constant 0 : i32
        %dma_start3A_35 = tpu.memref_slice %arg4[%add3A_28, %dma_start3A_34] : memref<50000x128xf32, #tpu.memory_space<hbm>> -> memref<80x128xf32, #tpu.memory_space<hbm>>
        %dma_start3A_36 = arith.constant 0 : i32
        %dma_start3A_37 = tpu.memref_slice %arg4[%add3A_28, %dma_start3A_36] : memref<50000x128xf32, #tpu.memory_space<hbm>> -> memref<80x128xf32, #tpu.memory_space<hbm>>
        tpu.enqueue_dma source(%arg6 : memref<80x128xf32, #tpu.memory_space<vmem>>) target(%dma_start3A_37 : memref<80x128xf32, #tpu.memory_space<hbm>>) target_semaphore(%run_scoped3A : memref<!tpu.dma_semaphore, #tpu.memory_space<semaphore_mem>>)
        %dma_wait3A_38 = arith.constant 0 : i32
        %dma_wait3A_39 = tpu.memref_slice %arg4[%add3A_28, %dma_wait3A_38] : memref<50000x128xf32, #tpu.memory_space<hbm>> -> memref<80x128xf32, #tpu.memory_space<hbm>>
        %dma_wait3A_40 = arith.constant 0 : i32
        %dma_wait3A_41 = tpu.memref_slice %arg4[%add3A_28, %dma_wait3A_40] : memref<50000x128xf32, #tpu.memory_space<hbm>> -> memref<80x128xf32, #tpu.memory_space<hbm>>
        tpu.wait_dma2 semaphore(%run_scoped3A : memref<!tpu.dma_semaphore, #tpu.memory_space<semaphore_mem>>) src(%arg6 : memref<80x128xf32, #tpu.memory_space<vmem>>) dst(%dma_wait3A_41 : memref<80x128xf32, #tpu.memory_space<hbm>>)
        tpu.yield
      }) : () -> ()
      %while3A_33 = arith.constant 0 : i32
      scf.yield %while3A_33 : i32
    }
    return
  }
}

#map = affine_map<(d0, d1) -> (0, 0)>
#map1 = affine_map<(d0, d1) -> (0)>
#map2 = affine_map<(d0, d1) -> (0, 0, 0)>
module attributes {stable_mosaic.version = 14 : i64} {
  func.func @_sc_segsum_body(%arg0: i32, %arg1: i32, %arg2: memref<50000x128xf32, #tpu.memory_space<hbm>>, %arg3: memref<50000xi32, #tpu.memory_space<hbm>>, %arg4: memref<1152x128xf32, #tpu.memory_space<hbm>>, %arg5: memref<2x1152x128xf32, #tpu.memory_space<hbm>>, %arg6: memref<80xi32, #tpu.memory_space<vmem>>, %arg7: memref<80x128xf32, #tpu.memory_space<vmem>>, %arg8: memref<1152x128xf32, #tpu.memory_space<vmem_shared>>, %arg9: memref<!tpu.dma_semaphore, #tpu.memory_space<semaphore_mem>>) attributes {dimension_semantics = [#tpu.dimension_semantics<core_parallel>, #tpu.dimension_semantics<subcore_parallel>], iteration_bounds = array<i64: 2, 16>, scalar_prefetch = 0 : i64, scratch_operands = 4 : i64, tpu.core_type = #tpu.core_type<sc_vector_subcore>, window_params = [{transform_indices = #map}, {transform_indices = #map1}, {transform_indices = #map}, {transform_indices = #map2}]} {
    %mul3A = arith.constant 2 : i32
    %mul3A_0 = arith.muli %arg1, %mul3A : i32
    %add3A = arith.addi %mul3A_0, %arg0 : i32
    %lt3A = arith.constant 17 : i32
    %lt3A_1 = arith.cmpi slt, %add3A, %lt3A : i32
    %mul3A_2 = arith.constant 1600 : i32
    %mul3A_3 = arith.muli %add3A, %mul3A_2 : i32
    %sub3A = arith.constant 17 : i32
    %sub3A_4 = arith.subi %add3A, %sub3A : i32
    %mul3A_5 = arith.constant 1520 : i32
    %mul3A_6 = arith.muli %sub3A_4, %mul3A_5 : i32
    %add3A_7 = arith.constant 27200 : i32
    %add3A_8 = arith.addi %add3A_7, %mul3A_6 : i32
    %select_n3A = arith.select %lt3A_1, %mul3A_3, %add3A_8 : i32
    %lt3A_9 = arith.constant 17 : i32
    %lt3A_10 = arith.cmpi slt, %add3A, %lt3A_9 : i32
    %jit3A = arith.constant 20 : i32
    %jit3A_11 = arith.constant 19 : i32
    %select_n3A_12 = arith.select %lt3A_10, %jit3A, %jit3A_11 : i32
    %mul3A_13 = arith.constant 72 : i32
    %mul3A_14 = arith.muli %arg1, %mul3A_13 : i32
    "tpu.region"() ({
      %run_scoped3A = tpu.sem_alloc : memref<!tpu.dma_semaphore, #tpu.memory_space<semaphore_mem>>
      %dma_start3A = arith.constant 0 : i32
      %dma_start3A_27 = tpu.memref_slice %arg8[%mul3A_14, %dma_start3A] : memref<1152x128xf32, #tpu.memory_space<vmem_shared>> -> memref<72x128xf32, #tpu.memory_space<vmem_shared>>
      %dma_start3A_28 = arith.constant 0 : i32
      %dma_start3A_29 = tpu.memref_slice %arg4[%mul3A_14, %dma_start3A_28] : memref<1152x128xf32, #tpu.memory_space<hbm>> -> memref<72x128xf32, #tpu.memory_space<hbm>>
      tpu.enqueue_dma source(%dma_start3A_29 : memref<72x128xf32, #tpu.memory_space<hbm>>) target(%dma_start3A_27 : memref<72x128xf32, #tpu.memory_space<vmem_shared>>) target_semaphore(%run_scoped3A : memref<!tpu.dma_semaphore, #tpu.memory_space<semaphore_mem>>)
      %dma_wait3A = arith.constant 0 : i32
      %dma_wait3A_30 = tpu.memref_slice %arg8[%mul3A_14, %dma_wait3A] : memref<1152x128xf32, #tpu.memory_space<vmem_shared>> -> memref<72x128xf32, #tpu.memory_space<vmem_shared>>
      %dma_wait3A_31 = arith.constant 0 : i32
      %dma_wait3A_32 = tpu.memref_slice %arg4[%mul3A_14, %dma_wait3A_31] : memref<1152x128xf32, #tpu.memory_space<hbm>> -> memref<72x128xf32, #tpu.memory_space<hbm>>
      tpu.wait_dma2 semaphore(%run_scoped3A : memref<!tpu.dma_semaphore, #tpu.memory_space<semaphore_mem>>) src(%dma_wait3A_32 : memref<72x128xf32, #tpu.memory_space<hbm>>) dst(%dma_wait3A_30 : memref<72x128xf32, #tpu.memory_space<vmem_shared>>)
      tpu.yield
    }) : () -> ()
    %barrier3A = arith.constant 0 : index
    tpu.barrier barrier_id(%barrier3A)
    %while3A = arith.constant 0 : i32
    %while3A_15 = arith.constant 0 : i32
    %while3A_16 = arith.subi %select_n3A_12, %while3A : i32
    %while3A_17 = arith.addi %while3A, %while3A_16 : i32
    %while3A_18 = arith.constant 1 : i32
    %while3A_19 = arith.divsi %while3A_16, %while3A_18 : i32
    %while3A_20 = arith.muli %while3A_19, %while3A_18 : i32
    %while3A_21 = arith.addi %while3A, %while3A_20 : i32
    %while3A_22 = arith.constant 1 : i32
    %while3A_23 = scf.for %while3A_27 = %while3A to %while3A_21 step %while3A_22 iter_args(%while3A_28 = %while3A_15) -> (i32)  : i32 {
      %mul3A_29 = arith.constant 80 : i32
      %mul3A_30 = arith.muli %while3A_27, %mul3A_29 : i32
      %add3A_31 = arith.addi %select_n3A, %mul3A_30 : i32
      "tpu.region"() ({
        %run_scoped3A = tpu.sem_alloc : memref<!tpu.dma_semaphore, #tpu.memory_space<semaphore_mem>>
        %dma_start3A_39 = tpu.memref_slice %arg3[%add3A_31] : memref<50000xi32, #tpu.memory_space<hbm>> -> memref<80xi32, #tpu.memory_space<hbm>>
        %dma_start3A_40 = tpu.memref_slice %arg3[%add3A_31] : memref<50000xi32, #tpu.memory_space<hbm>> -> memref<80xi32, #tpu.memory_space<hbm>>
        tpu.enqueue_dma source(%dma_start3A_40 : memref<80xi32, #tpu.memory_space<hbm>>) target(%arg6 : memref<80xi32, #tpu.memory_space<vmem>>) target_semaphore(%run_scoped3A : memref<!tpu.dma_semaphore, #tpu.memory_space<semaphore_mem>>)
        %dma_wait3A_41 = tpu.memref_slice %arg3[%add3A_31] : memref<50000xi32, #tpu.memory_space<hbm>> -> memref<80xi32, #tpu.memory_space<hbm>>
        %dma_wait3A_42 = tpu.memref_slice %arg3[%add3A_31] : memref<50000xi32, #tpu.memory_space<hbm>> -> memref<80xi32, #tpu.memory_space<hbm>>
        tpu.wait_dma2 semaphore(%run_scoped3A : memref<!tpu.dma_semaphore, #tpu.memory_space<semaphore_mem>>) src(%dma_wait3A_42 : memref<80xi32, #tpu.memory_space<hbm>>) dst(%arg6 : memref<80xi32, #tpu.memory_space<vmem>>)
        tpu.yield
      }) : () -> ()
      %dma_start3A = arith.constant 0 : i32
      %dma_start3A_32 = tpu.memref_slice %arg2[%add3A_31, %dma_start3A] : memref<50000x128xf32, #tpu.memory_space<hbm>> -> memref<80x128xf32, #tpu.memory_space<hbm>>
      %dma_start3A_33 = arith.constant 0 : i32
      %dma_start3A_34 = tpu.memref_slice %arg2[%add3A_31, %dma_start3A_33] : memref<50000x128xf32, #tpu.memory_space<hbm>> -> memref<80x128xf32, #tpu.memory_space<hbm>>
      tpu.enqueue_dma source(%dma_start3A_34 : memref<80x128xf32, #tpu.memory_space<hbm>>) target(%arg7 : memref<80x128xf32, #tpu.memory_space<vmem>>) target_semaphore(%arg9 : memref<!tpu.dma_semaphore, #tpu.memory_space<semaphore_mem>>)
      %dma_wait3A = arith.constant 0 : i32
      %dma_wait3A_35 = tpu.memref_slice %arg2[%add3A_31, %dma_wait3A] : memref<50000x128xf32, #tpu.memory_space<hbm>> -> memref<80x128xf32, #tpu.memory_space<hbm>>
      %dma_wait3A_36 = arith.constant 0 : i32
      %dma_wait3A_37 = tpu.memref_slice %arg2[%add3A_31, %dma_wait3A_36] : memref<50000x128xf32, #tpu.memory_space<hbm>> -> memref<80x128xf32, #tpu.memory_space<hbm>>
      tpu.wait_dma2 semaphore(%arg9 : memref<!tpu.dma_semaphore, #tpu.memory_space<semaphore_mem>>) src(%dma_wait3A_37 : memref<80x128xf32, #tpu.memory_space<hbm>>) dst(%arg7 : memref<80x128xf32, #tpu.memory_space<vmem>>)
      "tpu.region"() ({
        %run_scoped3A = tpu.sem_alloc : memref<!tpu.dma_semaphore, #tpu.memory_space<semaphore_mem>>
        %dma_start3A_39 = arith.constant 0 : i32
        %dma_start3A_40 = arith.constant 0 : i32
        %dma_start3A_41 = tpu.memref_slice %arg8[%dma_start3A_39, %dma_start3A_40] : memref<1152x128xf32, #tpu.memory_space<vmem_shared>> -> memref<1152x128xf32, #tpu.memory_space<vmem_shared>>
        tpu.enqueue_indirect_dma source(%arg7 : memref<80x128xf32, #tpu.memory_space<vmem>>) target(%dma_start3A_41 : memref<1152x128xf32, #tpu.memory_space<vmem_shared>>) offsets(%arg6 : memref<80xi32, #tpu.memory_space<vmem>>) semaphore(%run_scoped3A : memref<!tpu.dma_semaphore, #tpu.memory_space<semaphore_mem>>) {add = true}
        %dma_wait3A_42 = arith.constant 0 : i32
        %dma_wait3A_43 = arith.constant 0 : i32
        %dma_wait3A_44 = tpu.memref_slice %arg8[%dma_wait3A_42, %dma_wait3A_43] : memref<1152x128xf32, #tpu.memory_space<vmem_shared>> -> memref<1152x128xf32, #tpu.memory_space<vmem_shared>>
        tpu.wait_indirect_dma semaphore(%run_scoped3A : memref<!tpu.dma_semaphore, #tpu.memory_space<semaphore_mem>>) src(%arg7 : memref<80x128xf32, #tpu.memory_space<vmem>>) dst(%dma_wait3A_44 : memref<1152x128xf32, #tpu.memory_space<vmem_shared>>)
        tpu.yield
      }) : () -> ()
      %while3A_38 = arith.constant 0 : i32
      scf.yield %while3A_38 : i32
    }
    %while3A_24 = arith.constant 1 : i32
    %while3A_25 = scf.for %while3A_27 = %while3A_21 to %while3A_17 step %while3A_24 iter_args(%while3A_28 = %while3A_23) -> (i32)  : i32 {
      %mul3A_29 = arith.constant 80 : i32
      %mul3A_30 = arith.muli %while3A_27, %mul3A_29 : i32
      %add3A_31 = arith.addi %select_n3A, %mul3A_30 : i32
      "tpu.region"() ({
        %run_scoped3A = tpu.sem_alloc : memref<!tpu.dma_semaphore, #tpu.memory_space<semaphore_mem>>
        %dma_start3A_39 = tpu.memref_slice %arg3[%add3A_31] : memref<50000xi32, #tpu.memory_space<hbm>> -> memref<80xi32, #tpu.memory_space<hbm>>
        %dma_start3A_40 = tpu.memref_slice %arg3[%add3A_31] : memref<50000xi32, #tpu.memory_space<hbm>> -> memref<80xi32, #tpu.memory_space<hbm>>
        tpu.enqueue_dma source(%dma_start3A_40 : memref<80xi32, #tpu.memory_space<hbm>>) target(%arg6 : memref<80xi32, #tpu.memory_space<vmem>>) target_semaphore(%run_scoped3A : memref<!tpu.dma_semaphore, #tpu.memory_space<semaphore_mem>>)
        %dma_wait3A_41 = tpu.memref_slice %arg3[%add3A_31] : memref<50000xi32, #tpu.memory_space<hbm>> -> memref<80xi32, #tpu.memory_space<hbm>>
        %dma_wait3A_42 = tpu.memref_slice %arg3[%add3A_31] : memref<50000xi32, #tpu.memory_space<hbm>> -> memref<80xi32, #tpu.memory_space<hbm>>
        tpu.wait_dma2 semaphore(%run_scoped3A : memref<!tpu.dma_semaphore, #tpu.memory_space<semaphore_mem>>) src(%dma_wait3A_42 : memref<80xi32, #tpu.memory_space<hbm>>) dst(%arg6 : memref<80xi32, #tpu.memory_space<vmem>>)
        tpu.yield
      }) : () -> ()
      %dma_start3A = arith.constant 0 : i32
      %dma_start3A_32 = tpu.memref_slice %arg2[%add3A_31, %dma_start3A] : memref<50000x128xf32, #tpu.memory_space<hbm>> -> memref<80x128xf32, #tpu.memory_space<hbm>>
      %dma_start3A_33 = arith.constant 0 : i32
      %dma_start3A_34 = tpu.memref_slice %arg2[%add3A_31, %dma_start3A_33] : memref<50000x128xf32, #tpu.memory_space<hbm>> -> memref<80x128xf32, #tpu.memory_space<hbm>>
      tpu.enqueue_dma source(%dma_start3A_34 : memref<80x128xf32, #tpu.memory_space<hbm>>) target(%arg7 : memref<80x128xf32, #tpu.memory_space<vmem>>) target_semaphore(%arg9 : memref<!tpu.dma_semaphore, #tpu.memory_space<semaphore_mem>>)
      %dma_wait3A = arith.constant 0 : i32
      %dma_wait3A_35 = tpu.memref_slice %arg2[%add3A_31, %dma_wait3A] : memref<50000x128xf32, #tpu.memory_space<hbm>> -> memref<80x128xf32, #tpu.memory_space<hbm>>
      %dma_wait3A_36 = arith.constant 0 : i32
      %dma_wait3A_37 = tpu.memref_slice %arg2[%add3A_31, %dma_wait3A_36] : memref<50000x128xf32, #tpu.memory_space<hbm>> -> memref<80x128xf32, #tpu.memory_space<hbm>>
      tpu.wait_dma2 semaphore(%arg9 : memref<!tpu.dma_semaphore, #tpu.memory_space<semaphore_mem>>) src(%dma_wait3A_37 : memref<80x128xf32, #tpu.memory_space<hbm>>) dst(%arg7 : memref<80x128xf32, #tpu.memory_space<vmem>>)
      "tpu.region"() ({
        %run_scoped3A = tpu.sem_alloc : memref<!tpu.dma_semaphore, #tpu.memory_space<semaphore_mem>>
        %dma_start3A_39 = arith.constant 0 : i32
        %dma_start3A_40 = arith.constant 0 : i32
        %dma_start3A_41 = tpu.memref_slice %arg8[%dma_start3A_39, %dma_start3A_40] : memref<1152x128xf32, #tpu.memory_space<vmem_shared>> -> memref<1152x128xf32, #tpu.memory_space<vmem_shared>>
        tpu.enqueue_indirect_dma source(%arg7 : memref<80x128xf32, #tpu.memory_space<vmem>>) target(%dma_start3A_41 : memref<1152x128xf32, #tpu.memory_space<vmem_shared>>) offsets(%arg6 : memref<80xi32, #tpu.memory_space<vmem>>) semaphore(%run_scoped3A : memref<!tpu.dma_semaphore, #tpu.memory_space<semaphore_mem>>) {add = true}
        %dma_wait3A_42 = arith.constant 0 : i32
        %dma_wait3A_43 = arith.constant 0 : i32
        %dma_wait3A_44 = tpu.memref_slice %arg8[%dma_wait3A_42, %dma_wait3A_43] : memref<1152x128xf32, #tpu.memory_space<vmem_shared>> -> memref<1152x128xf32, #tpu.memory_space<vmem_shared>>
        tpu.wait_indirect_dma semaphore(%run_scoped3A : memref<!tpu.dma_semaphore, #tpu.memory_space<semaphore_mem>>) src(%arg7 : memref<80x128xf32, #tpu.memory_space<vmem>>) dst(%dma_wait3A_44 : memref<1152x128xf32, #tpu.memory_space<vmem_shared>>)
        tpu.yield
      }) : () -> ()
      %while3A_38 = arith.constant 0 : i32
      scf.yield %while3A_38 : i32
    }
    %barrier3A_26 = arith.constant 0 : index
    tpu.barrier barrier_id(%barrier3A_26)
    "tpu.region"() ({
      %run_scoped3A = tpu.sem_alloc : memref<!tpu.dma_semaphore, #tpu.memory_space<semaphore_mem>>
      %dma_start3A = arith.constant 0 : i32
      %dma_start3A_27 = tpu.memref_slice %arg5[%arg0, %mul3A_14, %dma_start3A] : memref<2x1152x128xf32, #tpu.memory_space<hbm>> -> memref<1x72x128xf32, #tpu.memory_space<hbm>>
      %dma_start3A_28 = tpu.memref_squeeze %dma_start3A_27 : memref<1x72x128xf32, #tpu.memory_space<hbm>> -> memref<72x128xf32, #tpu.memory_space<hbm>>
      %dma_start3A_29 = arith.constant 0 : i32
      %dma_start3A_30 = tpu.memref_slice %arg8[%mul3A_14, %dma_start3A_29] : memref<1152x128xf32, #tpu.memory_space<vmem_shared>> -> memref<72x128xf32, #tpu.memory_space<vmem_shared>>
      tpu.enqueue_dma source(%dma_start3A_30 : memref<72x128xf32, #tpu.memory_space<vmem_shared>>) target(%dma_start3A_28 : memref<72x128xf32, #tpu.memory_space<hbm>>) target_semaphore(%run_scoped3A : memref<!tpu.dma_semaphore, #tpu.memory_space<semaphore_mem>>)
      %dma_wait3A = arith.constant 0 : i32
      %dma_wait3A_31 = tpu.memref_slice %arg5[%arg0, %mul3A_14, %dma_wait3A] : memref<2x1152x128xf32, #tpu.memory_space<hbm>> -> memref<1x72x128xf32, #tpu.memory_space<hbm>>
      %dma_wait3A_32 = tpu.memref_squeeze %dma_wait3A_31 : memref<1x72x128xf32, #tpu.memory_space<hbm>> -> memref<72x128xf32, #tpu.memory_space<hbm>>
      %dma_wait3A_33 = arith.constant 0 : i32
      %dma_wait3A_34 = tpu.memref_slice %arg8[%mul3A_14, %dma_wait3A_33] : memref<1152x128xf32, #tpu.memory_space<vmem_shared>> -> memref<72x128xf32, #tpu.memory_space<vmem_shared>>
      tpu.wait_dma2 semaphore(%run_scoped3A : memref<!tpu.dma_semaphore, #tpu.memory_space<semaphore_mem>>) src(%dma_wait3A_34 : memref<72x128xf32, #tpu.memory_space<vmem_shared>>) dst(%dma_wait3A_32 : memref<72x128xf32, #tpu.memory_space<hbm>>)
      tpu.yield
    }) : () -> ()
    return
  }
}

#map = affine_map<(d0, d1) -> (0, 0)>
#map1 = affine_map<(d0, d1) -> (0)>
module attributes {stable_mosaic.version = 14 : i64} {
  func.func @_sc_gather_body(%arg0: i32, %arg1: i32, %arg2: memref<1024x128xf32, #tpu.memory_space<hbm>>, %arg3: memref<50000xi32, #tpu.memory_space<hbm>>, %arg4: memref<50000x128xf32, #tpu.memory_space<hbm>>, %arg5: memref<80xi32, #tpu.memory_space<vmem>>, %arg6: memref<80x128xf32, #tpu.memory_space<vmem>>, %arg7: memref<!tpu.dma_semaphore, #tpu.memory_space<semaphore_mem>>) attributes {dimension_semantics = [#tpu.dimension_semantics<core_parallel>, #tpu.dimension_semantics<subcore_parallel>], iteration_bounds = array<i64: 2, 16>, scalar_prefetch = 0 : i64, scratch_operands = 3 : i64, tpu.core_type = #tpu.core_type<sc_vector_subcore>, window_params = [{transform_indices = #map}, {transform_indices = #map1}, {transform_indices = #map}]} {
    %mul3A = arith.constant 2 : i32
    %mul3A_0 = arith.muli %arg1, %mul3A : i32
    %add3A = arith.addi %mul3A_0, %arg0 : i32
    %lt3A = arith.constant 17 : i32
    %lt3A_1 = arith.cmpi slt, %add3A, %lt3A : i32
    %mul3A_2 = arith.constant 1600 : i32
    %mul3A_3 = arith.muli %add3A, %mul3A_2 : i32
    %sub3A = arith.constant 17 : i32
    %sub3A_4 = arith.subi %add3A, %sub3A : i32
    %mul3A_5 = arith.constant 1520 : i32
    %mul3A_6 = arith.muli %sub3A_4, %mul3A_5 : i32
    %add3A_7 = arith.constant 27200 : i32
    %add3A_8 = arith.addi %add3A_7, %mul3A_6 : i32
    %select_n3A = arith.select %lt3A_1, %mul3A_3, %add3A_8 : i32
    %lt3A_9 = arith.constant 17 : i32
    %lt3A_10 = arith.cmpi slt, %add3A, %lt3A_9 : i32
    %jit3A = arith.constant 20 : i32
    %jit3A_11 = arith.constant 19 : i32
    %select_n3A_12 = arith.select %lt3A_10, %jit3A, %jit3A_11 : i32
    %while3A = arith.constant 0 : i32
    %while3A_13 = arith.constant 0 : i32
    %while3A_14 = arith.subi %select_n3A_12, %while3A : i32
    %while3A_15 = arith.addi %while3A, %while3A_14 : i32
    %while3A_16 = arith.constant 1 : i32
    %while3A_17 = arith.divsi %while3A_14, %while3A_16 : i32
    %while3A_18 = arith.muli %while3A_17, %while3A_16 : i32
    %while3A_19 = arith.addi %while3A, %while3A_18 : i32
    %while3A_20 = arith.constant 1 : i32
    %while3A_21 = scf.for %while3A_24 = %while3A to %while3A_19 step %while3A_20 iter_args(%while3A_25 = %while3A_13) -> (i32)  : i32 {
      %mul3A_26 = arith.constant 80 : i32
      %mul3A_27 = arith.muli %while3A_24, %mul3A_26 : i32
      %add3A_28 = arith.addi %select_n3A, %mul3A_27 : i32
      "tpu.region"() ({
        %run_scoped3A = tpu.sem_alloc : memref<!tpu.dma_semaphore, #tpu.memory_space<semaphore_mem>>
        %dma_start3A_34 = tpu.memref_slice %arg3[%add3A_28] : memref<50000xi32, #tpu.memory_space<hbm>> -> memref<80xi32, #tpu.memory_space<hbm>>
        %dma_start3A_35 = tpu.memref_slice %arg3[%add3A_28] : memref<50000xi32, #tpu.memory_space<hbm>> -> memref<80xi32, #tpu.memory_space<hbm>>
        tpu.enqueue_dma source(%dma_start3A_35 : memref<80xi32, #tpu.memory_space<hbm>>) target(%arg5 : memref<80xi32, #tpu.memory_space<vmem>>) target_semaphore(%run_scoped3A : memref<!tpu.dma_semaphore, #tpu.memory_space<semaphore_mem>>)
        %dma_wait3A_36 = tpu.memref_slice %arg3[%add3A_28] : memref<50000xi32, #tpu.memory_space<hbm>> -> memref<80xi32, #tpu.memory_space<hbm>>
        %dma_wait3A_37 = tpu.memref_slice %arg3[%add3A_28] : memref<50000xi32, #tpu.memory_space<hbm>> -> memref<80xi32, #tpu.memory_space<hbm>>
        tpu.wait_dma2 semaphore(%run_scoped3A : memref<!tpu.dma_semaphore, #tpu.memory_space<semaphore_mem>>) src(%dma_wait3A_37 : memref<80xi32, #tpu.memory_space<hbm>>) dst(%arg5 : memref<80xi32, #tpu.memory_space<vmem>>)
        tpu.yield
      }) : () -> ()
      %dma_start3A = arith.constant 0 : i32
      %dma_start3A_29 = arith.constant 0 : i32
      %dma_start3A_30 = tpu.memref_slice %arg2[%dma_start3A, %dma_start3A_29] : memref<1024x128xf32, #tpu.memory_space<hbm>> -> memref<1024x128xf32, #tpu.memory_space<hbm>>
      tpu.enqueue_indirect_dma source(%dma_start3A_30 : memref<1024x128xf32, #tpu.memory_space<hbm>>) target(%arg6 : memref<80x128xf32, #tpu.memory_space<vmem>>) offsets(%arg5 : memref<80xi32, #tpu.memory_space<vmem>>) semaphore(%arg7 : memref<!tpu.dma_semaphore, #tpu.memory_space<semaphore_mem>>)
      %dma_wait3A = arith.constant 0 : i32
      %dma_wait3A_31 = arith.constant 0 : i32
      %dma_wait3A_32 = tpu.memref_slice %arg2[%dma_wait3A, %dma_wait3A_31] : memref<1024x128xf32, #tpu.memory_space<hbm>> -> memref<1024x128xf32, #tpu.memory_space<hbm>>
      tpu.wait_indirect_dma semaphore(%arg7 : memref<!tpu.dma_semaphore, #tpu.memory_space<semaphore_mem>>) src(%dma_wait3A_32 : memref<1024x128xf32, #tpu.memory_space<hbm>>) dst(%arg6 : memref<80x128xf32, #tpu.memory_space<vmem>>)
      "tpu.region"() ({
        %run_scoped3A = tpu.sem_alloc : memref<!tpu.dma_semaphore, #tpu.memory_space<semaphore_mem>>
        %dma_start3A_34 = arith.constant 0 : i32
        %dma_start3A_35 = tpu.memref_slice %arg4[%add3A_28, %dma_start3A_34] : memref<50000x128xf32, #tpu.memory_space<hbm>> -> memref<80x128xf32, #tpu.memory_space<hbm>>
        %dma_start3A_36 = arith.constant 0 : i32
        %dma_start3A_37 = tpu.memref_slice %arg4[%add3A_28, %dma_start3A_36] : memref<50000x128xf32, #tpu.memory_space<hbm>> -> memref<80x128xf32, #tpu.memory_space<hbm>>
        tpu.enqueue_dma source(%arg6 : memref<80x128xf32, #tpu.memory_space<vmem>>) target(%dma_start3A_37 : memref<80x128xf32, #tpu.memory_space<hbm>>) target_semaphore(%run_scoped3A : memref<!tpu.dma_semaphore, #tpu.memory_space<semaphore_mem>>)
        %dma_wait3A_38 = arith.constant 0 : i32
        %dma_wait3A_39 = tpu.memref_slice %arg4[%add3A_28, %dma_wait3A_38] : memref<50000x128xf32, #tpu.memory_space<hbm>> -> memref<80x128xf32, #tpu.memory_space<hbm>>
        %dma_wait3A_40 = arith.constant 0 : i32
        %dma_wait3A_41 = tpu.memref_slice %arg4[%add3A_28, %dma_wait3A_40] : memref<50000x128xf32, #tpu.memory_space<hbm>> -> memref<80x128xf32, #tpu.memory_space<hbm>>
        tpu.wait_dma2 semaphore(%run_scoped3A : memref<!tpu.dma_semaphore, #tpu.memory_space<semaphore_mem>>) src(%arg6 : memref<80x128xf32, #tpu.memory_space<vmem>>) dst(%dma_wait3A_41 : memref<80x128xf32, #tpu.memory_space<hbm>>)
        tpu.yield
      }) : () -> ()
      %while3A_33 = arith.constant 0 : i32
      scf.yield %while3A_33 : i32
    }
    %while3A_22 = arith.constant 1 : i32
    %while3A_23 = scf.for %while3A_24 = %while3A_19 to %while3A_15 step %while3A_22 iter_args(%while3A_25 = %while3A_21) -> (i32)  : i32 {
      %mul3A_26 = arith.constant 80 : i32
      %mul3A_27 = arith.muli %while3A_24, %mul3A_26 : i32
      %add3A_28 = arith.addi %select_n3A, %mul3A_27 : i32
      "tpu.region"() ({
        %run_scoped3A = tpu.sem_alloc : memref<!tpu.dma_semaphore, #tpu.memory_space<semaphore_mem>>
        %dma_start3A_34 = tpu.memref_slice %arg3[%add3A_28] : memref<50000xi32, #tpu.memory_space<hbm>> -> memref<80xi32, #tpu.memory_space<hbm>>
        %dma_start3A_35 = tpu.memref_slice %arg3[%add3A_28] : memref<50000xi32, #tpu.memory_space<hbm>> -> memref<80xi32, #tpu.memory_space<hbm>>
        tpu.enqueue_dma source(%dma_start3A_35 : memref<80xi32, #tpu.memory_space<hbm>>) target(%arg5 : memref<80xi32, #tpu.memory_space<vmem>>) target_semaphore(%run_scoped3A : memref<!tpu.dma_semaphore, #tpu.memory_space<semaphore_mem>>)
        %dma_wait3A_36 = tpu.memref_slice %arg3[%add3A_28] : memref<50000xi32, #tpu.memory_space<hbm>> -> memref<80xi32, #tpu.memory_space<hbm>>
        %dma_wait3A_37 = tpu.memref_slice %arg3[%add3A_28] : memref<50000xi32, #tpu.memory_space<hbm>> -> memref<80xi32, #tpu.memory_space<hbm>>
        tpu.wait_dma2 semaphore(%run_scoped3A : memref<!tpu.dma_semaphore, #tpu.memory_space<semaphore_mem>>) src(%dma_wait3A_37 : memref<80xi32, #tpu.memory_space<hbm>>) dst(%arg5 : memref<80xi32, #tpu.memory_space<vmem>>)
        tpu.yield
      }) : () -> ()
      %dma_start3A = arith.constant 0 : i32
      %dma_start3A_29 = arith.constant 0 : i32
      %dma_start3A_30 = tpu.memref_slice %arg2[%dma_start3A, %dma_start3A_29] : memref<1024x128xf32, #tpu.memory_space<hbm>> -> memref<1024x128xf32, #tpu.memory_space<hbm>>
      tpu.enqueue_indirect_dma source(%dma_start3A_30 : memref<1024x128xf32, #tpu.memory_space<hbm>>) target(%arg6 : memref<80x128xf32, #tpu.memory_space<vmem>>) offsets(%arg5 : memref<80xi32, #tpu.memory_space<vmem>>) semaphore(%arg7 : memref<!tpu.dma_semaphore, #tpu.memory_space<semaphore_mem>>)
      %dma_wait3A = arith.constant 0 : i32
      %dma_wait3A_31 = arith.constant 0 : i32
      %dma_wait3A_32 = tpu.memref_slice %arg2[%dma_wait3A, %dma_wait3A_31] : memref<1024x128xf32, #tpu.memory_space<hbm>> -> memref<1024x128xf32, #tpu.memory_space<hbm>>
      tpu.wait_indirect_dma semaphore(%arg7 : memref<!tpu.dma_semaphore, #tpu.memory_space<semaphore_mem>>) src(%dma_wait3A_32 : memref<1024x128xf32, #tpu.memory_space<hbm>>) dst(%arg6 : memref<80x128xf32, #tpu.memory_space<vmem>>)
      "tpu.region"() ({
        %run_scoped3A = tpu.sem_alloc : memref<!tpu.dma_semaphore, #tpu.memory_space<semaphore_mem>>
        %dma_start3A_34 = arith.constant 0 : i32
        %dma_start3A_35 = tpu.memref_slice %arg4[%add3A_28, %dma_start3A_34] : memref<50000x128xf32, #tpu.memory_space<hbm>> -> memref<80x128xf32, #tpu.memory_space<hbm>>
        %dma_start3A_36 = arith.constant 0 : i32
        %dma_start3A_37 = tpu.memref_slice %arg4[%add3A_28, %dma_start3A_36] : memref<50000x128xf32, #tpu.memory_space<hbm>> -> memref<80x128xf32, #tpu.memory_space<hbm>>
        tpu.enqueue_dma source(%arg6 : memref<80x128xf32, #tpu.memory_space<vmem>>) target(%dma_start3A_37 : memref<80x128xf32, #tpu.memory_space<hbm>>) target_semaphore(%run_scoped3A : memref<!tpu.dma_semaphore, #tpu.memory_space<semaphore_mem>>)
        %dma_wait3A_38 = arith.constant 0 : i32
        %dma_wait3A_39 = tpu.memref_slice %arg4[%add3A_28, %dma_wait3A_38] : memref<50000x128xf32, #tpu.memory_space<hbm>> -> memref<80x128xf32, #tpu.memory_space<hbm>>
        %dma_wait3A_40 = arith.constant 0 : i32
        %dma_wait3A_41 = tpu.memref_slice %arg4[%add3A_28, %dma_wait3A_40] : memref<50000x128xf32, #tpu.memory_space<hbm>> -> memref<80x128xf32, #tpu.memory_space<hbm>>
        tpu.wait_dma2 semaphore(%run_scoped3A : memref<!tpu.dma_semaphore, #tpu.memory_space<semaphore_mem>>) src(%arg6 : memref<80x128xf32, #tpu.memory_space<vmem>>) dst(%dma_wait3A_41 : memref<80x128xf32, #tpu.memory_space<hbm>>)
        tpu.yield
      }) : () -> ()
      %while3A_33 = arith.constant 0 : i32
      scf.yield %while3A_33 : i32
    }
    return
  }
}

module attributes {stable_mosaic.version = 14 : i64} {
  func.func @_tc_passa_body(%arg0: i32, %arg1: memref<2000x128xf32, #tpu.memory_space<vmem>>, %arg2: memref<2000x128xf32, #tpu.memory_space<vmem>>, %arg3: memref<128x128xf32, #tpu.memory_space<vmem>>, %arg4: memref<1x128xf32, #tpu.memory_space<vmem>>, %arg5: memref<2000x128xf32, #tpu.memory_space<vmem>>, %arg6: memref<2000x128xf32, #tpu.memory_space<vmem>>) attributes {dimension_semantics = [#tpu.dimension_semantics<arbitrary>], iteration_bounds = array<i64: 25>, scalar_prefetch = 0 : i64, scratch_operands = 0 : i64, tpu.core_type = #tpu.core_type<tc>, window_params = [{transform_indices = @transform_0, window_bounds = array<i64: 2000, 128>}, {transform_indices = @transform_1, window_bounds = array<i64: 2000, 128>}, {pipeline_mode = #tpu.pipeline_mode<synchronous>, transform_indices = @transform_2, window_bounds = array<i64: 128, 128>}, {pipeline_mode = #tpu.pipeline_mode<synchronous>, transform_indices = @transform_3, window_bounds = array<i64: 1, 128>}, {transform_indices = @transform_4, window_bounds = array<i64: 2000, 128>}, {transform_indices = @transform_5, window_bounds = array<i64: 2000, 128>}]} {
    %get3A = arith.constant 0 : index
    %get3A_0 = arith.constant 0 : index
    %get3A_1 = vector.load %arg1[%get3A, %get3A_0] : memref<2000x128xf32, #tpu.memory_space<vmem>>, vector<2000x128xf32>
    %get3A_2 = arith.constant 0 : index
    %get3A_3 = arith.constant 0 : index
    %get3A_4 = vector.load %arg2[%get3A_2, %get3A_3] : memref<2000x128xf32, #tpu.memory_space<vmem>>, vector<2000x128xf32>
    %mul3A = arith.mulf %get3A_1, %get3A_4 : vector<2000x128xf32>
    %reduce_sum3A = arith.constant dense<0.000000e+00> : vector<2000xf32>
    %reduce_sum3A_5 = vector.multi_reduction <add>, %mul3A, %reduce_sum3A [1] : vector<2000x128xf32> to vector<2000xf32>
    %broadcast_in_dim3A = vector.shape_cast %reduce_sum3A_5 : vector<2000xf32> to vector<2000x1xf32>
    %mul3A_6 = arith.mulf %get3A_1, %get3A_1 : vector<2000x128xf32>
    %reduce_sum3A_7 = arith.constant dense<0.000000e+00> : vector<2000xf32>
    %reduce_sum3A_8 = vector.multi_reduction <add>, %mul3A_6, %reduce_sum3A_7 [1] : vector<2000x128xf32> to vector<2000xf32>
    %broadcast_in_dim3A_9 = vector.shape_cast %reduce_sum3A_8 : vector<2000xf32> to vector<2000x1xf32>
    %sqrt3A = math.sqrt %broadcast_in_dim3A_9 : vector<2000x1xf32>
    %mul3A_10 = arith.mulf %get3A_4, %get3A_4 : vector<2000x128xf32>
    %reduce_sum3A_11 = arith.constant dense<0.000000e+00> : vector<2000xf32>
    %reduce_sum3A_12 = vector.multi_reduction <add>, %mul3A_10, %reduce_sum3A_11 [1] : vector<2000x128xf32> to vector<2000xf32>
    %broadcast_in_dim3A_13 = vector.shape_cast %reduce_sum3A_12 : vector<2000xf32> to vector<2000x1xf32>
    %sqrt3A_14 = math.sqrt %broadcast_in_dim3A_13 : vector<2000x1xf32>
    %mul3A_15 = arith.mulf %sqrt3A, %sqrt3A_14 : vector<2000x1xf32>
    %max3A = arith.constant 9.99999993E-9 : f32
    %max3A_16 = vector.broadcast %max3A : f32 to vector<2000x1xf32>
    %max3A_17 = arith.maximumf %mul3A_15, %max3A_16 : vector<2000x1xf32>
    %div3A = arith.divf %broadcast_in_dim3A, %max3A_17 : vector<2000x1xf32>
    %sub3A = arith.constant 1.000000e+00 : f32
    %sub3A_18 = vector.broadcast %sub3A : f32 to vector<2000x1xf32>
    %sub3A_19 = arith.subf %div3A, %sub3A_18 : vector<2000x1xf32>
    %exp3A = math.exp %sub3A_19 : vector<2000x1xf32>
    %get3A_20 = arith.constant 0 : index
    %get3A_21 = arith.constant 0 : index
    %get3A_22 = vector.load %arg3[%get3A_20, %get3A_21] : memref<128x128xf32, #tpu.memory_space<vmem>>, vector<128x128xf32>
    %dot_general3A = arith.constant dense<0.000000e+00> : vector<2000x128xf32>
    %dot_general3A_23 = tpu.matmul %get3A_1, %get3A_22, %dot_general3A {dimension_numbers = #tpu.dot_dimension_numbers<[1], [0], [0], [1], [0, 0, 1, 1], [], []>, transpose_lhs_hint = false} : vector<2000x128xf32>, vector<128x128xf32>, vector<2000x128xf32> -> vector<2000x128xf32>
    %get3A_24 = arith.constant 0 : index
    %get3A_25 = arith.constant 0 : index
    %get3A_26 = vector.load %arg4[%get3A_24, %get3A_25] : memref<1x128xf32, #tpu.memory_space<vmem>>, vector<1x128xf32>
    %add3A = vector.broadcast %get3A_26 : vector<1x128xf32> to vector<2000x128xf32>
    %add3A_27 = arith.addf %dot_general3A_23, %add3A : vector<2000x128xf32>
    %mul3A_28 = vector.broadcast %exp3A : vector<2000x1xf32> to vector<2000x128xf32>
    %mul3A_29 = arith.mulf %mul3A_28, %add3A_27 : vector<2000x128xf32>
    %swap3A = arith.constant 0 : index
    %swap3A_30 = arith.constant 0 : index
    %swap3A_31 = vector.load %arg5[%swap3A, %swap3A_30] : memref<2000x128xf32, #tpu.memory_space<vmem>>, vector<2000x128xf32>
    tpu.vector_store %arg5[%swap3A, %swap3A_30], %mul3A_29 {strides = array<i32>} : memref<2000x128xf32, #tpu.memory_space<vmem>>, vector<2000x128xf32>,
    %broadcast_in_dim3A_32 = arith.constant 0.000000e+00 : f32
    %broadcast_in_dim3A_33 = vector.broadcast %broadcast_in_dim3A_32 : f32 to vector<2000x127xf32>
    %concatenate3A = tpu.concatenate %exp3A, %broadcast_in_dim3A_33 in 1 : vector<2000x1xf32>, vector<2000x127xf32> -> vector<2000x128xf32>
    %swap3A_34 = arith.constant 0 : index
    %swap3A_35 = arith.constant 0 : index
    %swap3A_36 = vector.load %arg6[%swap3A_34, %swap3A_35] : memref<2000x128xf32, #tpu.memory_space<vmem>>, vector<2000x128xf32>
    tpu.vector_store %arg6[%swap3A_34, %swap3A_35], %concatenate3A {strides = array<i32>} : memref<2000x128xf32, #tpu.memory_space<vmem>>, vector<2000x128xf32>,
    return
  }
  func.func @transform_0(%arg0: i32) -> (i32, i32) {
    %c0_i32 = arith.constant 0 : i32
    %c0_i32_0 = arith.constant 0 : i32
    return %arg0, %c0_i32 : i32, i32
  }
  func.func @transform_1(%arg0: i32) -> (i32, i32) {
    %c0_i32 = arith.constant 0 : i32
    %c0_i32_0 = arith.constant 0 : i32
    return %arg0, %c0_i32 : i32, i32
  }
  func.func @transform_2(%arg0: i32) -> (i32, i32) {
    %c0_i32 = arith.constant 0 : i32
    %c0_i32_0 = arith.constant 0 : i32
    %c0_i32_1 = arith.constant 0 : i32
    return %c0_i32, %c0_i32_0 : i32, i32
  }
  func.func @transform_3(%arg0: i32) -> (i32, i32) {
    %c0_i32 = arith.constant 0 : i32
    %c0_i32_0 = arith.constant 0 : i32
    %c0_i32_1 = arith.constant 0 : i32
    return %c0_i32, %c0_i32_0 : i32, i32
  }
  func.func @transform_4(%arg0: i32) -> (i32, i32) {
    %c0_i32 = arith.constant 0 : i32
    %c0_i32_0 = arith.constant 0 : i32
    return %arg0, %c0_i32 : i32, i32
  }
  func.func @transform_5(%arg0: i32) -> (i32, i32) {
    %c0_i32 = arith.constant 0 : i32
    %c0_i32_0 = arith.constant 0 : i32
    return %arg0, %c0_i32 : i32, i32
  }
}

module attributes {stable_mosaic.version = 14 : i64} {
  func.func @_tc_d0_body(%arg0: memref<2x1152x128xf32, #tpu.memory_space<vmem>>, %arg1: memref<1024x128xf32, #tpu.memory_space<vmem>>) attributes {dimension_semantics = [], scalar_prefetch = 0 : i64, scratch_operands = 0 : i64, tpu.core_type = #tpu.core_type<tc>} {
    %get3A = arith.constant 0 : index
    %get3A_0 = arith.constant 0 : index
    %get3A_1 = arith.constant 0 : index
    %get3A_2 = vector.load %arg0[%get3A, %get3A_0, %get3A_1] : memref<2x1152x128xf32, #tpu.memory_space<vmem>>, vector<1x1024x128xf32>
    %get3A_3 = vector.shape_cast %get3A_2 : vector<1x1024x128xf32> to vector<1024x128xf32>
    %get3A_4 = arith.constant 1 : index
    %get3A_5 = arith.constant 0 : index
    %get3A_6 = arith.constant 0 : index
    %get3A_7 = vector.load %arg0[%get3A_4, %get3A_5, %get3A_6] : memref<2x1152x128xf32, #tpu.memory_space<vmem>>, vector<1x1024x128xf32>
    %get3A_8 = vector.shape_cast %get3A_7 : vector<1x1024x128xf32> to vector<1024x128xf32>
    %add3A = arith.addf %get3A_3, %get3A_8 : vector<1024x128xf32>
    %swap3A = arith.constant 0 : index
    %swap3A_9 = arith.constant 0 : index
    %swap3A_10 = vector.load %arg1[%swap3A, %swap3A_9] : memref<1024x128xf32, #tpu.memory_space<vmem>>, vector<1024x128xf32>
    tpu.vector_store %arg1[%swap3A, %swap3A_9], %add3A {strides = array<i32>} : memref<1024x128xf32, #tpu.memory_space<vmem>>, vector<1024x128xf32>,
    return
  }
}

module attributes {stable_mosaic.version = 14 : i64} {
  func.func @_tc_group_body(%arg0: memref<2x1152x128xf32, #tpu.memory_space<vmem>>, %arg1: memref<2x1152x128xf32, #tpu.memory_space<vmem>>, %arg2: memref<1024x128xf32, #tpu.memory_space<vmem>>, %arg3: memref<128x128xf32, #tpu.memory_space<vmem>>, %arg4: memref<1x128xf32, #tpu.memory_space<vmem>>, %arg5: memref<128x128xf32, #tpu.memory_space<vmem>>, %arg6: memref<128x128xf32, #tpu.memory_space<vmem>>, %arg7: memref<1x128xf32, #tpu.memory_space<vmem>>, %arg8: memref<128x384xf32, #tpu.memory_space<vmem>>, %arg9: memref<128x384xf32, #tpu.memory_space<vmem>>, %arg10: memref<1x384xf32, #tpu.memory_space<vmem>>, %arg11: memref<1x384xf32, #tpu.memory_space<vmem>>, %arg12: memref<1024x256xf32, #tpu.memory_space<vmem>>) attributes {dimension_semantics = [], scalar_prefetch = 0 : i64, scratch_operands = 0 : i64, tpu.core_type = #tpu.core_type<tc>} {
    %get3A = arith.constant 0 : index
    %get3A_0 = arith.constant 0 : index
    %get3A_1 = arith.constant 0 : index
    %get3A_2 = vector.load %arg0[%get3A, %get3A_0, %get3A_1] : memref<2x1152x128xf32, #tpu.memory_space<vmem>>, vector<1x1024x128xf32>
    %get3A_3 = vector.shape_cast %get3A_2 : vector<1x1024x128xf32> to vector<1024x128xf32>
    %get3A_4 = arith.constant 1 : index
    %get3A_5 = arith.constant 0 : index
    %get3A_6 = arith.constant 0 : index
    %get3A_7 = vector.load %arg0[%get3A_4, %get3A_5, %get3A_6] : memref<2x1152x128xf32, #tpu.memory_space<vmem>>, vector<1x1024x128xf32>
    %get3A_8 = vector.shape_cast %get3A_7 : vector<1x1024x128xf32> to vector<1024x128xf32>
    %add3A = arith.addf %get3A_3, %get3A_8 : vector<1024x128xf32>
    %get3A_9 = arith.constant 0 : index
    %get3A_10 = arith.constant 0 : index
    %get3A_11 = arith.constant 0 : index
    %get3A_12 = vector.load %arg1[%get3A_9, %get3A_10, %get3A_11] : memref<2x1152x128xf32, #tpu.memory_space<vmem>>, vector<1x1024x1xf32>
    %get3A_13 = vector.shape_cast %get3A_12 : vector<1x1024x1xf32> to vector<1024x1xf32>
    %get3A_14 = arith.constant 1 : index
    %get3A_15 = arith.constant 0 : index
    %get3A_16 = arith.constant 0 : index
    %get3A_17 = vector.load %arg1[%get3A_14, %get3A_15, %get3A_16] : memref<2x1152x128xf32, #tpu.memory_space<vmem>>, vector<1x1024x1xf32>
    %get3A_18 = vector.shape_cast %get3A_17 : vector<1x1024x1xf32> to vector<1024x1xf32>
    %add3A_19 = arith.addf %get3A_13, %get3A_18 : vector<1024x1xf32>
    %get3A_20 = arith.constant 0 : index
    %get3A_21 = arith.constant 0 : index
    %get3A_22 = vector.load %arg2[%get3A_20, %get3A_21] : memref<1024x128xf32, #tpu.memory_space<vmem>>, vector<1024x128xf32>
    %max3A = arith.constant 9.99999971E-10 : f32
    %max3A_23 = vector.broadcast %max3A : f32 to vector<1024x1xf32>
    %max3A_24 = arith.maximumf %add3A_19, %max3A_23 : vector<1024x1xf32>
    %div3A = vector.broadcast %max3A_24 : vector<1024x1xf32> to vector<1024x128xf32>
    %div3A_25 = arith.divf %add3A, %div3A : vector<1024x128xf32>
    %ge3A = arith.constant 0.000000e+00 : f32
    %ge3A_26 = vector.broadcast %ge3A : f32 to vector<1024x128xf32>
    %ge3A_27 = arith.cmpf oge, %div3A_25, %ge3A_26 : vector<1024x128xf32>
    %mul3A = arith.constant 0.00999999977 : f32
    %mul3A_28 = vector.broadcast %mul3A : f32 to vector<1024x128xf32>
    %mul3A_29 = arith.mulf %mul3A_28, %div3A_25 : vector<1024x128xf32>
    %select_n3A = arith.select %ge3A_27, %div3A_25, %mul3A_29 : vector<1024x128xi1>, vector<1024x128xf32>
    %get3A_30 = arith.constant 0 : index
    %get3A_31 = arith.constant 0 : index
    %get3A_32 = vector.load %arg5[%get3A_30, %get3A_31] : memref<128x128xf32, #tpu.memory_space<vmem>>, vector<128x128xf32>
    %dot_general3A = arith.constant dense<0.000000e+00> : vector<1024x128xf32>
    %dot_general3A_33 = tpu.matmul %get3A_22, %get3A_32, %dot_general3A {dimension_numbers = #tpu.dot_dimension_numbers<[1], [0], [0], [1], [0, 0, 1, 1], [], []>, transpose_lhs_hint = false} : vector<1024x128xf32>, vector<128x128xf32>, vector<1024x128xf32> -> vector<1024x128xf32>
    %get3A_34 = arith.constant 0 : index
    %get3A_35 = arith.constant 0 : index
    %get3A_36 = vector.load %arg6[%get3A_34, %get3A_35] : memref<128x128xf32, #tpu.memory_space<vmem>>, vector<128x128xf32>
    %dot_general3A_37 = arith.constant dense<0.000000e+00> : vector<1024x128xf32>
    %dot_general3A_38 = tpu.matmul %select_n3A, %get3A_36, %dot_general3A_37 {dimension_numbers = #tpu.dot_dimension_numbers<[1], [0], [0], [1], [0, 0, 1, 1], [], []>, transpose_lhs_hint = false} : vector<1024x128xf32>, vector<128x128xf32>, vector<1024x128xf32> -> vector<1024x128xf32>
    %add3A_39 = arith.addf %dot_general3A_33, %dot_general3A_38 : vector<1024x128xf32>
    %get3A_40 = arith.constant 0 : index
    %get3A_41 = arith.constant 0 : index
    %get3A_42 = vector.load %arg7[%get3A_40, %get3A_41] : memref<1x128xf32, #tpu.memory_space<vmem>>, vector<1x128xf32>
    %add3A_43 = vector.broadcast %get3A_42 : vector<1x128xf32> to vector<1024x128xf32>
    %add3A_44 = arith.addf %add3A_39, %add3A_43 : vector<1024x128xf32>
    %logistic3A = arith.negf %add3A_44 : vector<1024x128xf32>
    %logistic3A_45 = math.exp %logistic3A : vector<1024x128xf32>
    %logistic3A_46 = arith.constant 1.000000e+00 : f32
    %logistic3A_47 = vector.broadcast %logistic3A_46 : f32 to vector<1024x128xf32>
    %logistic3A_48 = arith.addf %logistic3A_47, %logistic3A_45 : vector<1024x128xf32>
    %logistic3A_49 = arith.divf %logistic3A_47, %logistic3A_48 : vector<1024x128xf32>
    %sub3A = arith.constant 1.000000e+00 : f32
    %sub3A_50 = vector.broadcast %sub3A : f32 to vector<1024x128xf32>
    %sub3A_51 = arith.subf %sub3A_50, %logistic3A_49 : vector<1024x128xf32>
    %mul3A_52 = arith.mulf %sub3A_51, %select_n3A : vector<1024x128xf32>
    %mul3A_53 = arith.mulf %logistic3A_49, %get3A_22 : vector<1024x128xf32>
    %add3A_54 = arith.addf %mul3A_52, %mul3A_53 : vector<1024x128xf32>
    %get3A_55 = arith.constant 0 : index
    %get3A_56 = arith.constant 0 : index
    %get3A_57 = vector.load %arg8[%get3A_55, %get3A_56] : memref<128x384xf32, #tpu.memory_space<vmem>>, vector<128x384xf32>
    %dot_general3A_58 = arith.constant dense<0.000000e+00> : vector<1024x384xf32>
    %dot_general3A_59 = tpu.matmul %select_n3A, %get3A_57, %dot_general3A_58 {dimension_numbers = #tpu.dot_dimension_numbers<[1], [0], [0], [1], [0, 0, 1, 1], [], []>, transpose_lhs_hint = false} : vector<1024x128xf32>, vector<128x384xf32>, vector<1024x384xf32> -> vector<1024x384xf32>
    %get3A_60 = arith.constant 0 : index
    %get3A_61 = arith.constant 0 : index
    %get3A_62 = vector.load %arg10[%get3A_60, %get3A_61] : memref<1x384xf32, #tpu.memory_space<vmem>>, vector<1x384xf32>
    %add3A_63 = vector.broadcast %get3A_62 : vector<1x384xf32> to vector<1024x384xf32>
    %add3A_64 = arith.addf %dot_general3A_59, %add3A_63 : vector<1024x384xf32>
    %get3A_65 = arith.constant 0 : index
    %get3A_66 = arith.constant 0 : index
    %get3A_67 = vector.load %arg9[%get3A_65, %get3A_66] : memref<128x384xf32, #tpu.memory_space<vmem>>, vector<128x384xf32>
    %dot_general3A_68 = arith.constant dense<0.000000e+00> : vector<1024x384xf32>
    %dot_general3A_69 = tpu.matmul %add3A_54, %get3A_67, %dot_general3A_68 {dimension_numbers = #tpu.dot_dimension_numbers<[1], [0], [0], [1], [0, 0, 1, 1], [], []>, transpose_lhs_hint = false} : vector<1024x128xf32>, vector<128x384xf32>, vector<1024x384xf32> -> vector<1024x384xf32>
    %get3A_70 = arith.constant 0 : index
    %get3A_71 = arith.constant 0 : index
    %get3A_72 = vector.load %arg11[%get3A_70, %get3A_71] : memref<1x384xf32, #tpu.memory_space<vmem>>, vector<1x384xf32>
    %add3A_73 = vector.broadcast %get3A_72 : vector<1x384xf32> to vector<1024x384xf32>
    %add3A_74 = arith.addf %dot_general3A_69, %add3A_73 : vector<1024x384xf32>
    %slice3A = vector.extract_strided_slice %add3A_64 {offsets = [0, 0], sizes = [1024, 128], strides = [1, 1]} : vector<1024x384xf32> to vector<1024x128xf32>
    %slice3A_75 = vector.extract_strided_slice %add3A_74 {offsets = [0, 0], sizes = [1024, 128], strides = [1, 1]} : vector<1024x384xf32> to vector<1024x128xf32>
    %add3A_76 = arith.addf %slice3A, %slice3A_75 : vector<1024x128xf32>
    %logistic3A_77 = arith.negf %add3A_76 : vector<1024x128xf32>
    %logistic3A_78 = math.exp %logistic3A_77 : vector<1024x128xf32>
    %logistic3A_79 = arith.constant 1.000000e+00 : f32
    %logistic3A_80 = vector.broadcast %logistic3A_79 : f32 to vector<1024x128xf32>
    %logistic3A_81 = arith.addf %logistic3A_80, %logistic3A_78 : vector<1024x128xf32>
    %logistic3A_82 = arith.divf %logistic3A_80, %logistic3A_81 : vector<1024x128xf32>
    %slice3A_83 = vector.extract_strided_slice %add3A_64 {offsets = [0, 128], sizes = [1024, 128], strides = [1, 1]} : vector<1024x384xf32> to vector<1024x128xf32>
    %slice3A_84 = vector.extract_strided_slice %add3A_74 {offsets = [0, 128], sizes = [1024, 128], strides = [1, 1]} : vector<1024x384xf32> to vector<1024x128xf32>
    %add3A_85 = arith.addf %slice3A_83, %slice3A_84 : vector<1024x128xf32>
    %logistic3A_86 = arith.negf %add3A_85 : vector<1024x128xf32>
    %logistic3A_87 = math.exp %logistic3A_86 : vector<1024x128xf32>
    %logistic3A_88 = arith.constant 1.000000e+00 : f32
    %logistic3A_89 = vector.broadcast %logistic3A_88 : f32 to vector<1024x128xf32>
    %logistic3A_90 = arith.addf %logistic3A_89, %logistic3A_87 : vector<1024x128xf32>
    %logistic3A_91 = arith.divf %logistic3A_89, %logistic3A_90 : vector<1024x128xf32>
    %slice3A_92 = vector.extract_strided_slice %add3A_64 {offsets = [0, 256], sizes = [1024, 128], strides = [1, 1]} : vector<1024x384xf32> to vector<1024x128xf32>
    %slice3A_93 = vector.extract_strided_slice %add3A_74 {offsets = [0, 256], sizes = [1024, 128], strides = [1, 1]} : vector<1024x384xf32> to vector<1024x128xf32>
    %mul3A_94 = arith.mulf %logistic3A_82, %slice3A_93 : vector<1024x128xf32>
    %add3A_95 = arith.addf %slice3A_92, %mul3A_94 : vector<1024x128xf32>
    %tanh3A = math.tanh %add3A_95 : vector<1024x128xf32>
    %sub3A_96 = arith.constant 1.000000e+00 : f32
    %sub3A_97 = vector.broadcast %sub3A_96 : f32 to vector<1024x128xf32>
    %sub3A_98 = arith.subf %sub3A_97, %logistic3A_91 : vector<1024x128xf32>
    %mul3A_99 = arith.mulf %sub3A_98, %tanh3A : vector<1024x128xf32>
    %mul3A_100 = arith.mulf %logistic3A_91, %add3A_54 : vector<1024x128xf32>
    %add3A_101 = arith.addf %mul3A_99, %mul3A_100 : vector<1024x128xf32>
    %get3A_102 = arith.constant 0 : index
    %get3A_103 = arith.constant 0 : index
    %get3A_104 = vector.load %arg3[%get3A_102, %get3A_103] : memref<128x128xf32, #tpu.memory_space<vmem>>, vector<128x128xf32>
    %dot_general3A_105 = arith.constant dense<0.000000e+00> : vector<1024x128xf32>
    %dot_general3A_106 = tpu.matmul %add3A_101, %get3A_104, %dot_general3A_105 {dimension_numbers = #tpu.dot_dimension_numbers<[1], [0], [0], [1], [0, 0, 1, 1], [], []>, transpose_lhs_hint = false} : vector<1024x128xf32>, vector<128x128xf32>, vector<1024x128xf32> -> vector<1024x128xf32>
    %get3A_107 = arith.constant 0 : index
    %get3A_108 = arith.constant 0 : index
    %get3A_109 = vector.load %arg4[%get3A_107, %get3A_108] : memref<1x128xf32, #tpu.memory_space<vmem>>, vector<1x128xf32>
    %add3A_110 = vector.broadcast %get3A_109 : vector<1x128xf32> to vector<1024x128xf32>
    %add3A_111 = arith.addf %dot_general3A_106, %add3A_110 : vector<1024x128xf32>
    %ge3A_112 = arith.constant 0.000000e+00 : f32
    %ge3A_113 = vector.broadcast %ge3A_112 : f32 to vector<1024x128xf32>
    %ge3A_114 = arith.cmpf oge, %add3A_111, %ge3A_113 : vector<1024x128xf32>
    %mul3A_115 = arith.constant 0.00999999977 : f32
    %mul3A_116 = vector.broadcast %mul3A_115 : f32 to vector<1024x128xf32>
    %mul3A_117 = arith.mulf %mul3A_116, %add3A_111 : vector<1024x128xf32>
    %select_n3A_118 = arith.select %ge3A_114, %add3A_111, %mul3A_117 : vector<1024x128xi1>, vector<1024x128xf32>
    %concatenate3A = tpu.concatenate %add3A_101, %select_n3A_118 in 1 : vector<1024x128xf32>, vector<1024x128xf32> -> vector<1024x256xf32>
    %swap3A = arith.constant 0 : index
    %swap3A_119 = arith.constant 0 : index
    %swap3A_120 = vector.load %arg12[%swap3A, %swap3A_119] : memref<1024x256xf32, #tpu.memory_space<vmem>>, vector<1024x256xf32>
    tpu.vector_store %arg12[%swap3A, %swap3A_119], %concatenate3A {strides = array<i32>} : memref<1024x256xf32, #tpu.memory_space<vmem>>, vector<1024x256xf32>,
    return
  }
}

module attributes {stable_mosaic.version = 14 : i64} {
  func.func @_tc_passa_body(%arg0: i32, %arg1: memref<2000x128xf32, #tpu.memory_space<vmem>>, %arg2: memref<2000x128xf32, #tpu.memory_space<vmem>>, %arg3: memref<128x128xf32, #tpu.memory_space<vmem>>, %arg4: memref<1x128xf32, #tpu.memory_space<vmem>>, %arg5: memref<2000x128xf32, #tpu.memory_space<vmem>>, %arg6: memref<2000x128xf32, #tpu.memory_space<vmem>>) attributes {dimension_semantics = [#tpu.dimension_semantics<arbitrary>], iteration_bounds = array<i64: 25>, scalar_prefetch = 0 : i64, scratch_operands = 0 : i64, tpu.core_type = #tpu.core_type<tc>, window_params = [{transform_indices = @transform_0, window_bounds = array<i64: 2000, 128>}, {transform_indices = @transform_1, window_bounds = array<i64: 2000, 128>}, {pipeline_mode = #tpu.pipeline_mode<synchronous>, transform_indices = @transform_2, window_bounds = array<i64: 128, 128>}, {pipeline_mode = #tpu.pipeline_mode<synchronous>, transform_indices = @transform_3, window_bounds = array<i64: 1, 128>}, {transform_indices = @transform_4, window_bounds = array<i64: 2000, 128>}, {transform_indices = @transform_5, window_bounds = array<i64: 2000, 128>}]} {
    %get3A = arith.constant 0 : index
    %get3A_0 = arith.constant 0 : index
    %get3A_1 = vector.load %arg1[%get3A, %get3A_0] : memref<2000x128xf32, #tpu.memory_space<vmem>>, vector<2000x128xf32>
    %get3A_2 = arith.constant 0 : index
    %get3A_3 = arith.constant 0 : index
    %get3A_4 = vector.load %arg2[%get3A_2, %get3A_3] : memref<2000x128xf32, #tpu.memory_space<vmem>>, vector<2000x128xf32>
    %mul3A = arith.mulf %get3A_1, %get3A_4 : vector<2000x128xf32>
    %reduce_sum3A = arith.constant dense<0.000000e+00> : vector<2000xf32>
    %reduce_sum3A_5 = vector.multi_reduction <add>, %mul3A, %reduce_sum3A [1] : vector<2000x128xf32> to vector<2000xf32>
    %broadcast_in_dim3A = vector.shape_cast %reduce_sum3A_5 : vector<2000xf32> to vector<2000x1xf32>
    %mul3A_6 = arith.mulf %get3A_1, %get3A_1 : vector<2000x128xf32>
    %reduce_sum3A_7 = arith.constant dense<0.000000e+00> : vector<2000xf32>
    %reduce_sum3A_8 = vector.multi_reduction <add>, %mul3A_6, %reduce_sum3A_7 [1] : vector<2000x128xf32> to vector<2000xf32>
    %broadcast_in_dim3A_9 = vector.shape_cast %reduce_sum3A_8 : vector<2000xf32> to vector<2000x1xf32>
    %sqrt3A = math.sqrt %broadcast_in_dim3A_9 : vector<2000x1xf32>
    %mul3A_10 = arith.mulf %get3A_4, %get3A_4 : vector<2000x128xf32>
    %reduce_sum3A_11 = arith.constant dense<0.000000e+00> : vector<2000xf32>
    %reduce_sum3A_12 = vector.multi_reduction <add>, %mul3A_10, %reduce_sum3A_11 [1] : vector<2000x128xf32> to vector<2000xf32>
    %broadcast_in_dim3A_13 = vector.shape_cast %reduce_sum3A_12 : vector<2000xf32> to vector<2000x1xf32>
    %sqrt3A_14 = math.sqrt %broadcast_in_dim3A_13 : vector<2000x1xf32>
    %mul3A_15 = arith.mulf %sqrt3A, %sqrt3A_14 : vector<2000x1xf32>
    %max3A = arith.constant 9.99999993E-9 : f32
    %max3A_16 = vector.broadcast %max3A : f32 to vector<2000x1xf32>
    %max3A_17 = arith.maximumf %mul3A_15, %max3A_16 : vector<2000x1xf32>
    %div3A = arith.divf %broadcast_in_dim3A, %max3A_17 : vector<2000x1xf32>
    %sub3A = arith.constant 1.000000e+00 : f32
    %sub3A_18 = vector.broadcast %sub3A : f32 to vector<2000x1xf32>
    %sub3A_19 = arith.subf %div3A, %sub3A_18 : vector<2000x1xf32>
    %exp3A = math.exp %sub3A_19 : vector<2000x1xf32>
    %get3A_20 = arith.constant 0 : index
    %get3A_21 = arith.constant 0 : index
    %get3A_22 = vector.load %arg3[%get3A_20, %get3A_21] : memref<128x128xf32, #tpu.memory_space<vmem>>, vector<128x128xf32>
    %dot_general3A = arith.constant dense<0.000000e+00> : vector<2000x128xf32>
    %dot_general3A_23 = tpu.matmul %get3A_1, %get3A_22, %dot_general3A {dimension_numbers = #tpu.dot_dimension_numbers<[1], [0], [0], [1], [0, 0, 1, 1], [], []>, transpose_lhs_hint = false} : vector<2000x128xf32>, vector<128x128xf32>, vector<2000x128xf32> -> vector<2000x128xf32>
    %get3A_24 = arith.constant 0 : index
    %get3A_25 = arith.constant 0 : index
    %get3A_26 = vector.load %arg4[%get3A_24, %get3A_25] : memref<1x128xf32, #tpu.memory_space<vmem>>, vector<1x128xf32>
    %add3A = vector.broadcast %get3A_26 : vector<1x128xf32> to vector<2000x128xf32>
    %add3A_27 = arith.addf %dot_general3A_23, %add3A : vector<2000x128xf32>
    %mul3A_28 = vector.broadcast %exp3A : vector<2000x1xf32> to vector<2000x128xf32>
    %mul3A_29 = arith.mulf %mul3A_28, %add3A_27 : vector<2000x128xf32>
    %swap3A = arith.constant 0 : index
    %swap3A_30 = arith.constant 0 : index
    %swap3A_31 = vector.load %arg5[%swap3A, %swap3A_30] : memref<2000x128xf32, #tpu.memory_space<vmem>>, vector<2000x128xf32>
    tpu.vector_store %arg5[%swap3A, %swap3A_30], %mul3A_29 {strides = array<i32>} : memref<2000x128xf32, #tpu.memory_space<vmem>>, vector<2000x128xf32>,
    %broadcast_in_dim3A_32 = arith.constant 0.000000e+00 : f32
    %broadcast_in_dim3A_33 = vector.broadcast %broadcast_in_dim3A_32 : f32 to vector<2000x127xf32>
    %concatenate3A = tpu.concatenate %exp3A, %broadcast_in_dim3A_33 in 1 : vector<2000x1xf32>, vector<2000x127xf32> -> vector<2000x128xf32>
    %swap3A_34 = arith.constant 0 : index
    %swap3A_35 = arith.constant 0 : index
    %swap3A_36 = vector.load %arg6[%swap3A_34, %swap3A_35] : memref<2000x128xf32, #tpu.memory_space<vmem>>, vector<2000x128xf32>
    tpu.vector_store %arg6[%swap3A_34, %swap3A_35], %concatenate3A {strides = array<i32>} : memref<2000x128xf32, #tpu.memory_space<vmem>>, vector<2000x128xf32>,
    return
  }
  func.func @transform_0(%arg0: i32) -> (i32, i32) {
    %c0_i32 = arith.constant 0 : i32
    %c0_i32_0 = arith.constant 0 : i32
    return %arg0, %c0_i32 : i32, i32
  }
  func.func @transform_1(%arg0: i32) -> (i32, i32) {
    %c0_i32 = arith.constant 0 : i32
    %c0_i32_0 = arith.constant 0 : i32
    return %arg0, %c0_i32 : i32, i32
  }
  func.func @transform_2(%arg0: i32) -> (i32, i32) {
    %c0_i32 = arith.constant 0 : i32
    %c0_i32_0 = arith.constant 0 : i32
    %c0_i32_1 = arith.constant 0 : i32
    return %c0_i32, %c0_i32_0 : i32, i32
  }
  func.func @transform_3(%arg0: i32) -> (i32, i32) {
    %c0_i32 = arith.constant 0 : i32
    %c0_i32_0 = arith.constant 0 : i32
    %c0_i32_1 = arith.constant 0 : i32
    return %c0_i32, %c0_i32_0 : i32, i32
  }
  func.func @transform_4(%arg0: i32) -> (i32, i32) {
    %c0_i32 = arith.constant 0 : i32
    %c0_i32_0 = arith.constant 0 : i32
    return %arg0, %c0_i32 : i32, i32
  }
  func.func @transform_5(%arg0: i32) -> (i32, i32) {
    %c0_i32 = arith.constant 0 : i32
    %c0_i32_0 = arith.constant 0 : i32
    return %arg0, %c0_i32 : i32, i32
  }
}

module attributes {stable_mosaic.version = 14 : i64} {
  func.func @_tc_group_body(%arg0: memref<2x1152x128xf32, #tpu.memory_space<vmem>>, %arg1: memref<2x1152x128xf32, #tpu.memory_space<vmem>>, %arg2: memref<1024x256xf32, #tpu.memory_space<vmem>>, %arg3: memref<128x128xf32, #tpu.memory_space<vmem>>, %arg4: memref<1x128xf32, #tpu.memory_space<vmem>>, %arg5: memref<128x128xf32, #tpu.memory_space<vmem>>, %arg6: memref<128x128xf32, #tpu.memory_space<vmem>>, %arg7: memref<1x128xf32, #tpu.memory_space<vmem>>, %arg8: memref<128x384xf32, #tpu.memory_space<vmem>>, %arg9: memref<128x384xf32, #tpu.memory_space<vmem>>, %arg10: memref<1x384xf32, #tpu.memory_space<vmem>>, %arg11: memref<1x384xf32, #tpu.memory_space<vmem>>, %arg12: memref<1024x256xf32, #tpu.memory_space<vmem>>) attributes {dimension_semantics = [], scalar_prefetch = 0 : i64, scratch_operands = 0 : i64, tpu.core_type = #tpu.core_type<tc>} {
    %get3A = arith.constant 0 : index
    %get3A_0 = arith.constant 0 : index
    %get3A_1 = arith.constant 0 : index
    %get3A_2 = vector.load %arg0[%get3A, %get3A_0, %get3A_1] : memref<2x1152x128xf32, #tpu.memory_space<vmem>>, vector<1x1024x128xf32>
    %get3A_3 = vector.shape_cast %get3A_2 : vector<1x1024x128xf32> to vector<1024x128xf32>
    %get3A_4 = arith.constant 1 : index
    %get3A_5 = arith.constant 0 : index
    %get3A_6 = arith.constant 0 : index
    %get3A_7 = vector.load %arg0[%get3A_4, %get3A_5, %get3A_6] : memref<2x1152x128xf32, #tpu.memory_space<vmem>>, vector<1x1024x128xf32>
    %get3A_8 = vector.shape_cast %get3A_7 : vector<1x1024x128xf32> to vector<1024x128xf32>
    %add3A = arith.addf %get3A_3, %get3A_8 : vector<1024x128xf32>
    %get3A_9 = arith.constant 0 : index
    %get3A_10 = arith.constant 0 : index
    %get3A_11 = arith.constant 0 : index
    %get3A_12 = vector.load %arg1[%get3A_9, %get3A_10, %get3A_11] : memref<2x1152x128xf32, #tpu.memory_space<vmem>>, vector<1x1024x1xf32>
    %get3A_13 = vector.shape_cast %get3A_12 : vector<1x1024x1xf32> to vector<1024x1xf32>
    %get3A_14 = arith.constant 1 : index
    %get3A_15 = arith.constant 0 : index
    %get3A_16 = arith.constant 0 : index
    %get3A_17 = vector.load %arg1[%get3A_14, %get3A_15, %get3A_16] : memref<2x1152x128xf32, #tpu.memory_space<vmem>>, vector<1x1024x1xf32>
    %get3A_18 = vector.shape_cast %get3A_17 : vector<1x1024x1xf32> to vector<1024x1xf32>
    %add3A_19 = arith.addf %get3A_13, %get3A_18 : vector<1024x1xf32>
    %get3A_20 = arith.constant 0 : index
    %get3A_21 = arith.constant 0 : index
    %get3A_22 = vector.load %arg2[%get3A_20, %get3A_21] : memref<1024x256xf32, #tpu.memory_space<vmem>>, vector<1024x128xf32>
    %max3A = arith.constant 9.99999971E-10 : f32
    %max3A_23 = vector.broadcast %max3A : f32 to vector<1024x1xf32>
    %max3A_24 = arith.maximumf %add3A_19, %max3A_23 : vector<1024x1xf32>
    %div3A = vector.broadcast %max3A_24 : vector<1024x1xf32> to vector<1024x128xf32>
    %div3A_25 = arith.divf %add3A, %div3A : vector<1024x128xf32>
    %ge3A = arith.constant 0.000000e+00 : f32
    %ge3A_26 = vector.broadcast %ge3A : f32 to vector<1024x128xf32>
    %ge3A_27 = arith.cmpf oge, %div3A_25, %ge3A_26 : vector<1024x128xf32>
    %mul3A = arith.constant 0.00999999977 : f32
    %mul3A_28 = vector.broadcast %mul3A : f32 to vector<1024x128xf32>
    %mul3A_29 = arith.mulf %mul3A_28, %div3A_25 : vector<1024x128xf32>
    %select_n3A = arith.select %ge3A_27, %div3A_25, %mul3A_29 : vector<1024x128xi1>, vector<1024x128xf32>
    %get3A_30 = arith.constant 0 : index
    %get3A_31 = arith.constant 0 : index
    %get3A_32 = vector.load %arg5[%get3A_30, %get3A_31] : memref<128x128xf32, #tpu.memory_space<vmem>>, vector<128x128xf32>
    %dot_general3A = arith.constant dense<0.000000e+00> : vector<1024x128xf32>
    %dot_general3A_33 = tpu.matmul %get3A_22, %get3A_32, %dot_general3A {dimension_numbers = #tpu.dot_dimension_numbers<[1], [0], [0], [1], [0, 0, 1, 1], [], []>, transpose_lhs_hint = false} : vector<1024x128xf32>, vector<128x128xf32>, vector<1024x128xf32> -> vector<1024x128xf32>
    %get3A_34 = arith.constant 0 : index
    %get3A_35 = arith.constant 0 : index
    %get3A_36 = vector.load %arg6[%get3A_34, %get3A_35] : memref<128x128xf32, #tpu.memory_space<vmem>>, vector<128x128xf32>
    %dot_general3A_37 = arith.constant dense<0.000000e+00> : vector<1024x128xf32>
    %dot_general3A_38 = tpu.matmul %select_n3A, %get3A_36, %dot_general3A_37 {dimension_numbers = #tpu.dot_dimension_numbers<[1], [0], [0], [1], [0, 0, 1, 1], [], []>, transpose_lhs_hint = false} : vector<1024x128xf32>, vector<128x128xf32>, vector<1024x128xf32> -> vector<1024x128xf32>
    %add3A_39 = arith.addf %dot_general3A_33, %dot_general3A_38 : vector<1024x128xf32>
    %get3A_40 = arith.constant 0 : index
    %get3A_41 = arith.constant 0 : index
    %get3A_42 = vector.load %arg7[%get3A_40, %get3A_41] : memref<1x128xf32, #tpu.memory_space<vmem>>, vector<1x128xf32>
    %add3A_43 = vector.broadcast %get3A_42 : vector<1x128xf32> to vector<1024x128xf32>
    %add3A_44 = arith.addf %add3A_39, %add3A_43 : vector<1024x128xf32>
    %logistic3A = arith.negf %add3A_44 : vector<1024x128xf32>
    %logistic3A_45 = math.exp %logistic3A : vector<1024x128xf32>
    %logistic3A_46 = arith.constant 1.000000e+00 : f32
    %logistic3A_47 = vector.broadcast %logistic3A_46 : f32 to vector<1024x128xf32>
    %logistic3A_48 = arith.addf %logistic3A_47, %logistic3A_45 : vector<1024x128xf32>
    %logistic3A_49 = arith.divf %logistic3A_47, %logistic3A_48 : vector<1024x128xf32>
    %sub3A = arith.constant 1.000000e+00 : f32
    %sub3A_50 = vector.broadcast %sub3A : f32 to vector<1024x128xf32>
    %sub3A_51 = arith.subf %sub3A_50, %logistic3A_49 : vector<1024x128xf32>
    %mul3A_52 = arith.mulf %sub3A_51, %select_n3A : vector<1024x128xf32>
    %mul3A_53 = arith.mulf %logistic3A_49, %get3A_22 : vector<1024x128xf32>
    %add3A_54 = arith.addf %mul3A_52, %mul3A_53 : vector<1024x128xf32>
    %get3A_55 = arith.constant 0 : index
    %get3A_56 = arith.constant 0 : index
    %get3A_57 = vector.load %arg8[%get3A_55, %get3A_56] : memref<128x384xf32, #tpu.memory_space<vmem>>, vector<128x384xf32>
    %dot_general3A_58 = arith.constant dense<0.000000e+00> : vector<1024x384xf32>
    %dot_general3A_59 = tpu.matmul %select_n3A, %get3A_57, %dot_general3A_58 {dimension_numbers = #tpu.dot_dimension_numbers<[1], [0], [0], [1], [0, 0, 1, 1], [], []>, transpose_lhs_hint = false} : vector<1024x128xf32>, vector<128x384xf32>, vector<1024x384xf32> -> vector<1024x384xf32>
    %get3A_60 = arith.constant 0 : index
    %get3A_61 = arith.constant 0 : index
    %get3A_62 = vector.load %arg10[%get3A_60, %get3A_61] : memref<1x384xf32, #tpu.memory_space<vmem>>, vector<1x384xf32>
    %add3A_63 = vector.broadcast %get3A_62 : vector<1x384xf32> to vector<1024x384xf32>
    %add3A_64 = arith.addf %dot_general3A_59, %add3A_63 : vector<1024x384xf32>
    %get3A_65 = arith.constant 0 : index
    %get3A_66 = arith.constant 0 : index
    %get3A_67 = vector.load %arg9[%get3A_65, %get3A_66] : memref<128x384xf32, #tpu.memory_space<vmem>>, vector<128x384xf32>
    %dot_general3A_68 = arith.constant dense<0.000000e+00> : vector<1024x384xf32>
    %dot_general3A_69 = tpu.matmul %add3A_54, %get3A_67, %dot_general3A_68 {dimension_numbers = #tpu.dot_dimension_numbers<[1], [0], [0], [1], [0, 0, 1, 1], [], []>, transpose_lhs_hint = false} : vector<1024x128xf32>, vector<128x384xf32>, vector<1024x384xf32> -> vector<1024x384xf32>
    %get3A_70 = arith.constant 0 : index
    %get3A_71 = arith.constant 0 : index
    %get3A_72 = vector.load %arg11[%get3A_70, %get3A_71] : memref<1x384xf32, #tpu.memory_space<vmem>>, vector<1x384xf32>
    %add3A_73 = vector.broadcast %get3A_72 : vector<1x384xf32> to vector<1024x384xf32>
    %add3A_74 = arith.addf %dot_general3A_69, %add3A_73 : vector<1024x384xf32>
    %slice3A = vector.extract_strided_slice %add3A_64 {offsets = [0, 0], sizes = [1024, 128], strides = [1, 1]} : vector<1024x384xf32> to vector<1024x128xf32>
    %slice3A_75 = vector.extract_strided_slice %add3A_74 {offsets = [0, 0], sizes = [1024, 128], strides = [1, 1]} : vector<1024x384xf32> to vector<1024x128xf32>
    %add3A_76 = arith.addf %slice3A, %slice3A_75 : vector<1024x128xf32>
    %logistic3A_77 = arith.negf %add3A_76 : vector<1024x128xf32>
    %logistic3A_78 = math.exp %logistic3A_77 : vector<1024x128xf32>
    %logistic3A_79 = arith.constant 1.000000e+00 : f32
    %logistic3A_80 = vector.broadcast %logistic3A_79 : f32 to vector<1024x128xf32>
    %logistic3A_81 = arith.addf %logistic3A_80, %logistic3A_78 : vector<1024x128xf32>
    %logistic3A_82 = arith.divf %logistic3A_80, %logistic3A_81 : vector<1024x128xf32>
    %slice3A_83 = vector.extract_strided_slice %add3A_64 {offsets = [0, 128], sizes = [1024, 128], strides = [1, 1]} : vector<1024x384xf32> to vector<1024x128xf32>
    %slice3A_84 = vector.extract_strided_slice %add3A_74 {offsets = [0, 128], sizes = [1024, 128], strides = [1, 1]} : vector<1024x384xf32> to vector<1024x128xf32>
    %add3A_85 = arith.addf %slice3A_83, %slice3A_84 : vector<1024x128xf32>
    %logistic3A_86 = arith.negf %add3A_85 : vector<1024x128xf32>
    %logistic3A_87 = math.exp %logistic3A_86 : vector<1024x128xf32>
    %logistic3A_88 = arith.constant 1.000000e+00 : f32
    %logistic3A_89 = vector.broadcast %logistic3A_88 : f32 to vector<1024x128xf32>
    %logistic3A_90 = arith.addf %logistic3A_89, %logistic3A_87 : vector<1024x128xf32>
    %logistic3A_91 = arith.divf %logistic3A_89, %logistic3A_90 : vector<1024x128xf32>
    %slice3A_92 = vector.extract_strided_slice %add3A_64 {offsets = [0, 256], sizes = [1024, 128], strides = [1, 1]} : vector<1024x384xf32> to vector<1024x128xf32>
    %slice3A_93 = vector.extract_strided_slice %add3A_74 {offsets = [0, 256], sizes = [1024, 128], strides = [1, 1]} : vector<1024x384xf32> to vector<1024x128xf32>
    %mul3A_94 = arith.mulf %logistic3A_82, %slice3A_93 : vector<1024x128xf32>
    %add3A_95 = arith.addf %slice3A_92, %mul3A_94 : vector<1024x128xf32>
    %tanh3A = math.tanh %add3A_95 : vector<1024x128xf32>
    %sub3A_96 = arith.constant 1.000000e+00 : f32
    %sub3A_97 = vector.broadcast %sub3A_96 : f32 to vector<1024x128xf32>
    %sub3A_98 = arith.subf %sub3A_97, %logistic3A_91 : vector<1024x128xf32>
    %mul3A_99 = arith.mulf %sub3A_98, %tanh3A : vector<1024x128xf32>
    %mul3A_100 = arith.mulf %logistic3A_91, %add3A_54 : vector<1024x128xf32>
    %add3A_101 = arith.addf %mul3A_99, %mul3A_100 : vector<1024x128xf32>
    %get3A_102 = arith.constant 0 : index
    %get3A_103 = arith.constant 0 : index
    %get3A_104 = vector.load %arg3[%get3A_102, %get3A_103] : memref<128x128xf32, #tpu.memory_space<vmem>>, vector<128x128xf32>
    %dot_general3A_105 = arith.constant dense<0.000000e+00> : vector<1024x128xf32>
    %dot_general3A_106 = tpu.matmul %add3A_101, %get3A_104, %dot_general3A_105 {dimension_numbers = #tpu.dot_dimension_numbers<[1], [0], [0], [1], [0, 0, 1, 1], [], []>, transpose_lhs_hint = false} : vector<1024x128xf32>, vector<128x128xf32>, vector<1024x128xf32> -> vector<1024x128xf32>
    %get3A_107 = arith.constant 0 : index
    %get3A_108 = arith.constant 0 : index
    %get3A_109 = vector.load %arg4[%get3A_107, %get3A_108] : memref<1x128xf32, #tpu.memory_space<vmem>>, vector<1x128xf32>
    %add3A_110 = vector.broadcast %get3A_109 : vector<1x128xf32> to vector<1024x128xf32>
    %add3A_111 = arith.addf %dot_general3A_106, %add3A_110 : vector<1024x128xf32>
    %ge3A_112 = arith.constant 0.000000e+00 : f32
    %ge3A_113 = vector.broadcast %ge3A_112 : f32 to vector<1024x128xf32>
    %ge3A_114 = arith.cmpf oge, %add3A_111, %ge3A_113 : vector<1024x128xf32>
    %mul3A_115 = arith.constant 0.00999999977 : f32
    %mul3A_116 = vector.broadcast %mul3A_115 : f32 to vector<1024x128xf32>
    %mul3A_117 = arith.mulf %mul3A_116, %add3A_111 : vector<1024x128xf32>
    %select_n3A_118 = arith.select %ge3A_114, %add3A_111, %mul3A_117 : vector<1024x128xi1>, vector<1024x128xf32>
    %concatenate3A = tpu.concatenate %add3A_101, %select_n3A_118 in 1 : vector<1024x128xf32>, vector<1024x128xf32> -> vector<1024x256xf32>
    %swap3A = arith.constant 0 : index
    %swap3A_119 = arith.constant 0 : index
    %swap3A_120 = vector.load %arg12[%swap3A, %swap3A_119] : memref<1024x256xf32, #tpu.memory_space<vmem>>, vector<1024x256xf32>
    tpu.vector_store %arg12[%swap3A, %swap3A_119], %concatenate3A {strides = array<i32>} : memref<1024x256xf32, #tpu.memory_space<vmem>>, vector<1024x256xf32>,
    return
  }
}

module attributes {stable_mosaic.version = 14 : i64} {
  func.func @_tc_group_body(%arg0: memref<2x1152x128xf32, #tpu.memory_space<vmem>>, %arg1: memref<2x1152x128xf32, #tpu.memory_space<vmem>>, %arg2: memref<1024x256xf32, #tpu.memory_space<vmem>>, %arg3: memref<128x128xf32, #tpu.memory_space<vmem>>, %arg4: memref<1x128xf32, #tpu.memory_space<vmem>>, %arg5: memref<128x128xf32, #tpu.memory_space<vmem>>, %arg6: memref<128x128xf32, #tpu.memory_space<vmem>>, %arg7: memref<1x128xf32, #tpu.memory_space<vmem>>, %arg8: memref<128x384xf32, #tpu.memory_space<vmem>>, %arg9: memref<128x384xf32, #tpu.memory_space<vmem>>, %arg10: memref<1x384xf32, #tpu.memory_space<vmem>>, %arg11: memref<1x384xf32, #tpu.memory_space<vmem>>, %arg12: memref<1024x128xf32, #tpu.memory_space<vmem>>) attributes {dimension_semantics = [], scalar_prefetch = 0 : i64, scratch_operands = 0 : i64, tpu.core_type = #tpu.core_type<tc>} {
    %get3A = arith.constant 0 : index
    %get3A_0 = arith.constant 0 : index
    %get3A_1 = arith.constant 0 : index
    %get3A_2 = vector.load %arg0[%get3A, %get3A_0, %get3A_1] : memref<2x1152x128xf32, #tpu.memory_space<vmem>>, vector<1x1024x128xf32>
    %get3A_3 = vector.shape_cast %get3A_2 : vector<1x1024x128xf32> to vector<1024x128xf32>
    %get3A_4 = arith.constant 1 : index
    %get3A_5 = arith.constant 0 : index
    %get3A_6 = arith.constant 0 : index
    %get3A_7 = vector.load %arg0[%get3A_4, %get3A_5, %get3A_6] : memref<2x1152x128xf32, #tpu.memory_space<vmem>>, vector<1x1024x128xf32>
    %get3A_8 = vector.shape_cast %get3A_7 : vector<1x1024x128xf32> to vector<1024x128xf32>
    %add3A = arith.addf %get3A_3, %get3A_8 : vector<1024x128xf32>
    %get3A_9 = arith.constant 0 : index
    %get3A_10 = arith.constant 0 : index
    %get3A_11 = arith.constant 0 : index
    %get3A_12 = vector.load %arg1[%get3A_9, %get3A_10, %get3A_11] : memref<2x1152x128xf32, #tpu.memory_space<vmem>>, vector<1x1024x1xf32>
    %get3A_13 = vector.shape_cast %get3A_12 : vector<1x1024x1xf32> to vector<1024x1xf32>
    %get3A_14 = arith.constant 1 : index
    %get3A_15 = arith.constant 0 : index
    %get3A_16 = arith.constant 0 : index
    %get3A_17 = vector.load %arg1[%get3A_14, %get3A_15, %get3A_16] : memref<2x1152x128xf32, #tpu.memory_space<vmem>>, vector<1x1024x1xf32>
    %get3A_18 = vector.shape_cast %get3A_17 : vector<1x1024x1xf32> to vector<1024x1xf32>
    %add3A_19 = arith.addf %get3A_13, %get3A_18 : vector<1024x1xf32>
    %get3A_20 = arith.constant 0 : index
    %get3A_21 = arith.constant 0 : index
    %get3A_22 = vector.load %arg2[%get3A_20, %get3A_21] : memref<1024x256xf32, #tpu.memory_space<vmem>>, vector<1024x128xf32>
    %max3A = arith.constant 9.99999971E-10 : f32
    %max3A_23 = vector.broadcast %max3A : f32 to vector<1024x1xf32>
    %max3A_24 = arith.maximumf %add3A_19, %max3A_23 : vector<1024x1xf32>
    %div3A = vector.broadcast %max3A_24 : vector<1024x1xf32> to vector<1024x128xf32>
    %div3A_25 = arith.divf %add3A, %div3A : vector<1024x128xf32>
    %ge3A = arith.constant 0.000000e+00 : f32
    %ge3A_26 = vector.broadcast %ge3A : f32 to vector<1024x128xf32>
    %ge3A_27 = arith.cmpf oge, %div3A_25, %ge3A_26 : vector<1024x128xf32>
    %mul3A = arith.constant 0.00999999977 : f32
    %mul3A_28 = vector.broadcast %mul3A : f32 to vector<1024x128xf32>
    %mul3A_29 = arith.mulf %mul3A_28, %div3A_25 : vector<1024x128xf32>
    %select_n3A = arith.select %ge3A_27, %div3A_25, %mul3A_29 : vector<1024x128xi1>, vector<1024x128xf32>
    %get3A_30 = arith.constant 0 : index
    %get3A_31 = arith.constant 0 : index
    %get3A_32 = vector.load %arg5[%get3A_30, %get3A_31] : memref<128x128xf32, #tpu.memory_space<vmem>>, vector<128x128xf32>
    %dot_general3A = arith.constant dense<0.000000e+00> : vector<1024x128xf32>
    %dot_general3A_33 = tpu.matmul %get3A_22, %get3A_32, %dot_general3A {dimension_numbers = #tpu.dot_dimension_numbers<[1], [0], [0], [1], [0, 0, 1, 1], [], []>, transpose_lhs_hint = false} : vector<1024x128xf32>, vector<128x128xf32>, vector<1024x128xf32> -> vector<1024x128xf32>
    %get3A_34 = arith.constant 0 : index
    %get3A_35 = arith.constant 0 : index
    %get3A_36 = vector.load %arg6[%get3A_34, %get3A_35] : memref<128x128xf32, #tpu.memory_space<vmem>>, vector<128x128xf32>
    %dot_general3A_37 = arith.constant dense<0.000000e+00> : vector<1024x128xf32>
    %dot_general3A_38 = tpu.matmul %select_n3A, %get3A_36, %dot_general3A_37 {dimension_numbers = #tpu.dot_dimension_numbers<[1], [0], [0], [1], [0, 0, 1, 1], [], []>, transpose_lhs_hint = false} : vector<1024x128xf32>, vector<128x128xf32>, vector<1024x128xf32> -> vector<1024x128xf32>
    %add3A_39 = arith.addf %dot_general3A_33, %dot_general3A_38 : vector<1024x128xf32>
    %get3A_40 = arith.constant 0 : index
    %get3A_41 = arith.constant 0 : index
    %get3A_42 = vector.load %arg7[%get3A_40, %get3A_41] : memref<1x128xf32, #tpu.memory_space<vmem>>, vector<1x128xf32>
    %add3A_43 = vector.broadcast %get3A_42 : vector<1x128xf32> to vector<1024x128xf32>
    %add3A_44 = arith.addf %add3A_39, %add3A_43 : vector<1024x128xf32>
    %logistic3A = arith.negf %add3A_44 : vector<1024x128xf32>
    %logistic3A_45 = math.exp %logistic3A : vector<1024x128xf32>
    %logistic3A_46 = arith.constant 1.000000e+00 : f32
    %logistic3A_47 = vector.broadcast %logistic3A_46 : f32 to vector<1024x128xf32>
    %logistic3A_48 = arith.addf %logistic3A_47, %logistic3A_45 : vector<1024x128xf32>
    %logistic3A_49 = arith.divf %logistic3A_47, %logistic3A_48 : vector<1024x128xf32>
    %sub3A = arith.constant 1.000000e+00 : f32
    %sub3A_50 = vector.broadcast %sub3A : f32 to vector<1024x128xf32>
    %sub3A_51 = arith.subf %sub3A_50, %logistic3A_49 : vector<1024x128xf32>
    %mul3A_52 = arith.mulf %sub3A_51, %select_n3A : vector<1024x128xf32>
    %mul3A_53 = arith.mulf %logistic3A_49, %get3A_22 : vector<1024x128xf32>
    %add3A_54 = arith.addf %mul3A_52, %mul3A_53 : vector<1024x128xf32>
    %get3A_55 = arith.constant 0 : index
    %get3A_56 = arith.constant 0 : index
    %get3A_57 = vector.load %arg8[%get3A_55, %get3A_56] : memref<128x384xf32, #tpu.memory_space<vmem>>, vector<128x384xf32>
    %dot_general3A_58 = arith.constant dense<0.000000e+00> : vector<1024x384xf32>
    %dot_general3A_59 = tpu.matmul %select_n3A, %get3A_57, %dot_general3A_58 {dimension_numbers = #tpu.dot_dimension_numbers<[1], [0], [0], [1], [0, 0, 1, 1], [], []>, transpose_lhs_hint = false} : vector<1024x128xf32>, vector<128x384xf32>, vector<1024x384xf32> -> vector<1024x384xf32>
    %get3A_60 = arith.constant 0 : index
    %get3A_61 = arith.constant 0 : index
    %get3A_62 = vector.load %arg10[%get3A_60, %get3A_61] : memref<1x384xf32, #tpu.memory_space<vmem>>, vector<1x384xf32>
    %add3A_63 = vector.broadcast %get3A_62 : vector<1x384xf32> to vector<1024x384xf32>
    %add3A_64 = arith.addf %dot_general3A_59, %add3A_63 : vector<1024x384xf32>
    %get3A_65 = arith.constant 0 : index
    %get3A_66 = arith.constant 0 : index
    %get3A_67 = vector.load %arg9[%get3A_65, %get3A_66] : memref<128x384xf32, #tpu.memory_space<vmem>>, vector<128x384xf32>
    %dot_general3A_68 = arith.constant dense<0.000000e+00> : vector<1024x384xf32>
    %dot_general3A_69 = tpu.matmul %add3A_54, %get3A_67, %dot_general3A_68 {dimension_numbers = #tpu.dot_dimension_numbers<[1], [0], [0], [1], [0, 0, 1, 1], [], []>, transpose_lhs_hint = false} : vector<1024x128xf32>, vector<128x384xf32>, vector<1024x384xf32> -> vector<1024x384xf32>
    %get3A_70 = arith.constant 0 : index
    %get3A_71 = arith.constant 0 : index
    %get3A_72 = vector.load %arg11[%get3A_70, %get3A_71] : memref<1x384xf32, #tpu.memory_space<vmem>>, vector<1x384xf32>
    %add3A_73 = vector.broadcast %get3A_72 : vector<1x384xf32> to vector<1024x384xf32>
    %add3A_74 = arith.addf %dot_general3A_69, %add3A_73 : vector<1024x384xf32>
    %slice3A = vector.extract_strided_slice %add3A_64 {offsets = [0, 0], sizes = [1024, 128], strides = [1, 1]} : vector<1024x384xf32> to vector<1024x128xf32>
    %slice3A_75 = vector.extract_strided_slice %add3A_74 {offsets = [0, 0], sizes = [1024, 128], strides = [1, 1]} : vector<1024x384xf32> to vector<1024x128xf32>
    %add3A_76 = arith.addf %slice3A, %slice3A_75 : vector<1024x128xf32>
    %logistic3A_77 = arith.negf %add3A_76 : vector<1024x128xf32>
    %logistic3A_78 = math.exp %logistic3A_77 : vector<1024x128xf32>
    %logistic3A_79 = arith.constant 1.000000e+00 : f32
    %logistic3A_80 = vector.broadcast %logistic3A_79 : f32 to vector<1024x128xf32>
    %logistic3A_81 = arith.addf %logistic3A_80, %logistic3A_78 : vector<1024x128xf32>
    %logistic3A_82 = arith.divf %logistic3A_80, %logistic3A_81 : vector<1024x128xf32>
    %slice3A_83 = vector.extract_strided_slice %add3A_64 {offsets = [0, 128], sizes = [1024, 128], strides = [1, 1]} : vector<1024x384xf32> to vector<1024x128xf32>
    %slice3A_84 = vector.extract_strided_slice %add3A_74 {offsets = [0, 128], sizes = [1024, 128], strides = [1, 1]} : vector<1024x384xf32> to vector<1024x128xf32>
    %add3A_85 = arith.addf %slice3A_83, %slice3A_84 : vector<1024x128xf32>
    %logistic3A_86 = arith.negf %add3A_85 : vector<1024x128xf32>
    %logistic3A_87 = math.exp %logistic3A_86 : vector<1024x128xf32>
    %logistic3A_88 = arith.constant 1.000000e+00 : f32
    %logistic3A_89 = vector.broadcast %logistic3A_88 : f32 to vector<1024x128xf32>
    %logistic3A_90 = arith.addf %logistic3A_89, %logistic3A_87 : vector<1024x128xf32>
    %logistic3A_91 = arith.divf %logistic3A_89, %logistic3A_90 : vector<1024x128xf32>
    %slice3A_92 = vector.extract_strided_slice %add3A_64 {offsets = [0, 256], sizes = [1024, 128], strides = [1, 1]} : vector<1024x384xf32> to vector<1024x128xf32>
    %slice3A_93 = vector.extract_strided_slice %add3A_74 {offsets = [0, 256], sizes = [1024, 128], strides = [1, 1]} : vector<1024x384xf32> to vector<1024x128xf32>
    %mul3A_94 = arith.mulf %logistic3A_82, %slice3A_93 : vector<1024x128xf32>
    %add3A_95 = arith.addf %slice3A_92, %mul3A_94 : vector<1024x128xf32>
    %tanh3A = math.tanh %add3A_95 : vector<1024x128xf32>
    %sub3A_96 = arith.constant 1.000000e+00 : f32
    %sub3A_97 = vector.broadcast %sub3A_96 : f32 to vector<1024x128xf32>
    %sub3A_98 = arith.subf %sub3A_97, %logistic3A_91 : vector<1024x128xf32>
    %mul3A_99 = arith.mulf %sub3A_98, %tanh3A : vector<1024x128xf32>
    %mul3A_100 = arith.mulf %logistic3A_91, %add3A_54 : vector<1024x128xf32>
    %add3A_101 = arith.addf %mul3A_99, %mul3A_100 : vector<1024x128xf32>
    %get3A_102 = arith.constant 0 : index
    %get3A_103 = arith.constant 0 : index
    %get3A_104 = vector.load %arg3[%get3A_102, %get3A_103] : memref<128x128xf32, #tpu.memory_space<vmem>>, vector<128x128xf32>
    %dot_general3A_105 = arith.constant dense<0.000000e+00> : vector<1024x128xf32>
    %dot_general3A_106 = tpu.matmul %add3A_101, %get3A_104, %dot_general3A_105 {dimension_numbers = #tpu.dot_dimension_numbers<[1], [0], [0], [1], [0, 0, 1, 1], [], []>, transpose_lhs_hint = false} : vector<1024x128xf32>, vector<128x128xf32>, vector<1024x128xf32> -> vector<1024x128xf32>
    %get3A_107 = arith.constant 0 : index
    %get3A_108 = arith.constant 0 : index
    %get3A_109 = vector.load %arg4[%get3A_107, %get3A_108] : memref<1x128xf32, #tpu.memory_space<vmem>>, vector<1x128xf32>
    %add3A_110 = vector.broadcast %get3A_109 : vector<1x128xf32> to vector<1024x128xf32>
    %add3A_111 = arith.addf %dot_general3A_106, %add3A_110 : vector<1024x128xf32>
    %ge3A_112 = arith.constant 0.000000e+00 : f32
    %ge3A_113 = vector.broadcast %ge3A_112 : f32 to vector<1024x128xf32>
    %ge3A_114 = arith.cmpf oge, %add3A_111, %ge3A_113 : vector<1024x128xf32>
    %mul3A_115 = arith.constant 0.00999999977 : f32
    %mul3A_116 = vector.broadcast %mul3A_115 : f32 to vector<1024x128xf32>
    %mul3A_117 = arith.mulf %mul3A_116, %add3A_111 : vector<1024x128xf32>
    %select_n3A_118 = arith.select %ge3A_114, %add3A_111, %mul3A_117 : vector<1024x128xi1>, vector<1024x128xf32>
    %swap3A = arith.constant 0 : index
    %swap3A_119 = arith.constant 0 : index
    %swap3A_120 = vector.load %arg12[%swap3A, %swap3A_119] : memref<1024x128xf32, #tpu.memory_space<vmem>>, vector<1024x128xf32>
    tpu.vector_store %arg12[%swap3A, %swap3A_119], %select_n3A_118 {strides = array<i32>} : memref<1024x128xf32, #tpu.memory_space<vmem>>, vector<1024x128xf32>,
    return
  }
}

module attributes {stable_mosaic.version = 14 : i64} {
  func.func @_tc_b2u_body(%arg0: memref<2x1152x128xf32, #tpu.memory_space<vmem>>, %arg1: memref<128x128xf32, #tpu.memory_space<vmem>>, %arg2: memref<1x128xf32, #tpu.memory_space<vmem>>, %arg3: memref<1024x128xf32, #tpu.memory_space<vmem>>) attributes {dimension_semantics = [], scalar_prefetch = 0 : i64, scratch_operands = 0 : i64, tpu.core_type = #tpu.core_type<tc>} {
    %get3A = arith.constant 0 : index
    %get3A_0 = arith.constant 0 : index
    %get3A_1 = arith.constant 0 : index
    %get3A_2 = vector.load %arg0[%get3A, %get3A_0, %get3A_1] : memref<2x1152x128xf32, #tpu.memory_space<vmem>>, vector<1x1024x128xf32>
    %get3A_3 = vector.shape_cast %get3A_2 : vector<1x1024x128xf32> to vector<1024x128xf32>
    %get3A_4 = arith.constant 1 : index
    %get3A_5 = arith.constant 0 : index
    %get3A_6 = arith.constant 0 : index
    %get3A_7 = vector.load %arg0[%get3A_4, %get3A_5, %get3A_6] : memref<2x1152x128xf32, #tpu.memory_space<vmem>>, vector<1x1024x128xf32>
    %get3A_8 = vector.shape_cast %get3A_7 : vector<1x1024x128xf32> to vector<1024x128xf32>
    %add3A = arith.addf %get3A_3, %get3A_8 : vector<1024x128xf32>
    %get3A_9 = arith.constant 0 : index
    %get3A_10 = arith.constant 0 : index
    %get3A_11 = vector.load %arg1[%get3A_9, %get3A_10] : memref<128x128xf32, #tpu.memory_space<vmem>>, vector<128x128xf32>
    %dot_general3A = arith.constant dense<0.000000e+00> : vector<1024x128xf32>
    %dot_general3A_12 = tpu.matmul %add3A, %get3A_11, %dot_general3A {dimension_numbers = #tpu.dot_dimension_numbers<[1], [0], [0], [1], [0, 0, 1, 1], [], []>, transpose_lhs_hint = false} : vector<1024x128xf32>, vector<128x128xf32>, vector<1024x128xf32> -> vector<1024x128xf32>
    %get3A_13 = arith.constant 0 : index
    %get3A_14 = arith.constant 0 : index
    %get3A_15 = vector.load %arg2[%get3A_13, %get3A_14] : memref<1x128xf32, #tpu.memory_space<vmem>>, vector<1x128xf32>
    %add3A_16 = vector.broadcast %get3A_15 : vector<1x128xf32> to vector<1024x128xf32>
    %add3A_17 = arith.addf %dot_general3A_12, %add3A_16 : vector<1024x128xf32>
    %ge3A = arith.constant 0.000000e+00 : f32
    %ge3A_18 = vector.broadcast %ge3A : f32 to vector<1024x128xf32>
    %ge3A_19 = arith.cmpf oge, %add3A_17, %ge3A_18 : vector<1024x128xf32>
    %mul3A = arith.constant 0.00999999977 : f32
    %mul3A_20 = vector.broadcast %mul3A : f32 to vector<1024x128xf32>
    %mul3A_21 = arith.mulf %mul3A_20, %add3A_17 : vector<1024x128xf32>
    %select_n3A = arith.select %ge3A_19, %add3A_17, %mul3A_21 : vector<1024x128xi1>, vector<1024x128xf32>
    %swap3A = arith.constant 0 : index
    %swap3A_22 = arith.constant 0 : index
    %swap3A_23 = vector.load %arg3[%swap3A, %swap3A_22] : memref<1024x128xf32, #tpu.memory_space<vmem>>, vector<1024x128xf32>
    tpu.vector_store %arg3[%swap3A, %swap3A_22], %select_n3A {strides = array<i32>} : memref<1024x128xf32, #tpu.memory_space<vmem>>, vector<1024x128xf32>,
    return
  }
}

module attributes {stable_mosaic.version = 14 : i64} {
  func.func @_tc_zupdate_body(%arg0: i32, %arg1: memref<2000x128xf32, #tpu.memory_space<vmem>>, %arg2: memref<2000x128xf32, #tpu.memory_space<vmem>>, %arg3: memref<2000x128xf32, #tpu.memory_space<vmem>>, %arg4: memref<2000x128xf32, #tpu.memory_space<vmem>>, %arg5: memref<128x128xf32, #tpu.memory_space<vmem>>, %arg6: memref<128x128xf32, #tpu.memory_space<vmem>>, %arg7: memref<1x128xf32, #tpu.memory_space<vmem>>, %arg8: memref<128x384xf32, #tpu.memory_space<vmem>>, %arg9: memref<128x384xf32, #tpu.memory_space<vmem>>, %arg10: memref<1x384xf32, #tpu.memory_space<vmem>>, %arg11: memref<1x384xf32, #tpu.memory_space<vmem>>, %arg12: memref<2000x128xf32, #tpu.memory_space<vmem>>) attributes {dimension_semantics = [#tpu.dimension_semantics<arbitrary>], iteration_bounds = array<i64: 25>, scalar_prefetch = 0 : i64, scratch_operands = 0 : i64, tpu.core_type = #tpu.core_type<tc>, window_params = [{transform_indices = @transform_0, window_bounds = array<i64: 2000, 128>}, {transform_indices = @transform_1, window_bounds = array<i64: 2000, 128>}, {transform_indices = @transform_2, window_bounds = array<i64: 2000, 128>}, {transform_indices = @transform_3, window_bounds = array<i64: 2000, 128>}, {pipeline_mode = #tpu.pipeline_mode<synchronous>, transform_indices = @transform_4, window_bounds = array<i64: 128, 128>}, {pipeline_mode = #tpu.pipeline_mode<synchronous>, transform_indices = @transform_5, window_bounds = array<i64: 128, 128>}, {pipeline_mode = #tpu.pipeline_mode<synchronous>, transform_indices = @transform_6, window_bounds = array<i64: 1, 128>}, {pipeline_mode = #tpu.pipeline_mode<synchronous>, transform_indices = @transform_7, window_bounds = array<i64: 128, 384>}, {pipeline_mode = #tpu.pipeline_mode<synchronous>, transform_indices = @transform_8, window_bounds = array<i64: 128, 384>}, {pipeline_mode = #tpu.pipeline_mode<synchronous>, transform_indices = @transform_9, window_bounds = array<i64: 1, 384>}, {pipeline_mode = #tpu.pipeline_mode<synchronous>, transform_indices = @transform_10, window_bounds = array<i64: 1, 384>}, {transform_indices = @transform_11, window_bounds = array<i64: 2000, 128>}]} {
    %get3A = arith.constant 0 : index
    %get3A_0 = arith.constant 0 : index
    %get3A_1 = vector.load %arg1[%get3A, %get3A_0] : memref<2000x128xf32, #tpu.memory_space<vmem>>, vector<2000x128xf32>
    %get3A_2 = arith.constant 0 : index
    %get3A_3 = arith.constant 0 : index
    %get3A_4 = vector.load %arg2[%get3A_2, %get3A_3] : memref<2000x128xf32, #tpu.memory_space<vmem>>, vector<2000x128xf32>
    %get3A_5 = arith.constant 0 : index
    %get3A_6 = arith.constant 0 : index
    %get3A_7 = vector.load %arg3[%get3A_5, %get3A_6] : memref<2000x128xf32, #tpu.memory_space<vmem>>, vector<2000x128xf32>
    %get3A_8 = arith.constant 0 : index
    %get3A_9 = arith.constant 0 : index
    %get3A_10 = vector.load %arg4[%get3A_8, %get3A_9] : memref<2000x128xf32, #tpu.memory_space<vmem>>, vector<2000x128xf32>
    %get3A_11 = arith.constant 0 : index
    %get3A_12 = arith.constant 0 : index
    %get3A_13 = vector.load %arg5[%get3A_11, %get3A_12] : memref<128x128xf32, #tpu.memory_space<vmem>>, vector<128x128xf32>
    %dot_general3A = arith.constant dense<0.000000e+00> : vector<2000x128xf32>
    %dot_general3A_14 = tpu.matmul %get3A_1, %get3A_13, %dot_general3A {dimension_numbers = #tpu.dot_dimension_numbers<[1], [0], [0], [1], [0, 0, 1, 1], [], []>, transpose_lhs_hint = false} : vector<2000x128xf32>, vector<128x128xf32>, vector<2000x128xf32> -> vector<2000x128xf32>
    %get3A_15 = arith.constant 0 : index
    %get3A_16 = arith.constant 0 : index
    %get3A_17 = vector.load %arg6[%get3A_15, %get3A_16] : memref<128x128xf32, #tpu.memory_space<vmem>>, vector<128x128xf32>
    %dot_general3A_18 = arith.constant dense<0.000000e+00> : vector<2000x128xf32>
    %dot_general3A_19 = tpu.matmul %get3A_4, %get3A_17, %dot_general3A_18 {dimension_numbers = #tpu.dot_dimension_numbers<[1], [0], [0], [1], [0, 0, 1, 1], [], []>, transpose_lhs_hint = false} : vector<2000x128xf32>, vector<128x128xf32>, vector<2000x128xf32> -> vector<2000x128xf32>
    %add3A = arith.addf %dot_general3A_14, %dot_general3A_19 : vector<2000x128xf32>
    %get3A_20 = arith.constant 0 : index
    %get3A_21 = arith.constant 0 : index
    %get3A_22 = vector.load %arg7[%get3A_20, %get3A_21] : memref<1x128xf32, #tpu.memory_space<vmem>>, vector<1x128xf32>
    %add3A_23 = vector.broadcast %get3A_22 : vector<1x128xf32> to vector<2000x128xf32>
    %add3A_24 = arith.addf %add3A, %add3A_23 : vector<2000x128xf32>
    %logistic3A = arith.negf %add3A_24 : vector<2000x128xf32>
    %logistic3A_25 = math.exp %logistic3A : vector<2000x128xf32>
    %logistic3A_26 = arith.constant 1.000000e+00 : f32
    %logistic3A_27 = vector.broadcast %logistic3A_26 : f32 to vector<2000x128xf32>
    %logistic3A_28 = arith.addf %logistic3A_27, %logistic3A_25 : vector<2000x128xf32>
    %logistic3A_29 = arith.divf %logistic3A_27, %logistic3A_28 : vector<2000x128xf32>
    %sub3A = arith.constant 1.000000e+00 : f32
    %sub3A_30 = vector.broadcast %sub3A : f32 to vector<2000x128xf32>
    %sub3A_31 = arith.subf %sub3A_30, %logistic3A_29 : vector<2000x128xf32>
    %mul3A = arith.mulf %sub3A_31, %get3A_4 : vector<2000x128xf32>
    %mul3A_32 = arith.mulf %logistic3A_29, %get3A_1 : vector<2000x128xf32>
    %add3A_33 = arith.addf %mul3A, %mul3A_32 : vector<2000x128xf32>
    %get3A_34 = arith.constant 0 : index
    %get3A_35 = arith.constant 0 : index
    %get3A_36 = vector.load %arg8[%get3A_34, %get3A_35] : memref<128x384xf32, #tpu.memory_space<vmem>>, vector<128x384xf32>
    %dot_general3A_37 = arith.constant dense<0.000000e+00> : vector<2000x384xf32>
    %dot_general3A_38 = tpu.matmul %add3A_33, %get3A_36, %dot_general3A_37 {dimension_numbers = #tpu.dot_dimension_numbers<[1], [0], [0], [1], [0, 0, 1, 1], [], []>, transpose_lhs_hint = false} : vector<2000x128xf32>, vector<128x384xf32>, vector<2000x384xf32> -> vector<2000x384xf32>
    %get3A_39 = arith.constant 0 : index
    %get3A_40 = arith.constant 0 : index
    %get3A_41 = vector.load %arg10[%get3A_39, %get3A_40] : memref<1x384xf32, #tpu.memory_space<vmem>>, vector<1x384xf32>
    %add3A_42 = vector.broadcast %get3A_41 : vector<1x384xf32> to vector<2000x384xf32>
    %add3A_43 = arith.addf %dot_general3A_38, %add3A_42 : vector<2000x384xf32>
    %get3A_44 = arith.constant 0 : index
    %get3A_45 = arith.constant 0 : index
    %get3A_46 = vector.load %arg9[%get3A_44, %get3A_45] : memref<128x384xf32, #tpu.memory_space<vmem>>, vector<128x384xf32>
    %dot_general3A_47 = arith.constant dense<0.000000e+00> : vector<2000x384xf32>
    %dot_general3A_48 = tpu.matmul %get3A_1, %get3A_46, %dot_general3A_47 {dimension_numbers = #tpu.dot_dimension_numbers<[1], [0], [0], [1], [0, 0, 1, 1], [], []>, transpose_lhs_hint = false} : vector<2000x128xf32>, vector<128x384xf32>, vector<2000x384xf32> -> vector<2000x384xf32>
    %get3A_49 = arith.constant 0 : index
    %get3A_50 = arith.constant 0 : index
    %get3A_51 = vector.load %arg11[%get3A_49, %get3A_50] : memref<1x384xf32, #tpu.memory_space<vmem>>, vector<1x384xf32>
    %add3A_52 = vector.broadcast %get3A_51 : vector<1x384xf32> to vector<2000x384xf32>
    %add3A_53 = arith.addf %dot_general3A_48, %add3A_52 : vector<2000x384xf32>
    %slice3A = vector.extract_strided_slice %add3A_43 {offsets = [0, 0], sizes = [2000, 128], strides = [1, 1]} : vector<2000x384xf32> to vector<2000x128xf32>
    %slice3A_54 = vector.extract_strided_slice %add3A_53 {offsets = [0, 0], sizes = [2000, 128], strides = [1, 1]} : vector<2000x384xf32> to vector<2000x128xf32>
    %add3A_55 = arith.addf %slice3A, %slice3A_54 : vector<2000x128xf32>
    %logistic3A_56 = arith.negf %add3A_55 : vector<2000x128xf32>
    %logistic3A_57 = math.exp %logistic3A_56 : vector<2000x128xf32>
    %logistic3A_58 = arith.constant 1.000000e+00 : f32
    %logistic3A_59 = vector.broadcast %logistic3A_58 : f32 to vector<2000x128xf32>
    %logistic3A_60 = arith.addf %logistic3A_59, %logistic3A_57 : vector<2000x128xf32>
    %logistic3A_61 = arith.divf %logistic3A_59, %logistic3A_60 : vector<2000x128xf32>
    %slice3A_62 = vector.extract_strided_slice %add3A_43 {offsets = [0, 128], sizes = [2000, 128], strides = [1, 1]} : vector<2000x384xf32> to vector<2000x128xf32>
    %slice3A_63 = vector.extract_strided_slice %add3A_53 {offsets = [0, 128], sizes = [2000, 128], strides = [1, 1]} : vector<2000x384xf32> to vector<2000x128xf32>
    %add3A_64 = arith.addf %slice3A_62, %slice3A_63 : vector<2000x128xf32>
    %logistic3A_65 = arith.negf %add3A_64 : vector<2000x128xf32>
    %logistic3A_66 = math.exp %logistic3A_65 : vector<2000x128xf32>
    %logistic3A_67 = arith.constant 1.000000e+00 : f32
    %logistic3A_68 = vector.broadcast %logistic3A_67 : f32 to vector<2000x128xf32>
    %logistic3A_69 = arith.addf %logistic3A_68, %logistic3A_66 : vector<2000x128xf32>
    %logistic3A_70 = arith.divf %logistic3A_68, %logistic3A_69 : vector<2000x128xf32>
    %slice3A_71 = vector.extract_strided_slice %add3A_43 {offsets = [0, 256], sizes = [2000, 128], strides = [1, 1]} : vector<2000x384xf32> to vector<2000x128xf32>
    %slice3A_72 = vector.extract_strided_slice %add3A_53 {offsets = [0, 256], sizes = [2000, 128], strides = [1, 1]} : vector<2000x384xf32> to vector<2000x128xf32>
    %mul3A_73 = arith.mulf %logistic3A_61, %slice3A_72 : vector<2000x128xf32>
    %add3A_74 = arith.addf %slice3A_71, %mul3A_73 : vector<2000x128xf32>
    %tanh3A = math.tanh %add3A_74 : vector<2000x128xf32>
    %sub3A_75 = arith.constant 1.000000e+00 : f32
    %sub3A_76 = vector.broadcast %sub3A_75 : f32 to vector<2000x128xf32>
    %sub3A_77 = arith.subf %sub3A_76, %logistic3A_70 : vector<2000x128xf32>
    %mul3A_78 = arith.mulf %sub3A_77, %tanh3A : vector<2000x128xf32>
    %mul3A_79 = arith.mulf %logistic3A_70, %get3A_1 : vector<2000x128xf32>
    %add3A_80 = arith.addf %mul3A_78, %mul3A_79 : vector<2000x128xf32>
    %get3A_81 = arith.constant 0 : index
    %get3A_82 = arith.constant 0 : index
    %get3A_83 = vector.load %arg5[%get3A_81, %get3A_82] : memref<128x128xf32, #tpu.memory_space<vmem>>, vector<128x128xf32>
    %dot_general3A_84 = arith.constant dense<0.000000e+00> : vector<2000x128xf32>
    %dot_general3A_85 = tpu.matmul %add3A_80, %get3A_83, %dot_general3A_84 {dimension_numbers = #tpu.dot_dimension_numbers<[1], [0], [0], [1], [0, 0, 1, 1], [], []>, transpose_lhs_hint = false} : vector<2000x128xf32>, vector<128x128xf32>, vector<2000x128xf32> -> vector<2000x128xf32>
    %get3A_86 = arith.constant 0 : index
    %get3A_87 = arith.constant 0 : index
    %get3A_88 = vector.load %arg6[%get3A_86, %get3A_87] : memref<128x128xf32, #tpu.memory_space<vmem>>, vector<128x128xf32>
    %dot_general3A_89 = arith.constant dense<0.000000e+00> : vector<2000x128xf32>
    %dot_general3A_90 = tpu.matmul %get3A_7, %get3A_88, %dot_general3A_89 {dimension_numbers = #tpu.dot_dimension_numbers<[1], [0], [0], [1], [0, 0, 1, 1], [], []>, transpose_lhs_hint = false} : vector<2000x128xf32>, vector<128x128xf32>, vector<2000x128xf32> -> vector<2000x128xf32>
    %add3A_91 = arith.addf %dot_general3A_85, %dot_general3A_90 : vector<2000x128xf32>
    %get3A_92 = arith.constant 0 : index
    %get3A_93 = arith.constant 0 : index
    %get3A_94 = vector.load %arg7[%get3A_92, %get3A_93] : memref<1x128xf32, #tpu.memory_space<vmem>>, vector<1x128xf32>
    %add3A_95 = vector.broadcast %get3A_94 : vector<1x128xf32> to vector<2000x128xf32>
    %add3A_96 = arith.addf %add3A_91, %add3A_95 : vector<2000x128xf32>
    %logistic3A_97 = arith.negf %add3A_96 : vector<2000x128xf32>
    %logistic3A_98 = math.exp %logistic3A_97 : vector<2000x128xf32>
    %logistic3A_99 = arith.constant 1.000000e+00 : f32
    %logistic3A_100 = vector.broadcast %logistic3A_99 : f32 to vector<2000x128xf32>
    %logistic3A_101 = arith.addf %logistic3A_100, %logistic3A_98 : vector<2000x128xf32>
    %logistic3A_102 = arith.divf %logistic3A_100, %logistic3A_101 : vector<2000x128xf32>
    %sub3A_103 = arith.constant 1.000000e+00 : f32
    %sub3A_104 = vector.broadcast %sub3A_103 : f32 to vector<2000x128xf32>
    %sub3A_105 = arith.subf %sub3A_104, %logistic3A_102 : vector<2000x128xf32>
    %mul3A_106 = arith.mulf %sub3A_105, %get3A_7 : vector<2000x128xf32>
    %mul3A_107 = arith.mulf %logistic3A_102, %add3A_80 : vector<2000x128xf32>
    %add3A_108 = arith.addf %mul3A_106, %mul3A_107 : vector<2000x128xf32>
    %get3A_109 = arith.constant 0 : index
    %get3A_110 = arith.constant 0 : index
    %get3A_111 = vector.load %arg8[%get3A_109, %get3A_110] : memref<128x384xf32, #tpu.memory_space<vmem>>, vector<128x384xf32>
    %dot_general3A_112 = arith.constant dense<0.000000e+00> : vector<2000x384xf32>
    %dot_general3A_113 = tpu.matmul %add3A_108, %get3A_111, %dot_general3A_112 {dimension_numbers = #tpu.dot_dimension_numbers<[1], [0], [0], [1], [0, 0, 1, 1], [], []>, transpose_lhs_hint = false} : vector<2000x128xf32>, vector<128x384xf32>, vector<2000x384xf32> -> vector<2000x384xf32>
    %get3A_114 = arith.constant 0 : index
    %get3A_115 = arith.constant 0 : index
    %get3A_116 = vector.load %arg10[%get3A_114, %get3A_115] : memref<1x384xf32, #tpu.memory_space<vmem>>, vector<1x384xf32>
    %add3A_117 = vector.broadcast %get3A_116 : vector<1x384xf32> to vector<2000x384xf32>
    %add3A_118 = arith.addf %dot_general3A_113, %add3A_117 : vector<2000x384xf32>
    %get3A_119 = arith.constant 0 : index
    %get3A_120 = arith.constant 0 : index
    %get3A_121 = vector.load %arg9[%get3A_119, %get3A_120] : memref<128x384xf32, #tpu.memory_space<vmem>>, vector<128x384xf32>
    %dot_general3A_122 = arith.constant dense<0.000000e+00> : vector<2000x384xf32>
    %dot_general3A_123 = tpu.matmul %add3A_80, %get3A_121, %dot_general3A_122 {dimension_numbers = #tpu.dot_dimension_numbers<[1], [0], [0], [1], [0, 0, 1, 1], [], []>, transpose_lhs_hint = false} : vector<2000x128xf32>, vector<128x384xf32>, vector<2000x384xf32> -> vector<2000x384xf32>
    %get3A_124 = arith.constant 0 : index
    %get3A_125 = arith.constant 0 : index
    %get3A_126 = vector.load %arg11[%get3A_124, %get3A_125] : memref<1x384xf32, #tpu.memory_space<vmem>>, vector<1x384xf32>
    %add3A_127 = vector.broadcast %get3A_126 : vector<1x384xf32> to vector<2000x384xf32>
    %add3A_128 = arith.addf %dot_general3A_123, %add3A_127 : vector<2000x384xf32>
    %slice3A_129 = vector.extract_strided_slice %add3A_118 {offsets = [0, 0], sizes = [2000, 128], strides = [1, 1]} : vector<2000x384xf32> to vector<2000x128xf32>
    %slice3A_130 = vector.extract_strided_slice %add3A_128 {offsets = [0, 0], sizes = [2000, 128], strides = [1, 1]} : vector<2000x384xf32> to vector<2000x128xf32>
    %add3A_131 = arith.addf %slice3A_129, %slice3A_130 : vector<2000x128xf32>
    %logistic3A_132 = arith.negf %add3A_131 : vector<2000x128xf32>
    %logistic3A_133 = math.exp %logistic3A_132 : vector<2000x128xf32>
    %logistic3A_134 = arith.constant 1.000000e+00 : f32
    %logistic3A_135 = vector.broadcast %logistic3A_134 : f32 to vector<2000x128xf32>
    %logistic3A_136 = arith.addf %logistic3A_135, %logistic3A_133 : vector<2000x128xf32>
    %logistic3A_137 = arith.divf %logistic3A_135, %logistic3A_136 : vector<2000x128xf32>
    %slice3A_138 = vector.extract_strided_slice %add3A_118 {offsets = [0, 128], sizes = [2000, 128], strides = [1, 1]} : vector<2000x384xf32> to vector<2000x128xf32>
    %slice3A_139 = vector.extract_strided_slice %add3A_128 {offsets = [0, 128], sizes = [2000, 128], strides = [1, 1]} : vector<2000x384xf32> to vector<2000x128xf32>
    %add3A_140 = arith.addf %slice3A_138, %slice3A_139 : vector<2000x128xf32>
    %logistic3A_141 = arith.negf %add3A_140 : vector<2000x128xf32>
    %logistic3A_142 = math.exp %logistic3A_141 : vector<2000x128xf32>
    %logistic3A_143 = arith.constant 1.000000e+00 : f32
    %logistic3A_144 = vector.broadcast %logistic3A_143 : f32 to vector<2000x128xf32>
    %logistic3A_145 = arith.addf %logistic3A_144, %logistic3A_142 : vector<2000x128xf32>
    %logistic3A_146 = arith.divf %logistic3A_144, %logistic3A_145 : vector<2000x128xf32>
    %slice3A_147 = vector.extract_strided_slice %add3A_118 {offsets = [0, 256], sizes = [2000, 128], strides = [1, 1]} : vector<2000x384xf32> to vector<2000x128xf32>
    %slice3A_148 = vector.extract_strided_slice %add3A_128 {offsets = [0, 256], sizes = [2000, 128], strides = [1, 1]} : vector<2000x384xf32> to vector<2000x128xf32>
    %mul3A_149 = arith.mulf %logistic3A_137, %slice3A_148 : vector<2000x128xf32>
    %add3A_150 = arith.addf %slice3A_147, %mul3A_149 : vector<2000x128xf32>
    %tanh3A_151 = math.tanh %add3A_150 : vector<2000x128xf32>
    %sub3A_152 = arith.constant 1.000000e+00 : f32
    %sub3A_153 = vector.broadcast %sub3A_152 : f32 to vector<2000x128xf32>
    %sub3A_154 = arith.subf %sub3A_153, %logistic3A_146 : vector<2000x128xf32>
    %mul3A_155 = arith.mulf %sub3A_154, %tanh3A_151 : vector<2000x128xf32>
    %mul3A_156 = arith.mulf %logistic3A_146, %add3A_80 : vector<2000x128xf32>
    %add3A_157 = arith.addf %mul3A_155, %mul3A_156 : vector<2000x128xf32>
    %get3A_158 = arith.constant 0 : index
    %get3A_159 = arith.constant 0 : index
    %get3A_160 = vector.load %arg5[%get3A_158, %get3A_159] : memref<128x128xf32, #tpu.memory_space<vmem>>, vector<128x128xf32>
    %dot_general3A_161 = arith.constant dense<0.000000e+00> : vector<2000x128xf32>
    %dot_general3A_162 = tpu.matmul %add3A_157, %get3A_160, %dot_general3A_161 {dimension_numbers = #tpu.dot_dimension_numbers<[1], [0], [0], [1], [0, 0, 1, 1], [], []>, transpose_lhs_hint = false} : vector<2000x128xf32>, vector<128x128xf32>, vector<2000x128xf32> -> vector<2000x128xf32>
    %get3A_163 = arith.constant 0 : index
    %get3A_164 = arith.constant 0 : index
    %get3A_165 = vector.load %arg6[%get3A_163, %get3A_164] : memref<128x128xf32, #tpu.memory_space<vmem>>, vector<128x128xf32>
    %dot_general3A_166 = arith.constant dense<0.000000e+00> : vector<2000x128xf32>
    %dot_general3A_167 = tpu.matmul %get3A_10, %get3A_165, %dot_general3A_166 {dimension_numbers = #tpu.dot_dimension_numbers<[1], [0], [0], [1], [0, 0, 1, 1], [], []>, transpose_lhs_hint = false} : vector<2000x128xf32>, vector<128x128xf32>, vector<2000x128xf32> -> vector<2000x128xf32>
    %add3A_168 = arith.addf %dot_general3A_162, %dot_general3A_167 : vector<2000x128xf32>
    %get3A_169 = arith.constant 0 : index
    %get3A_170 = arith.constant 0 : index
    %get3A_171 = vector.load %arg7[%get3A_169, %get3A_170] : memref<1x128xf32, #tpu.memory_space<vmem>>, vector<1x128xf32>
    %add3A_172 = vector.broadcast %get3A_171 : vector<1x128xf32> to vector<2000x128xf32>
    %add3A_173 = arith.addf %add3A_168, %add3A_172 : vector<2000x128xf32>
    %logistic3A_174 = arith.negf %add3A_173 : vector<2000x128xf32>
    %logistic3A_175 = math.exp %logistic3A_174 : vector<2000x128xf32>
    %logistic3A_176 = arith.constant 1.000000e+00 : f32
    %logistic3A_177 = vector.broadcast %logistic3A_176 : f32 to vector<2000x128xf32>
    %logistic3A_178 = arith.addf %logistic3A_177, %logistic3A_175 : vector<2000x128xf32>
    %logistic3A_179 = arith.divf %logistic3A_177, %logistic3A_178 : vector<2000x128xf32>
    %sub3A_180 = arith.constant 1.000000e+00 : f32
    %sub3A_181 = vector.broadcast %sub3A_180 : f32 to vector<2000x128xf32>
    %sub3A_182 = arith.subf %sub3A_181, %logistic3A_179 : vector<2000x128xf32>
    %mul3A_183 = arith.mulf %sub3A_182, %get3A_10 : vector<2000x128xf32>
    %mul3A_184 = arith.mulf %logistic3A_179, %add3A_157 : vector<2000x128xf32>
    %add3A_185 = arith.addf %mul3A_183, %mul3A_184 : vector<2000x128xf32>
    %get3A_186 = arith.constant 0 : index
    %get3A_187 = arith.constant 0 : index
    %get3A_188 = vector.load %arg8[%get3A_186, %get3A_187] : memref<128x384xf32, #tpu.memory_space<vmem>>, vector<128x384xf32>
    %dot_general3A_189 = arith.constant dense<0.000000e+00> : vector<2000x384xf32>
    %dot_general3A_190 = tpu.matmul %add3A_185, %get3A_188, %dot_general3A_189 {dimension_numbers = #tpu.dot_dimension_numbers<[1], [0], [0], [1], [0, 0, 1, 1], [], []>, transpose_lhs_hint = false} : vector<2000x128xf32>, vector<128x384xf32>, vector<2000x384xf32> -> vector<2000x384xf32>
    %get3A_191 = arith.constant 0 : index
    %get3A_192 = arith.constant 0 : index
    %get3A_193 = vector.load %arg10[%get3A_191, %get3A_192] : memref<1x384xf32, #tpu.memory_space<vmem>>, vector<1x384xf32>
    %add3A_194 = vector.broadcast %get3A_193 : vector<1x384xf32> to vector<2000x384xf32>
    %add3A_195 = arith.addf %dot_general3A_190, %add3A_194 : vector<2000x384xf32>
    %get3A_196 = arith.constant 0 : index
    %get3A_197 = arith.constant 0 : index
    %get3A_198 = vector.load %arg9[%get3A_196, %get3A_197] : memref<128x384xf32, #tpu.memory_space<vmem>>, vector<128x384xf32>
    %dot_general3A_199 = arith.constant dense<0.000000e+00> : vector<2000x384xf32>
    %dot_general3A_200 = tpu.matmul %add3A_157, %get3A_198, %dot_general3A_199 {dimension_numbers = #tpu.dot_dimension_numbers<[1], [0], [0], [1], [0, 0, 1, 1], [], []>, transpose_lhs_hint = false} : vector<2000x128xf32>, vector<128x384xf32>, vector<2000x384xf32> -> vector<2000x384xf32>
    %get3A_201 = arith.constant 0 : index
    %get3A_202 = arith.constant 0 : index
    %get3A_203 = vector.load %arg11[%get3A_201, %get3A_202] : memref<1x384xf32, #tpu.memory_space<vmem>>, vector<1x384xf32>
    %add3A_204 = vector.broadcast %get3A_203 : vector<1x384xf32> to vector<2000x384xf32>
    %add3A_205 = arith.addf %dot_general3A_200, %add3A_204 : vector<2000x384xf32>
    %slice3A_206 = vector.extract_strided_slice %add3A_195 {offsets = [0, 0], sizes = [2000, 128], strides = [1, 1]} : vector<2000x384xf32> to vector<2000x128xf32>
    %slice3A_207 = vector.extract_strided_slice %add3A_205 {offsets = [0, 0], sizes = [2000, 128], strides = [1, 1]} : vector<2000x384xf32> to vector<2000x128xf32>
    %add3A_208 = arith.addf %slice3A_206, %slice3A_207 : vector<2000x128xf32>
    %logistic3A_209 = arith.negf %add3A_208 : vector<2000x128xf32>
    %logistic3A_210 = math.exp %logistic3A_209 : vector<2000x128xf32>
    %logistic3A_211 = arith.constant 1.000000e+00 : f32
    %logistic3A_212 = vector.broadcast %logistic3A_211 : f32 to vector<2000x128xf32>
    %logistic3A_213 = arith.addf %logistic3A_212, %logistic3A_210 : vector<2000x128xf32>
    %logistic3A_214 = arith.divf %logistic3A_212, %logistic3A_213 : vector<2000x128xf32>
    %slice3A_215 = vector.extract_strided_slice %add3A_195 {offsets = [0, 128], sizes = [2000, 128], strides = [1, 1]} : vector<2000x384xf32> to vector<2000x128xf32>
    %slice3A_216 = vector.extract_strided_slice %add3A_205 {offsets = [0, 128], sizes = [2000, 128], strides = [1, 1]} : vector<2000x384xf32> to vector<2000x128xf32>
    %add3A_217 = arith.addf %slice3A_215, %slice3A_216 : vector<2000x128xf32>
    %logistic3A_218 = arith.negf %add3A_217 : vector<2000x128xf32>
    %logistic3A_219 = math.exp %logistic3A_218 : vector<2000x128xf32>
    %logistic3A_220 = arith.constant 1.000000e+00 : f32
    %logistic3A_221 = vector.broadcast %logistic3A_220 : f32 to vector<2000x128xf32>
    %logistic3A_222 = arith.addf %logistic3A_221, %logistic3A_219 : vector<2000x128xf32>
    %logistic3A_223 = arith.divf %logistic3A_221, %logistic3A_222 : vector<2000x128xf32>
    %slice3A_224 = vector.extract_strided_slice %add3A_195 {offsets = [0, 256], sizes = [2000, 128], strides = [1, 1]} : vector<2000x384xf32> to vector<2000x128xf32>
    %slice3A_225 = vector.extract_strided_slice %add3A_205 {offsets = [0, 256], sizes = [2000, 128], strides = [1, 1]} : vector<2000x384xf32> to vector<2000x128xf32>
    %mul3A_226 = arith.mulf %logistic3A_214, %slice3A_225 : vector<2000x128xf32>
    %add3A_227 = arith.addf %slice3A_224, %mul3A_226 : vector<2000x128xf32>
    %tanh3A_228 = math.tanh %add3A_227 : vector<2000x128xf32>
    %sub3A_229 = arith.constant 1.000000e+00 : f32
    %sub3A_230 = vector.broadcast %sub3A_229 : f32 to vector<2000x128xf32>
    %sub3A_231 = arith.subf %sub3A_230, %logistic3A_223 : vector<2000x128xf32>
    %mul3A_232 = arith.mulf %sub3A_231, %tanh3A_228 : vector<2000x128xf32>
    %mul3A_233 = arith.mulf %logistic3A_223, %add3A_157 : vector<2000x128xf32>
    %add3A_234 = arith.addf %mul3A_232, %mul3A_233 : vector<2000x128xf32>
    %swap3A = arith.constant 0 : index
    %swap3A_235 = arith.constant 0 : index
    %swap3A_236 = vector.load %arg12[%swap3A, %swap3A_235] : memref<2000x128xf32, #tpu.memory_space<vmem>>, vector<2000x128xf32>
    tpu.vector_store %arg12[%swap3A, %swap3A_235], %add3A_234 {strides = array<i32>} : memref<2000x128xf32, #tpu.memory_space<vmem>>, vector<2000x128xf32>,
    return
  }
  func.func @transform_0(%arg0: i32) -> (i32, i32) {
    %c0_i32 = arith.constant 0 : i32
    %c0_i32_0 = arith.constant 0 : i32
    return %arg0, %c0_i32 : i32, i32
  }
  func.func @transform_1(%arg0: i32) -> (i32, i32) {
    %c1_i32 = arith.constant 1 : i32
    %c0_i32 = arith.constant 0 : i32
    return %arg0, %c1_i32 : i32, i32
  }
  func.func @transform_2(%arg0: i32) -> (i32, i32) {
    %c1_i32 = arith.constant 1 : i32
    %c0_i32 = arith.constant 0 : i32
    return %arg0, %c1_i32 : i32, i32
  }
  func.func @transform_3(%arg0: i32) -> (i32, i32) {
    %c0_i32 = arith.constant 0 : i32
    %c0_i32_0 = arith.constant 0 : i32
    return %arg0, %c0_i32 : i32, i32
  }
  func.func @transform_4(%arg0: i32) -> (i32, i32) {
    %c0_i32 = arith.constant 0 : i32
    %c0_i32_0 = arith.constant 0 : i32
    %c0_i32_1 = arith.constant 0 : i32
    return %c0_i32, %c0_i32_0 : i32, i32
  }
  func.func @transform_5(%arg0: i32) -> (i32, i32) {
    %c0_i32 = arith.constant 0 : i32
    %c0_i32_0 = arith.constant 0 : i32
    %c0_i32_1 = arith.constant 0 : i32
    return %c0_i32, %c0_i32_0 : i32, i32
  }
  func.func @transform_6(%arg0: i32) -> (i32, i32) {
    %c0_i32 = arith.constant 0 : i32
    %c0_i32_0 = arith.constant 0 : i32
    %c0_i32_1 = arith.constant 0 : i32
    return %c0_i32, %c0_i32_0 : i32, i32
  }
  func.func @transform_7(%arg0: i32) -> (i32, i32) {
    %c0_i32 = arith.constant 0 : i32
    %c0_i32_0 = arith.constant 0 : i32
    %c0_i32_1 = arith.constant 0 : i32
    return %c0_i32, %c0_i32_0 : i32, i32
  }
  func.func @transform_8(%arg0: i32) -> (i32, i32) {
    %c0_i32 = arith.constant 0 : i32
    %c0_i32_0 = arith.constant 0 : i32
    %c0_i32_1 = arith.constant 0 : i32
    return %c0_i32, %c0_i32_0 : i32, i32
  }
  func.func @transform_9(%arg0: i32) -> (i32, i32) {
    %c0_i32 = arith.constant 0 : i32
    %c0_i32_0 = arith.constant 0 : i32
    %c0_i32_1 = arith.constant 0 : i32
    return %c0_i32, %c0_i32_0 : i32, i32
  }
  func.func @transform_10(%arg0: i32) -> (i32, i32) {
    %c0_i32 = arith.constant 0 : i32
    %c0_i32_0 = arith.constant 0 : i32
    %c0_i32_1 = arith.constant 0 : i32
    return %c0_i32, %c0_i32_0 : i32, i32
  }
  func.func @transform_11(%arg0: i32) -> (i32, i32) {
    %c0_i32 = arith.constant 0 : i32
    %c0_i32_0 = arith.constant 0 : i32
    return %arg0, %c0_i32 : i32, i32
  }
}

module attributes {stable_mosaic.version = 14 : i64} {
  func.func @_tc_hupdate_body(%arg0: i32, %arg1: memref<2000x128xf32, #tpu.memory_space<vmem>>, %arg2: memref<2000x128xf32, #tpu.memory_space<vmem>>, %arg3: memref<128x384xf32, #tpu.memory_space<vmem>>, %arg4: memref<128x384xf32, #tpu.memory_space<vmem>>, %arg5: memref<1x384xf32, #tpu.memory_space<vmem>>, %arg6: memref<1x384xf32, #tpu.memory_space<vmem>>, %arg7: memref<2000x128xf32, #tpu.memory_space<vmem>>) attributes {dimension_semantics = [#tpu.dimension_semantics<arbitrary>], iteration_bounds = array<i64: 25>, scalar_prefetch = 0 : i64, scratch_operands = 0 : i64, tpu.core_type = #tpu.core_type<tc>, window_params = [{transform_indices = @transform_0, window_bounds = array<i64: 2000, 128>}, {transform_indices = @transform_1, window_bounds = array<i64: 2000, 128>}, {pipeline_mode = #tpu.pipeline_mode<synchronous>, transform_indices = @transform_2, window_bounds = array<i64: 128, 384>}, {pipeline_mode = #tpu.pipeline_mode<synchronous>, transform_indices = @transform_3, window_bounds = array<i64: 128, 384>}, {pipeline_mode = #tpu.pipeline_mode<synchronous>, transform_indices = @transform_4, window_bounds = array<i64: 1, 384>}, {pipeline_mode = #tpu.pipeline_mode<synchronous>, transform_indices = @transform_5, window_bounds = array<i64: 1, 384>}, {transform_indices = @transform_6, window_bounds = array<i64: 2000, 128>}]} {
    %get3A = arith.constant 0 : index
    %get3A_0 = arith.constant 0 : index
    %get3A_1 = vector.load %arg1[%get3A, %get3A_0] : memref<2000x128xf32, #tpu.memory_space<vmem>>, vector<2000x128xf32>
    %get3A_2 = arith.constant 0 : index
    %get3A_3 = arith.constant 0 : index
    %get3A_4 = vector.load %arg2[%get3A_2, %get3A_3] : memref<2000x128xf32, #tpu.memory_space<vmem>>, vector<2000x128xf32>
    %get3A_5 = arith.constant 0 : index
    %get3A_6 = arith.constant 0 : index
    %get3A_7 = vector.load %arg3[%get3A_5, %get3A_6] : memref<128x384xf32, #tpu.memory_space<vmem>>, vector<128x384xf32>
    %dot_general3A = arith.constant dense<0.000000e+00> : vector<2000x384xf32>
    %dot_general3A_8 = tpu.matmul %get3A_4, %get3A_7, %dot_general3A {dimension_numbers = #tpu.dot_dimension_numbers<[1], [0], [0], [1], [0, 0, 1, 1], [], []>, transpose_lhs_hint = false} : vector<2000x128xf32>, vector<128x384xf32>, vector<2000x384xf32> -> vector<2000x384xf32>
    %get3A_9 = arith.constant 0 : index
    %get3A_10 = arith.constant 0 : index
    %get3A_11 = vector.load %arg5[%get3A_9, %get3A_10] : memref<1x384xf32, #tpu.memory_space<vmem>>, vector<1x384xf32>
    %add3A = vector.broadcast %get3A_11 : vector<1x384xf32> to vector<2000x384xf32>
    %add3A_12 = arith.addf %dot_general3A_8, %add3A : vector<2000x384xf32>
    %get3A_13 = arith.constant 0 : index
    %get3A_14 = arith.constant 0 : index
    %get3A_15 = vector.load %arg4[%get3A_13, %get3A_14] : memref<128x384xf32, #tpu.memory_space<vmem>>, vector<128x384xf32>
    %dot_general3A_16 = arith.constant dense<0.000000e+00> : vector<2000x384xf32>
    %dot_general3A_17 = tpu.matmul %get3A_1, %get3A_15, %dot_general3A_16 {dimension_numbers = #tpu.dot_dimension_numbers<[1], [0], [0], [1], [0, 0, 1, 1], [], []>, transpose_lhs_hint = false} : vector<2000x128xf32>, vector<128x384xf32>, vector<2000x384xf32> -> vector<2000x384xf32>
    %get3A_18 = arith.constant 0 : index
    %get3A_19 = arith.constant 0 : index
    %get3A_20 = vector.load %arg6[%get3A_18, %get3A_19] : memref<1x384xf32, #tpu.memory_space<vmem>>, vector<1x384xf32>
    %add3A_21 = vector.broadcast %get3A_20 : vector<1x384xf32> to vector<2000x384xf32>
    %add3A_22 = arith.addf %dot_general3A_17, %add3A_21 : vector<2000x384xf32>
    %slice3A = vector.extract_strided_slice %add3A_12 {offsets = [0, 0], sizes = [2000, 128], strides = [1, 1]} : vector<2000x384xf32> to vector<2000x128xf32>
    %slice3A_23 = vector.extract_strided_slice %add3A_22 {offsets = [0, 0], sizes = [2000, 128], strides = [1, 1]} : vector<2000x384xf32> to vector<2000x128xf32>
    %add3A_24 = arith.addf %slice3A, %slice3A_23 : vector<2000x128xf32>
    %logistic3A = arith.negf %add3A_24 : vector<2000x128xf32>
    %logistic3A_25 = math.exp %logistic3A : vector<2000x128xf32>
    %logistic3A_26 = arith.constant 1.000000e+00 : f32
    %logistic3A_27 = vector.broadcast %logistic3A_26 : f32 to vector<2000x128xf32>
    %logistic3A_28 = arith.addf %logistic3A_27, %logistic3A_25 : vector<2000x128xf32>
    %logistic3A_29 = arith.divf %logistic3A_27, %logistic3A_28 : vector<2000x128xf32>
    %slice3A_30 = vector.extract_strided_slice %add3A_12 {offsets = [0, 128], sizes = [2000, 128], strides = [1, 1]} : vector<2000x384xf32> to vector<2000x128xf32>
    %slice3A_31 = vector.extract_strided_slice %add3A_22 {offsets = [0, 128], sizes = [2000, 128], strides = [1, 1]} : vector<2000x384xf32> to vector<2000x128xf32>
    %add3A_32 = arith.addf %slice3A_30, %slice3A_31 : vector<2000x128xf32>
    %logistic3A_33 = arith.negf %add3A_32 : vector<2000x128xf32>
    %logistic3A_34 = math.exp %logistic3A_33 : vector<2000x128xf32>
    %logistic3A_35 = arith.constant 1.000000e+00 : f32
    %logistic3A_36 = vector.broadcast %logistic3A_35 : f32 to vector<2000x128xf32>
    %logistic3A_37 = arith.addf %logistic3A_36, %logistic3A_34 : vector<2000x128xf32>
    %logistic3A_38 = arith.divf %logistic3A_36, %logistic3A_37 : vector<2000x128xf32>
    %slice3A_39 = vector.extract_strided_slice %add3A_12 {offsets = [0, 256], sizes = [2000, 128], strides = [1, 1]} : vector<2000x384xf32> to vector<2000x128xf32>
    %slice3A_40 = vector.extract_strided_slice %add3A_22 {offsets = [0, 256], sizes = [2000, 128], strides = [1, 1]} : vector<2000x384xf32> to vector<2000x128xf32>
    %mul3A = arith.mulf %logistic3A_29, %slice3A_40 : vector<2000x128xf32>
    %add3A_41 = arith.addf %slice3A_39, %mul3A : vector<2000x128xf32>
    %tanh3A = math.tanh %add3A_41 : vector<2000x128xf32>
    %sub3A = arith.constant 1.000000e+00 : f32
    %sub3A_42 = vector.broadcast %sub3A : f32 to vector<2000x128xf32>
    %sub3A_43 = arith.subf %sub3A_42, %logistic3A_38 : vector<2000x128xf32>
    %mul3A_44 = arith.mulf %sub3A_43, %tanh3A : vector<2000x128xf32>
    %mul3A_45 = arith.mulf %logistic3A_38, %get3A_1 : vector<2000x128xf32>
    %add3A_46 = arith.addf %mul3A_44, %mul3A_45 : vector<2000x128xf32>
    %get3A_47 = arith.constant 0 : index
    %get3A_48 = arith.constant 0 : index
    %get3A_49 = vector.load %arg4[%get3A_47, %get3A_48] : memref<128x384xf32, #tpu.memory_space<vmem>>, vector<128x384xf32>
    %dot_general3A_50 = arith.constant dense<0.000000e+00> : vector<2000x384xf32>
    %dot_general3A_51 = tpu.matmul %add3A_46, %get3A_49, %dot_general3A_50 {dimension_numbers = #tpu.dot_dimension_numbers<[1], [0], [0], [1], [0, 0, 1, 1], [], []>, transpose_lhs_hint = false} : vector<2000x128xf32>, vector<128x384xf32>, vector<2000x384xf32> -> vector<2000x384xf32>
    %get3A_52 = arith.constant 0 : index
    %get3A_53 = arith.constant 0 : index
    %get3A_54 = vector.load %arg6[%get3A_52, %get3A_53] : memref<1x384xf32, #tpu.memory_space<vmem>>, vector<1x384xf32>
    %add3A_55 = vector.broadcast %get3A_54 : vector<1x384xf32> to vector<2000x384xf32>
    %add3A_56 = arith.addf %dot_general3A_51, %add3A_55 : vector<2000x384xf32>
    %slice3A_57 = vector.extract_strided_slice %add3A_12 {offsets = [0, 0], sizes = [2000, 128], strides = [1, 1]} : vector<2000x384xf32> to vector<2000x128xf32>
    %slice3A_58 = vector.extract_strided_slice %add3A_56 {offsets = [0, 0], sizes = [2000, 128], strides = [1, 1]} : vector<2000x384xf32> to vector<2000x128xf32>
    %add3A_59 = arith.addf %slice3A_57, %slice3A_58 : vector<2000x128xf32>
    %logistic3A_60 = arith.negf %add3A_59 : vector<2000x128xf32>
    %logistic3A_61 = math.exp %logistic3A_60 : vector<2000x128xf32>
    %logistic3A_62 = arith.constant 1.000000e+00 : f32
    %logistic3A_63 = vector.broadcast %logistic3A_62 : f32 to vector<2000x128xf32>
    %logistic3A_64 = arith.addf %logistic3A_63, %logistic3A_61 : vector<2000x128xf32>
    %logistic3A_65 = arith.divf %logistic3A_63, %logistic3A_64 : vector<2000x128xf32>
    %slice3A_66 = vector.extract_strided_slice %add3A_12 {offsets = [0, 128], sizes = [2000, 128], strides = [1, 1]} : vector<2000x384xf32> to vector<2000x128xf32>
    %slice3A_67 = vector.extract_strided_slice %add3A_56 {offsets = [0, 128], sizes = [2000, 128], strides = [1, 1]} : vector<2000x384xf32> to vector<2000x128xf32>
    %add3A_68 = arith.addf %slice3A_66, %slice3A_67 : vector<2000x128xf32>
    %logistic3A_69 = arith.negf %add3A_68 : vector<2000x128xf32>
    %logistic3A_70 = math.exp %logistic3A_69 : vector<2000x128xf32>
    %logistic3A_71 = arith.constant 1.000000e+00 : f32
    %logistic3A_72 = vector.broadcast %logistic3A_71 : f32 to vector<2000x128xf32>
    %logistic3A_73 = arith.addf %logistic3A_72, %logistic3A_70 : vector<2000x128xf32>
    %logistic3A_74 = arith.divf %logistic3A_72, %logistic3A_73 : vector<2000x128xf32>
    %slice3A_75 = vector.extract_strided_slice %add3A_12 {offsets = [0, 256], sizes = [2000, 128], strides = [1, 1]} : vector<2000x384xf32> to vector<2000x128xf32>
    %slice3A_76 = vector.extract_strided_slice %add3A_56 {offsets = [0, 256], sizes = [2000, 128], strides = [1, 1]} : vector<2000x384xf32> to vector<2000x128xf32>
    %mul3A_77 = arith.mulf %logistic3A_65, %slice3A_76 : vector<2000x128xf32>
    %add3A_78 = arith.addf %slice3A_75, %mul3A_77 : vector<2000x128xf32>
    %tanh3A_79 = math.tanh %add3A_78 : vector<2000x128xf32>
    %sub3A_80 = arith.constant 1.000000e+00 : f32
    %sub3A_81 = vector.broadcast %sub3A_80 : f32 to vector<2000x128xf32>
    %sub3A_82 = arith.subf %sub3A_81, %logistic3A_74 : vector<2000x128xf32>
    %mul3A_83 = arith.mulf %sub3A_82, %tanh3A_79 : vector<2000x128xf32>
    %mul3A_84 = arith.mulf %logistic3A_74, %add3A_46 : vector<2000x128xf32>
    %add3A_85 = arith.addf %mul3A_83, %mul3A_84 : vector<2000x128xf32>
    %get3A_86 = arith.constant 0 : index
    %get3A_87 = arith.constant 0 : index
    %get3A_88 = vector.load %arg4[%get3A_86, %get3A_87] : memref<128x384xf32, #tpu.memory_space<vmem>>, vector<128x384xf32>
    %dot_general3A_89 = arith.constant dense<0.000000e+00> : vector<2000x384xf32>
    %dot_general3A_90 = tpu.matmul %add3A_85, %get3A_88, %dot_general3A_89 {dimension_numbers = #tpu.dot_dimension_numbers<[1], [0], [0], [1], [0, 0, 1, 1], [], []>, transpose_lhs_hint = false} : vector<2000x128xf32>, vector<128x384xf32>, vector<2000x384xf32> -> vector<2000x384xf32>
    %get3A_91 = arith.constant 0 : index
    %get3A_92 = arith.constant 0 : index
    %get3A_93 = vector.load %arg6[%get3A_91, %get3A_92] : memref<1x384xf32, #tpu.memory_space<vmem>>, vector<1x384xf32>
    %add3A_94 = vector.broadcast %get3A_93 : vector<1x384xf32> to vector<2000x384xf32>
    %add3A_95 = arith.addf %dot_general3A_90, %add3A_94 : vector<2000x384xf32>
    %slice3A_96 = vector.extract_strided_slice %add3A_12 {offsets = [0, 0], sizes = [2000, 128], strides = [1, 1]} : vector<2000x384xf32> to vector<2000x128xf32>
    %slice3A_97 = vector.extract_strided_slice %add3A_95 {offsets = [0, 0], sizes = [2000, 128], strides = [1, 1]} : vector<2000x384xf32> to vector<2000x128xf32>
    %add3A_98 = arith.addf %slice3A_96, %slice3A_97 : vector<2000x128xf32>
    %logistic3A_99 = arith.negf %add3A_98 : vector<2000x128xf32>
    %logistic3A_100 = math.exp %logistic3A_99 : vector<2000x128xf32>
    %logistic3A_101 = arith.constant 1.000000e+00 : f32
    %logistic3A_102 = vector.broadcast %logistic3A_101 : f32 to vector<2000x128xf32>
    %logistic3A_103 = arith.addf %logistic3A_102, %logistic3A_100 : vector<2000x128xf32>
    %logistic3A_104 = arith.divf %logistic3A_102, %logistic3A_103 : vector<2000x128xf32>
    %slice3A_105 = vector.extract_strided_slice %add3A_12 {offsets = [0, 128], sizes = [2000, 128], strides = [1, 1]} : vector<2000x384xf32> to vector<2000x128xf32>
    %slice3A_106 = vector.extract_strided_slice %add3A_95 {offsets = [0, 128], sizes = [2000, 128], strides = [1, 1]} : vector<2000x384xf32> to vector<2000x128xf32>
    %add3A_107 = arith.addf %slice3A_105, %slice3A_106 : vector<2000x128xf32>
    %logistic3A_108 = arith.negf %add3A_107 : vector<2000x128xf32>
    %logistic3A_109 = math.exp %logistic3A_108 : vector<2000x128xf32>
    %logistic3A_110 = arith.constant 1.000000e+00 : f32
    %logistic3A_111 = vector.broadcast %logistic3A_110 : f32 to vector<2000x128xf32>
    %logistic3A_112 = arith.addf %logistic3A_111, %logistic3A_109 : vector<2000x128xf32>
    %logistic3A_113 = arith.divf %logistic3A_111, %logistic3A_112 : vector<2000x128xf32>
    %slice3A_114 = vector.extract_strided_slice %add3A_12 {offsets = [0, 256], sizes = [2000, 128], strides = [1, 1]} : vector<2000x384xf32> to vector<2000x128xf32>
    %slice3A_115 = vector.extract_strided_slice %add3A_95 {offsets = [0, 256], sizes = [2000, 128], strides = [1, 1]} : vector<2000x384xf32> to vector<2000x128xf32>
    %mul3A_116 = arith.mulf %logistic3A_104, %slice3A_115 : vector<2000x128xf32>
    %add3A_117 = arith.addf %slice3A_114, %mul3A_116 : vector<2000x128xf32>
    %tanh3A_118 = math.tanh %add3A_117 : vector<2000x128xf32>
    %sub3A_119 = arith.constant 1.000000e+00 : f32
    %sub3A_120 = vector.broadcast %sub3A_119 : f32 to vector<2000x128xf32>
    %sub3A_121 = arith.subf %sub3A_120, %logistic3A_113 : vector<2000x128xf32>
    %mul3A_122 = arith.mulf %sub3A_121, %tanh3A_118 : vector<2000x128xf32>
    %mul3A_123 = arith.mulf %logistic3A_113, %add3A_85 : vector<2000x128xf32>
    %add3A_124 = arith.addf %mul3A_122, %mul3A_123 : vector<2000x128xf32>
    %swap3A = arith.constant 0 : index
    %swap3A_125 = arith.constant 0 : index
    %swap3A_126 = vector.load %arg7[%swap3A, %swap3A_125] : memref<2000x128xf32, #tpu.memory_space<vmem>>, vector<2000x128xf32>
    tpu.vector_store %arg7[%swap3A, %swap3A_125], %add3A_124 {strides = array<i32>} : memref<2000x128xf32, #tpu.memory_space<vmem>>, vector<2000x128xf32>,
    return
  }
  func.func @transform_0(%arg0: i32) -> (i32, i32) {
    %c0_i32 = arith.constant 0 : i32
    %c0_i32_0 = arith.constant 0 : i32
    return %arg0, %c0_i32 : i32, i32
  }
  func.func @transform_1(%arg0: i32) -> (i32, i32) {
    %c0_i32 = arith.constant 0 : i32
    %c0_i32_0 = arith.constant 0 : i32
    return %arg0, %c0_i32 : i32, i32
  }
  func.func @transform_2(%arg0: i32) -> (i32, i32) {
    %c0_i32 = arith.constant 0 : i32
    %c0_i32_0 = arith.constant 0 : i32
    %c0_i32_1 = arith.constant 0 : i32
    return %c0_i32, %c0_i32_0 : i32, i32
  }
  func.func @transform_3(%arg0: i32) -> (i32, i32) {
    %c0_i32 = arith.constant 0 : i32
    %c0_i32_0 = arith.constant 0 : i32
    %c0_i32_1 = arith.constant 0 : i32
    return %c0_i32, %c0_i32_0 : i32, i32
  }
  func.func @transform_4(%arg0: i32) -> (i32, i32) {
    %c0_i32 = arith.constant 0 : i32
    %c0_i32_0 = arith.constant 0 : i32
    %c0_i32_1 = arith.constant 0 : i32
    return %c0_i32, %c0_i32_0 : i32, i32
  }
  func.func @transform_5(%arg0: i32) -> (i32, i32) {
    %c0_i32 = arith.constant 0 : i32
    %c0_i32_0 = arith.constant 0 : i32
    %c0_i32_1 = arith.constant 0 : i32
    return %c0_i32, %c0_i32_0 : i32, i32
  }
  func.func @transform_6(%arg0: i32) -> (i32, i32) {
    %c0_i32 = arith.constant 0 : i32
    %c0_i32_0 = arith.constant 0 : i32
    return %arg0, %c0_i32 : i32, i32
  }
}

</mosaic_0001>

<sc_bundles>
// kernel: kernel.22.cloned.1.call-start
scs
__scs_entry_jumppad:
0x0: {  	(pc) =	sbr.rel $0x88, $3  }
0x1: {  	(tag) =	ssettag $0x0;
	lr =	simm.s32 $0x1  }
0x2: {  	[smem:$0x3F90] =	sst lr;
	_ =	strace $0xD0000000  }
0x3: {  	_ = 	snop  }
0x4: {  	_ = 	snop  }
0x5: {  	_ = 	snop  }
0x6: {  	_ = 	snop  }
0x7: {  	_ = 	snop  }
__scs_overlays_trampoline_lowered:
0x8: {  	[smem:$0x3F9F] =	sst s0  }
0x9: {  	[smem:$0x3FA0] =	sst s1  }
0xa: {  	[smem:$0x3FA1] =	sst s2  }
0xb: {  	[smem:$0x3FA2] =	sst s3  }
0xc: {  	[smem:$0x3FA3] =	sst s4  }
0xd: {  	[smem:$0x3FA4] =	sst s5  }
0xe: {  	[smem:$0x3FA5] =	sst s6  }
0xf: {  	[smem:$0x3FA6] =	sst s7  }
0x10: {  	[smem:$0x3FA7] =	sst s8  }
0x11: {  	[smem:$0x3FA8] =	sst s9;
	s0 =	simm.s32 @!p0 $0x0  }
0x12: {  	s1 =	sld [smem:$0x3F8E];
	s0 =	simm.s32 @p0 $0x1  }
0x13: {  	[smem:$0x3FA9] =	sst s0;
	s0 =	simm.s32 @!p1 $0x0  }
0x14: {  	s2 =	sld [smem:$0x3F8D];
	s0 =	simm.s32 @p1 $0x1  }
0x15: {  	[smem:$0x3FAA] =	sst s0;
	s0 =	simm.s32 @!p2 $0x0  }
0x16: {  	s3 =	sld [smem:$0x3FDB];
	s0 =	simm.s32 @p2 $0x1  }
0x17: {  	s4 =	simm.s32 $0x1BF5;
	[smem:$0x3FAC] =	sst s0  }
0x18: {  	s0 =	sld [smem:$0x3F8F];
	_ =	swait.ge [sflag:s4], $0x0  }
0x19: {  	s7 =	sld [smem:$0x3F90]  }
0x1a: {  	s8 =	sadd.s32 $0xFFFFE003, lr  }
0x1b: {  	s9 =	sadd.s32 $0xFFFFFEF7, lr;
	s5 =	simm.s32 $0xFFFFFFFF;
	p2 =	slt.u32 s8, $0xFFFFF086  }
0x1c: {  	p1 =	slt.u32 s9, $0xF7A;
	s5 =	simm.s32 @!p2 $0x0  }
0x1d: {  	s5 =	simm.s32 @p1 $0x1;
	p0 =	seq.s32 s7, s2  }
0x1e: {  	s7 =	smul.u32 @!p0 $0xF7A, s2;
	p2 =	seq.s32 @!p0 s5, $0x0  }
0x1f: {  	s9 =	smul.u32 $0xF7A, s1;
	s8 =	simm.s32 @!p0 $0x1BF5;
	p2 =	por !p2, p0  }
0x20: {  	[sflag:s8] =	ssyncset.s32 @!p0 $0xFFFFF086;
	s6 =	sadd.s32 @!p0 s3, s7;
	s7 =	simm.s32 @!p0 $0x108  }
0x21: {  	s3 =	sadd.s32 s3, s9;
	s6 =	sadd.s32 @!p0 $0x88, s6;
	s7 =	simm.s32 @p2 $0x1082  }
0x22: {  	[simem:s7], [sflag:s8] =	dma.local @!p0 [hbm:s6], $0xF7A  }
0x23: {  	s9 =	sor.u32 $0xD0000000, s2;
	s6 =	simm.s32 $0x108;
	_ =	swait.ge @!p0 [sflag:s8], $0x0  }
0x24: {  	s3 =	sadd.s32 $0x88, s3;
	s6 =	simm.s32 @!p1 $0x1082;
	[sflag:s4] =	ssyncset.s32 $0xFFFFF086  }
0x25: {  	[simem:s6], [sflag:s4] =	dma.local [hbm:s3], $0xF7A  }
0x26: {  	[smem:$0x3F90] =	sst s1;
	(tag) =	ssettag s2;
	_ =	strace s9  }
0x27: {  	s1 =	sld [smem:$0x3FA0]  }
0x28: {  	s2 =	sld [smem:$0x3FA1]  }
0x29: {  	s4 =	sld [smem:$0x3FA3]  }
0x2a: {  	p0 =	seq.s32 s5, $0x0;
	s5 =	sld [smem:$0x3FA4]  }
0x2b: {  	s6 =	sld [smem:$0x3FA5]  }
0x2c: {  	s7 =	sld [smem:$0x3FA6]  }
0x2d: {  	s3 =	simm.s32 $0x108;
	s8 =	sld [smem:$0x3FA7]  }
0x2e: {  	s3 =	simm.s32 @!p0 $0x1082;
	s9 =	sld [smem:$0x3FA8]  }
0x2f: {  	lr =	sadd.s32 s0, s3;
	s0 =	sld [smem:$0x3F9F]  }
0x30: {  	s3 =	sld [smem:$0x3FA2]  }
0x31: {  	[smem:$0x3FAB] =	sst s10  }
0x32: {  	s10 =	sld [smem:$0x3FA9];
	_ =	sdelay $0x3  }
0x33: {  	p0 =	seq.s32 s10, $0x1;
	s10 =	sld [smem:$0x3FAB];
	_ =	sdelay $0x3  }
0x34: {  	[smem:$0x3FAB] =	sst s10  }
0x35: {  	s10 =	sld [smem:$0x3FAA];
	_ =	sdelay $0x3  }
0x36: {  	p1 =	seq.s32 s10, $0x1;
	s10 =	sld [smem:$0x3FAB];
	_ =	sdelay $0x3  }
0x37: {  	[smem:$0x3FAB] =	sst s10  }
0x38: {  	s10 =	sld [smem:$0x3FAC]  }
0x39: {  	_ = 	snop;
	(pc) =	sbr.ind lr, $3  }
0x3a: {  	_ = 	snop  }
0x3b: {  	_ = 	snop  }
0x3c: {  	p2 =	seq.s32 s10, $0x1;
	s10 =	sld [smem:$0x3FAB]  }
0x3d: {  	_ =	shalt  }
0x3e: {  	_ =	shalt  }
0x3f: {  	_ =	shalt  }
0x40: {  	_ =	shalt  }
0x41: {  	_ =	shalt  }
0x42: {  	_ =	shalt  }
0x43: {  	_ =	shalt  }
0x44: {  	_ =	shalt  }
0x45: {  	_ =	shalt  }
0x46: {  	_ =	shalt  }
0x47: {  	_ =	shalt  }
0x48: {  	_ =	shalt  }
0x49: {  	_ =	shalt  }
0x4a: {  	_ =	shalt  }
0x4b: {  	_ =	shalt  }
0x4c: {  	_ =	shalt  }
0x4d: {  	_ =	shalt  }
0x4e: {  	_ =	shalt  }
0x4f: {  	_ =	shalt  }
0x50: {  	_ =	shalt  }
0x51: {  	_ =	shalt  }
0x52: {  	_ =	shalt  }
0x53: {  	_ =	shalt  }
0x54: {  	_ =	shalt  }
0x55: {  	_ =	shalt  }
0x56: {  	_ =	shalt  }
0x57: {  	_ =	shalt  }
0x58: {  	_ =	shalt  }
0x59: {  	_ =	shalt  }
0x5a: {  	_ =	shalt  }
0x5b: {  	_ =	shalt  }
0x5c: {  	_ =	shalt  }
0x5d: {  	_ =	shalt  }
0x5e: {  	_ =	shalt  }
0x5f: {  	_ =	shalt  }
0x60: {  	_ =	shalt  }
0x61: {  	_ =	shalt  }
0x62: {  	_ =	shalt  }
0x63: {  	_ =	shalt  }
0x64: {  	_ =	shalt  }
0x65: {  	_ =	shalt  }
0x66: {  	_ =	shalt  }
0x67: {  	_ =	shalt  }
0x68: {  	_ =	shalt  }
0x69: {  	_ =	shalt  }
0x6a: {  	_ =	shalt  }
0x6b: {  	_ =	shalt  }
0x6c: {  	_ =	shalt  }
0x6d: {  	_ =	shalt  }
0x6e: {  	_ =	shalt  }
0x6f: {  	_ =	shalt  }
0x70: {  	_ =	shalt  }
0x71: {  	_ =	shalt  }
0x72: {  	_ =	shalt  }
0x73: {  	_ =	shalt  }
0x74: {  	_ =	shalt  }
0x75: {  	_ =	shalt  }
0x76: {  	_ =	shalt  }
0x77: {  	_ =	shalt  }
0x78: {  	_ =	shalt  }
0x79: {  	_ =	shalt  }
0x7a: {  	_ =	shalt  }
0x7b: {  	_ =	shalt  }
0x7c: {  	_ =	shalt  }
0x7d: {  	_ =	shalt  }
0x7e: {  	_ =	shalt  }
0x7f: {  	_ =	shalt  }
0x80: {  	_ =	shalt  }
0x81: {  	_ =	shalt  }
0x82: {  	_ =	shalt  }
0x83: {  	_ =	shalt  }
0x84: {  	_ =	shalt  }
0x85: {  	_ =	shalt  }
0x86: {  	_ =	shalt  }
0x87: {  	_ =	shalt  }
.Lfunc_end0:
.L_simem_size_0:
called_computation_lowered:
.L_overlay_start_0:
0x88: {  	s2 =	sld [smem:$0x3FD9]  }
0x89: {  	s3 =	sld [smem:$0x3FFE];
	_ =	sdelay $0x1  }
0x8a: {  	s1 =	srdreg.scid  }
0x8b: {  	s0 =	sand.u32 $0x1, s1  }
0x8c: {  	s14 =	sshll.u32 s0, $0xA;
	s2 =	sadd.s32 s3, s2  }
0x8d: {  	s2 =	sadd.s32 s2, s14  }
0x8e: {  	[smem:$0x3FB7] =	sst s2  }
0x8f: {  	_ = 	snop  }
0x90: {  	s2 =	sld [smem:$0x3FD0];
	_ =	sdelay $0x1  }
0x91: {  	s15 =	sld [smem:$0x3FC8]  }
0x92: {  	s5 =	simm.s32 $0xA;
	s6 =	simm.s32 $0x10;
	s4 =	sld [smem:$0x3FC7]  }
0x93: {  	[smem:s6], [sflag:s5] =	dma.local [hbm:s2], $0x1  }
0x94: {  	_ =	swait.eq [sflag:s5], $0x1  }
0x95: {  	[sflag:s5] =	ssyncset.done $0x0  }
0x96: {  	[sflag:s5] =	ssyncadd.s32 $0xFFFFFFFF  }
0x97: {  	s16 =	sld [smem:$0x11];
	(tm) =	ssettm $0x1  }
0x98: {  	s17 =	sld [smem:$0x3FFB];
	_ =	sdelay $0x3  }
0x99: {  	_ =	strace s17  }
0x9a: {  	s5 =	sld [smem:$0x3FFC];
	_ =	sdelay $0x3  }
0x9b: {  	_ =	strace s5  }
0x9c: {  	s5 =	sld [smem:$0x3FFD];
	_ =	sdelay $0x3  }
0x9d: {  	_ =	strace s5  }
0x9e: {  	_ =	strace $0x8FFFFFFF  }
0x9f: {  	s18 =	sld [smem:$0x3FDB];
	_ =	sdelay $0x1  }
0xa0: {  	s19 =	simm.s32 $_scs_section_size  }
0xa1: {  	s7 =	simm.s32 $_size__tile_overlayer_lowered;
	s8 =	simm.s32 $_tile_overlayer_lowered  }
0xa2: {  	s22 =	simm.s32 $0x1BFF;
	s21 =	sshll.u32 s8, $0x1;
	s5 =	sadd.s32 s19, s18  }
0xa3: {  	s9 =	simm.s32 $0x0;
	s20 =	sshll.u32 s7, $0x1;
	s7 =	sadd.s32 s21, s5  }
0xa4: {  	[timem:s9], [sflag:s22] =	dma.local [hbm:s7], s20  }
0xa5: {  	_ =	swait.ge [sflag:s22], s20  }
0xa6: {  	s6 =	ssub.s32 $0x0, s20;
	[sflag:s22] =	ssyncset.done $0x0  }
0xa7: {  	[sflag:s22] =	ssyncadd.s32 s6;
	_ =	sdelay $0x1  }
0xa8: {  	s23 =	simm.s32 $0x1B8B  }
0xa9: {  	_ =	swait.ge [sflag:s23], $0x1  }
0xaa: {  	[sflag:s23] =	ssyncset.done $0x0  }
0xab: {  	s25 =	simm.s32 $0x1B8E;
	s24 =	sld [smem:$0x3FFE];
	[sflag:s23] =	ssyncadd.s32 $0xFFFFFFFF  }
0xac: {  	s26 =	simm.s32 $execute0_lowered;
	[smem:$0x3FD2] =	sst s25  }
0xad: {  	s7 =	sshll.u32 s26, $0x1;
	_ =	strace $0x80000046;
	[dreg:$0x1] =	wrdreg $0xFFFFFFFF  }
0xae: {  	s28 =	simm.s32 $_size_execute0_lowered;
	s5 =	sadd.s32 s5, s7;
	[dreg:$0x0] =	wrdreg $0x0  }
0xaf: {  	s7 =	sshll.u32 s28, $0x1;
	[dreg:$0x2] =	wrdreg s5  }
0xb0: {  	[dreg:$0x3] =	wrdreg s7  }
0xb1: {  	[dreg:$0x4] =	wrdreg $0xC0  }
0xb2: {  	_ =	task [dreg:s9], $0x5FFFF  }
0xb3: {  	[dreg:$0x1] =	wrdreg $0xFFFFFFFF  }
0xb4: {  	[dreg:$0x0] =	wrdreg $0x60  }
0xb5: {  	[dreg:$0x2] =	wrdreg s15  }
0xb6: {  	[dreg:$0x3] =	wrdreg s4  }
0xb7: {  	[dreg:$0x4] =	wrdreg s24  }
0xb8: {  	[dreg:$0x5] =	wrdreg s16  }
0xb9: {  	[dreg:$0x6] =	wrdreg $0x28800  }
0xba: {  	[dreg:$0x7] =	wrdreg $0x9  }
0xbb: {  	_ =	task.clear_ibuf [dreg:s9], $0x8FFFF;
	_ =	strace $0x90000046  }
0xbc: {  	s29 =	simm.s32 $0x9;
	_ =	strace $0x80000048  }
0xbd: {  	_ =	swait.ge [sflag:s29], $0x1  }
0xbe: {  	[sflag:s29] =	ssyncadd.s32 $0xFFFFFFFF  }
0xbf: {  	_ =	strace $0x90000048  }
0xc0: {  	_ =	sfence  }
0xc1: {  	s30 =	sld [smem:$0x0];
	_ =	sdelay $0x2  }
0xc2: {  	s31 =	sshll.u32 s1, $0xD;
	s1 =	sshrl.u32 s1, $0x2  }
0xc3: {  	s3 =	sand.u32 $0x4000, s31;
	s1 =	sadd.s32 s1, s30  }
0xc4: {  	s0 =	sor.u32 s3, s0;
	s1 =	sshll.u32 s1, $0x11  }
0xc5: {  	s0 =	sor.u32 s1, s0  }
0xc6: {  	s0 =	sadd.s32 $0x8F2B, s0  }
0xc7: {  	[sflag:s0] =	ssyncadd.remote.s32 $0x1  }
0xc8: {  	_ =	sfence.sel $0xFFFF  }
0xc9: {  	[dreg:$0x0] =	wrdreg $0xFFFFFFFF;
	(pc) =	sbr.abs _section_cstart, $3  }
0xca: {  	[dreg:$0x1] =	wrdreg $0xFFFFFFFF  }
0xcb: {  	_ =	task.clear_ibuf [dreg:s9], $0x2FFFF;
	_ =	strace $0x9FFFFFFF  }
0xcc: {  	(tm) =	ssettm $0x7FFFFFFF  }
0xcd: {  	_ =	shalt  }
tec
execute0_lowered:
.L_overlay_start_1:
0x0: {  	(tag) =	ssettag $0x1  }
0x1: {  	s9 =	rddreg [dreg:$0x0]  }
0x2: {  	s10 =	rddreg [dreg:$0x1]  }
0x3: {  	s4 =	rddreg [dreg:$0x2]  }
0x4: {  	s7 =	rddreg [dreg:$0x3]  }
0x5: {  	s2 =	rddreg [dreg:$0x4]  }
0x6: {  	s0 =	rddreg [dreg:$0x5]  }
0x7: {  	s3 =	simm.s32 $0x0;
	s1 =	stileid.u32;
	s5 =	srdreg.scid  }
0x8: {  	s16 =	simm.s32 $0x0;
	[smem:$0x7FF] =	sst s3;
	s6 =	smul.u32 $0x2400, s1  }
0x9: {  	s5 =	sand.u32 $0x1, s5;
	s8 =	sshll.u32 s1, $0x1;
	s26 =	smul.u32 $0x9000, s1  }
0xa: {  	s8 =	sor.u32 s5, s8;
	s12 =	ssub.s32 $0x2, s5;
	s5 =	smul.u32 $0x24000, s5  }
0xb: {  	s29 =	sshll.u32 s1, $0x6;
	_ =	strace $0x80000047;
	s13 =	smul.u32 $0x640, s8  }
0xc: {  	s11 =	sshrl.u32 s6, $0x3;
	s25 =	sshrl.u32 s12, $0x1;
	s14 =	smul.u32 $0x5F0, s8  }
0xd: {  	p0 =	slt.u32 s8, $0x11;
	s8 =	sshrl.u32 s26, $0x2;
	s11 =	sadd.s32 s11, s4  }
0xe: {  	s12 =	ssub.s32 s12, s25;
	s4 =	simm.s32 $0x14;
	s28 =	sadd.s32 s8, s2  }
0xf: {  	s15 =	sadd.s32 s6, s5;
	s6 =	sor.u32 $0x1C02, s29;
	s14 =	sadd.s32 $0x550, s14  }
0x10: {  	s4 =	simm.s32 @!p0 $0x13;
	s5 =	sadd.s32 $0x7600, s11;
	s30 =	sshrl.u32 s15, $0x3  }
0x11: {  	s8 =	smax.u32 s12, $0x1;
	s11 =	sshrl.u32 s28, $0x3;
	s12 =	simm.s32 $0x2  }
0x12: {  	s15 =	simm.s32 $0x50;
	s14 =	smov.u32 @p0 s13;
	s7 =	sadd.s32 s7, s30  }
0x13: {  	s13 =	simm.s32 $0x80;
	s31 =	sshll.u32 s14, $0x4;
	s14 =	sshrl.u32 s14, $0x3  }
0x14: {  	s9 =	sadd.s32 s31, s9;
	s10 =	sadd.s32 s14, s10;
	s14 =	simm.s32 $0x1  }
.LBB2_1:
0x15: {  	[spmem:s11], [sflag:s6] =	dma.local [hbm:s5], $0x480  }
0x16: {  	_ =	swait.ge [sflag:s12], $0x480  }
0x17: {  	[sflag:s12] =	ssyncset.done $0x0  }
0x18: {  	[sflag:s12] =	ssyncadd.s32 $0xFFFFFB80  }
0x19: {  	[bflag:$0x0] =	sbarrier.arrive $0xFFFF  }
0x1a: {  	[tilespmem:s3], [sflag:$0x2] =	stream.linear.gather [hbm4b:s10+s3], $0x50, $0x38;
	[tilespmem:$0x4C80] =	vst v63  }
0x1b: {  	_ =	swait.ge [sflag:s12], $0x50  }
0x1c: {  	[sflag:s12] =	ssyncset.done $0x0  }
0x1d: {  	[sflag:s12] =	ssyncadd.s32 $0xFFFFFFB0  }
0x1e: {  	[tilespmem:s13], [sflag:$0x1] =	stream.linear.gather [hbm4b:s9+s3], $0x2800, $0x38;
	[tilespmem:$0x4C80] =	vst v63  }
0x1f: {  	p0 =	sne.s32 s4, $0x1;
	_ =	swait.ge [sflag:s14], $0x2800  }
.Ltmp0:
0x20: {  	[sflag:s14] =	ssyncset.done $0x0;
	(pc) =	sbr.rel @!p0 .LBB2_3-.Ltmp0, $4  }
0x21: {  	[sflag:s14] =	ssyncadd.s32 $0xFFFFD800  }
0x22: {  	[spmem:s2] =	stream.indirect.scatter.add.f32 [tilespmem:s13], [sflag:$0x2], $0x80, s3, s15, $0xb8;
	[tilespmem:$0x4C80] =	vst v63  }
0x23: {  	s17 =	sadd.s32 $0xFFFFFFFF, s4;
	_ =	swait.ge [sflag:s12], $0x2800  }
0x24: {  	s18 =	smov.u32 s9;
	s19 =	smov.u32 s10;
	[sflag:s12] =	ssyncset.done $0x0  }
.LBB2_2:
0x25: {  	[sflag:s12] =	ssyncadd.s32 $0xFFFFD800;
	s18 =	sadd.s32 $0x500, s18;
	s19 =	sadd.s32 $0xA, s19  }
0x26: {  	[tilespmem:s3], [sflag:$0x2] =	stream.linear.gather [hbm4b:s19+s3], $0x50, $0x38;
	[tilespmem:$0x4C80] =	vst v63  }
0x27: {  	p0 =	sne.s32 s17, $0x1;
	s17 =	sadd.s32 $0xFFFFFFFF, s17;
	_ =	swait.ge [sflag:s12], $0x50  }
0x28: {  	[sflag:s12] =	ssyncset.done $0x0  }
0x29: {  	[sflag:s12] =	ssyncadd.s32 $0xFFFFFFB0  }
0x2a: {  	[tilespmem:s13], [sflag:$0x1] =	stream.linear.gather [hbm4b:s18+s3], $0x2800, $0x38;
	[tilespmem:$0x4C80] =	vst v63  }
0x2b: {  	_ =	swait.ge [sflag:s14], $0x2800  }
.Ltmp1:
0x2c: {  	[sflag:s14] =	ssyncset.done $0x0;
	(pc) =	sbr.rel @p0 .LBB2_2-.Ltmp1, $4  }
0x2d: {  	[sflag:s14] =	ssyncadd.s32 $0xFFFFD800  }
0x2e: {  	[spmem:s2] =	stream.indirect.scatter.add.f32 [tilespmem:s13], [sflag:$0x2], $0x80, s3, s15, $0xb8;
	[tilespmem:$0x4C80] =	vst v63  }
0x2f: {  	_ =	swait.ge [sflag:s12], $0x2800  }
0x30: {  	[sflag:s12] =	ssyncset.done $0x0  }
.LBB2_3:
0x31: {  	s16 =	sadd.s32 $0x1, s16  }
0x32: {  	[sflag:s12] =	ssyncadd.s32 $0xFFFFD800;
	p0 =	sne.s32 s16, s8  }
.Ltmp2:
0x33: {  	[bflag:$0x0] =	sbarrier.arrive $0xFFFF;
	(pc) =	sbr.rel @p0 .LBB2_1-.Ltmp2, $4  }
0x34: {  	[hbm:s7], [sflag:s6] =	dma.local [spmem:s11], $0x480  }
0x35: {  	_ =	swait.ge [sflag:s12], $0x480  }
0x36: {  	[sflag:s12] =	ssyncset.done $0x0  }
0x37: {  	[sflag:s12] =	ssyncadd.s32 $0xFFFFFB80  }
0x38: {  	_ =	sfence.sel $0x180000  }
0x39: {  	[bflag:$0x0] =	sbarrier.arrive $0xFFFF  }
0x3a: {  	p0 =	sne.s32 s1, $0x0;
	_ =	strace $0x90000047  }
0x3b: {  	s0 =	sadd.s32 @!p0 $0x100000, s0;
	[bflag:$0x2] =	sbarrier.arrive $0xFFFF  }
0x3c: {  	[sflag:s0] =	ssyncadd.tile.s32 @!p0 $0x1;
	_ =	shalt  }
.Lfunc_end2:
_tile_overlayer_lowered:
.L_overlay_start_2:
0x3d: {  	(tag) =	ssettag $0x2  }
0x3e: {  	s0 =	rddreg [dreg:$0x0];
	s2 =	stileid.u32  }
0x3f: {  	s1 =	rddreg [dreg:$0x1];
	p0 =	sne.s32 s2, $0x0  }
0x40: {  	s3 =	rddreg [dreg:$0x2];
	[bflag:$0x3] =	sbarrier.arrive $0xFFFF;
	s2 =	simm.s32 @!p0 $0x1C02  }
0x41: {  	[timem:s3], [sflag:s2] =	dma.local @!p0 [hbm:s0], s1  }
0x42: {  	s0 =	simm.s32 @!p0 $0x2  }
0x43: {  	_ =	swait.ge @!p0 [sflag:s0], s1  }
0x44: {  	s1 =	ssub.s32 @!p0 $0x0, s1;
	[sflag:s0] =	ssyncset.done @!p0 $0x0  }
0x45: {  	[sflag:s0] =	ssyncadd.s32 @!p0 s1  }
0x46: {  	[bflag:$0x3] =	sbarrier.arrive $0xFFFF  }
0x47: {  	_ =	shalt  }

// kernel: kernel.25.cloned.1.call-start
scs
__scs_entry_jumppad:
0x0: {  	(pc) =	sbr.rel $0x88, $3  }
0x1: {  	(tag) =	ssettag $0x0;
	lr =	simm.s32 $0x1  }
0x2: {  	[smem:$0x3F90] =	sst lr;
	_ =	strace $0xD0000000  }
0x3: {  	_ = 	snop  }
0x4: {  	_ = 	snop  }
0x5: {  	_ = 	snop  }
0x6: {  	_ = 	snop  }
0x7: {  	_ = 	snop  }
__scs_overlays_trampoline_lowered:
0x8: {  	[smem:$0x3F9F] =	sst s0  }
0x9: {  	[smem:$0x3FA0] =	sst s1  }
0xa: {  	[smem:$0x3FA1] =	sst s2  }
0xb: {  	[smem:$0x3FA2] =	sst s3  }
0xc: {  	[smem:$0x3FA3] =	sst s4  }
0xd: {  	[smem:$0x3FA4] =	sst s5  }
0xe: {  	[smem:$0x3FA5] =	sst s6  }
0xf: {  	[smem:$0x3FA6] =	sst s7  }
0x10: {  	[smem:$0x3FA7] =	sst s8  }
0x11: {  	[smem:$0x3FA8] =	sst s9;
	s0 =	simm.s32 @!p0 $0x0  }
0x12: {  	s1 =	sld [smem:$0x3F8E];
	s0 =	simm.s32 @p0 $0x1  }
0x13: {  	[smem:$0x3FA9] =	sst s0;
	s0 =	simm.s32 @!p1 $0x0  }
0x14: {  	s2 =	sld [smem:$0x3F8D];
	s0 =	simm.s32 @p1 $0x1  }
0x15: {  	[smem:$0x3FAA] =	sst s0;
	s0 =	simm.s32 @!p2 $0x0  }
0x16: {  	s3 =	sld [smem:$0x3FDB];
	s0 =	simm.s32 @p2 $0x1  }
0x17: {  	s4 =	simm.s32 $0x1BF5;
	[smem:$0x3FAC] =	sst s0  }
0x18: {  	s0 =	sld [smem:$0x3F8F];
	_ =	swait.ge [sflag:s4], $0x0  }
0x19: {  	s7 =	sld [smem:$0x3F90]  }
0x1a: {  	s8 =	sadd.s32 $0xFFFFE003, lr  }
0x1b: {  	s9 =	sadd.s32 $0xFFFFFEF7, lr;
	s5 =	simm.s32 $0xFFFFFFFF;
	p2 =	slt.u32 s8, $0xFFFFF086  }
0x1c: {  	p1 =	slt.u32 s9, $0xF7A;
	s5 =	simm.s32 @!p2 $0x0  }
0x1d: {  	s5 =	simm.s32 @p1 $0x1;
	p0 =	seq.s32 s7, s2  }
0x1e: {  	s7 =	smul.u32 @!p0 $0xF7A, s2;
	p2 =	seq.s32 @!p0 s5, $0x0  }
0x1f: {  	s9 =	smul.u32 $0xF7A, s1;
	s8 =	simm.s32 @!p0 $0x1BF5;
	p2 =	por !p2, p0  }
0x20: {  	[sflag:s8] =	ssyncset.s32 @!p0 $0xFFFFF086;
	s6 =	sadd.s32 @!p0 s3, s7;
	s7 =	simm.s32 @!p0 $0x108  }
0x21: {  	s3 =	sadd.s32 s3, s9;
	s6 =	sadd.s32 @!p0 $0x88, s6;
	s7 =	simm.s32 @p2 $0x1082  }
0x22: {  	[simem:s7], [sflag:s8] =	dma.local @!p0 [hbm:s6], $0xF7A  }
0x23: {  	s9 =	sor.u32 $0xD0000000, s2;
	s6 =	simm.s32 $0x108;
	_ =	swait.ge @!p0 [sflag:s8], $0x0  }
0x24: {  	s3 =	sadd.s32 $0x88, s3;
	s6 =	simm.s32 @!p1 $0x1082;
	[sflag:s4] =	ssyncset.s32 $0xFFFFF086  }
0x25: {  	[simem:s6], [sflag:s4] =	dma.local [hbm:s3], $0xF7A  }
0x26: {  	[smem:$0x3F90] =	sst s1;
	(tag) =	ssettag s2;
	_ =	strace s9  }
0x27: {  	s1 =	sld [smem:$0x3FA0]  }
0x28: {  	s2 =	sld [smem:$0x3FA1]  }
0x29: {  	s4 =	sld [smem:$0x3FA3]  }
0x2a: {  	p0 =	seq.s32 s5, $0x0;
	s5 =	sld [smem:$0x3FA4]  }
0x2b: {  	s6 =	sld [smem:$0x3FA5]  }
0x2c: {  	s7 =	sld [smem:$0x3FA6]  }
0x2d: {  	s3 =	simm.s32 $0x108;
	s8 =	sld [smem:$0x3FA7]  }
0x2e: {  	s3 =	simm.s32 @!p0 $0x1082;
	s9 =	sld [smem:$0x3FA8]  }
0x2f: {  	lr =	sadd.s32 s0, s3;
	s0 =	sld [smem:$0x3F9F]  }
0x30: {  	s3 =	sld [smem:$0x3FA2]  }
0x31: {  	[smem:$0x3FAB] =	sst s10  }
0x32: {  	s10 =	sld [smem:$0x3FA9];
	_ =	sdelay $0x3  }
0x33: {  	p0 =	seq.s32 s10, $0x1;
	s10 =	sld [smem:$0x3FAB];
	_ =	sdelay $0x3  }
0x34: {  	[smem:$0x3FAB] =	sst s10  }
0x35: {  	s10 =	sld [smem:$0x3FAA];
	_ =	sdelay $0x3  }
0x36: {  	p1 =	seq.s32 s10, $0x1;
	s10 =	sld [smem:$0x3FAB];
	_ =	sdelay $0x3  }
0x37: {  	[smem:$0x3FAB] =	sst s10  }
0x38: {  	s10 =	sld [smem:$0x3FAC]  }
0x39: {  	_ = 	snop;
	(pc) =	sbr.ind lr, $3  }
0x3a: {  	_ = 	snop  }
0x3b: {  	_ = 	snop  }
0x3c: {  	p2 =	seq.s32 s10, $0x1;
	s10 =	sld [smem:$0x3FAB]  }
0x3d: {  	_ =	shalt  }
0x3e: {  	_ =	shalt  }
0x3f: {  	_ =	shalt  }
0x40: {  	_ =	shalt  }
0x41: {  	_ =	shalt  }
0x42: {  	_ =	shalt  }
0x43: {  	_ =	shalt  }
0x44: {  	_ =	shalt  }
0x45: {  	_ =	shalt  }
0x46: {  	_ =	shalt  }
0x47: {  	_ =	shalt  }
0x48: {  	_ =	shalt  }
0x49: {  	_ =	shalt  }
0x4a: {  	_ =	shalt  }
0x4b: {  	_ =	shalt  }
0x4c: {  	_ =	shalt  }
0x4d: {  	_ =	shalt  }
0x4e: {  	_ =	shalt  }
0x4f: {  	_ =	shalt  }
0x50: {  	_ =	shalt  }
0x51: {  	_ =	shalt  }
0x52: {  	_ =	shalt  }
0x53: {  	_ =	shalt  }
0x54: {  	_ =	shalt  }
0x55: {  	_ =	shalt  }
0x56: {  	_ =	shalt  }
0x57: {  	_ =	shalt  }
0x58: {  	_ =	shalt  }
0x59: {  	_ =	shalt  }
0x5a: {  	_ =	shalt  }
0x5b: {  	_ =	shalt  }
0x5c: {  	_ =	shalt  }
0x5d: {  	_ =	shalt  }
0x5e: {  	_ =	shalt  }
0x5f: {  	_ =	shalt  }
0x60: {  	_ =	shalt  }
0x61: {  	_ =	shalt  }
0x62: {  	_ =	shalt  }
0x63: {  	_ =	shalt  }
0x64: {  	_ =	shalt  }
0x65: {  	_ =	shalt  }
0x66: {  	_ =	shalt  }
0x67: {  	_ =	shalt  }
0x68: {  	_ =	shalt  }
0x69: {  	_ =	shalt  }
0x6a: {  	_ =	shalt  }
0x6b: {  	_ =	shalt  }
0x6c: {  	_ =	shalt  }
0x6d: {  	_ =	shalt  }
0x6e: {  	_ =	shalt  }
0x6f: {  	_ =	shalt  }
0x70: {  	_ =	shalt  }
0x71: {  	_ =	shalt  }
0x72: {  	_ =	shalt  }
0x73: {  	_ =	shalt  }
0x74: {  	_ =	shalt  }
0x75: {  	_ =	shalt  }
0x76: {  	_ =	shalt  }
0x77: {  	_ =	shalt  }
0x78: {  	_ =	shalt  }
0x79: {  	_ =	shalt  }
0x7a: {  	_ =	shalt  }
0x7b: {  	_ =	shalt  }
0x7c: {  	_ =	shalt  }
0x7d: {  	_ =	shalt  }
0x7e: {  	_ =	shalt  }
0x7f: {  	_ =	shalt  }
0x80: {  	_ =	shalt  }
0x81: {  	_ =	shalt  }
0x82: {  	_ =	shalt  }
0x83: {  	_ =	shalt  }
0x84: {  	_ =	shalt  }
0x85: {  	_ =	shalt  }
0x86: {  	_ =	shalt  }
0x87: {  	_ =	shalt  }
.Lfunc_end0:
.L_simem_size_0:
called_computation.1_lowered:
.L_overlay_start_0:
0x88: {  	s2 =	sld [smem:$0x3FD9]  }
0x89: {  	s3 =	sld [smem:$0x3FFE];
	_ =	sdelay $0x1  }
0x8a: {  	s1 =	srdreg.scid  }
0x8b: {  	s0 =	sand.u32 $0x1, s1  }
0x8c: {  	s17 =	sshll.u32 s0, $0xA;
	s2 =	sadd.s32 s3, s2  }
0x8d: {  	s2 =	sadd.s32 s2, s17  }
0x8e: {  	[smem:$0x3FB7] =	sst s2  }
0x8f: {  	_ = 	snop  }
0x90: {  	s2 =	sld [smem:$0x3FC7];
	(tm) =	ssettm $0x1  }
0x91: {  	s18 =	sld [smem:$0x3FFB];
	_ =	sdelay $0x3  }
0x92: {  	_ =	strace s18  }
0x93: {  	s3 =	sld [smem:$0x3FFC];
	_ =	sdelay $0x3  }
0x94: {  	_ =	strace s3  }
0x95: {  	s3 =	sld [smem:$0x3FFD];
	_ =	sdelay $0x3  }
0x96: {  	_ =	strace s3  }
0x97: {  	_ =	strace $0x8FFFFFFF  }
0x98: {  	s19 =	sld [smem:$0x3FDB];
	_ =	sdelay $0x1  }
0x99: {  	s4 =	simm.s32 $_scs_section_size  }
0x9a: {  	s5 =	simm.s32 $_size__tile_overlayer_lowered;
	s6 =	simm.s32 $_tile_overlayer_lowered  }
0x9b: {  	s22 =	simm.s32 $0x1BFF;
	s21 =	sshll.u32 s6, $0x1;
	s3 =	sadd.s32 s4, s19  }
0x9c: {  	s7 =	simm.s32 $0x0;
	s20 =	sshll.u32 s5, $0x1;
	s5 =	sadd.s32 s21, s3  }
0x9d: {  	[timem:s7], [sflag:s22] =	dma.local [hbm:s5], s20  }
0x9e: {  	_ =	swait.ge [sflag:s22], s20  }
0x9f: {  	s4 =	ssub.s32 $0x0, s20;
	[sflag:s22] =	ssyncset.done $0x0  }
0xa0: {  	[sflag:s22] =	ssyncadd.s32 s4;
	_ =	sdelay $0x1  }
0xa1: {  	s23 =	simm.s32 $0x1B8B  }
0xa2: {  	_ =	swait.ge [sflag:s23], $0x1  }
0xa3: {  	[sflag:s23] =	ssyncset.done $0x0  }
0xa4: {  	s25 =	simm.s32 $0x1B8E;
	s24 =	sld [smem:$0x3FFE];
	[sflag:s23] =	ssyncadd.s32 $0xFFFFFFFF  }
0xa5: {  	s26 =	simm.s32 $execute0_lowered;
	[smem:$0x3FD2] =	sst s25  }
0xa6: {  	s5 =	sshll.u32 s26, $0x1;
	_ =	strace $0x80000049;
	[dreg:$0x1] =	wrdreg $0xFFFFFFFF  }
0xa7: {  	s28 =	simm.s32 $_size_execute0_lowered;
	s3 =	sadd.s32 s3, s5;
	[dreg:$0x0] =	wrdreg $0x0  }
0xa8: {  	s5 =	sshll.u32 s28, $0x1;
	[dreg:$0x2] =	wrdreg s3  }
0xa9: {  	[dreg:$0x3] =	wrdreg s5  }
0xaa: {  	[dreg:$0x4] =	wrdreg $0xC0  }
0xab: {  	_ =	task [dreg:s7], $0x5FFFF  }
0xac: {  	[dreg:$0x1] =	wrdreg $0xFFFFFFFF  }
0xad: {  	[dreg:$0x0] =	wrdreg $0x60  }
0xae: {  	[dreg:$0x2] =	wrdreg s24  }
0xaf: {  	[dreg:$0x3] =	wrdreg s2  }
0xb0: {  	[dreg:$0x4] =	wrdreg $0x9  }
0xb1: {  	_ =	task.clear_ibuf [dreg:s7], $0x5FFFF;
	_ =	strace $0x90000049  }
0xb2: {  	s29 =	simm.s32 $0x9;
	_ =	strace $0x8000004B  }
0xb3: {  	_ =	swait.ge [sflag:s29], $0x1  }
0xb4: {  	[sflag:s29] =	ssyncadd.s32 $0xFFFFFFFF  }
0xb5: {  	_ =	strace $0x9000004B  }
0xb6: {  	_ =	sfence  }
0xb7: {  	s30 =	sld [smem:$0x0];
	_ =	sdelay $0x2  }
0xb8: {  	s31 =	sshll.u32 s1, $0xD;
	s1 =	sshrl.u32 s1, $0x2  }
0xb9: {  	s3 =	sand.u32 $0x4000, s31;
	s1 =	sadd.s32 s1, s30  }
0xba: {  	s0 =	sor.u32 s3, s0;
	s1 =	sshll.u32 s1, $0x11  }
0xbb: {  	s0 =	sor.u32 s1, s0  }
0xbc: {  	s0 =	sadd.s32 $0x8F2B, s0  }
0xbd: {  	[sflag:s0] =	ssyncadd.remote.s32 $0x1  }
0xbe: {  	_ =	sfence.sel $0xFFFF  }
0xbf: {  	[dreg:$0x0] =	wrdreg $0xFFFFFFFF;
	(pc) =	sbr.abs _section_cstart, $3  }
0xc0: {  	[dreg:$0x1] =	wrdreg $0xFFFFFFFF  }
0xc1: {  	_ =	task.clear_ibuf [dreg:s7], $0x2FFFF;
	_ =	strace $0x9FFFFFFF  }
0xc2: {  	(tm) =	ssettm $0x7FFFFFFF  }
0xc3: {  	_ =	shalt  }
tec
execute0_lowered:
.L_overlay_start_1:
0x0: {  	(tag) =	ssettag $0x1  }
0x1: {  	s1 =	srdreg.scid  }
0x2: {  	s0 =	stileid.u32;
	s5 =	rddreg [dreg:$0x0]  }
0x3: {  	s7 =	rddreg [dreg:$0x1];
	s2 =	simm.s32 $0x0;
	s11 =	simm.s32 $0x1  }
0x4: {  	s4 =	sand.u32 $0x1, s1;
	s28 =	sshll.u32 s0, $0x1;
	s1 =	rddreg [dreg:$0x2]  }
0x5: {  	s12 =	simm.s32 $0x0;
	[smem:$0x7FF] =	sst s2;
	s3 =	sor.u32 s4, s28  }
0x6: {  	_ =	strace $0x8000004A;
	s29 =	ssub.s32 $0x2, s4;
	s6 =	smul.u32 $0x5F0, s3  }
0x7: {  	s4 =	simm.s32 $0x14;
	s8 =	smul.u32 $0x640, s3;
	p0 =	slt.u32 s3, $0x11  }
0x8: {  	s3 =	sadd.s32 $0xBE00, s5;
	s10 =	sshrl.u32 s29, $0x1;
	s9 =	sadd.s32 $0x550, s6  }
0x9: {  	s30 =	ssub.s32 s29, s10;
	s4 =	simm.s32 @!p0 $0x13;
	s9 =	smov.u32 @p0 s8  }
0xa: {  	s10 =	simm.s32 $0x80;
	s8 =	sshll.u32 s9, $0x4;
	s31 =	sshrl.u32 s9, $0x3  }
0xb: {  	s9 =	simm.s32 $0x50;
	s8 =	sadd.s32 s8, s5;
	s5 =	smax.u32 s30, $0x1  }
0xc: {  	s7 =	sadd.s32 s31, s7;
	s6 =	sadd.s32 $0xFE00, s8;
	s8 =	simm.s32 $0x2  }
.LBB2_1:
0xd: {  	[tilespmem:s2], [sflag:$0x2] =	stream.linear.gather [hbm4b:s7+s2], $0x50, $0x38;
	[tilespmem:$0x2880] =	vst v63  }
0xe: {  	_ =	swait.ge [sflag:s8], $0x50  }
0xf: {  	[sflag:s8] =	ssyncset.done $0x0  }
0x10: {  	[sflag:s8] =	ssyncadd.s32 $0xFFFFFFB0  }
0x11: {  	[tilespmem:s10], [sflag:$0x1] =	stream.indirect.gather [hbm4b:s3+s9], $0x80, s2, s9, $0xb8;
	[tilespmem:$0x2880] =	vst v63  }
0x12: {  	p0 =	sne.s32 s4, $0x1;
	_ =	swait.ge [sflag:s11], $0x2800  }
.Ltmp0:
0x13: {  	[sflag:s11] =	ssyncset.done $0x0;
	(pc) =	sbr.rel @!p0 .LBB2_3-.Ltmp0, $4  }
0x14: {  	[sflag:s11] =	ssyncadd.s32 $0xFFFFD800  }
0x15: {  	[hbm4b:s6+s2] =	stream.linear.scatter [tilespmem:s10], [sflag:$0x2], $0x2800, $0x38;
	[tilespmem:$0x2880] =	vst v63  }
0x16: {  	s13 =	sadd.s32 $0xFFFFFFFF, s4;
	_ =	swait.ge [sflag:s8], $0x2800  }
0x17: {  	s14 =	smov.u32 s6;
	s15 =	smov.u32 s7;
	[sflag:s8] =	ssyncset.done $0x0  }
.LBB2_2:
0x18: {  	[sflag:s8] =	ssyncadd.s32 $0xFFFFD800;
	s14 =	sadd.s32 $0x500, s14;
	s15 =	sadd.s32 $0xA, s15  }
0x19: {  	[tilespmem:s2], [sflag:$0x2] =	stream.linear.gather [hbm4b:s15+s2], $0x50, $0x38;
	[tilespmem:$0x2880] =	vst v63  }
0x1a: {  	p0 =	sne.s32 s13, $0x1;
	s13 =	sadd.s32 $0xFFFFFFFF, s13;
	_ =	swait.ge [sflag:s8], $0x50  }
0x1b: {  	[sflag:s8] =	ssyncset.done $0x0  }
0x1c: {  	[sflag:s8] =	ssyncadd.s32 $0xFFFFFFB0  }
0x1d: {  	[tilespmem:s10], [sflag:$0x1] =	stream.indirect.gather [hbm4b:s3+s9], $0x80, s2, s9, $0xb8;
	[tilespmem:$0x2880] =	vst v63  }
0x1e: {  	_ =	swait.ge [sflag:s11], $0x2800  }
.Ltmp1:
0x1f: {  	[sflag:s11] =	ssyncset.done $0x0;
	(pc) =	sbr.rel @p0 .LBB2_2-.Ltmp1, $4  }
0x20: {  	[sflag:s11] =	ssyncadd.s32 $0xFFFFD800  }
0x21: {  	[hbm4b:s14+s2] =	stream.linear.scatter [tilespmem:s10], [sflag:$0x2], $0x2800, $0x38;
	[tilespmem:$0x2880] =	vst v63  }
0x22: {  	_ =	swait.ge [sflag:s8], $0x2800  }
0x23: {  	[sflag:s8] =	ssyncset.done $0x0  }
.LBB2_3:
0x24: {  	s12 =	sadd.s32 $0x1, s12  }
0x25: {  	p0 =	sne.s32 s12, s5  }
.Ltmp2:
0x26: {  	_ = 	snop;
	(pc) =	sbr.rel @p0 .LBB2_1-.Ltmp2, $2  }
0x27: {  	_ =	sdelay $0x2  }
0x28: {  	[sflag:s8] =	ssyncadd.s32 $0xFFFFD800  }
0x29: {  	_ =	sfence.sel $0x180000  }
0x2a: {  	[bflag:$0x0] =	sbarrier.arrive $0xFFFF  }
0x2b: {  	p0 =	sne.s32 s0, $0x0;
	_ =	strace $0x9000004A  }
0x2c: {  	s0 =	sadd.s32 @!p0 $0x100000, s1;
	[bflag:$0x2] =	sbarrier.arrive $0xFFFF  }
0x2d: {  	[sflag:s0] =	ssyncadd.tile.s32 @!p0 $0x1;
	_ =	shalt  }
.Lfunc_end2:
_tile_overlayer_lowered:
.L_overlay_start_2:
0x2e: {  	(tag) =	ssettag $0x2  }
0x2f: {  	s0 =	rddreg [dreg:$0x0];
	s2 =	stileid.u32  }
0x30: {  	s1 =	rddreg [dreg:$0x1];
	p0 =	sne.s32 s2, $0x0  }
0x31: {  	s3 =	rddreg [dreg:$0x2];
	[bflag:$0x3] =	sbarrier.arrive $0xFFFF;
	s2 =	simm.s32 @!p0 $0x1C02  }
0x32: {  	[timem:s3], [sflag:s2] =	dma.local @!p0 [hbm:s0], s1  }
0x33: {  	s0 =	simm.s32 @!p0 $0x2  }
0x34: {  	_ =	swait.ge @!p0 [sflag:s0], s1  }
0x35: {  	s1 =	ssub.s32 @!p0 $0x0, s1;
	[sflag:s0] =	ssyncset.done @!p0 $0x0  }
0x36: {  	[sflag:s0] =	ssyncadd.s32 @!p0 s1  }
0x37: {  	[bflag:$0x3] =	sbarrier.arrive $0xFFFF  }
0x38: {  	_ =	shalt  }

// kernel: kernel.28.cloned.1.call-start
scs
__scs_entry_jumppad:
0x0: {  	(pc) =	sbr.rel $0x88, $3  }
0x1: {  	(tag) =	ssettag $0x0;
	lr =	simm.s32 $0x1  }
0x2: {  	[smem:$0x3F90] =	sst lr;
	_ =	strace $0xD0000000  }
0x3: {  	_ = 	snop  }
0x4: {  	_ = 	snop  }
0x5: {  	_ = 	snop  }
0x6: {  	_ = 	snop  }
0x7: {  	_ = 	snop  }
__scs_overlays_trampoline_lowered:
0x8: {  	[smem:$0x3F9F] =	sst s0  }
0x9: {  	[smem:$0x3FA0] =	sst s1  }
0xa: {  	[smem:$0x3FA1] =	sst s2  }
0xb: {  	[smem:$0x3FA2] =	sst s3  }
0xc: {  	[smem:$0x3FA3] =	sst s4  }
0xd: {  	[smem:$0x3FA4] =	sst s5  }
0xe: {  	[smem:$0x3FA5] =	sst s6  }
0xf: {  	[smem:$0x3FA6] =	sst s7  }
0x10: {  	[smem:$0x3FA7] =	sst s8  }
0x11: {  	[smem:$0x3FA8] =	sst s9;
	s0 =	simm.s32 @!p0 $0x0  }
0x12: {  	s1 =	sld [smem:$0x3F8E];
	s0 =	simm.s32 @p0 $0x1  }
0x13: {  	[smem:$0x3FA9] =	sst s0;
	s0 =	simm.s32 @!p1 $0x0  }
0x14: {  	s2 =	sld [smem:$0x3F8D];
	s0 =	simm.s32 @p1 $0x1  }
0x15: {  	[smem:$0x3FAA] =	sst s0;
	s0 =	simm.s32 @!p2 $0x0  }
0x16: {  	s3 =	sld [smem:$0x3FDB];
	s0 =	simm.s32 @p2 $0x1  }
0x17: {  	s4 =	simm.s32 $0x1BF5;
	[smem:$0x3FAC] =	sst s0  }
0x18: {  	s0 =	sld [smem:$0x3F8F];
	_ =	swait.ge [sflag:s4], $0x0  }
0x19: {  	s7 =	sld [smem:$0x3F90]  }
0x1a: {  	s8 =	sadd.s32 $0xFFFFE003, lr  }
0x1b: {  	s9 =	sadd.s32 $0xFFFFFEF7, lr;
	s5 =	simm.s32 $0xFFFFFFFF;
	p2 =	slt.u32 s8, $0xFFFFF086  }
0x1c: {  	p1 =	slt.u32 s9, $0xF7A;
	s5 =	simm.s32 @!p2 $0x0  }
0x1d: {  	s5 =	simm.s32 @p1 $0x1;
	p0 =	seq.s32 s7, s2  }
0x1e: {  	s7 =	smul.u32 @!p0 $0xF7A, s2;
	p2 =	seq.s32 @!p0 s5, $0x0  }
0x1f: {  	s9 =	smul.u32 $0xF7A, s1;
	s8 =	simm.s32 @!p0 $0x1BF5;
	p2 =	por !p2, p0  }
0x20: {  	[sflag:s8] =	ssyncset.s32 @!p0 $0xFFFFF086;
	s6 =	sadd.s32 @!p0 s3, s7;
	s7 =	simm.s32 @!p0 $0x108  }
0x21: {  	s3 =	sadd.s32 s3, s9;
	s6 =	sadd.s32 @!p0 $0x88, s6;
	s7 =	simm.s32 @p2 $0x1082  }
0x22: {  	[simem:s7], [sflag:s8] =	dma.local @!p0 [hbm:s6], $0xF7A  }
0x23: {  	s9 =	sor.u32 $0xD0000000, s2;
	s6 =	simm.s32 $0x108;
	_ =	swait.ge @!p0 [sflag:s8], $0x0  }
0x24: {  	s3 =	sadd.s32 $0x88, s3;
	s6 =	simm.s32 @!p1 $0x1082;
	[sflag:s4] =	ssyncset.s32 $0xFFFFF086  }
0x25: {  	[simem:s6], [sflag:s4] =	dma.local [hbm:s3], $0xF7A  }
0x26: {  	[smem:$0x3F90] =	sst s1;
	(tag) =	ssettag s2;
	_ =	strace s9  }
0x27: {  	s1 =	sld [smem:$0x3FA0]  }
0x28: {  	s2 =	sld [smem:$0x3FA1]  }
0x29: {  	s4 =	sld [smem:$0x3FA3]  }
0x2a: {  	p0 =	seq.s32 s5, $0x0;
	s5 =	sld [smem:$0x3FA4]  }
0x2b: {  	s6 =	sld [smem:$0x3FA5]  }
0x2c: {  	s7 =	sld [smem:$0x3FA6]  }
0x2d: {  	s3 =	simm.s32 $0x108;
	s8 =	sld [smem:$0x3FA7]  }
0x2e: {  	s3 =	simm.s32 @!p0 $0x1082;
	s9 =	sld [smem:$0x3FA8]  }
0x2f: {  	lr =	sadd.s32 s0, s3;
	s0 =	sld [smem:$0x3F9F]  }
0x30: {  	s3 =	sld [smem:$0x3FA2]  }
0x31: {  	[smem:$0x3FAB] =	sst s10  }
0x32: {  	s10 =	sld [smem:$0x3FA9];
	_ =	sdelay $0x3  }
0x33: {  	p0 =	seq.s32 s10, $0x1;
	s10 =	sld [smem:$0x3FAB];
	_ =	sdelay $0x3  }
0x34: {  	[smem:$0x3FAB] =	sst s10  }
0x35: {  	s10 =	sld [smem:$0x3FAA];
	_ =	sdelay $0x3  }
0x36: {  	p1 =	seq.s32 s10, $0x1;
	s10 =	sld [smem:$0x3FAB];
	_ =	sdelay $0x3  }
0x37: {  	[smem:$0x3FAB] =	sst s10  }
0x38: {  	s10 =	sld [smem:$0x3FAC]  }
0x39: {  	_ = 	snop;
	(pc) =	sbr.ind lr, $3  }
0x3a: {  	_ = 	snop  }
0x3b: {  	_ = 	snop  }
0x3c: {  	p2 =	seq.s32 s10, $0x1;
	s10 =	sld [smem:$0x3FAB]  }
0x3d: {  	_ =	shalt  }
0x3e: {  	_ =	shalt  }
0x3f: {  	_ =	shalt  }
0x40: {  	_ =	shalt  }
0x41: {  	_ =	shalt  }
0x42: {  	_ =	shalt  }
0x43: {  	_ =	shalt  }
0x44: {  	_ =	shalt  }
0x45: {  	_ =	shalt  }
0x46: {  	_ =	shalt  }
0x47: {  	_ =	shalt  }
0x48: {  	_ =	shalt  }
0x49: {  	_ =	shalt  }
0x4a: {  	_ =	shalt  }
0x4b: {  	_ =	shalt  }
0x4c: {  	_ =	shalt  }
0x4d: {  	_ =	shalt  }
0x4e: {  	_ =	shalt  }
0x4f: {  	_ =	shalt  }
0x50: {  	_ =	shalt  }
0x51: {  	_ =	shalt  }
0x52: {  	_ =	shalt  }
0x53: {  	_ =	shalt  }
0x54: {  	_ =	shalt  }
0x55: {  	_ =	shalt  }
0x56: {  	_ =	shalt  }
0x57: {  	_ =	shalt  }
0x58: {  	_ =	shalt  }
0x59: {  	_ =	shalt  }
0x5a: {  	_ =	shalt  }
0x5b: {  	_ =	shalt  }
0x5c: {  	_ =	shalt  }
0x5d: {  	_ =	shalt  }
0x5e: {  	_ =	shalt  }
0x5f: {  	_ =	shalt  }
0x60: {  	_ =	shalt  }
0x61: {  	_ =	shalt  }
0x62: {  	_ =	shalt  }
0x63: {  	_ =	shalt  }
0x64: {  	_ =	shalt  }
0x65: {  	_ =	shalt  }
0x66: {  	_ =	shalt  }
0x67: {  	_ =	shalt  }
0x68: {  	_ =	shalt  }
0x69: {  	_ =	shalt  }
0x6a: {  	_ =	shalt  }
0x6b: {  	_ =	shalt  }
0x6c: {  	_ =	shalt  }
0x6d: {  	_ =	shalt  }
0x6e: {  	_ =	shalt  }
0x6f: {  	_ =	shalt  }
0x70: {  	_ =	shalt  }
0x71: {  	_ =	shalt  }
0x72: {  	_ =	shalt  }
0x73: {  	_ =	shalt  }
0x74: {  	_ =	shalt  }
0x75: {  	_ =	shalt  }
0x76: {  	_ =	shalt  }
0x77: {  	_ =	shalt  }
0x78: {  	_ =	shalt  }
0x79: {  	_ =	shalt  }
0x7a: {  	_ =	shalt  }
0x7b: {  	_ =	shalt  }
0x7c: {  	_ =	shalt  }
0x7d: {  	_ =	shalt  }
0x7e: {  	_ =	shalt  }
0x7f: {  	_ =	shalt  }
0x80: {  	_ =	shalt  }
0x81: {  	_ =	shalt  }
0x82: {  	_ =	shalt  }
0x83: {  	_ =	shalt  }
0x84: {  	_ =	shalt  }
0x85: {  	_ =	shalt  }
0x86: {  	_ =	shalt  }
0x87: {  	_ =	shalt  }
.Lfunc_end0:
.L_simem_size_0:
called_computation.2_lowered:
.L_overlay_start_0:
0x88: {  	s2 =	sld [smem:$0x3FD9]  }
0x89: {  	s3 =	sld [smem:$0x3FFE];
	_ =	sdelay $0x1  }
0x8a: {  	s1 =	srdreg.scid  }
0x8b: {  	s0 =	sand.u32 $0x1, s1  }
0x8c: {  	s14 =	sshll.u32 s0, $0xA;
	s2 =	sadd.s32 s3, s2  }
0x8d: {  	s2 =	sadd.s32 s2, s14  }
0x8e: {  	[smem:$0x3FB7] =	sst s2  }
0x8f: {  	_ = 	snop  }
0x90: {  	s2 =	sld [smem:$0x3FD0];
	_ =	sdelay $0x2  }
0x91: {  	s4 =	simm.s32 $0xA;
	s5 =	simm.s32 $0x10;
	s15 =	sld [smem:$0x3FC7]  }
0x92: {  	[smem:s5], [sflag:s4] =	dma.local [hbm:s2], $0x1  }
0x93: {  	_ =	swait.eq [sflag:s4], $0x1  }
0x94: {  	[sflag:s4] =	ssyncset.done $0x0  }
0x95: {  	s16 =	sld [smem:$0x10];
	[sflag:s4] =	ssyncadd.s32 $0xFFFFFFFF  }
0x96: {  	s17 =	sld [smem:$0x11];
	(tm) =	ssettm $0x1  }
0x97: {  	s18 =	sld [smem:$0x3FFB];
	_ =	sdelay $0x3  }
0x98: {  	_ =	strace s18  }
0x99: {  	s5 =	sld [smem:$0x3FFC];
	_ =	sdelay $0x3  }
0x9a: {  	_ =	strace s5  }
0x9b: {  	s5 =	sld [smem:$0x3FFD];
	_ =	sdelay $0x3  }
0x9c: {  	_ =	strace s5  }
0x9d: {  	_ =	strace $0x8FFFFFFF  }
0x9e: {  	s19 =	sld [smem:$0x3FDB];
	_ =	sdelay $0x1  }
0x9f: {  	s6 =	simm.s32 $_scs_section_size  }
0xa0: {  	s7 =	simm.s32 $_size__tile_overlayer_lowered;
	s8 =	simm.s32 $_tile_overlayer_lowered  }
0xa1: {  	s22 =	simm.s32 $0x1BFF;
	s21 =	sshll.u32 s8, $0x1;
	s5 =	sadd.s32 s6, s19  }
0xa2: {  	s9 =	simm.s32 $0x0;
	s20 =	sshll.u32 s7, $0x1;
	s7 =	sadd.s32 s21, s5  }
0xa3: {  	[timem:s9], [sflag:s22] =	dma.local [hbm:s7], s20  }
0xa4: {  	_ =	swait.ge [sflag:s22], s20  }
0xa5: {  	s6 =	ssub.s32 $0x0, s20;
	[sflag:s22] =	ssyncset.done $0x0  }
0xa6: {  	[sflag:s22] =	ssyncadd.s32 s6;
	_ =	sdelay $0x1  }
0xa7: {  	s23 =	simm.s32 $0x1B8B  }
0xa8: {  	_ =	swait.ge [sflag:s23], $0x1  }
0xa9: {  	[sflag:s23] =	ssyncset.done $0x0  }
0xaa: {  	s25 =	simm.s32 $0x1B8E;
	s24 =	sld [smem:$0x3FFE];
	[sflag:s23] =	ssyncadd.s32 $0xFFFFFFFF  }
0xab: {  	s26 =	simm.s32 $execute0_lowered;
	[smem:$0x3FD2] =	sst s25  }
0xac: {  	s7 =	sshll.u32 s26, $0x1;
	_ =	strace $0x8000004C;
	[dreg:$0x1] =	wrdreg $0xFFFFFFFF  }
0xad: {  	s28 =	simm.s32 $_size_execute0_lowered;
	s5 =	sadd.s32 s5, s7;
	[dreg:$0x0] =	wrdreg $0x0  }
0xae: {  	s7 =	sshll.u32 s28, $0x1;
	[dreg:$0x2] =	wrdreg s5  }
0xaf: {  	[dreg:$0x3] =	wrdreg s7  }
0xb0: {  	[dreg:$0x4] =	wrdreg $0xC0  }
0xb1: {  	_ =	task [dreg:s9], $0x5FFFF  }
0xb2: {  	[dreg:$0x1] =	wrdreg $0xFFFFFFFF  }
0xb3: {  	[dreg:$0x0] =	wrdreg $0x60  }
0xb4: {  	[dreg:$0x2] =	wrdreg s17  }
0xb5: {  	[dreg:$0x3] =	wrdreg s16  }
0xb6: {  	[dreg:$0x4] =	wrdreg s15  }
0xb7: {  	[dreg:$0x5] =	wrdreg s24  }
0xb8: {  	[dreg:$0x6] =	wrdreg $0x50800  }
0xb9: {  	[dreg:$0x7] =	wrdreg $0x74800  }
0xba: {  	[dreg:$0x8] =	wrdreg $0x9  }
0xbb: {  	_ =	task.clear_ibuf [dreg:s9], $0x9FFFF;
	_ =	strace $0x9000004C  }
0xbc: {  	s29 =	simm.s32 $0x9;
	_ =	strace $0x8000004E  }
0xbd: {  	_ =	swait.ge [sflag:s29], $0x1  }
0xbe: {  	[sflag:s29] =	ssyncadd.s32 $0xFFFFFFFF  }
0xbf: {  	_ =	strace $0x9000004E  }
0xc0: {  	_ =	sfence  }
0xc1: {  	s30 =	sld [smem:$0x0];
	_ =	sdelay $0x2  }
0xc2: {  	s31 =	sshll.u32 s1, $0xD;
	s1 =	sshrl.u32 s1, $0x2  }
0xc3: {  	s3 =	sand.u32 $0x4000, s31;
	s1 =	sadd.s32 s1, s30  }
0xc4: {  	s0 =	sor.u32 s3, s0;
	s1 =	sshll.u32 s1, $0x11  }
0xc5: {  	s0 =	sor.u32 s1, s0  }
0xc6: {  	s0 =	sadd.s32 $0x8F2B, s0  }
0xc7: {  	[sflag:s0] =	ssyncadd.remote.s32 $0x1  }
0xc8: {  	_ =	sfence.sel $0xFFFF  }
0xc9: {  	[dreg:$0x0] =	wrdreg $0xFFFFFFFF;
	(pc) =	sbr.abs _section_cstart, $3  }
0xca: {  	[dreg:$0x1] =	wrdreg $0xFFFFFFFF  }
0xcb: {  	_ =	task.clear_ibuf [dreg:s9], $0x2FFFF;
	_ =	strace $0x9FFFFFFF  }
0xcc: {  	(tm) =	ssettm $0x7FFFFFFF  }
0xcd: {  	_ =	shalt  }
tec
execute0_lowered:
.L_overlay_start_1:
0x0: {  	(tag) =	ssettag $0x1  }
0x1: {  	s11 =	rddreg [dreg:$0x0]  }
0x2: {  	s12 =	rddreg [dreg:$0x1]  }
0x3: {  	s13 =	rddreg [dreg:$0x2]  }
0x4: {  	s5 =	rddreg [dreg:$0x3]  }
0x5: {  	s2 =	rddreg [dreg:$0x4]  }
0x6: {  	s3 =	rddreg [dreg:$0x5]  }
0x7: {  	s0 =	rddreg [dreg:$0x6];
	s1 =	stileid.u32  }
0x8: {  	s6 =	srdreg.scid;
	s4 =	simm.s32 $0x0;
	s18 =	simm.s32 $0x2880  }
0x9: {  	s19 =	simm.s32 $0x1;
	s20 =	simm.s32 $0x50;
	s21 =	simm.s32 $0x0  }
0xa: {  	s8 =	smul.u32 $0x2400, s1;
	s6 =	sand.u32 $0x1, s6;
	[smem:$0x7FF] =	sst s4  }
0xb: {  	s10 =	sshll.u32 s1, $0x1;
	s30 =	sshll.u32 s1, $0x6;
	s7 =	smul.u32 $0x24000, s6  }
0xc: {  	_ =	strace $0x8000004D;
	s10 =	sor.u32 s6, s10;
	s6 =	ssub.s32 $0x2, s6  }
0xd: {  	s9 =	sshrl.u32 s8, $0x3;
	s14 =	smul.u32 $0x5F0, s10;
	s26 =	sshrl.u32 s6, $0x1  }
0xe: {  	s16 =	smul.u32 $0x640, s10;
	p0 =	slt.u32 s10, $0x11;
	s29 =	sadd.s32 s8, s2  }
0xf: {  	s17 =	sadd.s32 s8, s3;
	s9 =	sadd.s32 s9, s5;
	s7 =	sadd.s32 s8, s7  }
0x10: {  	s28 =	ssub.s32 s6, s26;
	s7 =	sshrl.u32 s7, $0x3;
	s14 =	sadd.s32 $0x550, s14  }
0x11: {  	s6 =	sadd.s32 $0x7600, s9;
	s10 =	smax.u32 s28, $0x1;
	s15 =	sadd.s32 s7, s5  }
0x12: {  	s5 =	simm.s32 $0x14;
	s14 =	smov.u32 @p0 s16;
	s7 =	sor.u32 $0x1C02, s30  }
0x13: {  	s16 =	sshrl.u32 s17, $0x3;
	s17 =	simm.s32 $0x80;
	s5 =	simm.s32 @!p0 $0x13  }
0x14: {  	s8 =	sadd.s32 $0xFE00, s15;
	s9 =	sadd.s32 $0x18E00, s15;
	s31 =	sshll.u32 s14, $0x4  }
0x15: {  	s14 =	sshrl.u32 s14, $0x3;
	s15 =	simm.s32 $0x2;
	s11 =	sadd.s32 s31, s11  }
0x16: {  	s12 =	sadd.s32 s31, s12;
	s13 =	sadd.s32 s14, s13;
	s14 =	sshrl.u32 s29, $0x3  }
.LBB2_1:
0x17: {  	[spmem:s14], [sflag:s7] =	dma.local [hbm:s6], $0x480  }
0x18: {  	_ =	swait.ge [sflag:s15], $0x480  }
0x19: {  	[sflag:s15] =	ssyncset.done $0x0  }
0x1a: {  	[sflag:s15] =	ssyncadd.s32 $0xFFFFFB80  }
0x1b: {  	[spmem:s16], [sflag:s7] =	dma.local [hbm:s6], $0x480  }
0x1c: {  	_ =	swait.ge [sflag:s15], $0x480  }
0x1d: {  	[sflag:s15] =	ssyncset.done $0x0  }
0x1e: {  	[sflag:s15] =	ssyncadd.s32 $0xFFFFFB80  }
0x1f: {  	[bflag:$0x0] =	sbarrier.arrive $0xFFFF  }
0x20: {  	[tilespmem:s4], [sflag:$0x2] =	stream.linear.gather [hbm4b:s13+s4], $0x50, $0x38;
	[tilespmem:$0x9880] =	vst v63  }
0x21: {  	_ =	swait.ge [sflag:s15], $0x50  }
0x22: {  	[sflag:s15] =	ssyncset.done $0x0  }
0x23: {  	[sflag:s15] =	ssyncadd.s32 $0xFFFFFFB0  }
0x24: {  	[tilespmem:s17], [sflag:$0x1] =	stream.linear.gather [hbm4b:s11+s4], $0x2800, $0x38;
	[tilespmem:$0x9880] =	vst v63  }
0x25: {  	_ = 	snop  }
0x26: {  	[tilespmem:s18], [sflag:$0x2] =	stream.linear.gather [hbm4b:s12+s4], $0x2800, $0x38;
	[tilespmem:$0x9880] =	vst v63  }
0x27: {  	_ =	swait.ge [sflag:s15], $0x2800  }
0x28: {  	[sflag:s15] =	ssyncset.done $0x0  }
0x29: {  	[sflag:s15] =	ssyncadd.s32 $0xFFFFD800  }
0x2a: {  	_ =	swait.ge [sflag:s19], $0x2800  }
0x2b: {  	[sflag:s19] =	ssyncset.done $0x0  }
0x2c: {  	[sflag:s19] =	ssyncadd.s32 $0xFFFFD800  }
0x2d: {  	[spmem:s2] =	stream.indirect.scatter.add.f32 [tilespmem:s17], [sflag:$0x2], $0x80, s4, s20, $0xb8;
	[tilespmem:$0x9880] =	vst v63  }
0x2e: {  	p0 =	sne.s32 s5, $0x1;
	_ =	swait.ge [sflag:s15], $0x2800  }
.Ltmp0:
0x2f: {  	[sflag:s15] =	ssyncset.done $0x0;
	(pc) =	sbr.rel @!p0 .LBB2_3-.Ltmp0, $4  }
0x30: {  	[sflag:s15] =	ssyncadd.s32 $0xFFFFD800  }
0x31: {  	[spmem:s3] =	stream.indirect.scatter.add.f32 [tilespmem:s18], [sflag:$0x2], $0x80, s4, s20, $0xb8;
	[tilespmem:$0x9880] =	vst v63  }
0x32: {  	s22 =	sadd.s32 $0xFFFFFFFF, s5;
	s23 =	sadd.s32 $0xA, s13;
	_ =	swait.ge [sflag:s15], $0x2800  }
0x33: {  	s24 =	smov.u32 s11;
	s25 =	smov.u32 s12;
	[sflag:s15] =	ssyncset.done $0x0  }
.LBB2_2:
0x34: {  	[sflag:s15] =	ssyncadd.s32 $0xFFFFD800;
	s24 =	sadd.s32 $0x500, s24;
	s25 =	sadd.s32 $0x500, s25  }
0x35: {  	[tilespmem:s4], [sflag:$0x2] =	stream.linear.gather [hbm4b:s23+s4], $0x50, $0x38;
	[tilespmem:$0x9880] =	vst v63  }
0x36: {  	p0 =	sne.s32 s22, $0x1;
	s22 =	sadd.s32 $0xFFFFFFFF, s22;
	_ =	swait.ge [sflag:s15], $0x50  }
0x37: {  	[sflag:s15] =	ssyncset.done $0x0  }
0x38: {  	[sflag:s15] =	ssyncadd.s32 $0xFFFFFFB0  }
0x39: {  	[tilespmem:s17], [sflag:$0x1] =	stream.linear.gather [hbm4b:s24+s4], $0x2800, $0x38;
	[tilespmem:$0x9880] =	vst v63  }
0x3a: {  	_ = 	snop  }
0x3b: {  	[tilespmem:s18], [sflag:$0x2] =	stream.linear.gather [hbm4b:s25+s4], $0x2800, $0x38;
	[tilespmem:$0x9880] =	vst v63  }
0x3c: {  	_ =	swait.ge [sflag:s15], $0x2800  }
0x3d: {  	[sflag:s15] =	ssyncset.done $0x0  }
0x3e: {  	[sflag:s15] =	ssyncadd.s32 $0xFFFFD800  }
0x3f: {  	_ =	swait.ge [sflag:s19], $0x2800  }
0x40: {  	[sflag:s19] =	ssyncset.done $0x0  }
0x41: {  	[sflag:s19] =	ssyncadd.s32 $0xFFFFD800  }
0x42: {  	[spmem:s2] =	stream.indirect.scatter.add.f32 [tilespmem:s17], [sflag:$0x2], $0x80, s4, s20, $0xb8;
	[tilespmem:$0x9880] =	vst v63  }
0x43: {  	_ =	swait.ge [sflag:s15], $0x2800  }
.Ltmp1:
0x44: {  	[sflag:s15] =	ssyncset.done $0x0;
	(pc) =	sbr.rel @p0 .LBB2_2-.Ltmp1, $4  }
0x45: {  	[sflag:s15] =	ssyncadd.s32 $0xFFFFD800  }
0x46: {  	[spmem:s3] =	stream.indirect.scatter.add.f32 [tilespmem:s18], [sflag:$0x2], $0x80, s4, s20, $0xb8;
	[tilespmem:$0x9880] =	vst v63  }
0x47: {  	_ =	swait.ge [sflag:s15], $0x2800  }
0x48: {  	s23 =	sadd.s32 $0xA, s23;
	[sflag:s15] =	ssyncset.done $0x0  }
.LBB2_3:
0x49: {  	[sflag:s15] =	ssyncadd.s32 $0xFFFFD800  }
0x4a: {  	[bflag:$0x0] =	sbarrier.arrive $0xFFFF  }
0x4b: {  	[hbm:s8], [sflag:s7] =	dma.local [spmem:s14], $0x480  }
0x4c: {  	s21 =	sadd.s32 $0x1, s21;
	_ =	swait.ge [sflag:s15], $0x480  }
0x4d: {  	p0 =	sne.s32 s21, s10;
	[sflag:s15] =	ssyncset.done $0x0  }
.Ltmp2:
0x4e: {  	[sflag:s15] =	ssyncadd.s32 $0xFFFFFB80;
	(pc) =	sbr.rel @p0 .LBB2_1-.Ltmp2, $4  }
0x4f: {  	[hbm:s9], [sflag:s7] =	dma.local [spmem:s16], $0x480  }
0x50: {  	_ =	swait.ge [sflag:s15], $0x480  }
0x51: {  	[sflag:s15] =	ssyncset.done $0x0  }
0x52: {  	[sflag:s15] =	ssyncadd.s32 $0xFFFFFB80  }
0x53: {  	_ =	sfence.sel $0x180000  }
0x54: {  	[bflag:$0x0] =	sbarrier.arrive $0xFFFF  }
0x55: {  	p0 =	sne.s32 s1, $0x0;
	_ =	strace $0x9000004D  }
0x56: {  	s0 =	sadd.s32 @!p0 $0x100000, s0;
	[bflag:$0x2] =	sbarrier.arrive $0xFFFF  }
0x57: {  	[sflag:s0] =	ssyncadd.tile.s32 @!p0 $0x1;
	_ =	shalt  }
.Lfunc_end2:
_tile_overlayer_lowered:
.L_overlay_start_2:
0x58: {  	(tag) =	ssettag $0x2  }
0x59: {  	s0 =	rddreg [dreg:$0x0];
	s2 =	stileid.u32  }
0x5a: {  	s1 =	rddreg [dreg:$0x1];
	p0 =	sne.s32 s2, $0x0  }
0x5b: {  	s3 =	rddreg [dreg:$0x2];
	[bflag:$0x3] =	sbarrier.arrive $0xFFFF;
	s2 =	simm.s32 @!p0 $0x1C02  }
0x5c: {  	[timem:s3], [sflag:s2] =	dma.local @!p0 [hbm:s0], s1  }
0x5d: {  	s0 =	simm.s32 @!p0 $0x2  }
0x5e: {  	_ =	swait.ge @!p0 [sflag:s0], s1  }
0x5f: {  	s1 =	ssub.s32 @!p0 $0x0, s1;
	[sflag:s0] =	ssyncset.done @!p0 $0x0  }
0x60: {  	[sflag:s0] =	ssyncadd.s32 @!p0 s1  }
0x61: {  	[bflag:$0x3] =	sbarrier.arrive $0xFFFF  }
0x62: {  	_ =	shalt  }

// kernel: kernel.31.cloned.1.call-start
scs
__scs_entry_jumppad:
0x0: {  	(pc) =	sbr.rel $0x88, $3  }
0x1: {  	(tag) =	ssettag $0x0;
	lr =	simm.s32 $0x1  }
0x2: {  	[smem:$0x3F90] =	sst lr;
	_ =	strace $0xD0000000  }
0x3: {  	_ = 	snop  }
0x4: {  	_ = 	snop  }
0x5: {  	_ = 	snop  }
0x6: {  	_ = 	snop  }
0x7: {  	_ = 	snop  }
__scs_overlays_trampoline_lowered:
0x8: {  	[smem:$0x3F9F] =	sst s0  }
0x9: {  	[smem:$0x3FA0] =	sst s1  }
0xa: {  	[smem:$0x3FA1] =	sst s2  }
0xb: {  	[smem:$0x3FA2] =	sst s3  }
0xc: {  	[smem:$0x3FA3] =	sst s4  }
0xd: {  	[smem:$0x3FA4] =	sst s5  }
0xe: {  	[smem:$0x3FA5] =	sst s6  }
0xf: {  	[smem:$0x3FA6] =	sst s7  }
0x10: {  	[smem:$0x3FA7] =	sst s8  }
0x11: {  	[smem:$0x3FA8] =	sst s9;
	s0 =	simm.s32 @!p0 $0x0  }
0x12: {  	s1 =	sld [smem:$0x3F8E];
	s0 =	simm.s32 @p0 $0x1  }
0x13: {  	[smem:$0x3FA9] =	sst s0;
	s0 =	simm.s32 @!p1 $0x0  }
0x14: {  	s2 =	sld [smem:$0x3F8D];
	s0 =	simm.s32 @p1 $0x1  }
0x15: {  	[smem:$0x3FAA] =	sst s0;
	s0 =	simm.s32 @!p2 $0x0  }
0x16: {  	s3 =	sld [smem:$0x3FDB];
	s0 =	simm.s32 @p2 $0x1  }
0x17: {  	s4 =	simm.s32 $0x1BF5;
	[smem:$0x3FAC] =	sst s0  }
0x18: {  	s0 =	sld [smem:$0x3F8F];
	_ =	swait.ge [sflag:s4], $0x0  }
0x19: {  	s7 =	sld [smem:$0x3F90]  }
0x1a: {  	s8 =	sadd.s32 $0xFFFFE003, lr  }
0x1b: {  	s9 =	sadd.s32 $0xFFFFFEF7, lr;
	s5 =	simm.s32 $0xFFFFFFFF;
	p2 =	slt.u32 s8, $0xFFFFF086  }
0x1c: {  	p1 =	slt.u32 s9, $0xF7A;
	s5 =	simm.s32 @!p2 $0x0  }
0x1d: {  	s5 =	simm.s32 @p1 $0x1;
	p0 =	seq.s32 s7, s2  }
0x1e: {  	s7 =	smul.u32 @!p0 $0xF7A, s2;
	p2 =	seq.s32 @!p0 s5, $0x0  }
0x1f: {  	s9 =	smul.u32 $0xF7A, s1;
	s8 =	simm.s32 @!p0 $0x1BF5;
	p2 =	por !p2, p0  }
0x20: {  	[sflag:s8] =	ssyncset.s32 @!p0 $0xFFFFF086;
	s6 =	sadd.s32 @!p0 s3, s7;
	s7 =	simm.s32 @!p0 $0x108  }
0x21: {  	s3 =	sadd.s32 s3, s9;
	s6 =	sadd.s32 @!p0 $0x88, s6;
	s7 =	simm.s32 @p2 $0x1082  }
0x22: {  	[simem:s7], [sflag:s8] =	dma.local @!p0 [hbm:s6], $0xF7A  }
0x23: {  	s9 =	sor.u32 $0xD0000000, s2;
	s6 =	simm.s32 $0x108;
	_ =	swait.ge @!p0 [sflag:s8], $0x0  }
0x24: {  	s3 =	sadd.s32 $0x88, s3;
	s6 =	simm.s32 @!p1 $0x1082;
	[sflag:s4] =	ssyncset.s32 $0xFFFFF086  }
0x25: {  	[simem:s6], [sflag:s4] =	dma.local [hbm:s3], $0xF7A  }
0x26: {  	[smem:$0x3F90] =	sst s1;
	(tag) =	ssettag s2;
	_ =	strace s9  }
0x27: {  	s1 =	sld [smem:$0x3FA0]  }
0x28: {  	s2 =	sld [smem:$0x3FA1]  }
0x29: {  	s4 =	sld [smem:$0x3FA3]  }
0x2a: {  	p0 =	seq.s32 s5, $0x0;
	s5 =	sld [smem:$0x3FA4]  }
0x2b: {  	s6 =	sld [smem:$0x3FA5]  }
0x2c: {  	s7 =	sld [smem:$0x3FA6]  }
0x2d: {  	s3 =	simm.s32 $0x108;
	s8 =	sld [smem:$0x3FA7]  }
0x2e: {  	s3 =	simm.s32 @!p0 $0x1082;
	s9 =	sld [smem:$0x3FA8]  }
0x2f: {  	lr =	sadd.s32 s0, s3;
	s0 =	sld [smem:$0x3F9F]  }
0x30: {  	s3 =	sld [smem:$0x3FA2]  }
0x31: {  	[smem:$0x3FAB] =	sst s10  }
0x32: {  	s10 =	sld [smem:$0x3FA9];
	_ =	sdelay $0x3  }
0x33: {  	p0 =	seq.s32 s10, $0x1;
	s10 =	sld [smem:$0x3FAB];
	_ =	sdelay $0x3  }
0x34: {  	[smem:$0x3FAB] =	sst s10  }
0x35: {  	s10 =	sld [smem:$0x3FAA];
	_ =	sdelay $0x3  }
0x36: {  	p1 =	seq.s32 s10, $0x1;
	s10 =	sld [smem:$0x3FAB];
	_ =	sdelay $0x3  }
0x37: {  	[smem:$0x3FAB] =	sst s10  }
0x38: {  	s10 =	sld [smem:$0x3FAC]  }
0x39: {  	_ = 	snop;
	(pc) =	sbr.ind lr, $3  }
0x3a: {  	_ = 	snop  }
0x3b: {  	_ = 	snop  }
0x3c: {  	p2 =	seq.s32 s10, $0x1;
	s10 =	sld [smem:$0x3FAB]  }
0x3d: {  	_ =	shalt  }
0x3e: {  	_ =	shalt  }
0x3f: {  	_ =	shalt  }
0x40: {  	_ =	shalt  }
0x41: {  	_ =	shalt  }
0x42: {  	_ =	shalt  }
0x43: {  	_ =	shalt  }
0x44: {  	_ =	shalt  }
0x45: {  	_ =	shalt  }
0x46: {  	_ =	shalt  }
0x47: {  	_ =	shalt  }
0x48: {  	_ =	shalt  }
0x49: {  	_ =	shalt  }
0x4a: {  	_ =	shalt  }
0x4b: {  	_ =	shalt  }
0x4c: {  	_ =	shalt  }
0x4d: {  	_ =	shalt  }
0x4e: {  	_ =	shalt  }
0x4f: {  	_ =	shalt  }
0x50: {  	_ =	shalt  }
0x51: {  	_ =	shalt  }
0x52: {  	_ =	shalt  }
0x53: {  	_ =	shalt  }
0x54: {  	_ =	shalt  }
0x55: {  	_ =	shalt  }
0x56: {  	_ =	shalt  }
0x57: {  	_ =	shalt  }
0x58: {  	_ =	shalt  }
0x59: {  	_ =	shalt  }
0x5a: {  	_ =	shalt  }
0x5b: {  	_ =	shalt  }
0x5c: {  	_ =	shalt  }
0x5d: {  	_ =	shalt  }
0x5e: {  	_ =	shalt  }
0x5f: {  	_ =	shalt  }
0x60: {  	_ =	shalt  }
0x61: {  	_ =	shalt  }
0x62: {  	_ =	shalt  }
0x63: {  	_ =	shalt  }
0x64: {  	_ =	shalt  }
0x65: {  	_ =	shalt  }
0x66: {  	_ =	shalt  }
0x67: {  	_ =	shalt  }
0x68: {  	_ =	shalt  }
0x69: {  	_ =	shalt  }
0x6a: {  	_ =	shalt  }
0x6b: {  	_ =	shalt  }
0x6c: {  	_ =	shalt  }
0x6d: {  	_ =	shalt  }
0x6e: {  	_ =	shalt  }
0x6f: {  	_ =	shalt  }
0x70: {  	_ =	shalt  }
0x71: {  	_ =	shalt  }
0x72: {  	_ =	shalt  }
0x73: {  	_ =	shalt  }
0x74: {  	_ =	shalt  }
0x75: {  	_ =	shalt  }
0x76: {  	_ =	shalt  }
0x77: {  	_ =	shalt  }
0x78: {  	_ =	shalt  }
0x79: {  	_ =	shalt  }
0x7a: {  	_ =	shalt  }
0x7b: {  	_ =	shalt  }
0x7c: {  	_ =	shalt  }
0x7d: {  	_ =	shalt  }
0x7e: {  	_ =	shalt  }
0x7f: {  	_ =	shalt  }
0x80: {  	_ =	shalt  }
0x81: {  	_ =	shalt  }
0x82: {  	_ =	shalt  }
0x83: {  	_ =	shalt  }
0x84: {  	_ =	shalt  }
0x85: {  	_ =	shalt  }
0x86: {  	_ =	shalt  }
0x87: {  	_ =	shalt  }
.Lfunc_end0:
.L_simem_size_0:
called_computation.3_lowered:
.L_overlay_start_0:
0x88: {  	s2 =	sld [smem:$0x3FD9]  }
0x89: {  	s3 =	sld [smem:$0x3FFE];
	_ =	sdelay $0x1  }
0x8a: {  	s1 =	srdreg.scid  }
0x8b: {  	s0 =	sand.u32 $0x1, s1  }
0x8c: {  	s17 =	sshll.u32 s0, $0xA;
	s2 =	sadd.s32 s3, s2  }
0x8d: {  	s2 =	sadd.s32 s2, s17  }
0x8e: {  	[smem:$0x3FB7] =	sst s2  }
0x8f: {  	_ = 	snop  }
0x90: {  	s2 =	sld [smem:$0x3FC7];
	(tm) =	ssettm $0x1  }
0x91: {  	s18 =	sld [smem:$0x3FFB];
	_ =	sdelay $0x3  }
0x92: {  	_ =	strace s18  }
0x93: {  	s3 =	sld [smem:$0x3FFC];
	_ =	sdelay $0x3  }
0x94: {  	_ =	strace s3  }
0x95: {  	s3 =	sld [smem:$0x3FFD];
	_ =	sdelay $0x3  }
0x96: {  	_ =	strace s3  }
0x97: {  	_ =	strace $0x8FFFFFFF  }
0x98: {  	s19 =	sld [smem:$0x3FDB];
	_ =	sdelay $0x1  }
0x99: {  	s4 =	simm.s32 $_scs_section_size  }
0x9a: {  	s5 =	simm.s32 $_size__tile_overlayer_lowered;
	s6 =	simm.s32 $_tile_overlayer_lowered  }
0x9b: {  	s22 =	simm.s32 $0x1BFF;
	s21 =	sshll.u32 s6, $0x1;
	s3 =	sadd.s32 s4, s19  }
0x9c: {  	s7 =	simm.s32 $0x0;
	s20 =	sshll.u32 s5, $0x1;
	s5 =	sadd.s32 s21, s3  }
0x9d: {  	[timem:s7], [sflag:s22] =	dma.local [hbm:s5], s20  }
0x9e: {  	_ =	swait.ge [sflag:s22], s20  }
0x9f: {  	s4 =	ssub.s32 $0x0, s20;
	[sflag:s22] =	ssyncset.done $0x0  }
0xa0: {  	[sflag:s22] =	ssyncadd.s32 s4;
	_ =	sdelay $0x1  }
0xa1: {  	s23 =	simm.s32 $0x1B8B  }
0xa2: {  	_ =	swait.ge [sflag:s23], $0x1  }
0xa3: {  	[sflag:s23] =	ssyncset.done $0x0  }
0xa4: {  	s25 =	simm.s32 $0x1B8E;
	s24 =	sld [smem:$0x3FFE];
	[sflag:s23] =	ssyncadd.s32 $0xFFFFFFFF  }
0xa5: {  	s26 =	simm.s32 $execute0_lowered;
	[smem:$0x3FD2] =	sst s25  }
0xa6: {  	s5 =	sshll.u32 s26, $0x1;
	_ =	strace $0x8000004F;
	[dreg:$0x1] =	wrdreg $0xFFFFFFFF  }
0xa7: {  	s28 =	simm.s32 $_size_execute0_lowered;
	s3 =	sadd.s32 s3, s5;
	[dreg:$0x0] =	wrdreg $0x0  }
0xa8: {  	s5 =	sshll.u32 s28, $0x1;
	[dreg:$0x2] =	wrdreg s3  }
0xa9: {  	[dreg:$0x3] =	wrdreg s5  }
0xaa: {  	[dreg:$0x4] =	wrdreg $0xC0  }
0xab: {  	_ =	task [dreg:s7], $0x5FFFF  }
0xac: {  	[dreg:$0x1] =	wrdreg $0xFFFFFFFF  }
0xad: {  	[dreg:$0x0] =	wrdreg $0x60  }
0xae: {  	[dreg:$0x2] =	wrdreg s24  }
0xaf: {  	[dreg:$0x3] =	wrdreg s2  }
0xb0: {  	[dreg:$0x4] =	wrdreg $0x9  }
0xb1: {  	_ =	task.clear_ibuf [dreg:s7], $0x5FFFF;
	_ =	strace $0x9000004F  }
0xb2: {  	s29 =	simm.s32 $0x9;
	_ =	strace $0x80000051  }
0xb3: {  	_ =	swait.ge [sflag:s29], $0x1  }
0xb4: {  	[sflag:s29] =	ssyncadd.s32 $0xFFFFFFFF  }
0xb5: {  	_ =	strace $0x90000051  }
0xb6: {  	_ =	sfence  }
0xb7: {  	s30 =	sld [smem:$0x0];
	_ =	sdelay $0x2  }
0xb8: {  	s31 =	sshll.u32 s1, $0xD;
	s1 =	sshrl.u32 s1, $0x2  }
0xb9: {  	s3 =	sand.u32 $0x4000, s31;
	s1 =	sadd.s32 s1, s30  }
0xba: {  	s0 =	sor.u32 s3, s0;
	s1 =	sshll.u32 s1, $0x11  }
0xbb: {  	s0 =	sor.u32 s1, s0  }
0xbc: {  	s0 =	sadd.s32 $0x8F2B, s0  }
0xbd: {  	[sflag:s0] =	ssyncadd.remote.s32 $0x1  }
0xbe: {  	_ =	sfence.sel $0xFFFF  }
0xbf: {  	[dreg:$0x0] =	wrdreg $0xFFFFFFFF;
	(pc) =	sbr.abs _section_cstart, $3  }
0xc0: {  	[dreg:$0x1] =	wrdreg $0xFFFFFFFF  }
0xc1: {  	_ =	task.clear_ibuf [dreg:s7], $0x2FFFF;
	_ =	strace $0x9FFFFFFF  }
0xc2: {  	(tm) =	ssettm $0x7FFFFFFF  }
0xc3: {  	_ =	shalt  }
tec
execute0_lowered:
.L_overlay_start_1:
0x0: {  	(tag) =	ssettag $0x1  }
0x1: {  	s1 =	srdreg.scid;
	s4 =	rddreg [dreg:$0x0]  }
0x2: {  	s0 =	stileid.u32;
	s7 =	rddreg [dreg:$0x1];
	s2 =	simm.s32 $0x0  }
0x3: {  	s10 =	simm.s32 $0x880;
	s11 =	simm.s32 $0x1080;
	s12 =	simm.s32 $0x1880  }
0x4: {  	s13 =	simm.s32 $0x2080;
	s14 =	simm.s32 $0x2880;
	s15 =	simm.s32 $0x3080  }
0x5: {  	s16 =	simm.s32 $0x3880;
	s17 =	simm.s32 $0x4080;
	s18 =	simm.s32 $0x4880  }
0x6: {  	s19 =	simm.s32 $0x1;
	s3 =	sand.u32 $0x1, s1;
	s29 =	sshll.u32 s0, $0x1  }
0x7: {  	s20 =	simm.s32 $0x0;
	[smem:$0x7FF] =	sst s2;
	s5 =	sor.u32 s3, s29  }
0x8: {  	s1 =	rddreg [dreg:$0x2];
	_ =	strace $0x80000050;
	s6 =	smul.u32 $0x5F0, s5  }
0x9: {  	s30 =	ssub.s32 $0x2, s3;
	s3 =	sadd.s32 $0xBE00, s4;
	s8 =	smul.u32 $0x640, s5  }
0xa: {  	p0 =	slt.u32 s5, $0x11;
	s9 =	sshrl.u32 s30, $0x1;
	s6 =	sadd.s32 $0x550, s6  }
0xb: {  	s5 =	ssub.s32 s30, s9;
	s9 =	simm.s32 $0x80;
	s6 =	smov.u32 @p0 s8  }
0xc: {  	v2 =	vlaneseq.u32;
	s5 =	smax.u32 s5, $0x1;
	s8 =	sshll.u32 s6, $0x5;
	s31 =	sshrl.u32 s6, $0x3  }
0xd: {  	vm0 =	vmmov $0xffff;
	v1 =	vshrl.u32 v2, $0x3;
	s8 =	sadd.s32 s8, s4;
	s4 =	simm.s32 $0x14;
	s7 =	sadd.s32 s31, s7  }
0xe: {  	v0 =	vand.u32 $0x7, v2;
	v2 =	vor.u32 $0x8, v2;
	v1 =	vmul.u32 $0x8, v1;
	s4 =	simm.s32 @!p0 $0x13;
	s6 =	sadd.s32 $0x13E00, s8;
	s8 =	simm.s32 $0x2  }
.LBB2_1:
0xf: {  	s21 =	smov.u32 s7;
	s22 =	smov.u32 s6;
	s23 =	smov.u32 s4  }
.LBB2_2:
0x10: {  	[tilespmem:s2], [sflag:$0x2] =	stream.linear.gather [hbm4b:s21+s2], $0x50, $0x38;
	[tilespmem:$0x5080] =	vst v63  }
0x11: {  	_ =	swait.ge [sflag:s8], $0x50  }
0x12: {  	[sflag:s8] =	ssyncset.done $0x0  }
0x13: {  	[sflag:s8] =	ssyncadd.s32 $0xFFFFFFB0  }
0x14: {  	v3 =	vld [tilespmem:$0x0];
	_ =	sdelay $0x4  }
0x15: {  	v4 =	vshll.u32 v3, $0x1  }
0x16: {  	v3 =	vand.u32 $0x7, v3;
	v4 =	vand.u32 $0xFFFFFFF0, v4  }
0x17: {  	v3 =	vor.u32 v3, v4  }
0x18: {  	v4 =	vperm.xlane v3, v0;
	_ =	sdelay $0x1  }
0x19: {  	v3 =	vperm.xlane v3, v2;
	v4 =	vadd.s32 v1, v4;
	_ =	sdelay $0x1  }
0x1a: {  	v3 =	vadd.s32 v1, v3;
	_ =	sdelay $0x2  }
0x1b: {  	[tilespmem:s9], [sflag:$0x1] =	stream.indirect_vreg.gather [hbm4b:s3+s2], $0x80, v4, vm0, $0xb8;
	[tilespmem:$0x5080] =	vst v63  }
0x1c: {  	_ = 	snop  }
0x1d: {  	[tilespmem:s10], [sflag:$0x1] =	stream.indirect_vreg.gather [hbm4b:s3+s2], $0x80, v3, vm0, $0xb8;
	[tilespmem:$0x5080] =	vst v63  }
0x1e: {  	v3 =	vld [tilespmem:$0x10];
	_ =	sdelay $0x4  }
0x1f: {  	v60 =	vshll.u32 v3, $0x1  }
0x20: {  	v3 =	vand.u32 $0x7, v3;
	v4 =	vand.u32 $0xFFFFFFF0, v60  }
0x21: {  	v3 =	vor.u32 v3, v4  }
0x22: {  	v4 =	vperm.xlane v3, v0;
	_ =	sdelay $0x1  }
0x23: {  	v3 =	vperm.xlane v3, v2;
	v4 =	vadd.s32 v1, v4;
	_ =	sdelay $0x1  }
0x24: {  	v3 =	vadd.s32 v1, v3;
	_ =	sdelay $0x2  }
0x25: {  	[tilespmem:s11], [sflag:$0x1] =	stream.indirect_vreg.gather [hbm4b:s3+s2], $0x80, v4, vm0, $0xb8;
	[tilespmem:$0x5080] =	vst v63  }
0x26: {  	_ = 	snop  }
0x27: {  	[tilespmem:s12], [sflag:$0x1] =	stream.indirect_vreg.gather [hbm4b:s3+s2], $0x80, v3, vm0, $0xb8;
	[tilespmem:$0x5080] =	vst v63  }
0x28: {  	v3 =	vld [tilespmem:$0x20];
	_ =	sdelay $0x4  }
0x29: {  	v61 =	vshll.u32 v3, $0x1  }
0x2a: {  	v3 =	vand.u32 $0x7, v3;
	v4 =	vand.u32 $0xFFFFFFF0, v61  }
0x2b: {  	v3 =	vor.u32 v3, v4  }
0x2c: {  	v4 =	vperm.xlane v3, v0;
	_ =	sdelay $0x1  }
0x2d: {  	v3 =	vperm.xlane v3, v2;
	v4 =	vadd.s32 v1, v4;
	_ =	sdelay $0x1  }
0x2e: {  	v3 =	vadd.s32 v1, v3;
	_ =	sdelay $0x2  }
0x2f: {  	[tilespmem:s13], [sflag:$0x1] =	stream.indirect_vreg.gather [hbm4b:s3+s2], $0x80, v4, vm0, $0xb8;
	[tilespmem:$0x5080] =	vst v63  }
0x30: {  	_ = 	snop  }
0x31: {  	[tilespmem:s14], [sflag:$0x1] =	stream.indirect_vreg.gather [hbm4b:s3+s2], $0x80, v3, vm0, $0xb8;
	[tilespmem:$0x5080] =	vst v63  }
0x32: {  	v3 =	vld [tilespmem:$0x30];
	_ =	sdelay $0x4  }
0x33: {  	v62 =	vshll.u32 v3, $0x1  }
0x34: {  	v3 =	vand.u32 $0x7, v3;
	v4 =	vand.u32 $0xFFFFFFF0, v62  }
0x35: {  	v3 =	vor.u32 v3, v4  }
0x36: {  	v4 =	vperm.xlane v3, v0;
	_ =	sdelay $0x1  }
0x37: {  	v3 =	vperm.xlane v3, v2;
	v4 =	vadd.s32 v1, v4;
	_ =	sdelay $0x1  }
0x38: {  	v3 =	vadd.s32 v1, v3;
	_ =	sdelay $0x2  }
0x39: {  	[tilespmem:s15], [sflag:$0x1] =	stream.indirect_vreg.gather [hbm4b:s3+s2], $0x80, v4, vm0, $0xb8;
	[tilespmem:$0x5080] =	vst v63  }
0x3a: {  	_ = 	snop  }
0x3b: {  	[tilespmem:s16], [sflag:$0x1] =	stream.indirect_vreg.gather [hbm4b:s3+s2], $0x80, v3, vm0, $0xb8;
	[tilespmem:$0x5080] =	vst v63  }
0x3c: {  	v3 =	vld [tilespmem:$0x40];
	_ =	sdelay $0x4  }
0x3d: {  	v63 =	vshll.u32 v3, $0x1  }
0x3e: {  	v3 =	vand.u32 $0x7, v3;
	v4 =	vand.u32 $0xFFFFFFF0, v63  }
0x3f: {  	v3 =	vor.u32 v3, v4  }
0x40: {  	v4 =	vperm.xlane v3, v0;
	_ =	sdelay $0x1  }
0x41: {  	v3 =	vperm.xlane v3, v2;
	v4 =	vadd.s32 v1, v4;
	_ =	sdelay $0x1  }
0x42: {  	v3 =	vadd.s32 v1, v3;
	_ =	sdelay $0x2  }
0x43: {  	[tilespmem:s17], [sflag:$0x1] =	stream.indirect_vreg.gather [hbm4b:s3+s2], $0x80, v4, vm0, $0xb8;
	[tilespmem:$0x5080] =	vst v63  }
0x44: {  	_ = 	snop  }
0x45: {  	[tilespmem:s18], [sflag:$0x1] =	stream.indirect_vreg.gather [hbm4b:s3+s2], $0x80, v3, vm0, $0xb8;
	[tilespmem:$0x5080] =	vst v63  }
0x46: {  	_ =	swait.ge [sflag:s19], $0x5000  }
0x47: {  	p0 =	sne.s32 s23, $0x1;
	[sflag:s19] =	ssyncset.done $0x0  }
.Ltmp0:
0x48: {  	[sflag:s19] =	ssyncadd.s32 $0xFFFFB000;
	(pc) =	sbr.rel @p0 .LBB2_2-.Ltmp0, $4  }
0x49: {  	[hbm4b:s22+s2] =	stream.linear.scatter [tilespmem:s9], [sflag:$0x2], $0x5000, $0x38;
	[tilespmem:$0x5080] =	vst v63  }
0x4a: {  	_ =	swait.ge [sflag:s8], $0x5000  }
0x4b: {  	s21 =	sadd.s32 $0xA, s21;
	[sflag:s8] =	ssyncset.done $0x0  }
0x4c: {  	s23 =	sadd.s32 $0xFFFFFFFF, s23;
	s22 =	sadd.s32 $0xA00, s22;
	[sflag:s8] =	ssyncadd.s32 $0xFFFFB000  }
0x4d: {  	s20 =	sadd.s32 $0x1, s20  }
0x4e: {  	p0 =	sne.s32 s20, s5  }
.Ltmp1:
0x4f: {  	_ = 	snop;
	(pc) =	sbr.rel @p0 .LBB2_1-.Ltmp1, $1  }
0x50: {  	_ =	sdelay $0x3  }
0x51: {  	_ =	sfence.sel $0x180000  }
0x52: {  	[bflag:$0x0] =	sbarrier.arrive $0xFFFF  }
0x53: {  	p0 =	sne.s32 s0, $0x0;
	_ =	strace $0x90000050  }
0x54: {  	s0 =	sadd.s32 @!p0 $0x100000, s1;
	[bflag:$0x2] =	sbarrier.arrive $0xFFFF  }
0x55: {  	[sflag:s0] =	ssyncadd.tile.s32 @!p0 $0x1;
	_ =	shalt  }
.Lfunc_end2:
_tile_overlayer_lowered:
.L_overlay_start_2:
0x56: {  	(tag) =	ssettag $0x2  }
0x57: {  	s0 =	rddreg [dreg:$0x0];
	s2 =	stileid.u32  }
0x58: {  	s1 =	rddreg [dreg:$0x1];
	p0 =	sne.s32 s2, $0x0  }
0x59: {  	s3 =	rddreg [dreg:$0x2];
	[bflag:$0x3] =	sbarrier.arrive $0xFFFF;
	s2 =	simm.s32 @!p0 $0x1C02  }
0x5a: {  	[timem:s3], [sflag:s2] =	dma.local @!p0 [hbm:s0], s1  }
0x5b: {  	s0 =	simm.s32 @!p0 $0x2  }
0x5c: {  	_ =	swait.ge @!p0 [sflag:s0], s1  }
0x5d: {  	s1 =	ssub.s32 @!p0 $0x0, s1;
	[sflag:s0] =	ssyncset.done @!p0 $0x0  }
0x5e: {  	[sflag:s0] =	ssyncadd.s32 @!p0 s1  }
0x5f: {  	[bflag:$0x3] =	sbarrier.arrive $0xFFFF  }
0x60: {  	_ =	shalt  }

// kernel: kernel.34.cloned.1.call-start
scs
__scs_entry_jumppad:
0x0: {  	(pc) =	sbr.rel $0x88, $3  }
0x1: {  	(tag) =	ssettag $0x0;
	lr =	simm.s32 $0x1  }
0x2: {  	[smem:$0x3F90] =	sst lr;
	_ =	strace $0xD0000000  }
0x3: {  	_ = 	snop  }
0x4: {  	_ = 	snop  }
0x5: {  	_ = 	snop  }
0x6: {  	_ = 	snop  }
0x7: {  	_ = 	snop  }
__scs_overlays_trampoline_lowered:
0x8: {  	[smem:$0x3F9F] =	sst s0  }
0x9: {  	[smem:$0x3FA0] =	sst s1  }
0xa: {  	[smem:$0x3FA1] =	sst s2  }
0xb: {  	[smem:$0x3FA2] =	sst s3  }
0xc: {  	[smem:$0x3FA3] =	sst s4  }
0xd: {  	[smem:$0x3FA4] =	sst s5  }
0xe: {  	[smem:$0x3FA5] =	sst s6  }
0xf: {  	[smem:$0x3FA6] =	sst s7  }
0x10: {  	[smem:$0x3FA7] =	sst s8  }
0x11: {  	[smem:$0x3FA8] =	sst s9;
	s0 =	simm.s32 @!p0 $0x0  }
0x12: {  	s1 =	sld [smem:$0x3F8E];
	s0 =	simm.s32 @p0 $0x1  }
0x13: {  	[smem:$0x3FA9] =	sst s0;
	s0 =	simm.s32 @!p1 $0x0  }
0x14: {  	s2 =	sld [smem:$0x3F8D];
	s0 =	simm.s32 @p1 $0x1  }
0x15: {  	[smem:$0x3FAA] =	sst s0;
	s0 =	simm.s32 @!p2 $0x0  }
0x16: {  	s3 =	sld [smem:$0x3FDB];
	s0 =	simm.s32 @p2 $0x1  }
0x17: {  	s4 =	simm.s32 $0x1BF5;
	[smem:$0x3FAC] =	sst s0  }
0x18: {  	s0 =	sld [smem:$0x3F8F];
	_ =	swait.ge [sflag:s4], $0x0  }
0x19: {  	s7 =	sld [smem:$0x3F90]  }
0x1a: {  	s8 =	sadd.s32 $0xFFFFE003, lr  }
0x1b: {  	s9 =	sadd.s32 $0xFFFFFEF7, lr;
	s5 =	simm.s32 $0xFFFFFFFF;
	p2 =	slt.u32 s8, $0xFFFFF086  }
0x1c: {  	p1 =	slt.u32 s9, $0xF7A;
	s5 =	simm.s32 @!p2 $0x0  }
0x1d: {  	s5 =	simm.s32 @p1 $0x1;
	p0 =	seq.s32 s7, s2  }
0x1e: {  	s7 =	smul.u32 @!p0 $0xF7A, s2;
	p2 =	seq.s32 @!p0 s5, $0x0  }
0x1f: {  	s9 =	smul.u32 $0xF7A, s1;
	s8 =	simm.s32 @!p0 $0x1BF5;
	p2 =	por !p2, p0  }
0x20: {  	[sflag:s8] =	ssyncset.s32 @!p0 $0xFFFFF086;
	s6 =	sadd.s32 @!p0 s3, s7;
	s7 =	simm.s32 @!p0 $0x108  }
0x21: {  	s3 =	sadd.s32 s3, s9;
	s6 =	sadd.s32 @!p0 $0x88, s6;
	s7 =	simm.s32 @p2 $0x1082  }
0x22: {  	[simem:s7], [sflag:s8] =	dma.local @!p0 [hbm:s6], $0xF7A  }
0x23: {  	s9 =	sor.u32 $0xD0000000, s2;
	s6 =	simm.s32 $0x108;
	_ =	swait.ge @!p0 [sflag:s8], $0x0  }
0x24: {  	s3 =	sadd.s32 $0x88, s3;
	s6 =	simm.s32 @!p1 $0x1082;
	[sflag:s4] =	ssyncset.s32 $0xFFFFF086  }
0x25: {  	[simem:s6], [sflag:s4] =	dma.local [hbm:s3], $0xF7A  }
0x26: {  	[smem:$0x3F90] =	sst s1;
	(tag) =	ssettag s2;
	_ =	strace s9  }
0x27: {  	s1 =	sld [smem:$0x3FA0]  }
0x28: {  	s2 =	sld [smem:$0x3FA1]  }
0x29: {  	s4 =	sld [smem:$0x3FA3]  }
0x2a: {  	p0 =	seq.s32 s5, $0x0;
	s5 =	sld [smem:$0x3FA4]  }
0x2b: {  	s6 =	sld [smem:$0x3FA5]  }
0x2c: {  	s7 =	sld [smem:$0x3FA6]  }
0x2d: {  	s3 =	simm.s32 $0x108;
	s8 =	sld [smem:$0x3FA7]  }
0x2e: {  	s3 =	simm.s32 @!p0 $0x1082;
	s9 =	sld [smem:$0x3FA8]  }
0x2f: {  	lr =	sadd.s32 s0, s3;
	s0 =	sld [smem:$0x3F9F]  }
0x30: {  	s3 =	sld [smem:$0x3FA2]  }
0x31: {  	[smem:$0x3FAB] =	sst s10  }
0x32: {  	s10 =	sld [smem:$0x3FA9];
	_ =	sdelay $0x3  }
0x33: {  	p0 =	seq.s32 s10, $0x1;
	s10 =	sld [smem:$0x3FAB];
	_ =	sdelay $0x3  }
0x34: {  	[smem:$0x3FAB] =	sst s10  }
0x35: {  	s10 =	sld [smem:$0x3FAA];
	_ =	sdelay $0x3  }
0x36: {  	p1 =	seq.s32 s10, $0x1;
	s10 =	sld [smem:$0x3FAB];
	_ =	sdelay $0x3  }
0x37: {  	[smem:$0x3FAB] =	sst s10  }
0x38: {  	s10 =	sld [smem:$0x3FAC]  }
0x39: {  	_ = 	snop;
	(pc) =	sbr.ind lr, $3  }
0x3a: {  	_ = 	snop  }
0x3b: {  	_ = 	snop  }
0x3c: {  	p2 =	seq.s32 s10, $0x1;
	s10 =	sld [smem:$0x3FAB]  }
0x3d: {  	_ =	shalt  }
0x3e: {  	_ =	shalt  }
0x3f: {  	_ =	shalt  }
0x40: {  	_ =	shalt  }
0x41: {  	_ =	shalt  }
0x42: {  	_ =	shalt  }
0x43: {  	_ =	shalt  }
0x44: {  	_ =	shalt  }
0x45: {  	_ =	shalt  }
0x46: {  	_ =	shalt  }
0x47: {  	_ =	shalt  }
0x48: {  	_ =	shalt  }
0x49: {  	_ =	shalt  }
0x4a: {  	_ =	shalt  }
0x4b: {  	_ =	shalt  }
0x4c: {  	_ =	shalt  }
0x4d: {  	_ =	shalt  }
0x4e: {  	_ =	shalt  }
0x4f: {  	_ =	shalt  }
0x50: {  	_ =	shalt  }
0x51: {  	_ =	shalt  }
0x52: {  	_ =	shalt  }
0x53: {  	_ =	shalt  }
0x54: {  	_ =	shalt  }
0x55: {  	_ =	shalt  }
0x56: {  	_ =	shalt  }
0x57: {  	_ =	shalt  }
0x58: {  	_ =	shalt  }
0x59: {  	_ =	shalt  }
0x5a: {  	_ =	shalt  }
0x5b: {  	_ =	shalt  }
0x5c: {  	_ =	shalt  }
0x5d: {  	_ =	shalt  }
0x5e: {  	_ =	shalt  }
0x5f: {  	_ =	shalt  }
0x60: {  	_ =	shalt  }
0x61: {  	_ =	shalt  }
0x62: {  	_ =	shalt  }
0x63: {  	_ =	shalt  }
0x64: {  	_ =	shalt  }
0x65: {  	_ =	shalt  }
0x66: {  	_ =	shalt  }
0x67: {  	_ =	shalt  }
0x68: {  	_ =	shalt  }
0x69: {  	_ =	shalt  }
0x6a: {  	_ =	shalt  }
0x6b: {  	_ =	shalt  }
0x6c: {  	_ =	shalt  }
0x6d: {  	_ =	shalt  }
0x6e: {  	_ =	shalt  }
0x6f: {  	_ =	shalt  }
0x70: {  	_ =	shalt  }
0x71: {  	_ =	shalt  }
0x72: {  	_ =	shalt  }
0x73: {  	_ =	shalt  }
0x74: {  	_ =	shalt  }
0x75: {  	_ =	shalt  }
0x76: {  	_ =	shalt  }
0x77: {  	_ =	shalt  }
0x78: {  	_ =	shalt  }
0x79: {  	_ =	shalt  }
0x7a: {  	_ =	shalt  }
0x7b: {  	_ =	shalt  }
0x7c: {  	_ =	shalt  }
0x7d: {  	_ =	shalt  }
0x7e: {  	_ =	shalt  }
0x7f: {  	_ =	shalt  }
0x80: {  	_ =	shalt  }
0x81: {  	_ =	shalt  }
0x82: {  	_ =	shalt  }
0x83: {  	_ =	shalt  }
0x84: {  	_ =	shalt  }
0x85: {  	_ =	shalt  }
0x86: {  	_ =	shalt  }
0x87: {  	_ =	shalt  }
.Lfunc_end0:
.L_simem_size_0:
called_computation.4_lowered:
.L_overlay_start_0:
0x88: {  	s2 =	sld [smem:$0x3FD9]  }
0x89: {  	s3 =	sld [smem:$0x3FFE];
	_ =	sdelay $0x1  }
0x8a: {  	s1 =	srdreg.scid  }
0x8b: {  	s0 =	sand.u32 $0x1, s1  }
0x8c: {  	s14 =	sshll.u32 s0, $0xA;
	s2 =	sadd.s32 s3, s2  }
0x8d: {  	s2 =	sadd.s32 s2, s14  }
0x8e: {  	[smem:$0x3FB7] =	sst s2  }
0x8f: {  	_ = 	snop  }
0x90: {  	s2 =	sld [smem:$0x3FD0];
	_ =	sdelay $0x2  }
0x91: {  	s4 =	simm.s32 $0xA;
	s5 =	simm.s32 $0x10;
	s15 =	sld [smem:$0x3FC7]  }
0x92: {  	[smem:s5], [sflag:s4] =	dma.local [hbm:s2], $0x1  }
0x93: {  	_ =	swait.eq [sflag:s4], $0x1  }
0x94: {  	[sflag:s4] =	ssyncset.done $0x0  }
0x95: {  	s16 =	sld [smem:$0x10];
	[sflag:s4] =	ssyncadd.s32 $0xFFFFFFFF  }
0x96: {  	s17 =	sld [smem:$0x11];
	(tm) =	ssettm $0x1  }
0x97: {  	s18 =	sld [smem:$0x3FFB];
	_ =	sdelay $0x3  }
0x98: {  	_ =	strace s18  }
0x99: {  	s5 =	sld [smem:$0x3FFC];
	_ =	sdelay $0x3  }
0x9a: {  	_ =	strace s5  }
0x9b: {  	s5 =	sld [smem:$0x3FFD];
	_ =	sdelay $0x3  }
0x9c: {  	_ =	strace s5  }
0x9d: {  	_ =	strace $0x8FFFFFFF  }
0x9e: {  	s19 =	sld [smem:$0x3FDB];
	_ =	sdelay $0x1  }
0x9f: {  	s6 =	simm.s32 $_scs_section_size  }
0xa0: {  	s7 =	simm.s32 $_size__tile_overlayer_lowered;
	s8 =	simm.s32 $_tile_overlayer_lowered  }
0xa1: {  	s22 =	simm.s32 $0x1BFF;
	s21 =	sshll.u32 s8, $0x1;
	s5 =	sadd.s32 s6, s19  }
0xa2: {  	s9 =	simm.s32 $0x0;
	s20 =	sshll.u32 s7, $0x1;
	s7 =	sadd.s32 s21, s5  }
0xa3: {  	[timem:s9], [sflag:s22] =	dma.local [hbm:s7], s20  }
0xa4: {  	_ =	swait.ge [sflag:s22], s20  }
0xa5: {  	s6 =	ssub.s32 $0x0, s20;
	[sflag:s22] =	ssyncset.done $0x0  }
0xa6: {  	[sflag:s22] =	ssyncadd.s32 s6;
	_ =	sdelay $0x1  }
0xa7: {  	s23 =	simm.s32 $0x1B8B  }
0xa8: {  	_ =	swait.ge [sflag:s23], $0x1  }
0xa9: {  	[sflag:s23] =	ssyncset.done $0x0  }
0xaa: {  	s25 =	simm.s32 $0x1B8E;
	s24 =	sld [smem:$0x3FFE];
	[sflag:s23] =	ssyncadd.s32 $0xFFFFFFFF  }
0xab: {  	s26 =	simm.s32 $execute0_lowered;
	[smem:$0x3FD2] =	sst s25  }
0xac: {  	s7 =	sshll.u32 s26, $0x1;
	_ =	strace $0x80000052;
	[dreg:$0x1] =	wrdreg $0xFFFFFFFF  }
0xad: {  	s28 =	simm.s32 $_size_execute0_lowered;
	s5 =	sadd.s32 s5, s7;
	[dreg:$0x0] =	wrdreg $0x0  }
0xae: {  	s7 =	sshll.u32 s28, $0x1;
	[dreg:$0x2] =	wrdreg s5  }
0xaf: {  	[dreg:$0x3] =	wrdreg s7  }
0xb0: {  	[dreg:$0x4] =	wrdreg $0xC0  }
0xb1: {  	_ =	task [dreg:s9], $0x5FFFF  }
0xb2: {  	[dreg:$0x1] =	wrdreg $0xFFFFFFFF  }
0xb3: {  	[dreg:$0x0] =	wrdreg $0x60  }
0xb4: {  	[dreg:$0x2] =	wrdreg s17  }
0xb5: {  	[dreg:$0x3] =	wrdreg s16  }
0xb6: {  	[dreg:$0x4] =	wrdreg s15  }
0xb7: {  	[dreg:$0x5] =	wrdreg s24  }
0xb8: {  	[dreg:$0x6] =	wrdreg $0x50800  }
0xb9: {  	[dreg:$0x7] =	wrdreg $0x74800  }
0xba: {  	[dreg:$0x8] =	wrdreg $0x9  }
0xbb: {  	_ =	task.clear_ibuf [dreg:s9], $0x9FFFF;
	_ =	strace $0x90000052  }
0xbc: {  	s29 =	simm.s32 $0x9;
	_ =	strace $0x80000054  }
0xbd: {  	_ =	swait.ge [sflag:s29], $0x1  }
0xbe: {  	[sflag:s29] =	ssyncadd.s32 $0xFFFFFFFF  }
0xbf: {  	_ =	strace $0x90000054  }
0xc0: {  	_ =	sfence  }
0xc1: {  	s30 =	sld [smem:$0x0];
	_ =	sdelay $0x2  }
0xc2: {  	s31 =	sshll.u32 s1, $0xD;
	s1 =	sshrl.u32 s1, $0x2  }
0xc3: {  	s3 =	sand.u32 $0x4000, s31;
	s1 =	sadd.s32 s1, s30  }
0xc4: {  	s0 =	sor.u32 s3, s0;
	s1 =	sshll.u32 s1, $0x11  }
0xc5: {  	s0 =	sor.u32 s1, s0  }
0xc6: {  	s0 =	sadd.s32 $0x8F2B, s0  }
0xc7: {  	[sflag:s0] =	ssyncadd.remote.s32 $0x1  }
0xc8: {  	_ =	sfence.sel $0xFFFF  }
0xc9: {  	[dreg:$0x0] =	wrdreg $0xFFFFFFFF;
	(pc) =	sbr.abs _section_cstart, $3  }
0xca: {  	[dreg:$0x1] =	wrdreg $0xFFFFFFFF  }
0xcb: {  	_ =	task.clear_ibuf [dreg:s9], $0x2FFFF;
	_ =	strace $0x9FFFFFFF  }
0xcc: {  	(tm) =	ssettm $0x7FFFFFFF  }
0xcd: {  	_ =	shalt  }
tec
execute0_lowered:
.L_overlay_start_1:
0x0: {  	(tag) =	ssettag $0x1  }
0x1: {  	s11 =	rddreg [dreg:$0x0]  }
0x2: {  	s12 =	rddreg [dreg:$0x1]  }
0x3: {  	s13 =	rddreg [dreg:$0x2]  }
0x4: {  	s5 =	rddreg [dreg:$0x3]  }
0x5: {  	s2 =	rddreg [dreg:$0x4]  }
0x6: {  	s3 =	rddreg [dreg:$0x5]  }
0x7: {  	s0 =	rddreg [dreg:$0x6];
	s1 =	stileid.u32  }
0x8: {  	s6 =	srdreg.scid;
	s4 =	simm.s32 $0x0;
	s18 =	simm.s32 $0x2880  }
0x9: {  	s19 =	simm.s32 $0x1;
	s20 =	simm.s32 $0x50;
	s21 =	simm.s32 $0x0  }
0xa: {  	s8 =	smul.u32 $0x2400, s1;
	s6 =	sand.u32 $0x1, s6;
	[smem:$0x7FF] =	sst s4  }
0xb: {  	s10 =	sshll.u32 s1, $0x1;
	s30 =	sshll.u32 s1, $0x6;
	s7 =	smul.u32 $0x24000, s6  }
0xc: {  	_ =	strace $0x80000053;
	s10 =	sor.u32 s6, s10;
	s6 =	ssub.s32 $0x2, s6  }
0xd: {  	s9 =	sshrl.u32 s8, $0x3;
	s14 =	smul.u32 $0x5F0, s10;
	s26 =	sshrl.u32 s6, $0x1  }
0xe: {  	s16 =	smul.u32 $0x640, s10;
	p0 =	slt.u32 s10, $0x11;
	s29 =	sadd.s32 s8, s2  }
0xf: {  	s17 =	sadd.s32 s8, s3;
	s9 =	sadd.s32 s9, s5;
	s7 =	sadd.s32 s8, s7  }
0x10: {  	s28 =	ssub.s32 s6, s26;
	s7 =	sshrl.u32 s7, $0x3;
	s14 =	sadd.s32 $0x550, s14  }
0x11: {  	s6 =	sadd.s32 $0x7600, s9;
	s10 =	smax.u32 s28, $0x1;
	s15 =	sadd.s32 s7, s5  }
0x12: {  	s5 =	simm.s32 $0x14;
	s14 =	smov.u32 @p0 s16;
	s7 =	sor.u32 $0x1C02, s30  }
0x13: {  	s16 =	sshrl.u32 s17, $0x3;
	s17 =	simm.s32 $0x80;
	s5 =	simm.s32 @!p0 $0x13  }
0x14: {  	s8 =	sadd.s32 $0x19A800, s15;
	s9 =	sadd.s32 $0x1A3800, s15;
	s31 =	sshll.u32 s14, $0x4  }
0x15: {  	s14 =	sshrl.u32 s14, $0x3;
	s15 =	simm.s32 $0x2;
	s11 =	sadd.s32 s31, s11  }
0x16: {  	s12 =	sadd.s32 s31, s12;
	s13 =	sadd.s32 s14, s13;
	s14 =	sshrl.u32 s29, $0x3  }
.LBB2_1:
0x17: {  	[spmem:s14], [sflag:s7] =	dma.local [hbm:s6], $0x480  }
0x18: {  	_ =	swait.ge [sflag:s15], $0x480  }
0x19: {  	[sflag:s15] =	ssyncset.done $0x0  }
0x1a: {  	[sflag:s15] =	ssyncadd.s32 $0xFFFFFB80  }
0x1b: {  	[spmem:s16], [sflag:s7] =	dma.local [hbm:s6], $0x480  }
0x1c: {  	_ =	swait.ge [sflag:s15], $0x480  }
0x1d: {  	[sflag:s15] =	ssyncset.done $0x0  }
0x1e: {  	[sflag:s15] =	ssyncadd.s32 $0xFFFFFB80  }
0x1f: {  	[bflag:$0x0] =	sbarrier.arrive $0xFFFF  }
0x20: {  	[tilespmem:s4], [sflag:$0x2] =	stream.linear.gather [hbm4b:s13+s4], $0x50, $0x38;
	[tilespmem:$0x9880] =	vst v63  }
0x21: {  	_ =	swait.ge [sflag:s15], $0x50  }
0x22: {  	[sflag:s15] =	ssyncset.done $0x0  }
0x23: {  	[sflag:s15] =	ssyncadd.s32 $0xFFFFFFB0  }
0x24: {  	[tilespmem:s17], [sflag:$0x1] =	stream.linear.gather [hbm4b:s11+s4], $0x2800, $0x38;
	[tilespmem:$0x9880] =	vst v63  }
0x25: {  	_ = 	snop  }
0x26: {  	[tilespmem:s18], [sflag:$0x2] =	stream.linear.gather [hbm4b:s12+s4], $0x2800, $0x38;
	[tilespmem:$0x9880] =	vst v63  }
0x27: {  	_ =	swait.ge [sflag:s15], $0x2800  }
0x28: {  	[sflag:s15] =	ssyncset.done $0x0  }
0x29: {  	[sflag:s15] =	ssyncadd.s32 $0xFFFFD800  }
0x2a: {  	_ =	swait.ge [sflag:s19], $0x2800  }
0x2b: {  	[sflag:s19] =	ssyncset.done $0x0  }
0x2c: {  	[sflag:s19] =	ssyncadd.s32 $0xFFFFD800  }
0x2d: {  	[spmem:s2] =	stream.indirect.scatter.add.f32 [tilespmem:s17], [sflag:$0x2], $0x80, s4, s20, $0xb8;
	[tilespmem:$0x9880] =	vst v63  }
0x2e: {  	p0 =	sne.s32 s5, $0x1;
	_ =	swait.ge [sflag:s15], $0x2800  }
.Ltmp0:
0x2f: {  	[sflag:s15] =	ssyncset.done $0x0;
	(pc) =	sbr.rel @!p0 .LBB2_3-.Ltmp0, $4  }
0x30: {  	[sflag:s15] =	ssyncadd.s32 $0xFFFFD800  }
0x31: {  	[spmem:s3] =	stream.indirect.scatter.add.f32 [tilespmem:s18], [sflag:$0x2], $0x80, s4, s20, $0xb8;
	[tilespmem:$0x9880] =	vst v63  }
0x32: {  	s22 =	sadd.s32 $0xFFFFFFFF, s5;
	s23 =	sadd.s32 $0xA, s13;
	_ =	swait.ge [sflag:s15], $0x2800  }
0x33: {  	s24 =	smov.u32 s11;
	s25 =	smov.u32 s12;
	[sflag:s15] =	ssyncset.done $0x0  }
.LBB2_2:
0x34: {  	[sflag:s15] =	ssyncadd.s32 $0xFFFFD800;
	s24 =	sadd.s32 $0x500, s24;
	s25 =	sadd.s32 $0x500, s25  }
0x35: {  	[tilespmem:s4], [sflag:$0x2] =	stream.linear.gather [hbm4b:s23+s4], $0x50, $0x38;
	[tilespmem:$0x9880] =	vst v63  }
0x36: {  	p0 =	sne.s32 s22, $0x1;
	s22 =	sadd.s32 $0xFFFFFFFF, s22;
	_ =	swait.ge [sflag:s15], $0x50  }
0x37: {  	[sflag:s15] =	ssyncset.done $0x0  }
0x38: {  	[sflag:s15] =	ssyncadd.s32 $0xFFFFFFB0  }
0x39: {  	[tilespmem:s17], [sflag:$0x1] =	stream.linear.gather [hbm4b:s24+s4], $0x2800, $0x38;
	[tilespmem:$0x9880] =	vst v63  }
0x3a: {  	_ = 	snop  }
0x3b: {  	[tilespmem:s18], [sflag:$0x2] =	stream.linear.gather [hbm4b:s25+s4], $0x2800, $0x38;
	[tilespmem:$0x9880] =	vst v63  }
0x3c: {  	_ =	swait.ge [sflag:s15], $0x2800  }
0x3d: {  	[sflag:s15] =	ssyncset.done $0x0  }
0x3e: {  	[sflag:s15] =	ssyncadd.s32 $0xFFFFD800  }
0x3f: {  	_ =	swait.ge [sflag:s19], $0x2800  }
0x40: {  	[sflag:s19] =	ssyncset.done $0x0  }
0x41: {  	[sflag:s19] =	ssyncadd.s32 $0xFFFFD800  }
0x42: {  	[spmem:s2] =	stream.indirect.scatter.add.f32 [tilespmem:s17], [sflag:$0x2], $0x80, s4, s20, $0xb8;
	[tilespmem:$0x9880] =	vst v63  }
0x43: {  	_ =	swait.ge [sflag:s15], $0x2800  }
.Ltmp1:
0x44: {  	[sflag:s15] =	ssyncset.done $0x0;
	(pc) =	sbr.rel @p0 .LBB2_2-.Ltmp1, $4  }
0x45: {  	[sflag:s15] =	ssyncadd.s32 $0xFFFFD800  }
0x46: {  	[spmem:s3] =	stream.indirect.scatter.add.f32 [tilespmem:s18], [sflag:$0x2], $0x80, s4, s20, $0xb8;
	[tilespmem:$0x9880] =	vst v63  }
0x47: {  	_ =	swait.ge [sflag:s15], $0x2800  }
0x48: {  	s23 =	sadd.s32 $0xA, s23;
	[sflag:s15] =	ssyncset.done $0x0  }
.LBB2_3:
0x49: {  	[sflag:s15] =	ssyncadd.s32 $0xFFFFD800  }
0x4a: {  	[bflag:$0x0] =	sbarrier.arrive $0xFFFF  }
0x4b: {  	[hbm:s8], [sflag:s7] =	dma.local [spmem:s14], $0x480  }
0x4c: {  	s21 =	sadd.s32 $0x1, s21;
	_ =	swait.ge [sflag:s15], $0x480  }
0x4d: {  	p0 =	sne.s32 s21, s10;
	[sflag:s15] =	ssyncset.done $0x0  }
.Ltmp2:
0x4e: {  	[sflag:s15] =	ssyncadd.s32 $0xFFFFFB80;
	(pc) =	sbr.rel @p0 .LBB2_1-.Ltmp2, $4  }
0x4f: {  	[hbm:s9], [sflag:s7] =	dma.local [spmem:s16], $0x480  }
0x50: {  	_ =	swait.ge [sflag:s15], $0x480  }
0x51: {  	[sflag:s15] =	ssyncset.done $0x0  }
0x52: {  	[sflag:s15] =	ssyncadd.s32 $0xFFFFFB80  }
0x53: {  	_ =	sfence.sel $0x180000  }
0x54: {  	[bflag:$0x0] =	sbarrier.arrive $0xFFFF  }
0x55: {  	p0 =	sne.s32 s1, $0x0;
	_ =	strace $0x90000053  }
0x56: {  	s0 =	sadd.s32 @!p0 $0x100000, s0;
	[bflag:$0x2] =	sbarrier.arrive $0xFFFF  }
0x57: {  	[sflag:s0] =	ssyncadd.tile.s32 @!p0 $0x1;
	_ =	shalt  }
.Lfunc_end2:
_tile_overlayer_lowered:
.L_overlay_start_2:
0x58: {  	(tag) =	ssettag $0x2  }
0x59: {  	s0 =	rddreg [dreg:$0x0];
	s2 =	stileid.u32  }
0x5a: {  	s1 =	rddreg [dreg:$0x1];
	p0 =	sne.s32 s2, $0x0  }
0x5b: {  	s3 =	rddreg [dreg:$0x2];
	[bflag:$0x3] =	sbarrier.arrive $0xFFFF;
	s2 =	simm.s32 @!p0 $0x1C02  }
0x5c: {  	[timem:s3], [sflag:s2] =	dma.local @!p0 [hbm:s0], s1  }
0x5d: {  	s0 =	simm.s32 @!p0 $0x2  }
0x5e: {  	_ =	swait.ge @!p0 [sflag:s0], s1  }
0x5f: {  	s1 =	ssub.s32 @!p0 $0x0, s1;
	[sflag:s0] =	ssyncset.done @!p0 $0x0  }
0x60: {  	[sflag:s0] =	ssyncadd.s32 @!p0 s1  }
0x61: {  	[bflag:$0x3] =	sbarrier.arrive $0xFFFF  }
0x62: {  	_ =	shalt  }

// kernel: kernel.37.cloned.1.call-start
scs
__scs_entry_jumppad:
0x0: {  	(pc) =	sbr.rel $0x88, $3  }
0x1: {  	(tag) =	ssettag $0x0;
	lr =	simm.s32 $0x1  }
0x2: {  	[smem:$0x3F90] =	sst lr;
	_ =	strace $0xD0000000  }
0x3: {  	_ = 	snop  }
0x4: {  	_ = 	snop  }
0x5: {  	_ = 	snop  }
0x6: {  	_ = 	snop  }
0x7: {  	_ = 	snop  }
__scs_overlays_trampoline_lowered:
0x8: {  	[smem:$0x3F9F] =	sst s0  }
0x9: {  	[smem:$0x3FA0] =	sst s1  }
0xa: {  	[smem:$0x3FA1] =	sst s2  }
0xb: {  	[smem:$0x3FA2] =	sst s3  }
0xc: {  	[smem:$0x3FA3] =	sst s4  }
0xd: {  	[smem:$0x3FA4] =	sst s5  }
0xe: {  	[smem:$0x3FA5] =	sst s6  }
0xf: {  	[smem:$0x3FA6] =	sst s7  }
0x10: {  	[smem:$0x3FA7] =	sst s8  }
0x11: {  	[smem:$0x3FA8] =	sst s9;
	s0 =	simm.s32 @!p0 $0x0  }
0x12: {  	s1 =	sld [smem:$0x3F8E];
	s0 =	simm.s32 @p0 $0x1  }
0x13: {  	[smem:$0x3FA9] =	sst s0;
	s0 =	simm.s32 @!p1 $0x0  }
0x14: {  	s2 =	sld [smem:$0x3F8D];
	s0 =	simm.s32 @p1 $0x1  }
0x15: {  	[smem:$0x3FAA] =	sst s0;
	s0 =	simm.s32 @!p2 $0x0  }
0x16: {  	s3 =	sld [smem:$0x3FDB];
	s0 =	simm.s32 @p2 $0x1  }
0x17: {  	s4 =	simm.s32 $0x1BF5;
	[smem:$0x3FAC] =	sst s0  }
0x18: {  	s0 =	sld [smem:$0x3F8F];
	_ =	swait.ge [sflag:s4], $0x0  }
0x19: {  	s7 =	sld [smem:$0x3F90]  }
0x1a: {  	s8 =	sadd.s32 $0xFFFFE003, lr  }
0x1b: {  	s9 =	sadd.s32 $0xFFFFFEF7, lr;
	s5 =	simm.s32 $0xFFFFFFFF;
	p2 =	slt.u32 s8, $0xFFFFF086  }
0x1c: {  	p1 =	slt.u32 s9, $0xF7A;
	s5 =	simm.s32 @!p2 $0x0  }
0x1d: {  	s5 =	simm.s32 @p1 $0x1;
	p0 =	seq.s32 s7, s2  }
0x1e: {  	s7 =	smul.u32 @!p0 $0xF7A, s2;
	p2 =	seq.s32 @!p0 s5, $0x0  }
0x1f: {  	s9 =	smul.u32 $0xF7A, s1;
	s8 =	simm.s32 @!p0 $0x1BF5;
	p2 =	por !p2, p0  }
0x20: {  	[sflag:s8] =	ssyncset.s32 @!p0 $0xFFFFF086;
	s6 =	sadd.s32 @!p0 s3, s7;
	s7 =	simm.s32 @!p0 $0x108  }
0x21: {  	s3 =	sadd.s32 s3, s9;
	s6 =	sadd.s32 @!p0 $0x88, s6;
	s7 =	simm.s32 @p2 $0x1082  }
0x22: {  	[simem:s7], [sflag:s8] =	dma.local @!p0 [hbm:s6], $0xF7A  }
0x23: {  	s9 =	sor.u32 $0xD0000000, s2;
	s6 =	simm.s32 $0x108;
	_ =	swait.ge @!p0 [sflag:s8], $0x0  }
0x24: {  	s3 =	sadd.s32 $0x88, s3;
	s6 =	simm.s32 @!p1 $0x1082;
	[sflag:s4] =	ssyncset.s32 $0xFFFFF086  }
0x25: {  	[simem:s6], [sflag:s4] =	dma.local [hbm:s3], $0xF7A  }
0x26: {  	[smem:$0x3F90] =	sst s1;
	(tag) =	ssettag s2;
	_ =	strace s9  }
0x27: {  	s1 =	sld [smem:$0x3FA0]  }
0x28: {  	s2 =	sld [smem:$0x3FA1]  }
0x29: {  	s4 =	sld [smem:$0x3FA3]  }
0x2a: {  	p0 =	seq.s32 s5, $0x0;
	s5 =	sld [smem:$0x3FA4]  }
0x2b: {  	s6 =	sld [smem:$0x3FA5]  }
0x2c: {  	s7 =	sld [smem:$0x3FA6]  }
0x2d: {  	s3 =	simm.s32 $0x108;
	s8 =	sld [smem:$0x3FA7]  }
0x2e: {  	s3 =	simm.s32 @!p0 $0x1082;
	s9 =	sld [smem:$0x3FA8]  }
0x2f: {  	lr =	sadd.s32 s0, s3;
	s0 =	sld [smem:$0x3F9F]  }
0x30: {  	s3 =	sld [smem:$0x3FA2]  }
0x31: {  	[smem:$0x3FAB] =	sst s10  }
0x32: {  	s10 =	sld [smem:$0x3FA9];
	_ =	sdelay $0x3  }
0x33: {  	p0 =	seq.s32 s10, $0x1;
	s10 =	sld [smem:$0x3FAB];
	_ =	sdelay $0x3  }
0x34: {  	[smem:$0x3FAB] =	sst s10  }
0x35: {  	s10 =	sld [smem:$0x3FAA];
	_ =	sdelay $0x3  }
0x36: {  	p1 =	seq.s32 s10, $0x1;
	s10 =	sld [smem:$0x3FAB];
	_ =	sdelay $0x3  }
0x37: {  	[smem:$0x3FAB] =	sst s10  }
0x38: {  	s10 =	sld [smem:$0x3FAC]  }
0x39: {  	_ = 	snop;
	(pc) =	sbr.ind lr, $3  }
0x3a: {  	_ = 	snop  }
0x3b: {  	_ = 	snop  }
0x3c: {  	p2 =	seq.s32 s10, $0x1;
	s10 =	sld [smem:$0x3FAB]  }
0x3d: {  	_ =	shalt  }
0x3e: {  	_ =	shalt  }
0x3f: {  	_ =	shalt  }
0x40: {  	_ =	shalt  }
0x41: {  	_ =	shalt  }
0x42: {  	_ =	shalt  }
0x43: {  	_ =	shalt  }
0x44: {  	_ =	shalt  }
0x45: {  	_ =	shalt  }
0x46: {  	_ =	shalt  }
0x47: {  	_ =	shalt  }
0x48: {  	_ =	shalt  }
0x49: {  	_ =	shalt  }
0x4a: {  	_ =	shalt  }
0x4b: {  	_ =	shalt  }
0x4c: {  	_ =	shalt  }
0x4d: {  	_ =	shalt  }
0x4e: {  	_ =	shalt  }
0x4f: {  	_ =	shalt  }
0x50: {  	_ =	shalt  }
0x51: {  	_ =	shalt  }
0x52: {  	_ =	shalt  }
0x53: {  	_ =	shalt  }
0x54: {  	_ =	shalt  }
0x55: {  	_ =	shalt  }
0x56: {  	_ =	shalt  }
0x57: {  	_ =	shalt  }
0x58: {  	_ =	shalt  }
0x59: {  	_ =	shalt  }
0x5a: {  	_ =	shalt  }
0x5b: {  	_ =	shalt  }
0x5c: {  	_ =	shalt  }
0x5d: {  	_ =	shalt  }
0x5e: {  	_ =	shalt  }
0x5f: {  	_ =	shalt  }
0x60: {  	_ =	shalt  }
0x61: {  	_ =	shalt  }
0x62: {  	_ =	shalt  }
0x63: {  	_ =	shalt  }
0x64: {  	_ =	shalt  }
0x65: {  	_ =	shalt  }
0x66: {  	_ =	shalt  }
0x67: {  	_ =	shalt  }
0x68: {  	_ =	shalt  }
0x69: {  	_ =	shalt  }
0x6a: {  	_ =	shalt  }
0x6b: {  	_ =	shalt  }
0x6c: {  	_ =	shalt  }
0x6d: {  	_ =	shalt  }
0x6e: {  	_ =	shalt  }
0x6f: {  	_ =	shalt  }
0x70: {  	_ =	shalt  }
0x71: {  	_ =	shalt  }
0x72: {  	_ =	shalt  }
0x73: {  	_ =	shalt  }
0x74: {  	_ =	shalt  }
0x75: {  	_ =	shalt  }
0x76: {  	_ =	shalt  }
0x77: {  	_ =	shalt  }
0x78: {  	_ =	shalt  }
0x79: {  	_ =	shalt  }
0x7a: {  	_ =	shalt  }
0x7b: {  	_ =	shalt  }
0x7c: {  	_ =	shalt  }
0x7d: {  	_ =	shalt  }
0x7e: {  	_ =	shalt  }
0x7f: {  	_ =	shalt  }
0x80: {  	_ =	shalt  }
0x81: {  	_ =	shalt  }
0x82: {  	_ =	shalt  }
0x83: {  	_ =	shalt  }
0x84: {  	_ =	shalt  }
0x85: {  	_ =	shalt  }
0x86: {  	_ =	shalt  }
0x87: {  	_ =	shalt  }
.Lfunc_end0:
.L_simem_size_0:
called_computation.5_lowered:
.L_overlay_start_0:
0x88: {  	s2 =	sld [smem:$0x3FD9]  }
0x89: {  	s3 =	sld [smem:$0x3FFE];
	_ =	sdelay $0x1  }
0x8a: {  	s1 =	srdreg.scid  }
0x8b: {  	s0 =	sand.u32 $0x1, s1  }
0x8c: {  	s17 =	sshll.u32 s0, $0xA;
	s2 =	sadd.s32 s3, s2  }
0x8d: {  	s2 =	sadd.s32 s2, s17  }
0x8e: {  	[smem:$0x3FB7] =	sst s2  }
0x8f: {  	_ = 	snop  }
0x90: {  	s2 =	sld [smem:$0x3FC7];
	(tm) =	ssettm $0x1  }
0x91: {  	s18 =	sld [smem:$0x3FFB];
	_ =	sdelay $0x3  }
0x92: {  	_ =	strace s18  }
0x93: {  	s3 =	sld [smem:$0x3FFC];
	_ =	sdelay $0x3  }
0x94: {  	_ =	strace s3  }
0x95: {  	s3 =	sld [smem:$0x3FFD];
	_ =	sdelay $0x3  }
0x96: {  	_ =	strace s3  }
0x97: {  	_ =	strace $0x8FFFFFFF  }
0x98: {  	s19 =	sld [smem:$0x3FDB];
	_ =	sdelay $0x1  }
0x99: {  	s4 =	simm.s32 $_scs_section_size  }
0x9a: {  	s5 =	simm.s32 $_size__tile_overlayer_lowered;
	s6 =	simm.s32 $_tile_overlayer_lowered  }
0x9b: {  	s22 =	simm.s32 $0x1BFF;
	s21 =	sshll.u32 s6, $0x1;
	s3 =	sadd.s32 s4, s19  }
0x9c: {  	s7 =	simm.s32 $0x0;
	s20 =	sshll.u32 s5, $0x1;
	s5 =	sadd.s32 s21, s3  }
0x9d: {  	[timem:s7], [sflag:s22] =	dma.local [hbm:s5], s20  }
0x9e: {  	_ =	swait.ge [sflag:s22], s20  }
0x9f: {  	s4 =	ssub.s32 $0x0, s20;
	[sflag:s22] =	ssyncset.done $0x0  }
0xa0: {  	[sflag:s22] =	ssyncadd.s32 s4;
	_ =	sdelay $0x1  }
0xa1: {  	s23 =	simm.s32 $0x1B8B  }
0xa2: {  	_ =	swait.ge [sflag:s23], $0x1  }
0xa3: {  	[sflag:s23] =	ssyncset.done $0x0  }
0xa4: {  	s25 =	simm.s32 $0x1B8E;
	s24 =	sld [smem:$0x3FFE];
	[sflag:s23] =	ssyncadd.s32 $0xFFFFFFFF  }
0xa5: {  	s26 =	simm.s32 $execute0_lowered;
	[smem:$0x3FD2] =	sst s25  }
0xa6: {  	s5 =	sshll.u32 s26, $0x1;
	_ =	strace $0x80000055;
	[dreg:$0x1] =	wrdreg $0xFFFFFFFF  }
0xa7: {  	s28 =	simm.s32 $_size_execute0_lowered;
	s3 =	sadd.s32 s3, s5;
	[dreg:$0x0] =	wrdreg $0x0  }
0xa8: {  	s5 =	sshll.u32 s28, $0x1;
	[dreg:$0x2] =	wrdreg s3  }
0xa9: {  	[dreg:$0x3] =	wrdreg s5  }
0xaa: {  	[dreg:$0x4] =	wrdreg $0xC0  }
0xab: {  	_ =	task [dreg:s7], $0x5FFFF  }
0xac: {  	[dreg:$0x1] =	wrdreg $0xFFFFFFFF  }
0xad: {  	[dreg:$0x0] =	wrdreg $0x60  }
0xae: {  	[dreg:$0x2] =	wrdreg s24  }
0xaf: {  	[dreg:$0x3] =	wrdreg s2  }
0xb0: {  	[dreg:$0x4] =	wrdreg $0x9  }
0xb1: {  	_ =	task.clear_ibuf [dreg:s7], $0x5FFFF;
	_ =	strace $0x90000055  }
0xb2: {  	s29 =	simm.s32 $0x9;
	_ =	strace $0x80000057  }
0xb3: {  	_ =	swait.ge [sflag:s29], $0x1  }
0xb4: {  	[sflag:s29] =	ssyncadd.s32 $0xFFFFFFFF  }
0xb5: {  	_ =	strace $0x90000057  }
0xb6: {  	_ =	sfence  }
0xb7: {  	s30 =	sld [smem:$0x0];
	_ =	sdelay $0x2  }
0xb8: {  	s31 =	sshll.u32 s1, $0xD;
	s1 =	sshrl.u32 s1, $0x2  }
0xb9: {  	s3 =	sand.u32 $0x4000, s31;
	s1 =	sadd.s32 s1, s30  }
0xba: {  	s0 =	sor.u32 s3, s0;
	s1 =	sshll.u32 s1, $0x11  }
0xbb: {  	s0 =	sor.u32 s1, s0  }
0xbc: {  	s0 =	sadd.s32 $0x8F2B, s0  }
0xbd: {  	[sflag:s0] =	ssyncadd.remote.s32 $0x1  }
0xbe: {  	_ =	sfence.sel $0xFFFF  }
0xbf: {  	[dreg:$0x0] =	wrdreg $0xFFFFFFFF;
	(pc) =	sbr.abs _section_cstart, $3  }
0xc0: {  	[dreg:$0x1] =	wrdreg $0xFFFFFFFF  }
0xc1: {  	_ =	task.clear_ibuf [dreg:s7], $0x2FFFF;
	_ =	strace $0x9FFFFFFF  }
0xc2: {  	(tm) =	ssettm $0x7FFFFFFF  }
0xc3: {  	_ =	shalt  }
tec
execute0_lowered:
.L_overlay_start_1:
0x0: {  	(tag) =	ssettag $0x1  }
0x1: {  	s1 =	srdreg.scid;
	s4 =	rddreg [dreg:$0x0]  }
0x2: {  	s0 =	stileid.u32;
	s7 =	rddreg [dreg:$0x1];
	s2 =	simm.s32 $0x0  }
0x3: {  	s10 =	simm.s32 $0x880;
	s11 =	simm.s32 $0x1080;
	s12 =	simm.s32 $0x1880  }
0x4: {  	s13 =	simm.s32 $0x2080;
	s14 =	simm.s32 $0x2880;
	s15 =	simm.s32 $0x3080  }
0x5: {  	s16 =	simm.s32 $0x3880;
	s17 =	simm.s32 $0x4080;
	s18 =	simm.s32 $0x4880  }
0x6: {  	s19 =	simm.s32 $0x1;
	s3 =	sand.u32 $0x1, s1;
	s29 =	sshll.u32 s0, $0x1  }
0x7: {  	s20 =	simm.s32 $0x0;
	[smem:$0x7FF] =	sst s2;
	s5 =	sor.u32 s3, s29  }
0x8: {  	s1 =	rddreg [dreg:$0x2];
	_ =	strace $0x80000056;
	s6 =	smul.u32 $0x5F0, s5  }
0x9: {  	s30 =	ssub.s32 $0x2, s3;
	s3 =	sadd.s32 $0xBE00, s4;
	s8 =	smul.u32 $0x640, s5  }
0xa: {  	p0 =	slt.u32 s5, $0x11;
	s9 =	sshrl.u32 s30, $0x1;
	s6 =	sadd.s32 $0x550, s6  }
0xb: {  	s5 =	ssub.s32 s30, s9;
	s9 =	simm.s32 $0x80;
	s6 =	smov.u32 @p0 s8  }
0xc: {  	v2 =	vlaneseq.u32;
	s5 =	smax.u32 s5, $0x1;
	s8 =	sshll.u32 s6, $0x5;
	s31 =	sshrl.u32 s6, $0x3  }
0xd: {  	vm0 =	vmmov $0xffff;
	v1 =	vshrl.u32 v2, $0x3;
	s8 =	sadd.s32 s8, s4;
	s4 =	simm.s32 $0x14;
	s7 =	sadd.s32 s31, s7  }
0xe: {  	v0 =	vand.u32 $0x7, v2;
	v2 =	vor.u32 $0x8, v2;
	v1 =	vmul.u32 $0x8, v1;
	s4 =	simm.s32 @!p0 $0x13;
	s6 =	sadd.s32 $0x19A800, s8;
	s8 =	simm.s32 $0x2  }
.LBB2_1:
0xf: {  	s21 =	smov.u32 s7;
	s22 =	smov.u32 s6;
	s23 =	smov.u32 s4  }
.LBB2_2:
0x10: {  	[tilespmem:s2], [sflag:$0x2] =	stream.linear.gather [hbm4b:s21+s2], $0x50, $0x38;
	[tilespmem:$0x5080] =	vst v63  }
0x11: {  	_ =	swait.ge [sflag:s8], $0x50  }
0x12: {  	[sflag:s8] =	ssyncset.done $0x0  }
0x13: {  	[sflag:s8] =	ssyncadd.s32 $0xFFFFFFB0  }
0x14: {  	v3 =	vld [tilespmem:$0x0];
	_ =	sdelay $0x4  }
0x15: {  	v4 =	vshll.u32 v3, $0x1  }
0x16: {  	v3 =	vand.u32 $0x7, v3;
	v4 =	vand.u32 $0xFFFFFFF0, v4  }
0x17: {  	v3 =	vor.u32 v3, v4  }
0x18: {  	v4 =	vperm.xlane v3, v0;
	_ =	sdelay $0x1  }
0x19: {  	v3 =	vperm.xlane v3, v2;
	v4 =	vadd.s32 v1, v4;
	_ =	sdelay $0x1  }
0x1a: {  	v3 =	vadd.s32 v1, v3;
	_ =	sdelay $0x2  }
0x1b: {  	[tilespmem:s9], [sflag:$0x1] =	stream.indirect_vreg.gather [hbm4b:s3+s2], $0x80, v4, vm0, $0xb8;
	[tilespmem:$0x5080] =	vst v63  }
0x1c: {  	_ = 	snop  }
0x1d: {  	[tilespmem:s10], [sflag:$0x1] =	stream.indirect_vreg.gather [hbm4b:s3+s2], $0x80, v3, vm0, $0xb8;
	[tilespmem:$0x5080] =	vst v63  }
0x1e: {  	v3 =	vld [tilespmem:$0x10];
	_ =	sdelay $0x4  }
0x1f: {  	v60 =	vshll.u32 v3, $0x1  }
0x20: {  	v3 =	vand.u32 $0x7, v3;
	v4 =	vand.u32 $0xFFFFFFF0, v60  }
0x21: {  	v3 =	vor.u32 v3, v4  }
0x22: {  	v4 =	vperm.xlane v3, v0;
	_ =	sdelay $0x1  }
0x23: {  	v3 =	vperm.xlane v3, v2;
	v4 =	vadd.s32 v1, v4;
	_ =	sdelay $0x1  }
0x24: {  	v3 =	vadd.s32 v1, v3;
	_ =	sdelay $0x2  }
0x25: {  	[tilespmem:s11], [sflag:$0x1] =	stream.indirect_vreg.gather [hbm4b:s3+s2], $0x80, v4, vm0, $0xb8;
	[tilespmem:$0x5080] =	vst v63  }
0x26: {  	_ = 	snop  }
0x27: {  	[tilespmem:s12], [sflag:$0x1] =	stream.indirect_vreg.gather [hbm4b:s3+s2], $0x80, v3, vm0, $0xb8;
	[tilespmem:$0x5080] =	vst v63  }
0x28: {  	v3 =	vld [tilespmem:$0x20];
	_ =	sdelay $0x4  }
0x29: {  	v61 =	vshll.u32 v3, $0x1  }
0x2a: {  	v3 =	vand.u32 $0x7, v3;
	v4 =	vand.u32 $0xFFFFFFF0, v61  }
0x2b: {  	v3 =	vor.u32 v3, v4  }
0x2c: {  	v4 =	vperm.xlane v3, v0;
	_ =	sdelay $0x1  }
0x2d: {  	v3 =	vperm.xlane v3, v2;
	v4 =	vadd.s32 v1, v4;
	_ =	sdelay $0x1  }
0x2e: {  	v3 =	vadd.s32 v1, v3;
	_ =	sdelay $0x2  }
0x2f: {  	[tilespmem:s13], [sflag:$0x1] =	stream.indirect_vreg.gather [hbm4b:s3+s2], $0x80, v4, vm0, $0xb8;
	[tilespmem:$0x5080] =	vst v63  }
0x30: {  	_ = 	snop  }
0x31: {  	[tilespmem:s14], [sflag:$0x1] =	stream.indirect_vreg.gather [hbm4b:s3+s2], $0x80, v3, vm0, $0xb8;
	[tilespmem:$0x5080] =	vst v63  }
0x32: {  	v3 =	vld [tilespmem:$0x30];
	_ =	sdelay $0x4  }
0x33: {  	v62 =	vshll.u32 v3, $0x1  }
0x34: {  	v3 =	vand.u32 $0x7, v3;
	v4 =	vand.u32 $0xFFFFFFF0, v62  }
0x35: {  	v3 =	vor.u32 v3, v4  }
0x36: {  	v4 =	vperm.xlane v3, v0;
	_ =	sdelay $0x1  }
0x37: {  	v3 =	vperm.xlane v3, v2;
	v4 =	vadd.s32 v1, v4;
	_ =	sdelay $0x1  }
0x38: {  	v3 =	vadd.s32 v1, v3;
	_ =	sdelay $0x2  }
0x39: {  	[tilespmem:s15], [sflag:$0x1] =	stream.indirect_vreg.gather [hbm4b:s3+s2], $0x80, v4, vm0, $0xb8;
	[tilespmem:$0x5080] =	vst v63  }
0x3a: {  	_ = 	snop  }
0x3b: {  	[tilespmem:s16], [sflag:$0x1] =	stream.indirect_vreg.gather [hbm4b:s3+s2], $0x80, v3, vm0, $0xb8;
	[tilespmem:$0x5080] =	vst v63  }
0x3c: {  	v3 =	vld [tilespmem:$0x40];
	_ =	sdelay $0x4  }
0x3d: {  	v63 =	vshll.u32 v3, $0x1  }
0x3e: {  	v3 =	vand.u32 $0x7, v3;
	v4 =	vand.u32 $0xFFFFFFF0, v63  }
0x3f: {  	v3 =	vor.u32 v3, v4  }
0x40: {  	v4 =	vperm.xlane v3, v0;
	_ =	sdelay $0x1  }
0x41: {  	v3 =	vperm.xlane v3, v2;
	v4 =	vadd.s32 v1, v4;
	_ =	sdelay $0x1  }
0x42: {  	v3 =	vadd.s32 v1, v3;
	_ =	sdelay $0x2  }
0x43: {  	[tilespmem:s17], [sflag:$0x1] =	stream.indirect_vreg.gather [hbm4b:s3+s2], $0x80, v4, vm0, $0xb8;
	[tilespmem:$0x5080] =	vst v63  }
0x44: {  	_ = 	snop  }
0x45: {  	[tilespmem:s18], [sflag:$0x1] =	stream.indirect_vreg.gather [hbm4b:s3+s2], $0x80, v3, vm0, $0xb8;
	[tilespmem:$0x5080] =	vst v63  }
0x46: {  	_ =	swait.ge [sflag:s19], $0x5000  }
0x47: {  	p0 =	sne.s32 s23, $0x1;
	[sflag:s19] =	ssyncset.done $0x0  }
.Ltmp0:
0x48: {  	[sflag:s19] =	ssyncadd.s32 $0xFFFFB000;
	(pc) =	sbr.rel @p0 .LBB2_2-.Ltmp0, $4  }
0x49: {  	[hbm4b:s22+s2] =	stream.linear.scatter [tilespmem:s9], [sflag:$0x2], $0x5000, $0x38;
	[tilespmem:$0x5080] =	vst v63  }
0x4a: {  	_ =	swait.ge [sflag:s8], $0x5000  }
0x4b: {  	s21 =	sadd.s32 $0xA, s21;
	[sflag:s8] =	ssyncset.done $0x0  }
0x4c: {  	s23 =	sadd.s32 $0xFFFFFFFF, s23;
	s22 =	sadd.s32 $0xA00, s22;
	[sflag:s8] =	ssyncadd.s32 $0xFFFFB000  }
0x4d: {  	s20 =	sadd.s32 $0x1, s20  }
0x4e: {  	p0 =	sne.s32 s20, s5  }
.Ltmp1:
0x4f: {  	_ = 	snop;
	(pc) =	sbr.rel @p0 .LBB2_1-.Ltmp1, $1  }
0x50: {  	_ =	sdelay $0x3  }
0x51: {  	_ =	sfence.sel $0x180000  }
0x52: {  	[bflag:$0x0] =	sbarrier.arrive $0xFFFF  }
0x53: {  	p0 =	sne.s32 s0, $0x0;
	_ =	strace $0x90000056  }
0x54: {  	s0 =	sadd.s32 @!p0 $0x100000, s1;
	[bflag:$0x2] =	sbarrier.arrive $0xFFFF  }
0x55: {  	[sflag:s0] =	ssyncadd.tile.s32 @!p0 $0x1;
	_ =	shalt  }
.Lfunc_end2:
_tile_overlayer_lowered:
.L_overlay_start_2:
0x56: {  	(tag) =	ssettag $0x2  }
0x57: {  	s0 =	rddreg [dreg:$0x0];
	s2 =	stileid.u32  }
0x58: {  	s1 =	rddreg [dreg:$0x1];
	p0 =	sne.s32 s2, $0x0  }
0x59: {  	s3 =	rddreg [dreg:$0x2];
	[bflag:$0x3] =	sbarrier.arrive $0xFFFF;
	s2 =	simm.s32 @!p0 $0x1C02  }
0x5a: {  	[timem:s3], [sflag:s2] =	dma.local @!p0 [hbm:s0], s1  }
0x5b: {  	s0 =	simm.s32 @!p0 $0x2  }
0x5c: {  	_ =	swait.ge @!p0 [sflag:s0], s1  }
0x5d: {  	s1 =	ssub.s32 @!p0 $0x0, s1;
	[sflag:s0] =	ssyncset.done @!p0 $0x0  }
0x5e: {  	[sflag:s0] =	ssyncadd.s32 @!p0 s1  }
0x5f: {  	[bflag:$0x3] =	sbarrier.arrive $0xFFFF  }
0x60: {  	_ =	shalt  }

// kernel: kernel.40.cloned.1.call-start
scs
__scs_entry_jumppad:
0x0: {  	(pc) =	sbr.rel $0x88, $3  }
0x1: {  	(tag) =	ssettag $0x0;
	lr =	simm.s32 $0x1  }
0x2: {  	[smem:$0x3F90] =	sst lr;
	_ =	strace $0xD0000000  }
0x3: {  	_ = 	snop  }
0x4: {  	_ = 	snop  }
0x5: {  	_ = 	snop  }
0x6: {  	_ = 	snop  }
0x7: {  	_ = 	snop  }
__scs_overlays_trampoline_lowered:
0x8: {  	[smem:$0x3F9F] =	sst s0  }
0x9: {  	[smem:$0x3FA0] =	sst s1  }
0xa: {  	[smem:$0x3FA1] =	sst s2  }
0xb: {  	[smem:$0x3FA2] =	sst s3  }
0xc: {  	[smem:$0x3FA3] =	sst s4  }
0xd: {  	[smem:$0x3FA4] =	sst s5  }
0xe: {  	[smem:$0x3FA5] =	sst s6  }
0xf: {  	[smem:$0x3FA6] =	sst s7  }
0x10: {  	[smem:$0x3FA7] =	sst s8  }
0x11: {  	[smem:$0x3FA8] =	sst s9;
	s0 =	simm.s32 @!p0 $0x0  }
0x12: {  	s1 =	sld [smem:$0x3F8E];
	s0 =	simm.s32 @p0 $0x1  }
0x13: {  	[smem:$0x3FA9] =	sst s0;
	s0 =	simm.s32 @!p1 $0x0  }
0x14: {  	s2 =	sld [smem:$0x3F8D];
	s0 =	simm.s32 @p1 $0x1  }
0x15: {  	[smem:$0x3FAA] =	sst s0;
	s0 =	simm.s32 @!p2 $0x0  }
0x16: {  	s3 =	sld [smem:$0x3FDB];
	s0 =	simm.s32 @p2 $0x1  }
0x17: {  	s4 =	simm.s32 $0x1BF5;
	[smem:$0x3FAC] =	sst s0  }
0x18: {  	s0 =	sld [smem:$0x3F8F];
	_ =	swait.ge [sflag:s4], $0x0  }
0x19: {  	s7 =	sld [smem:$0x3F90]  }
0x1a: {  	s8 =	sadd.s32 $0xFFFFE003, lr  }
0x1b: {  	s9 =	sadd.s32 $0xFFFFFEF7, lr;
	s5 =	simm.s32 $0xFFFFFFFF;
	p2 =	slt.u32 s8, $0xFFFFF086  }
0x1c: {  	p1 =	slt.u32 s9, $0xF7A;
	s5 =	simm.s32 @!p2 $0x0  }
0x1d: {  	s5 =	simm.s32 @p1 $0x1;
	p0 =	seq.s32 s7, s2  }
0x1e: {  	s7 =	smul.u32 @!p0 $0xF7A, s2;
	p2 =	seq.s32 @!p0 s5, $0x0  }
0x1f: {  	s9 =	smul.u32 $0xF7A, s1;
	s8 =	simm.s32 @!p0 $0x1BF5;
	p2 =	por !p2, p0  }
0x20: {  	[sflag:s8] =	ssyncset.s32 @!p0 $0xFFFFF086;
	s6 =	sadd.s32 @!p0 s3, s7;
	s7 =	simm.s32 @!p0 $0x108  }
0x21: {  	s3 =	sadd.s32 s3, s9;
	s6 =	sadd.s32 @!p0 $0x88, s6;
	s7 =	simm.s32 @p2 $0x1082  }
0x22: {  	[simem:s7], [sflag:s8] =	dma.local @!p0 [hbm:s6], $0xF7A  }
0x23: {  	s9 =	sor.u32 $0xD0000000, s2;
	s6 =	simm.s32 $0x108;
	_ =	swait.ge @!p0 [sflag:s8], $0x0  }
0x24: {  	s3 =	sadd.s32 $0x88, s3;
	s6 =	simm.s32 @!p1 $0x1082;
	[sflag:s4] =	ssyncset.s32 $0xFFFFF086  }
0x25: {  	[simem:s6], [sflag:s4] =	dma.local [hbm:s3], $0xF7A  }
0x26: {  	[smem:$0x3F90] =	sst s1;
	(tag) =	ssettag s2;
	_ =	strace s9  }
0x27: {  	s1 =	sld [smem:$0x3FA0]  }
0x28: {  	s2 =	sld [smem:$0x3FA1]  }
0x29: {  	s4 =	sld [smem:$0x3FA3]  }
0x2a: {  	p0 =	seq.s32 s5, $0x0;
	s5 =	sld [smem:$0x3FA4]  }
0x2b: {  	s6 =	sld [smem:$0x3FA5]  }
0x2c: {  	s7 =	sld [smem:$0x3FA6]  }
0x2d: {  	s3 =	simm.s32 $0x108;
	s8 =	sld [smem:$0x3FA7]  }
0x2e: {  	s3 =	simm.s32 @!p0 $0x1082;
	s9 =	sld [smem:$0x3FA8]  }
0x2f: {  	lr =	sadd.s32 s0, s3;
	s0 =	sld [smem:$0x3F9F]  }
0x30: {  	s3 =	sld [smem:$0x3FA2]  }
0x31: {  	[smem:$0x3FAB] =	sst s10  }
0x32: {  	s10 =	sld [smem:$0x3FA9];
	_ =	sdelay $0x3  }
0x33: {  	p0 =	seq.s32 s10, $0x1;
	s10 =	sld [smem:$0x3FAB];
	_ =	sdelay $0x3  }
0x34: {  	[smem:$0x3FAB] =	sst s10  }
0x35: {  	s10 =	sld [smem:$0x3FAA];
	_ =	sdelay $0x3  }
0x36: {  	p1 =	seq.s32 s10, $0x1;
	s10 =	sld [smem:$0x3FAB];
	_ =	sdelay $0x3  }
0x37: {  	[smem:$0x3FAB] =	sst s10  }
0x38: {  	s10 =	sld [smem:$0x3FAC]  }
0x39: {  	_ = 	snop;
	(pc) =	sbr.ind lr, $3  }
0x3a: {  	_ = 	snop  }
0x3b: {  	_ = 	snop  }
0x3c: {  	p2 =	seq.s32 s10, $0x1;
	s10 =	sld [smem:$0x3FAB]  }
0x3d: {  	_ =	shalt  }
0x3e: {  	_ =	shalt  }
0x3f: {  	_ =	shalt  }
0x40: {  	_ =	shalt  }
0x41: {  	_ =	shalt  }
0x42: {  	_ =	shalt  }
0x43: {  	_ =	shalt  }
0x44: {  	_ =	shalt  }
0x45: {  	_ =	shalt  }
0x46: {  	_ =	shalt  }
0x47: {  	_ =	shalt  }
0x48: {  	_ =	shalt  }
0x49: {  	_ =	shalt  }
0x4a: {  	_ =	shalt  }
0x4b: {  	_ =	shalt  }
0x4c: {  	_ =	shalt  }
0x4d: {  	_ =	shalt  }
0x4e: {  	_ =	shalt  }
0x4f: {  	_ =	shalt  }
0x50: {  	_ =	shalt  }
0x51: {  	_ =	shalt  }
0x52: {  	_ =	shalt  }
0x53: {  	_ =	shalt  }
0x54: {  	_ =	shalt  }
0x55: {  	_ =	shalt  }
0x56: {  	_ =	shalt  }
0x57: {  	_ =	shalt  }
0x58: {  	_ =	shalt  }
0x59: {  	_ =	shalt  }
0x5a: {  	_ =	shalt  }
0x5b: {  	_ =	shalt  }
0x5c: {  	_ =	shalt  }
0x5d: {  	_ =	shalt  }
0x5e: {  	_ =	shalt  }
0x5f: {  	_ =	shalt  }
0x60: {  	_ =	shalt  }
0x61: {  	_ =	shalt  }
0x62: {  	_ =	shalt  }
0x63: {  	_ =	shalt  }
0x64: {  	_ =	shalt  }
0x65: {  	_ =	shalt  }
0x66: {  	_ =	shalt  }
0x67: {  	_ =	shalt  }
0x68: {  	_ =	shalt  }
0x69: {  	_ =	shalt  }
0x6a: {  	_ =	shalt  }
0x6b: {  	_ =	shalt  }
0x6c: {  	_ =	shalt  }
0x6d: {  	_ =	shalt  }
0x6e: {  	_ =	shalt  }
0x6f: {  	_ =	shalt  }
0x70: {  	_ =	shalt  }
0x71: {  	_ =	shalt  }
0x72: {  	_ =	shalt  }
0x73: {  	_ =	shalt  }
0x74: {  	_ =	shalt  }
0x75: {  	_ =	shalt  }
0x76: {  	_ =	shalt  }
0x77: {  	_ =	shalt  }
0x78: {  	_ =	shalt  }
0x79: {  	_ =	shalt  }
0x7a: {  	_ =	shalt  }
0x7b: {  	_ =	shalt  }
0x7c: {  	_ =	shalt  }
0x7d: {  	_ =	shalt  }
0x7e: {  	_ =	shalt  }
0x7f: {  	_ =	shalt  }
0x80: {  	_ =	shalt  }
0x81: {  	_ =	shalt  }
0x82: {  	_ =	shalt  }
0x83: {  	_ =	shalt  }
0x84: {  	_ =	shalt  }
0x85: {  	_ =	shalt  }
0x86: {  	_ =	shalt  }
0x87: {  	_ =	shalt  }
.Lfunc_end0:
.L_simem_size_0:
called_computation.6_lowered:
.L_overlay_start_0:
0x88: {  	s2 =	sld [smem:$0x3FD9]  }
0x89: {  	s3 =	sld [smem:$0x3FFE];
	_ =	sdelay $0x1  }
0x8a: {  	s1 =	srdreg.scid  }
0x8b: {  	s0 =	sand.u32 $0x1, s1  }
0x8c: {  	s14 =	sshll.u32 s0, $0xA;
	s2 =	sadd.s32 s3, s2  }
0x8d: {  	s2 =	sadd.s32 s2, s14  }
0x8e: {  	[smem:$0x3FB7] =	sst s2  }
0x8f: {  	_ = 	snop  }
0x90: {  	s2 =	sld [smem:$0x3FD0];
	_ =	sdelay $0x2  }
0x91: {  	s4 =	simm.s32 $0xA;
	s5 =	simm.s32 $0x10;
	s15 =	sld [smem:$0x3FC7]  }
0x92: {  	[smem:s5], [sflag:s4] =	dma.local [hbm:s2], $0x1  }
0x93: {  	_ =	swait.eq [sflag:s4], $0x1  }
0x94: {  	[sflag:s4] =	ssyncset.done $0x0  }
0x95: {  	s16 =	sld [smem:$0x10];
	[sflag:s4] =	ssyncadd.s32 $0xFFFFFFFF  }
0x96: {  	s17 =	sld [smem:$0x11];
	(tm) =	ssettm $0x1  }
0x97: {  	s18 =	sld [smem:$0x3FFB];
	_ =	sdelay $0x3  }
0x98: {  	_ =	strace s18  }
0x99: {  	s5 =	sld [smem:$0x3FFC];
	_ =	sdelay $0x3  }
0x9a: {  	_ =	strace s5  }
0x9b: {  	s5 =	sld [smem:$0x3FFD];
	_ =	sdelay $0x3  }
0x9c: {  	_ =	strace s5  }
0x9d: {  	_ =	strace $0x8FFFFFFF  }
0x9e: {  	s19 =	sld [smem:$0x3FDB];
	_ =	sdelay $0x1  }
0x9f: {  	s6 =	simm.s32 $_scs_section_size  }
0xa0: {  	s7 =	simm.s32 $_size__tile_overlayer_lowered;
	s8 =	simm.s32 $_tile_overlayer_lowered  }
0xa1: {  	s22 =	simm.s32 $0x1BFF;
	s21 =	sshll.u32 s8, $0x1;
	s5 =	sadd.s32 s6, s19  }
0xa2: {  	s9 =	simm.s32 $0x0;
	s20 =	sshll.u32 s7, $0x1;
	s7 =	sadd.s32 s21, s5  }
0xa3: {  	[timem:s9], [sflag:s22] =	dma.local [hbm:s7], s20  }
0xa4: {  	_ =	swait.ge [sflag:s22], s20  }
0xa5: {  	s6 =	ssub.s32 $0x0, s20;
	[sflag:s22] =	ssyncset.done $0x0  }
0xa6: {  	[sflag:s22] =	ssyncadd.s32 s6;
	_ =	sdelay $0x1  }
0xa7: {  	s23 =	simm.s32 $0x1B8B  }
0xa8: {  	_ =	swait.ge [sflag:s23], $0x1  }
0xa9: {  	[sflag:s23] =	ssyncset.done $0x0  }
0xaa: {  	s25 =	simm.s32 $0x1B8E;
	s24 =	sld [smem:$0x3FFE];
	[sflag:s23] =	ssyncadd.s32 $0xFFFFFFFF  }
0xab: {  	s26 =	simm.s32 $execute0_lowered;
	[smem:$0x3FD2] =	sst s25  }
0xac: {  	s7 =	sshll.u32 s26, $0x1;
	_ =	strace $0x80000058;
	[dreg:$0x1] =	wrdreg $0xFFFFFFFF  }
0xad: {  	s28 =	simm.s32 $_size_execute0_lowered;
	s5 =	sadd.s32 s5, s7;
	[dreg:$0x0] =	wrdreg $0x0  }
0xae: {  	s7 =	sshll.u32 s28, $0x1;
	[dreg:$0x2] =	wrdreg s5  }
0xaf: {  	[dreg:$0x3] =	wrdreg s7  }
0xb0: {  	[dreg:$0x4] =	wrdreg $0xC0  }
0xb1: {  	_ =	task [dreg:s9], $0x5FFFF  }
0xb2: {  	[dreg:$0x1] =	wrdreg $0xFFFFFFFF  }
0xb3: {  	[dreg:$0x0] =	wrdreg $0x60  }
0xb4: {  	[dreg:$0x2] =	wrdreg s17  }
0xb5: {  	[dreg:$0x3] =	wrdreg s16  }
0xb6: {  	[dreg:$0x4] =	wrdreg s15  }
0xb7: {  	[dreg:$0x5] =	wrdreg s24  }
0xb8: {  	[dreg:$0x6] =	wrdreg $0x50800  }
0xb9: {  	[dreg:$0x7] =	wrdreg $0x74800  }
0xba: {  	[dreg:$0x8] =	wrdreg $0x9  }
0xbb: {  	_ =	task.clear_ibuf [dreg:s9], $0x9FFFF;
	_ =	strace $0x90000058  }
0xbc: {  	s29 =	simm.s32 $0x9;
	_ =	strace $0x8000005A  }
0xbd: {  	_ =	swait.ge [sflag:s29], $0x1  }
0xbe: {  	[sflag:s29] =	ssyncadd.s32 $0xFFFFFFFF  }
0xbf: {  	_ =	strace $0x9000005A  }
0xc0: {  	_ =	sfence  }
0xc1: {  	s30 =	sld [smem:$0x0];
	_ =	sdelay $0x2  }
0xc2: {  	s31 =	sshll.u32 s1, $0xD;
	s1 =	sshrl.u32 s1, $0x2  }
0xc3: {  	s3 =	sand.u32 $0x4000, s31;
	s1 =	sadd.s32 s1, s30  }
0xc4: {  	s0 =	sor.u32 s3, s0;
	s1 =	sshll.u32 s1, $0x11  }
0xc5: {  	s0 =	sor.u32 s1, s0  }
0xc6: {  	s0 =	sadd.s32 $0x8F2B, s0  }
0xc7: {  	[sflag:s0] =	ssyncadd.remote.s32 $0x1  }
0xc8: {  	_ =	sfence.sel $0xFFFF  }
0xc9: {  	[dreg:$0x0] =	wrdreg $0xFFFFFFFF;
	(pc) =	sbr.abs _section_cstart, $3  }
0xca: {  	[dreg:$0x1] =	wrdreg $0xFFFFFFFF  }
0xcb: {  	_ =	task.clear_ibuf [dreg:s9], $0x2FFFF;
	_ =	strace $0x9FFFFFFF  }
0xcc: {  	(tm) =	ssettm $0x7FFFFFFF  }
0xcd: {  	_ =	shalt  }
tec
execute0_lowered:
.L_overlay_start_1:
0x0: {  	(tag) =	ssettag $0x1  }
0x1: {  	s11 =	rddreg [dreg:$0x0]  }
0x2: {  	s12 =	rddreg [dreg:$0x1]  }
0x3: {  	s13 =	rddreg [dreg:$0x2]  }
0x4: {  	s5 =	rddreg [dreg:$0x3]  }
0x5: {  	s2 =	rddreg [dreg:$0x4]  }
0x6: {  	s3 =	rddreg [dreg:$0x5]  }
0x7: {  	s0 =	rddreg [dreg:$0x6];
	s1 =	stileid.u32  }
0x8: {  	s6 =	srdreg.scid;
	s4 =	simm.s32 $0x0;
	s18 =	simm.s32 $0x2880  }
0x9: {  	s19 =	simm.s32 $0x1;
	s20 =	simm.s32 $0x50;
	s21 =	simm.s32 $0x0  }
0xa: {  	s8 =	smul.u32 $0x2400, s1;
	s6 =	sand.u32 $0x1, s6;
	[smem:$0x7FF] =	sst s4  }
0xb: {  	s10 =	sshll.u32 s1, $0x1;
	s30 =	sshll.u32 s1, $0x6;
	s7 =	smul.u32 $0x24000, s6  }
0xc: {  	_ =	strace $0x80000059;
	s10 =	sor.u32 s6, s10;
	s6 =	ssub.s32 $0x2, s6  }
0xd: {  	s9 =	sshrl.u32 s8, $0x3;
	s14 =	smul.u32 $0x5F0, s10;
	s26 =	sshrl.u32 s6, $0x1  }
0xe: {  	s16 =	smul.u32 $0x640, s10;
	p0 =	slt.u32 s10, $0x11;
	s29 =	sadd.s32 s8, s2  }
0xf: {  	s17 =	sadd.s32 s8, s3;
	s9 =	sadd.s32 s9, s5;
	s7 =	sadd.s32 s8, s7  }
0x10: {  	s28 =	ssub.s32 s6, s26;
	s7 =	sshrl.u32 s7, $0x3;
	s14 =	sadd.s32 $0x550, s14  }
0x11: {  	s6 =	sadd.s32 $0x7600, s9;
	s10 =	smax.u32 s28, $0x1;
	s15 =	sadd.s32 s7, s5  }
0x12: {  	s5 =	simm.s32 $0x14;
	s14 =	smov.u32 @p0 s16;
	s7 =	sor.u32 $0x1C02, s30  }
0x13: {  	s16 =	sshrl.u32 s17, $0x3;
	s17 =	simm.s32 $0x80;
	s5 =	simm.s32 @!p0 $0x13  }
0x14: {  	s8 =	sadd.s32 $0x321200, s15;
	s9 =	sadd.s32 $0x32A200, s15;
	s31 =	sshll.u32 s14, $0x4  }
0x15: {  	s14 =	sshrl.u32 s14, $0x3;
	s15 =	simm.s32 $0x2;
	s11 =	sadd.s32 s31, s11  }
0x16: {  	s12 =	sadd.s32 s31, s12;
	s13 =	sadd.s32 s14, s13;
	s14 =	sshrl.u32 s29, $0x3  }
.LBB2_1:
0x17: {  	[spmem:s14], [sflag:s7] =	dma.local [hbm:s6], $0x480  }
0x18: {  	_ =	swait.ge [sflag:s15], $0x480  }
0x19: {  	[sflag:s15] =	ssyncset.done $0x0  }
0x1a: {  	[sflag:s15] =	ssyncadd.s32 $0xFFFFFB80  }
0x1b: {  	[spmem:s16], [sflag:s7] =	dma.local [hbm:s6], $0x480  }
0x1c: {  	_ =	swait.ge [sflag:s15], $0x480  }
0x1d: {  	[sflag:s15] =	ssyncset.done $0x0  }
0x1e: {  	[sflag:s15] =	ssyncadd.s32 $0xFFFFFB80  }
0x1f: {  	[bflag:$0x0] =	sbarrier.arrive $0xFFFF  }
0x20: {  	[tilespmem:s4], [sflag:$0x2] =	stream.linear.gather [hbm4b:s13+s4], $0x50, $0x38;
	[tilespmem:$0x9880] =	vst v63  }
0x21: {  	_ =	swait.ge [sflag:s15], $0x50  }
0x22: {  	[sflag:s15] =	ssyncset.done $0x0  }
0x23: {  	[sflag:s15] =	ssyncadd.s32 $0xFFFFFFB0  }
0x24: {  	[tilespmem:s17], [sflag:$0x1] =	stream.linear.gather [hbm4b:s11+s4], $0x2800, $0x38;
	[tilespmem:$0x9880] =	vst v63  }
0x25: {  	_ = 	snop  }
0x26: {  	[tilespmem:s18], [sflag:$0x2] =	stream.linear.gather [hbm4b:s12+s4], $0x2800, $0x38;
	[tilespmem:$0x9880] =	vst v63  }
0x27: {  	_ =	swait.ge [sflag:s15], $0x2800  }
0x28: {  	[sflag:s15] =	ssyncset.done $0x0  }
0x29: {  	[sflag:s15] =	ssyncadd.s32 $0xFFFFD800  }
0x2a: {  	_ =	swait.ge [sflag:s19], $0x2800  }
0x2b: {  	[sflag:s19] =	ssyncset.done $0x0  }
0x2c: {  	[sflag:s19] =	ssyncadd.s32 $0xFFFFD800  }
0x2d: {  	[spmem:s2] =	stream.indirect.scatter.add.f32 [tilespmem:s17], [sflag:$0x2], $0x80, s4, s20, $0xb8;
	[tilespmem:$0x9880] =	vst v63  }
0x2e: {  	p0 =	sne.s32 s5, $0x1;
	_ =	swait.ge [sflag:s15], $0x2800  }
.Ltmp0:
0x2f: {  	[sflag:s15] =	ssyncset.done $0x0;
	(pc) =	sbr.rel @!p0 .LBB2_3-.Ltmp0, $4  }
0x30: {  	[sflag:s15] =	ssyncadd.s32 $0xFFFFD800  }
0x31: {  	[spmem:s3] =	stream.indirect.scatter.add.f32 [tilespmem:s18], [sflag:$0x2], $0x80, s4, s20, $0xb8;
	[tilespmem:$0x9880] =	vst v63  }
0x32: {  	s22 =	sadd.s32 $0xFFFFFFFF, s5;
	s23 =	sadd.s32 $0xA, s13;
	_ =	swait.ge [sflag:s15], $0x2800  }
0x33: {  	s24 =	smov.u32 s11;
	s25 =	smov.u32 s12;
	[sflag:s15] =	ssyncset.done $0x0  }
.LBB2_2:
0x34: {  	[sflag:s15] =	ssyncadd.s32 $0xFFFFD800;
	s24 =	sadd.s32 $0x500, s24;
	s25 =	sadd.s32 $0x500, s25  }
0x35: {  	[tilespmem:s4], [sflag:$0x2] =	stream.linear.gather [hbm4b:s23+s4], $0x50, $0x38;
	[tilespmem:$0x9880] =	vst v63  }
0x36: {  	p0 =	sne.s32 s22, $0x1;
	s22 =	sadd.s32 $0xFFFFFFFF, s22;
	_ =	swait.ge [sflag:s15], $0x50  }
0x37: {  	[sflag:s15] =	ssyncset.done $0x0  }
0x38: {  	[sflag:s15] =	ssyncadd.s32 $0xFFFFFFB0  }
0x39: {  	[tilespmem:s17], [sflag:$0x1] =	stream.linear.gather [hbm4b:s24+s4], $0x2800, $0x38;
	[tilespmem:$0x9880] =	vst v63  }
0x3a: {  	_ = 	snop  }
0x3b: {  	[tilespmem:s18], [sflag:$0x2] =	stream.linear.gather [hbm4b:s25+s4], $0x2800, $0x38;
	[tilespmem:$0x9880] =	vst v63  }
0x3c: {  	_ =	swait.ge [sflag:s15], $0x2800  }
0x3d: {  	[sflag:s15] =	ssyncset.done $0x0  }
0x3e: {  	[sflag:s15] =	ssyncadd.s32 $0xFFFFD800  }
0x3f: {  	_ =	swait.ge [sflag:s19], $0x2800  }
0x40: {  	[sflag:s19] =	ssyncset.done $0x0  }
0x41: {  	[sflag:s19] =	ssyncadd.s32 $0xFFFFD800  }
0x42: {  	[spmem:s2] =	stream.indirect.scatter.add.f32 [tilespmem:s17], [sflag:$0x2], $0x80, s4, s20, $0xb8;
	[tilespmem:$0x9880] =	vst v63  }
0x43: {  	_ =	swait.ge [sflag:s15], $0x2800  }
.Ltmp1:
0x44: {  	[sflag:s15] =	ssyncset.done $0x0;
	(pc) =	sbr.rel @p0 .LBB2_2-.Ltmp1, $4  }
0x45: {  	[sflag:s15] =	ssyncadd.s32 $0xFFFFD800  }
0x46: {  	[spmem:s3] =	stream.indirect.scatter.add.f32 [tilespmem:s18], [sflag:$0x2], $0x80, s4, s20, $0xb8;
	[tilespmem:$0x9880] =	vst v63  }
0x47: {  	_ =	swait.ge [sflag:s15], $0x2800  }
0x48: {  	s23 =	sadd.s32 $0xA, s23;
	[sflag:s15] =	ssyncset.done $0x0  }
.LBB2_3:
0x49: {  	[sflag:s15] =	ssyncadd.s32 $0xFFFFD800  }
0x4a: {  	[bflag:$0x0] =	sbarrier.arrive $0xFFFF  }
0x4b: {  	[hbm:s8], [sflag:s7] =	dma.local [spmem:s14], $0x480  }
0x4c: {  	s21 =	sadd.s32 $0x1, s21;
	_ =	swait.ge [sflag:s15], $0x480  }
0x4d: {  	p0 =	sne.s32 s21, s10;
	[sflag:s15] =	ssyncset.done $0x0  }
.Ltmp2:
0x4e: {  	[sflag:s15] =	ssyncadd.s32 $0xFFFFFB80;
	(pc) =	sbr.rel @p0 .LBB2_1-.Ltmp2, $4  }
0x4f: {  	[hbm:s9], [sflag:s7] =	dma.local [spmem:s16], $0x480  }
0x50: {  	_ =	swait.ge [sflag:s15], $0x480  }
0x51: {  	[sflag:s15] =	ssyncset.done $0x0  }
0x52: {  	[sflag:s15] =	ssyncadd.s32 $0xFFFFFB80  }
0x53: {  	_ =	sfence.sel $0x180000  }
0x54: {  	[bflag:$0x0] =	sbarrier.arrive $0xFFFF  }
0x55: {  	p0 =	sne.s32 s1, $0x0;
	_ =	strace $0x90000059  }
0x56: {  	s0 =	sadd.s32 @!p0 $0x100000, s0;
	[bflag:$0x2] =	sbarrier.arrive $0xFFFF  }
0x57: {  	[sflag:s0] =	ssyncadd.tile.s32 @!p0 $0x1;
	_ =	shalt  }
.Lfunc_end2:
_tile_overlayer_lowered:
.L_overlay_start_2:
0x58: {  	(tag) =	ssettag $0x2  }
0x59: {  	s0 =	rddreg [dreg:$0x0];
	s2 =	stileid.u32  }
0x5a: {  	s1 =	rddreg [dreg:$0x1];
	p0 =	sne.s32 s2, $0x0  }
0x5b: {  	s3 =	rddreg [dreg:$0x2];
	[bflag:$0x3] =	sbarrier.arrive $0xFFFF;
	s2 =	simm.s32 @!p0 $0x1C02  }
0x5c: {  	[timem:s3], [sflag:s2] =	dma.local @!p0 [hbm:s0], s1  }
0x5d: {  	s0 =	simm.s32 @!p0 $0x2  }
0x5e: {  	_ =	swait.ge @!p0 [sflag:s0], s1  }
0x5f: {  	s1 =	ssub.s32 @!p0 $0x0, s1;
	[sflag:s0] =	ssyncset.done @!p0 $0x0  }
0x60: {  	[sflag:s0] =	ssyncadd.s32 @!p0 s1  }
0x61: {  	[bflag:$0x3] =	sbarrier.arrive $0xFFFF  }
0x62: {  	_ =	shalt  }

// kernel: kernel.43.cloned.1.call-start
scs
__scs_entry_jumppad:
0x0: {  	(pc) =	sbr.rel $0x88, $3  }
0x1: {  	(tag) =	ssettag $0x0;
	lr =	simm.s32 $0x1  }
0x2: {  	[smem:$0x3F90] =	sst lr;
	_ =	strace $0xD0000000  }
0x3: {  	_ = 	snop  }
0x4: {  	_ = 	snop  }
0x5: {  	_ = 	snop  }
0x6: {  	_ = 	snop  }
0x7: {  	_ = 	snop  }
__scs_overlays_trampoline_lowered:
0x8: {  	[smem:$0x3F9F] =	sst s0  }
0x9: {  	[smem:$0x3FA0] =	sst s1  }
0xa: {  	[smem:$0x3FA1] =	sst s2  }
0xb: {  	[smem:$0x3FA2] =	sst s3  }
0xc: {  	[smem:$0x3FA3] =	sst s4  }
0xd: {  	[smem:$0x3FA4] =	sst s5  }
0xe: {  	[smem:$0x3FA5] =	sst s6  }
0xf: {  	[smem:$0x3FA6] =	sst s7  }
0x10: {  	[smem:$0x3FA7] =	sst s8  }
0x11: {  	[smem:$0x3FA8] =	sst s9;
	s0 =	simm.s32 @!p0 $0x0  }
0x12: {  	s1 =	sld [smem:$0x3F8E];
	s0 =	simm.s32 @p0 $0x1  }
0x13: {  	[smem:$0x3FA9] =	sst s0;
	s0 =	simm.s32 @!p1 $0x0  }
0x14: {  	s2 =	sld [smem:$0x3F8D];
	s0 =	simm.s32 @p1 $0x1  }
0x15: {  	[smem:$0x3FAA] =	sst s0;
	s0 =	simm.s32 @!p2 $0x0  }
0x16: {  	s3 =	sld [smem:$0x3FDB];
	s0 =	simm.s32 @p2 $0x1  }
0x17: {  	s4 =	simm.s32 $0x1BF5;
	[smem:$0x3FAC] =	sst s0  }
0x18: {  	s0 =	sld [smem:$0x3F8F];
	_ =	swait.ge [sflag:s4], $0x0  }
0x19: {  	s7 =	sld [smem:$0x3F90]  }
0x1a: {  	s8 =	sadd.s32 $0xFFFFE003, lr  }
0x1b: {  	s9 =	sadd.s32 $0xFFFFFEF7, lr;
	s5 =	simm.s32 $0xFFFFFFFF;
	p2 =	slt.u32 s8, $0xFFFFF086  }
0x1c: {  	p1 =	slt.u32 s9, $0xF7A;
	s5 =	simm.s32 @!p2 $0x0  }
0x1d: {  	s5 =	simm.s32 @p1 $0x1;
	p0 =	seq.s32 s7, s2  }
0x1e: {  	s7 =	smul.u32 @!p0 $0xF7A, s2;
	p2 =	seq.s32 @!p0 s5, $0x0  }
0x1f: {  	s9 =	smul.u32 $0xF7A, s1;
	s8 =	simm.s32 @!p0 $0x1BF5;
	p2 =	por !p2, p0  }
0x20: {  	[sflag:s8] =	ssyncset.s32 @!p0 $0xFFFFF086;
	s6 =	sadd.s32 @!p0 s3, s7;
	s7 =	simm.s32 @!p0 $0x108  }
0x21: {  	s3 =	sadd.s32 s3, s9;
	s6 =	sadd.s32 @!p0 $0x88, s6;
	s7 =	simm.s32 @p2 $0x1082  }
0x22: {  	[simem:s7], [sflag:s8] =	dma.local @!p0 [hbm:s6], $0xF7A  }
0x23: {  	s9 =	sor.u32 $0xD0000000, s2;
	s6 =	simm.s32 $0x108;
	_ =	swait.ge @!p0 [sflag:s8], $0x0  }
0x24: {  	s3 =	sadd.s32 $0x88, s3;
	s6 =	simm.s32 @!p1 $0x1082;
	[sflag:s4] =	ssyncset.s32 $0xFFFFF086  }
0x25: {  	[simem:s6], [sflag:s4] =	dma.local [hbm:s3], $0xF7A  }
0x26: {  	[smem:$0x3F90] =	sst s1;
	(tag) =	ssettag s2;
	_ =	strace s9  }
0x27: {  	s1 =	sld [smem:$0x3FA0]  }
0x28: {  	s2 =	sld [smem:$0x3FA1]  }
0x29: {  	s4 =	sld [smem:$0x3FA3]  }
0x2a: {  	p0 =	seq.s32 s5, $0x0;
	s5 =	sld [smem:$0x3FA4]  }
0x2b: {  	s6 =	sld [smem:$0x3FA5]  }
0x2c: {  	s7 =	sld [smem:$0x3FA6]  }
0x2d: {  	s3 =	simm.s32 $0x108;
	s8 =	sld [smem:$0x3FA7]  }
0x2e: {  	s3 =	simm.s32 @!p0 $0x1082;
	s9 =	sld [smem:$0x3FA8]  }
0x2f: {  	lr =	sadd.s32 s0, s3;
	s0 =	sld [smem:$0x3F9F]  }
0x30: {  	s3 =	sld [smem:$0x3FA2]  }
0x31: {  	[smem:$0x3FAB] =	sst s10  }
0x32: {  	s10 =	sld [smem:$0x3FA9];
	_ =	sdelay $0x3  }
0x33: {  	p0 =	seq.s32 s10, $0x1;
	s10 =	sld [smem:$0x3FAB];
	_ =	sdelay $0x3  }
0x34: {  	[smem:$0x3FAB] =	sst s10  }
0x35: {  	s10 =	sld [smem:$0x3FAA];
	_ =	sdelay $0x3  }
0x36: {  	p1 =	seq.s32 s10, $0x1;
	s10 =	sld [smem:$0x3FAB];
	_ =	sdelay $0x3  }
0x37: {  	[smem:$0x3FAB] =	sst s10  }
0x38: {  	s10 =	sld [smem:$0x3FAC]  }
0x39: {  	_ = 	snop;
	(pc) =	sbr.ind lr, $3  }
0x3a: {  	_ = 	snop  }
0x3b: {  	_ = 	snop  }
0x3c: {  	p2 =	seq.s32 s10, $0x1;
	s10 =	sld [smem:$0x3FAB]  }
0x3d: {  	_ =	shalt  }
0x3e: {  	_ =	shalt  }
0x3f: {  	_ =	shalt  }
0x40: {  	_ =	shalt  }
0x41: {  	_ =	shalt  }
0x42: {  	_ =	shalt  }
0x43: {  	_ =	shalt  }
0x44: {  	_ =	shalt  }
0x45: {  	_ =	shalt  }
0x46: {  	_ =	shalt  }
0x47: {  	_ =	shalt  }
0x48: {  	_ =	shalt  }
0x49: {  	_ =	shalt  }
0x4a: {  	_ =	shalt  }
0x4b: {  	_ =	shalt  }
0x4c: {  	_ =	shalt  }
0x4d: {  	_ =	shalt  }
0x4e: {  	_ =	shalt  }
0x4f: {  	_ =	shalt  }
0x50: {  	_ =	shalt  }
0x51: {  	_ =	shalt  }
0x52: {  	_ =	shalt  }
0x53: {  	_ =	shalt  }
0x54: {  	_ =	shalt  }
0x55: {  	_ =	shalt  }
0x56: {  	_ =	shalt  }
0x57: {  	_ =	shalt  }
0x58: {  	_ =	shalt  }
0x59: {  	_ =	shalt  }
0x5a: {  	_ =	shalt  }
0x5b: {  	_ =	shalt  }
0x5c: {  	_ =	shalt  }
0x5d: {  	_ =	shalt  }
0x5e: {  	_ =	shalt  }
0x5f: {  	_ =	shalt  }
0x60: {  	_ =	shalt  }
0x61: {  	_ =	shalt  }
0x62: {  	_ =	shalt  }
0x63: {  	_ =	shalt  }
0x64: {  	_ =	shalt  }
0x65: {  	_ =	shalt  }
0x66: {  	_ =	shalt  }
0x67: {  	_ =	shalt  }
0x68: {  	_ =	shalt  }
0x69: {  	_ =	shalt  }
0x6a: {  	_ =	shalt  }
0x6b: {  	_ =	shalt  }
0x6c: {  	_ =	shalt  }
0x6d: {  	_ =	shalt  }
0x6e: {  	_ =	shalt  }
0x6f: {  	_ =	shalt  }
0x70: {  	_ =	shalt  }
0x71: {  	_ =	shalt  }
0x72: {  	_ =	shalt  }
0x73: {  	_ =	shalt  }
0x74: {  	_ =	shalt  }
0x75: {  	_ =	shalt  }
0x76: {  	_ =	shalt  }
0x77: {  	_ =	shalt  }
0x78: {  	_ =	shalt  }
0x79: {  	_ =	shalt  }
0x7a: {  	_ =	shalt  }
0x7b: {  	_ =	shalt  }
0x7c: {  	_ =	shalt  }
0x7d: {  	_ =	shalt  }
0x7e: {  	_ =	shalt  }
0x7f: {  	_ =	shalt  }
0x80: {  	_ =	shalt  }
0x81: {  	_ =	shalt  }
0x82: {  	_ =	shalt  }
0x83: {  	_ =	shalt  }
0x84: {  	_ =	shalt  }
0x85: {  	_ =	shalt  }
0x86: {  	_ =	shalt  }
0x87: {  	_ =	shalt  }
.Lfunc_end0:
.L_simem_size_0:
called_computation.7_lowered:
.L_overlay_start_0:
0x88: {  	s2 =	sld [smem:$0x3FD9]  }
0x89: {  	s3 =	sld [smem:$0x3FFE];
	_ =	sdelay $0x1  }
0x8a: {  	s1 =	srdreg.scid  }
0x8b: {  	s0 =	sand.u32 $0x1, s1  }
0x8c: {  	s15 =	sshll.u32 s0, $0xA;
	s2 =	sadd.s32 s3, s2  }
0x8d: {  	s2 =	sadd.s32 s2, s15  }
0x8e: {  	[smem:$0x3FB7] =	sst s2  }
0x8f: {  	_ = 	snop  }
0x90: {  	s2 =	sld [smem:$0x3FD0];
	_ =	sdelay $0x2  }
0x91: {  	s4 =	simm.s32 $0xA;
	s5 =	simm.s32 $0x10;
	s16 =	sld [smem:$0x3FC7]  }
0x92: {  	[smem:s5], [sflag:s4] =	dma.local [hbm:s2], $0x1  }
0x93: {  	_ =	swait.eq [sflag:s4], $0x1  }
0x94: {  	[sflag:s4] =	ssyncset.done $0x0  }
0x95: {  	s17 =	sld [smem:$0x10];
	[sflag:s4] =	ssyncadd.s32 $0xFFFFFFFF  }
0x96: {  	s18 =	sld [smem:$0x11];
	(tm) =	ssettm $0x1  }
0x97: {  	s19 =	sld [smem:$0x3FFB];
	_ =	sdelay $0x3  }
0x98: {  	_ =	strace s19  }
0x99: {  	s5 =	sld [smem:$0x3FFC];
	_ =	sdelay $0x3  }
0x9a: {  	_ =	strace s5  }
0x9b: {  	s5 =	sld [smem:$0x3FFD];
	_ =	sdelay $0x3  }
0x9c: {  	_ =	strace s5  }
0x9d: {  	_ =	strace $0x8FFFFFFF  }
0x9e: {  	s20 =	sld [smem:$0x3FDB];
	_ =	sdelay $0x1  }
0x9f: {  	s6 =	simm.s32 $_scs_section_size  }
0xa0: {  	s7 =	simm.s32 $_size__tile_overlayer_lowered;
	s8 =	simm.s32 $_tile_overlayer_lowered  }
0xa1: {  	s23 =	simm.s32 $0x1BFF;
	s22 =	sshll.u32 s8, $0x1;
	s5 =	sadd.s32 s6, s20  }
0xa2: {  	s9 =	simm.s32 $0x0;
	s21 =	sshll.u32 s7, $0x1;
	s7 =	sadd.s32 s22, s5  }
0xa3: {  	[timem:s9], [sflag:s23] =	dma.local [hbm:s7], s21  }
0xa4: {  	_ =	swait.ge [sflag:s23], s21  }
0xa5: {  	s6 =	ssub.s32 $0x0, s21;
	[sflag:s23] =	ssyncset.done $0x0  }
0xa6: {  	[sflag:s23] =	ssyncadd.s32 s6;
	_ =	sdelay $0x1  }
0xa7: {  	s24 =	simm.s32 $0x1B8B  }
0xa8: {  	_ =	swait.ge [sflag:s24], $0x1  }
0xa9: {  	[sflag:s24] =	ssyncset.done $0x0  }
0xaa: {  	s25 =	simm.s32 $0x1B8E;
	[sflag:s24] =	ssyncadd.s32 $0xFFFFFFFF  }
0xab: {  	s26 =	simm.s32 $execute0_lowered;
	[smem:$0x3FD2] =	sst s25  }
0xac: {  	s6 =	sshll.u32 s26, $0x1;
	_ =	strace $0x8000005B;
	[dreg:$0x1] =	wrdreg $0xFFFFFFFF  }
0xad: {  	s28 =	simm.s32 $_size_execute0_lowered;
	s5 =	sadd.s32 s5, s6;
	[dreg:$0x0] =	wrdreg $0x0  }
0xae: {  	s6 =	sshll.u32 s28, $0x1;
	[dreg:$0x2] =	wrdreg s5  }
0xaf: {  	[dreg:$0x3] =	wrdreg s6  }
0xb0: {  	[dreg:$0x4] =	wrdreg $0xC0  }
0xb1: {  	_ =	task [dreg:s9], $0x5FFFF  }
0xb2: {  	[dreg:$0x1] =	wrdreg $0xFFFFFFFF  }
0xb3: {  	[dreg:$0x0] =	wrdreg $0x60  }
0xb4: {  	[dreg:$0x2] =	wrdreg s17  }
0xb5: {  	[dreg:$0x3] =	wrdreg s16  }
0xb6: {  	[dreg:$0x4] =	wrdreg s18  }
0xb7: {  	[dreg:$0x5] =	wrdreg $0x9  }
0xb8: {  	_ =	task.clear_ibuf [dreg:s9], $0x6FFFF;
	_ =	strace $0x9000005B  }
0xb9: {  	s29 =	simm.s32 $0x9;
	_ =	strace $0x8000005D  }
0xba: {  	_ =	swait.ge [sflag:s29], $0x1  }
0xbb: {  	[sflag:s29] =	ssyncadd.s32 $0xFFFFFFFF  }
0xbc: {  	_ =	strace $0x9000005D  }
0xbd: {  	_ =	sfence  }
0xbe: {  	s30 =	sld [smem:$0x0];
	_ =	sdelay $0x2  }
0xbf: {  	s31 =	sshll.u32 s1, $0xD;
	s1 =	sshrl.u32 s1, $0x2  }
0xc0: {  	s3 =	sand.u32 $0x4000, s31;
	s1 =	sadd.s32 s1, s30  }
0xc1: {  	s0 =	sor.u32 s3, s0;
	s1 =	sshll.u32 s1, $0x11  }
0xc2: {  	s0 =	sor.u32 s1, s0  }
0xc3: {  	s0 =	sadd.s32 $0x8F2B, s0  }
0xc4: {  	[sflag:s0] =	ssyncadd.remote.s32 $0x1  }
0xc5: {  	_ =	sfence.sel $0xFFFF  }
0xc6: {  	[dreg:$0x0] =	wrdreg $0xFFFFFFFF;
	(pc) =	sbr.abs _section_cstart, $3  }
0xc7: {  	[dreg:$0x1] =	wrdreg $0xFFFFFFFF  }
0xc8: {  	_ =	task.clear_ibuf [dreg:s9], $0x2FFFF;
	_ =	strace $0x9FFFFFFF  }
0xc9: {  	(tm) =	ssettm $0x7FFFFFFF  }
tec
execute0_lowered:
.L_overlay_start_1:
0x0: {  	(tag) =	ssettag $0x1  }
0x1: {  	s1 =	rddreg [dreg:$0x0]  }
0x2: {  	s7 =	rddreg [dreg:$0x1];
	s2 =	srdreg.scid  }
0x3: {  	s0 =	stileid.u32;
	s6 =	rddreg [dreg:$0x2]  }
0x4: {  	s3 =	simm.s32 $0x0;
	s4 =	sand.u32 $0x1, s2;
	s5 =	sshll.u32 s0, $0x1  }
0x5: {  	s11 =	simm.s32 $0x1;
	s2 =	rddreg [dreg:$0x3];
	s5 =	sor.u32 s4, s5  }
0x6: {  	s12 =	simm.s32 $0x0;
	[smem:$0x7FF] =	sst s3;
	s8 =	smul.u32 $0x5F0, s5  }
0x7: {  	_ =	strace $0x8000005C;
	s10 =	ssub.s32 $0x2, s4;
	s9 =	smul.u32 $0x640, s5  }
0x8: {  	p0 =	slt.u32 s5, $0x11;
	s31 =	sshrl.u32 s10, $0x1;
	s8 =	sadd.s32 $0x550, s8  }
0x9: {  	s4 =	simm.s32 $0x14;
	s5 =	ssub.s32 s10, s31;
	s8 =	smov.u32 @p0 s9  }
0xa: {  	s4 =	simm.s32 @!p0 $0x13;
	s10 =	simm.s32 $0x80;
	s9 =	sshll.u32 s8, $0x4  }
0xb: {  	s5 =	smax.u32 s5, $0x1;
	s8 =	sshrl.u32 s8, $0x3;
	s6 =	sadd.s32 s9, s6  }
0xc: {  	s7 =	sadd.s32 s8, s7;
	s8 =	simm.s32 $0x2;
	s9 =	simm.s32 $0x50  }
.LBB2_1:
0xd: {  	[tilespmem:s3], [sflag:$0x2] =	stream.linear.gather [hbm4b:s7+s3], $0x50, $0x38;
	[tilespmem:$0x2880] =	vst v63  }
0xe: {  	_ =	swait.ge [sflag:s8], $0x50  }
0xf: {  	[sflag:s8] =	ssyncset.done $0x0  }
0x10: {  	[sflag:s8] =	ssyncadd.s32 $0xFFFFFFB0  }
0x11: {  	[tilespmem:s10], [sflag:$0x1] =	stream.indirect.gather [hbm4b:s1+s9], $0x80, s3, s9, $0xb8;
	[tilespmem:$0x2880] =	vst v63  }
0x12: {  	p0 =	sne.s32 s4, $0x1;
	_ =	swait.ge [sflag:s11], $0x2800  }
.Ltmp0:
0x13: {  	[sflag:s11] =	ssyncset.done $0x0;
	(pc) =	sbr.rel @!p0 .LBB2_3-.Ltmp0, $4  }
0x14: {  	[sflag:s11] =	ssyncadd.s32 $0xFFFFD800  }
0x15: {  	[hbm4b:s6+s3] =	stream.linear.scatter [tilespmem:s10], [sflag:$0x2], $0x2800, $0x38;
	[tilespmem:$0x2880] =	vst v63  }
0x16: {  	s13 =	sadd.s32 $0xFFFFFFFF, s4;
	_ =	swait.ge [sflag:s8], $0x2800  }
0x17: {  	s14 =	smov.u32 s6;
	s15 =	smov.u32 s7;
	[sflag:s8] =	ssyncset.done $0x0  }
.LBB2_2:
0x18: {  	[sflag:s8] =	ssyncadd.s32 $0xFFFFD800;
	s14 =	sadd.s32 $0x500, s14;
	s15 =	sadd.s32 $0xA, s15  }
0x19: {  	[tilespmem:s3], [sflag:$0x2] =	stream.linear.gather [hbm4b:s15+s3], $0x50, $0x38;
	[tilespmem:$0x2880] =	vst v63  }
0x1a: {  	p0 =	sne.s32 s13, $0x1;
	s13 =	sadd.s32 $0xFFFFFFFF, s13;
	_ =	swait.ge [sflag:s8], $0x50  }
0x1b: {  	[sflag:s8] =	ssyncset.done $0x0  }
0x1c: {  	[sflag:s8] =	ssyncadd.s32 $0xFFFFFFB0  }
0x1d: {  	[tilespmem:s10], [sflag:$0x1] =	stream.indirect.gather [hbm4b:s1+s9], $0x80, s3, s9, $0xb8;
	[tilespmem:$0x2880] =	vst v63  }
0x1e: {  	_ =	swait.ge [sflag:s11], $0x2800  }
.Ltmp1:
0x1f: {  	[sflag:s11] =	ssyncset.done $0x0;
	(pc) =	sbr.rel @p0 .LBB2_2-.Ltmp1, $4  }
0x20: {  	[sflag:s11] =	ssyncadd.s32 $0xFFFFD800  }
0x21: {  	[hbm4b:s14+s3] =	stream.linear.scatter [tilespmem:s10], [sflag:$0x2], $0x2800, $0x38;
	[tilespmem:$0x2880] =	vst v63  }
0x22: {  	_ =	swait.ge [sflag:s8], $0x2800  }
0x23: {  	[sflag:s8] =	ssyncset.done $0x0  }
.LBB2_3:
0x24: {  	s12 =	sadd.s32 $0x1, s12  }
0x25: {  	p0 =	sne.s32 s12, s5  }
.Ltmp2:
0x26: {  	_ = 	snop;
	(pc) =	sbr.rel @p0 .LBB2_1-.Ltmp2, $2  }
0x27: {  	_ =	sdelay $0x2  }
0x28: {  	[sflag:s8] =	ssyncadd.s32 $0xFFFFD800  }
0x29: {  	_ =	sfence.sel $0x180000  }
0x2a: {  	[bflag:$0x0] =	sbarrier.arrive $0xFFFF  }
0x2b: {  	p0 =	sne.s32 s0, $0x0;
	_ =	strace $0x9000005C  }
0x2c: {  	s0 =	sadd.s32 @!p0 $0x100000, s2;
	[bflag:$0x2] =	sbarrier.arrive $0xFFFF  }
0x2d: {  	[sflag:s0] =	ssyncadd.tile.s32 @!p0 $0x1;
	_ =	shalt  }
.Lfunc_end2:
_tile_overlayer_lowered:
.L_overlay_start_2:
0x2e: {  	(tag) =	ssettag $0x2  }
0x2f: {  	s0 =	rddreg [dreg:$0x0];
	s2 =	stileid.u32  }
0x30: {  	s1 =	rddreg [dreg:$0x1];
	p0 =	sne.s32 s2, $0x0  }
0x31: {  	s3 =	rddreg [dreg:$0x2];
	[bflag:$0x3] =	sbarrier.arrive $0xFFFF;
	s2 =	simm.s32 @!p0 $0x1C02  }
0x32: {  	[timem:s3], [sflag:s2] =	dma.local @!p0 [hbm:s0], s1  }
0x33: {  	s0 =	simm.s32 @!p0 $0x2  }
0x34: {  	_ =	swait.ge @!p0 [sflag:s0], s1  }
0x35: {  	s1 =	ssub.s32 @!p0 $0x0, s1;
	[sflag:s0] =	ssyncset.done @!p0 $0x0  }
0x36: {  	[sflag:s0] =	ssyncadd.s32 @!p0 s1  }
0x37: {  	[bflag:$0x3] =	sbarrier.arrive $0xFFFF  }
0x38: {  	_ =	shalt  }

// kernel: kernel.46.cloned.1.call-start
scs
__scs_entry_jumppad:
0x0: {  	(pc) =	sbr.rel $0x88, $3  }
0x1: {  	(tag) =	ssettag $0x0;
	lr =	simm.s32 $0x1  }
0x2: {  	[smem:$0x3F90] =	sst lr;
	_ =	strace $0xD0000000  }
0x3: {  	_ = 	snop  }
0x4: {  	_ = 	snop  }
0x5: {  	_ = 	snop  }
0x6: {  	_ = 	snop  }
0x7: {  	_ = 	snop  }
__scs_overlays_trampoline_lowered:
0x8: {  	[smem:$0x3F9F] =	sst s0  }
0x9: {  	[smem:$0x3FA0] =	sst s1  }
0xa: {  	[smem:$0x3FA1] =	sst s2  }
0xb: {  	[smem:$0x3FA2] =	sst s3  }
0xc: {  	[smem:$0x3FA3] =	sst s4  }
0xd: {  	[smem:$0x3FA4] =	sst s5  }
0xe: {  	[smem:$0x3FA5] =	sst s6  }
0xf: {  	[smem:$0x3FA6] =	sst s7  }
0x10: {  	[smem:$0x3FA7] =	sst s8  }
0x11: {  	[smem:$0x3FA8] =	sst s9;
	s0 =	simm.s32 @!p0 $0x0  }
0x12: {  	s1 =	sld [smem:$0x3F8E];
	s0 =	simm.s32 @p0 $0x1  }
0x13: {  	[smem:$0x3FA9] =	sst s0;
	s0 =	simm.s32 @!p1 $0x0  }
0x14: {  	s2 =	sld [smem:$0x3F8D];
	s0 =	simm.s32 @p1 $0x1  }
0x15: {  	[smem:$0x3FAA] =	sst s0;
	s0 =	simm.s32 @!p2 $0x0  }
0x16: {  	s3 =	sld [smem:$0x3FDB];
	s0 =	simm.s32 @p2 $0x1  }
0x17: {  	s4 =	simm.s32 $0x1BF5;
	[smem:$0x3FAC] =	sst s0  }
0x18: {  	s0 =	sld [smem:$0x3F8F];
	_ =	swait.ge [sflag:s4], $0x0  }
0x19: {  	s7 =	sld [smem:$0x3F90]  }
0x1a: {  	s8 =	sadd.s32 $0xFFFFE003, lr  }
0x1b: {  	s9 =	sadd.s32 $0xFFFFFEF7, lr;
	s5 =	simm.s32 $0xFFFFFFFF;
	p2 =	slt.u32 s8, $0xFFFFF086  }
0x1c: {  	p1 =	slt.u32 s9, $0xF7A;
	s5 =	simm.s32 @!p2 $0x0  }
0x1d: {  	s5 =	simm.s32 @p1 $0x1;
	p0 =	seq.s32 s7, s2  }
0x1e: {  	s7 =	smul.u32 @!p0 $0xF7A, s2;
	p2 =	seq.s32 @!p0 s5, $0x0  }
0x1f: {  	s9 =	smul.u32 $0xF7A, s1;
	s8 =	simm.s32 @!p0 $0x1BF5;
	p2 =	por !p2, p0  }
0x20: {  	[sflag:s8] =	ssyncset.s32 @!p0 $0xFFFFF086;
	s6 =	sadd.s32 @!p0 s3, s7;
	s7 =	simm.s32 @!p0 $0x108  }
0x21: {  	s3 =	sadd.s32 s3, s9;
	s6 =	sadd.s32 @!p0 $0x88, s6;
	s7 =	simm.s32 @p2 $0x1082  }
0x22: {  	[simem:s7], [sflag:s8] =	dma.local @!p0 [hbm:s6], $0xF7A  }
0x23: {  	s9 =	sor.u32 $0xD0000000, s2;
	s6 =	simm.s32 $0x108;
	_ =	swait.ge @!p0 [sflag:s8], $0x0  }
0x24: {  	s3 =	sadd.s32 $0x88, s3;
	s6 =	simm.s32 @!p1 $0x1082;
	[sflag:s4] =	ssyncset.s32 $0xFFFFF086  }
0x25: {  	[simem:s6], [sflag:s4] =	dma.local [hbm:s3], $0xF7A  }
0x26: {  	[smem:$0x3F90] =	sst s1;
	(tag) =	ssettag s2;
	_ =	strace s9  }
0x27: {  	s1 =	sld [smem:$0x3FA0]  }
0x28: {  	s2 =	sld [smem:$0x3FA1]  }
0x29: {  	s4 =	sld [smem:$0x3FA3]  }
0x2a: {  	p0 =	seq.s32 s5, $0x0;
	s5 =	sld [smem:$0x3FA4]  }
0x2b: {  	s6 =	sld [smem:$0x3FA5]  }
0x2c: {  	s7 =	sld [smem:$0x3FA6]  }
0x2d: {  	s3 =	simm.s32 $0x108;
	s8 =	sld [smem:$0x3FA7]  }
0x2e: {  	s3 =	simm.s32 @!p0 $0x1082;
	s9 =	sld [smem:$0x3FA8]  }
0x2f: {  	lr =	sadd.s32 s0, s3;
	s0 =	sld [smem:$0x3F9F]  }
0x30: {  	s3 =	sld [smem:$0x3FA2]  }
0x31: {  	[smem:$0x3FAB] =	sst s10  }
0x32: {  	s10 =	sld [smem:$0x3FA9];
	_ =	sdelay $0x3  }
0x33: {  	p0 =	seq.s32 s10, $0x1;
	s10 =	sld [smem:$0x3FAB];
	_ =	sdelay $0x3  }
0x34: {  	[smem:$0x3FAB] =	sst s10  }
0x35: {  	s10 =	sld [smem:$0x3FAA];
	_ =	sdelay $0x3  }
0x36: {  	p1 =	seq.s32 s10, $0x1;
	s10 =	sld [smem:$0x3FAB];
	_ =	sdelay $0x3  }
0x37: {  	[smem:$0x3FAB] =	sst s10  }
0x38: {  	s10 =	sld [smem:$0x3FAC]  }
0x39: {  	_ = 	snop;
	(pc) =	sbr.ind lr, $3  }
0x3a: {  	_ = 	snop  }
0x3b: {  	_ = 	snop  }
0x3c: {  	p2 =	seq.s32 s10, $0x1;
	s10 =	sld [smem:$0x3FAB]  }
0x3d: {  	_ =	shalt  }
0x3e: {  	_ =	shalt  }
0x3f: {  	_ =	shalt  }
0x40: {  	_ =	shalt  }
0x41: {  	_ =	shalt  }
0x42: {  	_ =	shalt  }
0x43: {  	_ =	shalt  }
0x44: {  	_ =	shalt  }
0x45: {  	_ =	shalt  }
0x46: {  	_ =	shalt  }
0x47: {  	_ =	shalt  }
0x48: {  	_ =	shalt  }
0x49: {  	_ =	shalt  }
0x4a: {  	_ =	shalt  }
0x4b: {  	_ =	shalt  }
0x4c: {  	_ =	shalt  }
0x4d: {  	_ =	shalt  }
0x4e: {  	_ =	shalt  }
0x4f: {  	_ =	shalt  }
0x50: {  	_ =	shalt  }
0x51: {  	_ =	shalt  }
0x52: {  	_ =	shalt  }
0x53: {  	_ =	shalt  }
0x54: {  	_ =	shalt  }
0x55: {  	_ =	shalt  }
0x56: {  	_ =	shalt  }
0x57: {  	_ =	shalt  }
0x58: {  	_ =	shalt  }
0x59: {  	_ =	shalt  }
0x5a: {  	_ =	shalt  }
0x5b: {  	_ =	shalt  }
0x5c: {  	_ =	shalt  }
0x5d: {  	_ =	shalt  }
0x5e: {  	_ =	shalt  }
0x5f: {  	_ =	shalt  }
0x60: {  	_ =	shalt  }
0x61: {  	_ =	shalt  }
0x62: {  	_ =	shalt  }
0x63: {  	_ =	shalt  }
0x64: {  	_ =	shalt  }
0x65: {  	_ =	shalt  }
0x66: {  	_ =	shalt  }
0x67: {  	_ =	shalt  }
0x68: {  	_ =	shalt  }
0x69: {  	_ =	shalt  }
0x6a: {  	_ =	shalt  }
0x6b: {  	_ =	shalt  }
0x6c: {  	_ =	shalt  }
0x6d: {  	_ =	shalt  }
0x6e: {  	_ =	shalt  }
0x6f: {  	_ =	shalt  }
0x70: {  	_ =	shalt  }
0x71: {  	_ =	shalt  }
0x72: {  	_ =	shalt  }
0x73: {  	_ =	shalt  }
0x74: {  	_ =	shalt  }
0x75: {  	_ =	shalt  }
0x76: {  	_ =	shalt  }
0x77: {  	_ =	shalt  }
0x78: {  	_ =	shalt  }
0x79: {  	_ =	shalt  }
0x7a: {  	_ =	shalt  }
0x7b: {  	_ =	shalt  }
0x7c: {  	_ =	shalt  }
0x7d: {  	_ =	shalt  }
0x7e: {  	_ =	shalt  }
0x7f: {  	_ =	shalt  }
0x80: {  	_ =	shalt  }
0x81: {  	_ =	shalt  }
0x82: {  	_ =	shalt  }
0x83: {  	_ =	shalt  }
0x84: {  	_ =	shalt  }
0x85: {  	_ =	shalt  }
0x86: {  	_ =	shalt  }
0x87: {  	_ =	shalt  }
.Lfunc_end0:
.L_simem_size_0:
called_computation.8_lowered:
.L_overlay_start_0:
0x88: {  	s2 =	sld [smem:$0x3FD9]  }
0x89: {  	s3 =	sld [smem:$0x3FFE];
	_ =	sdelay $0x1  }
0x8a: {  	s1 =	srdreg.scid  }
0x8b: {  	s0 =	sand.u32 $0x1, s1  }
0x8c: {  	s14 =	sshll.u32 s0, $0xA;
	s2 =	sadd.s32 s3, s2  }
0x8d: {  	s2 =	sadd.s32 s2, s14  }
0x8e: {  	[smem:$0x3FB7] =	sst s2  }
0x8f: {  	_ = 	snop  }
0x90: {  	s2 =	sld [smem:$0x3FD0];
	_ =	sdelay $0x2  }
0x91: {  	s4 =	simm.s32 $0xA;
	s5 =	simm.s32 $0x10;
	s15 =	sld [smem:$0x3FC7]  }
0x92: {  	[smem:s5], [sflag:s4] =	dma.local [hbm:s2], $0x1  }
0x93: {  	_ =	swait.eq [sflag:s4], $0x1  }
0x94: {  	[sflag:s4] =	ssyncset.done $0x0  }
0x95: {  	s16 =	sld [smem:$0x10];
	[sflag:s4] =	ssyncadd.s32 $0xFFFFFFFF  }
0x96: {  	s17 =	sld [smem:$0x11];
	(tm) =	ssettm $0x1  }
0x97: {  	s18 =	sld [smem:$0x3FFB];
	_ =	sdelay $0x3  }
0x98: {  	_ =	strace s18  }
0x99: {  	s5 =	sld [smem:$0x3FFC];
	_ =	sdelay $0x3  }
0x9a: {  	_ =	strace s5  }
0x9b: {  	s5 =	sld [smem:$0x3FFD];
	_ =	sdelay $0x3  }
0x9c: {  	_ =	strace s5  }
0x9d: {  	_ =	strace $0x8FFFFFFF  }
0x9e: {  	s19 =	sld [smem:$0x3FDB];
	_ =	sdelay $0x1  }
0x9f: {  	s6 =	simm.s32 $_scs_section_size  }
0xa0: {  	s7 =	simm.s32 $_size__tile_overlayer_lowered;
	s8 =	simm.s32 $_tile_overlayer_lowered  }
0xa1: {  	s22 =	simm.s32 $0x1BFF;
	s21 =	sshll.u32 s8, $0x1;
	s5 =	sadd.s32 s6, s19  }
0xa2: {  	s9 =	simm.s32 $0x0;
	s20 =	sshll.u32 s7, $0x1;
	s7 =	sadd.s32 s21, s5  }
0xa3: {  	[timem:s9], [sflag:s22] =	dma.local [hbm:s7], s20  }
0xa4: {  	_ =	swait.ge [sflag:s22], s20  }
0xa5: {  	s6 =	ssub.s32 $0x0, s20;
	[sflag:s22] =	ssyncset.done $0x0  }
0xa6: {  	[sflag:s22] =	ssyncadd.s32 s6;
	_ =	sdelay $0x1  }
0xa7: {  	s23 =	simm.s32 $0x1B8B  }
0xa8: {  	_ =	swait.ge [sflag:s23], $0x1  }
0xa9: {  	[sflag:s23] =	ssyncset.done $0x0  }
0xaa: {  	s25 =	simm.s32 $0x1B8E;
	s24 =	sld [smem:$0x3FFE];
	[sflag:s23] =	ssyncadd.s32 $0xFFFFFFFF  }
0xab: {  	s26 =	simm.s32 $execute0_lowered;
	[smem:$0x3FD2] =	sst s25  }
0xac: {  	s7 =	sshll.u32 s26, $0x1;
	_ =	strace $0x8000005E;
	[dreg:$0x1] =	wrdreg $0xFFFFFFFF  }
0xad: {  	s28 =	simm.s32 $_size_execute0_lowered;
	s5 =	sadd.s32 s5, s7;
	[dreg:$0x0] =	wrdreg $0x0  }
0xae: {  	s7 =	sshll.u32 s28, $0x1;
	[dreg:$0x2] =	wrdreg s5  }
0xaf: {  	[dreg:$0x3] =	wrdreg s7  }
0xb0: {  	[dreg:$0x4] =	wrdreg $0xC0  }
0xb1: {  	_ =	task [dreg:s9], $0x5FFFF  }
0xb2: {  	[dreg:$0x1] =	wrdreg $0xFFFFFFFF  }
0xb3: {  	[dreg:$0x0] =	wrdreg $0x60  }
0xb4: {  	[dreg:$0x2] =	wrdreg s16  }
0xb5: {  	[dreg:$0x3] =	wrdreg s15  }
0xb6: {  	[dreg:$0x4] =	wrdreg s24  }
0xb7: {  	[dreg:$0x5] =	wrdreg s17  }
0xb8: {  	[dreg:$0x6] =	wrdreg $0x28800  }
0xb9: {  	[dreg:$0x7] =	wrdreg $0x9  }
0xba: {  	_ =	task.clear_ibuf [dreg:s9], $0x8FFFF;
	_ =	strace $0x9000005E  }
0xbb: {  	s29 =	simm.s32 $0x9;
	_ =	strace $0x80000060  }
0xbc: {  	_ =	swait.ge [sflag:s29], $0x1  }
0xbd: {  	[sflag:s29] =	ssyncadd.s32 $0xFFFFFFFF  }
0xbe: {  	_ =	strace $0x90000060  }
0xbf: {  	_ =	sfence  }
0xc0: {  	s30 =	sld [smem:$0x0];
	_ =	sdelay $0x2  }
0xc1: {  	s31 =	sshll.u32 s1, $0xD;
	s1 =	sshrl.u32 s1, $0x2  }
0xc2: {  	s3 =	sand.u32 $0x4000, s31;
	s1 =	sadd.s32 s1, s30  }
0xc3: {  	s0 =	sor.u32 s3, s0;
	s1 =	sshll.u32 s1, $0x11  }
0xc4: {  	s0 =	sor.u32 s1, s0  }
0xc5: {  	s0 =	sadd.s32 $0x8F2B, s0  }
0xc6: {  	[sflag:s0] =	ssyncadd.remote.s32 $0x1  }
0xc7: {  	_ =	sfence.sel $0xFFFF  }
0xc8: {  	[dreg:$0x0] =	wrdreg $0xFFFFFFFF;
	(pc) =	sbr.abs _section_cstart, $3  }
0xc9: {  	[dreg:$0x1] =	wrdreg $0xFFFFFFFF  }
0xca: {  	_ =	task.clear_ibuf [dreg:s9], $0x2FFFF;
	_ =	strace $0x9FFFFFFF  }
0xcb: {  	(tm) =	ssettm $0x7FFFFFFF  }
tec
execute0_lowered:
.L_overlay_start_1:
0x0: {  	(tag) =	ssettag $0x1  }
0x1: {  	s9 =	rddreg [dreg:$0x0]  }
0x2: {  	s10 =	rddreg [dreg:$0x1]  }
0x3: {  	s4 =	rddreg [dreg:$0x2]  }
0x4: {  	s7 =	rddreg [dreg:$0x3]  }
0x5: {  	s2 =	rddreg [dreg:$0x4]  }
0x6: {  	s0 =	rddreg [dreg:$0x5]  }
0x7: {  	s3 =	simm.s32 $0x0;
	s1 =	stileid.u32;
	s5 =	srdreg.scid  }
0x8: {  	s16 =	simm.s32 $0x0;
	[smem:$0x7FF] =	sst s3;
	s6 =	smul.u32 $0x2400, s1  }
0x9: {  	s5 =	sand.u32 $0x1, s5;
	s8 =	sshll.u32 s1, $0x1;
	s26 =	smul.u32 $0x9000, s1  }
0xa: {  	s8 =	sor.u32 s5, s8;
	s12 =	ssub.s32 $0x2, s5;
	s5 =	smul.u32 $0x24000, s5  }
0xb: {  	s29 =	sshll.u32 s1, $0x6;
	_ =	strace $0x8000005F;
	s13 =	smul.u32 $0x640, s8  }
0xc: {  	s11 =	sshrl.u32 s6, $0x3;
	s25 =	sshrl.u32 s12, $0x1;
	s14 =	smul.u32 $0x5F0, s8  }
0xd: {  	p0 =	slt.u32 s8, $0x11;
	s8 =	sshrl.u32 s26, $0x2;
	s11 =	sadd.s32 s11, s4  }
0xe: {  	s12 =	ssub.s32 s12, s25;
	s4 =	simm.s32 $0x14;
	s28 =	sadd.s32 s8, s2  }
0xf: {  	s15 =	sadd.s32 s6, s5;
	s6 =	sor.u32 $0x1C02, s29;
	s14 =	sadd.s32 $0x550, s14  }
0x10: {  	s4 =	simm.s32 @!p0 $0x13;
	s5 =	sadd.s32 $0x7600, s11;
	s30 =	sshrl.u32 s15, $0x3  }
0x11: {  	s8 =	smax.u32 s12, $0x1;
	s11 =	sshrl.u32 s28, $0x3;
	s12 =	simm.s32 $0x2  }
0x12: {  	s15 =	simm.s32 $0x50;
	s14 =	smov.u32 @p0 s13;
	s7 =	sadd.s32 s7, s30  }
0x13: {  	s13 =	simm.s32 $0x80;
	s31 =	sshll.u32 s14, $0x4;
	s14 =	sshrl.u32 s14, $0x3  }
0x14: {  	s9 =	sadd.s32 s31, s9;
	s10 =	sadd.s32 s14, s10;
	s14 =	simm.s32 $0x1  }
.LBB2_1:
0x15: {  	[spmem:s11], [sflag:s6] =	dma.local [hbm:s5], $0x480  }
0x16: {  	_ =	swait.ge [sflag:s12], $0x480  }
0x17: {  	[sflag:s12] =	ssyncset.done $0x0  }
0x18: {  	[sflag:s12] =	ssyncadd.s32 $0xFFFFFB80  }
0x19: {  	[bflag:$0x0] =	sbarrier.arrive $0xFFFF  }
0x1a: {  	[tilespmem:s3], [sflag:$0x2] =	stream.linear.gather [hbm4b:s10+s3], $0x50, $0x38;
	[tilespmem:$0x4C80] =	vst v63  }
0x1b: {  	_ =	swait.ge [sflag:s12], $0x50  }
0x1c: {  	[sflag:s12] =	ssyncset.done $0x0  }
0x1d: {  	[sflag:s12] =	ssyncadd.s32 $0xFFFFFFB0  }
0x1e: {  	[tilespmem:s13], [sflag:$0x1] =	stream.linear.gather [hbm4b:s9+s3], $0x2800, $0x38;
	[tilespmem:$0x4C80] =	vst v63  }
0x1f: {  	p0 =	sne.s32 s4, $0x1;
	_ =	swait.ge [sflag:s14], $0x2800  }
.Ltmp0:
0x20: {  	[sflag:s14] =	ssyncset.done $0x0;
	(pc) =	sbr.rel @!p0 .LBB2_3-.Ltmp0, $4  }
0x21: {  	[sflag:s14] =	ssyncadd.s32 $0xFFFFD800  }
0x22: {  	[spmem:s2] =	stream.indirect.scatter.add.f32 [tilespmem:s13], [sflag:$0x2], $0x80, s3, s15, $0xb8;
	[tilespmem:$0x4C80] =	vst v63  }
0x23: {  	s17 =	sadd.s32 $0xFFFFFFFF, s4;
	_ =	swait.ge [sflag:s12], $0x2800  }
0x24: {  	s18 =	smov.u32 s9;
	s19 =	smov.u32 s10;
	[sflag:s12] =	ssyncset.done $0x0  }
.LBB2_2:
0x25: {  	[sflag:s12] =	ssyncadd.s32 $0xFFFFD800;
	s18 =	sadd.s32 $0x500, s18;
	s19 =	sadd.s32 $0xA, s19  }
0x26: {  	[tilespmem:s3], [sflag:$0x2] =	stream.linear.gather [hbm4b:s19+s3], $0x50, $0x38;
	[tilespmem:$0x4C80] =	vst v63  }
0x27: {  	p0 =	sne.s32 s17, $0x1;
	s17 =	sadd.s32 $0xFFFFFFFF, s17;
	_ =	swait.ge [sflag:s12], $0x50  }
0x28: {  	[sflag:s12] =	ssyncset.done $0x0  }
0x29: {  	[sflag:s12] =	ssyncadd.s32 $0xFFFFFFB0  }
0x2a: {  	[tilespmem:s13], [sflag:$0x1] =	stream.linear.gather [hbm4b:s18+s3], $0x2800, $0x38;
	[tilespmem:$0x4C80] =	vst v63  }
0x2b: {  	_ =	swait.ge [sflag:s14], $0x2800  }
.Ltmp1:
0x2c: {  	[sflag:s14] =	ssyncset.done $0x0;
	(pc) =	sbr.rel @p0 .LBB2_2-.Ltmp1, $4  }
0x2d: {  	[sflag:s14] =	ssyncadd.s32 $0xFFFFD800  }
0x2e: {  	[spmem:s2] =	stream.indirect.scatter.add.f32 [tilespmem:s13], [sflag:$0x2], $0x80, s3, s15, $0xb8;
	[tilespmem:$0x4C80] =	vst v63  }
0x2f: {  	_ =	swait.ge [sflag:s12], $0x2800  }
0x30: {  	[sflag:s12] =	ssyncset.done $0x0  }
.LBB2_3:
0x31: {  	s16 =	sadd.s32 $0x1, s16  }
0x32: {  	[sflag:s12] =	ssyncadd.s32 $0xFFFFD800;
	p0 =	sne.s32 s16, s8  }
.Ltmp2:
0x33: {  	[bflag:$0x0] =	sbarrier.arrive $0xFFFF;
	(pc) =	sbr.rel @p0 .LBB2_1-.Ltmp2, $4  }
0x34: {  	[hbm:s7], [sflag:s6] =	dma.local [spmem:s11], $0x480  }
0x35: {  	_ =	swait.ge [sflag:s12], $0x480  }
0x36: {  	[sflag:s12] =	ssyncset.done $0x0  }
0x37: {  	[sflag:s12] =	ssyncadd.s32 $0xFFFFFB80  }
0x38: {  	_ =	sfence.sel $0x180000  }
0x39: {  	[bflag:$0x0] =	sbarrier.arrive $0xFFFF  }
0x3a: {  	p0 =	sne.s32 s1, $0x0;
	_ =	strace $0x9000005F  }
0x3b: {  	s0 =	sadd.s32 @!p0 $0x100000, s0;
	[bflag:$0x2] =	sbarrier.arrive $0xFFFF  }
0x3c: {  	[sflag:s0] =	ssyncadd.tile.s32 @!p0 $0x1;
	_ =	shalt  }
.Lfunc_end2:
_tile_overlayer_lowered:
.L_overlay_start_2:
0x3d: {  	(tag) =	ssettag $0x2  }
0x3e: {  	s0 =	rddreg [dreg:$0x0];
	s2 =	stileid.u32  }
0x3f: {  	s1 =	rddreg [dreg:$0x1];
	p0 =	sne.s32 s2, $0x0  }
0x40: {  	s3 =	rddreg [dreg:$0x2];
	[bflag:$0x3] =	sbarrier.arrive $0xFFFF;
	s2 =	simm.s32 @!p0 $0x1C02  }
0x41: {  	[timem:s3], [sflag:s2] =	dma.local @!p0 [hbm:s0], s1  }
0x42: {  	s0 =	simm.s32 @!p0 $0x2  }
0x43: {  	_ =	swait.ge @!p0 [sflag:s0], s1  }
0x44: {  	s1 =	ssub.s32 @!p0 $0x0, s1;
	[sflag:s0] =	ssyncset.done @!p0 $0x0  }
0x45: {  	[sflag:s0] =	ssyncadd.s32 @!p0 s1  }
0x46: {  	[bflag:$0x3] =	sbarrier.arrive $0xFFFF  }
0x47: {  	_ =	shalt  }

// kernel: kernel.49.cloned.1.call-start
scs
__scs_entry_jumppad:
0x0: {  	(pc) =	sbr.rel $0x88, $3  }
0x1: {  	(tag) =	ssettag $0x0;
	lr =	simm.s32 $0x1  }
0x2: {  	[smem:$0x3F90] =	sst lr;
	_ =	strace $0xD0000000  }
0x3: {  	_ = 	snop  }
0x4: {  	_ = 	snop  }
0x5: {  	_ = 	snop  }
0x6: {  	_ = 	snop  }
0x7: {  	_ = 	snop  }
__scs_overlays_trampoline_lowered:
0x8: {  	[smem:$0x3F9F] =	sst s0  }
0x9: {  	[smem:$0x3FA0] =	sst s1  }
0xa: {  	[smem:$0x3FA1] =	sst s2  }
0xb: {  	[smem:$0x3FA2] =	sst s3  }
0xc: {  	[smem:$0x3FA3] =	sst s4  }
0xd: {  	[smem:$0x3FA4] =	sst s5  }
0xe: {  	[smem:$0x3FA5] =	sst s6  }
0xf: {  	[smem:$0x3FA6] =	sst s7  }
0x10: {  	[smem:$0x3FA7] =	sst s8  }
0x11: {  	[smem:$0x3FA8] =	sst s9;
	s0 =	simm.s32 @!p0 $0x0  }
0x12: {  	s1 =	sld [smem:$0x3F8E];
	s0 =	simm.s32 @p0 $0x1  }
0x13: {  	[smem:$0x3FA9] =	sst s0;
	s0 =	simm.s32 @!p1 $0x0  }
0x14: {  	s2 =	sld [smem:$0x3F8D];
	s0 =	simm.s32 @p1 $0x1  }
0x15: {  	[smem:$0x3FAA] =	sst s0;
	s0 =	simm.s32 @!p2 $0x0  }
0x16: {  	s3 =	sld [smem:$0x3FDB];
	s0 =	simm.s32 @p2 $0x1  }
0x17: {  	s4 =	simm.s32 $0x1BF5;
	[smem:$0x3FAC] =	sst s0  }
0x18: {  	s0 =	sld [smem:$0x3F8F];
	_ =	swait.ge [sflag:s4], $0x0  }
0x19: {  	s7 =	sld [smem:$0x3F90]  }
0x1a: {  	s8 =	sadd.s32 $0xFFFFE003, lr  }
0x1b: {  	s9 =	sadd.s32 $0xFFFFFEF7, lr;
	s5 =	simm.s32 $0xFFFFFFFF;
	p2 =	slt.u32 s8, $0xFFFFF086  }
0x1c: {  	p1 =	slt.u32 s9, $0xF7A;
	s5 =	simm.s32 @!p2 $0x0  }
0x1d: {  	s5 =	simm.s32 @p1 $0x1;
	p0 =	seq.s32 s7, s2  }
0x1e: {  	s7 =	smul.u32 @!p0 $0xF7A, s2;
	p2 =	seq.s32 @!p0 s5, $0x0  }
0x1f: {  	s9 =	smul.u32 $0xF7A, s1;
	s8 =	simm.s32 @!p0 $0x1BF5;
	p2 =	por !p2, p0  }
0x20: {  	[sflag:s8] =	ssyncset.s32 @!p0 $0xFFFFF086;
	s6 =	sadd.s32 @!p0 s3, s7;
	s7 =	simm.s32 @!p0 $0x108  }
0x21: {  	s3 =	sadd.s32 s3, s9;
	s6 =	sadd.s32 @!p0 $0x88, s6;
	s7 =	simm.s32 @p2 $0x1082  }
0x22: {  	[simem:s7], [sflag:s8] =	dma.local @!p0 [hbm:s6], $0xF7A  }
0x23: {  	s9 =	sor.u32 $0xD0000000, s2;
	s6 =	simm.s32 $0x108;
	_ =	swait.ge @!p0 [sflag:s8], $0x0  }
0x24: {  	s3 =	sadd.s32 $0x88, s3;
	s6 =	simm.s32 @!p1 $0x1082;
	[sflag:s4] =	ssyncset.s32 $0xFFFFF086  }
0x25: {  	[simem:s6], [sflag:s4] =	dma.local [hbm:s3], $0xF7A  }
0x26: {  	[smem:$0x3F90] =	sst s1;
	(tag) =	ssettag s2;
	_ =	strace s9  }
0x27: {  	s1 =	sld [smem:$0x3FA0]  }
0x28: {  	s2 =	sld [smem:$0x3FA1]  }
0x29: {  	s4 =	sld [smem:$0x3FA3]  }
0x2a: {  	p0 =	seq.s32 s5, $0x0;
	s5 =	sld [smem:$0x3FA4]  }
0x2b: {  	s6 =	sld [smem:$0x3FA5]  }
0x2c: {  	s7 =	sld [smem:$0x3FA6]  }
0x2d: {  	s3 =	simm.s32 $0x108;
	s8 =	sld [smem:$0x3FA7]  }
0x2e: {  	s3 =	simm.s32 @!p0 $0x1082;
	s9 =	sld [smem:$0x3FA8]  }
0x2f: {  	lr =	sadd.s32 s0, s3;
	s0 =	sld [smem:$0x3F9F]  }
0x30: {  	s3 =	sld [smem:$0x3FA2]  }
0x31: {  	[smem:$0x3FAB] =	sst s10  }
0x32: {  	s10 =	sld [smem:$0x3FA9];
	_ =	sdelay $0x3  }
0x33: {  	p0 =	seq.s32 s10, $0x1;
	s10 =	sld [smem:$0x3FAB];
	_ =	sdelay $0x3  }
0x34: {  	[smem:$0x3FAB] =	sst s10  }
0x35: {  	s10 =	sld [smem:$0x3FAA];
	_ =	sdelay $0x3  }
0x36: {  	p1 =	seq.s32 s10, $0x1;
	s10 =	sld [smem:$0x3FAB];
	_ =	sdelay $0x3  }
0x37: {  	[smem:$0x3FAB] =	sst s10  }
0x38: {  	s10 =	sld [smem:$0x3FAC]  }
0x39: {  	_ = 	snop;
	(pc) =	sbr.ind lr, $3  }
0x3a: {  	_ = 	snop  }
0x3b: {  	_ = 	snop  }
0x3c: {  	p2 =	seq.s32 s10, $0x1;
	s10 =	sld [smem:$0x3FAB]  }
0x3d: {  	_ =	shalt  }
0x3e: {  	_ =	shalt  }
0x3f: {  	_ =	shalt  }
0x40: {  	_ =	shalt  }
0x41: {  	_ =	shalt  }
0x42: {  	_ =	shalt  }
0x43: {  	_ =	shalt  }
0x44: {  	_ =	shalt  }
0x45: {  	_ =	shalt  }
0x46: {  	_ =	shalt  }
0x47: {  	_ =	shalt  }
0x48: {  	_ =	shalt  }
0x49: {  	_ =	shalt  }
0x4a: {  	_ =	shalt  }
0x4b: {  	_ =	shalt  }
0x4c: {  	_ =	shalt  }
0x4d: {  	_ =	shalt  }
0x4e: {  	_ =	shalt  }
0x4f: {  	_ =	shalt  }
0x50: {  	_ =	shalt  }
0x51: {  	_ =	shalt  }
0x52: {  	_ =	shalt  }
0x53: {  	_ =	shalt  }
0x54: {  	_ =	shalt  }
0x55: {  	_ =	shalt  }
0x56: {  	_ =	shalt  }
0x57: {  	_ =	shalt  }
0x58: {  	_ =	shalt  }
0x59: {  	_ =	shalt  }
0x5a: {  	_ =	shalt  }
0x5b: {  	_ =	shalt  }
0x5c: {  	_ =	shalt  }
0x5d: {  	_ =	shalt  }
0x5e: {  	_ =	shalt  }
0x5f: {  	_ =	shalt  }
0x60: {  	_ =	shalt  }
0x61: {  	_ =	shalt  }
0x62: {  	_ =	shalt  }
0x63: {  	_ =	shalt  }
0x64: {  	_ =	shalt  }
0x65: {  	_ =	shalt  }
0x66: {  	_ =	shalt  }
0x67: {  	_ =	shalt  }
0x68: {  	_ =	shalt  }
0x69: {  	_ =	shalt  }
0x6a: {  	_ =	shalt  }
0x6b: {  	_ =	shalt  }
0x6c: {  	_ =	shalt  }
0x6d: {  	_ =	shalt  }
0x6e: {  	_ =	shalt  }
0x6f: {  	_ =	shalt  }
0x70: {  	_ =	shalt  }
0x71: {  	_ =	shalt  }
0x72: {  	_ =	shalt  }
0x73: {  	_ =	shalt  }
0x74: {  	_ =	shalt  }
0x75: {  	_ =	shalt  }
0x76: {  	_ =	shalt  }
0x77: {  	_ =	shalt  }
0x78: {  	_ =	shalt  }
0x79: {  	_ =	shalt  }
0x7a: {  	_ =	shalt  }
0x7b: {  	_ =	shalt  }
0x7c: {  	_ =	shalt  }
0x7d: {  	_ =	shalt  }
0x7e: {  	_ =	shalt  }
0x7f: {  	_ =	shalt  }
0x80: {  	_ =	shalt  }
0x81: {  	_ =	shalt  }
0x82: {  	_ =	shalt  }
0x83: {  	_ =	shalt  }
0x84: {  	_ =	shalt  }
0x85: {  	_ =	shalt  }
0x86: {  	_ =	shalt  }
0x87: {  	_ =	shalt  }
.Lfunc_end0:
.L_simem_size_0:
called_computation.9_lowered:
.L_overlay_start_0:
0x88: {  	s2 =	sld [smem:$0x3FD9]  }
0x89: {  	s3 =	sld [smem:$0x3FFE];
	_ =	sdelay $0x1  }
0x8a: {  	s1 =	srdreg.scid  }
0x8b: {  	s0 =	sand.u32 $0x1, s1  }
0x8c: {  	s14 =	sshll.u32 s0, $0xA;
	s2 =	sadd.s32 s3, s2  }
0x8d: {  	s2 =	sadd.s32 s2, s14  }
0x8e: {  	[smem:$0x3FB7] =	sst s2  }
0x8f: {  	_ = 	snop  }
0x90: {  	s2 =	sld [smem:$0x3FD0];
	_ =	sdelay $0x2  }
0x91: {  	s4 =	simm.s32 $0xA;
	s5 =	simm.s32 $0x10;
	s15 =	sld [smem:$0x3FC7]  }
0x92: {  	[smem:s5], [sflag:s4] =	dma.local [hbm:s2], $0x1  }
0x93: {  	_ =	swait.eq [sflag:s4], $0x1  }
0x94: {  	[sflag:s4] =	ssyncset.done $0x0  }
0x95: {  	[sflag:s4] =	ssyncadd.s32 $0xFFFFFFFF  }
0x96: {  	s16 =	sld [smem:$0x11];
	(tm) =	ssettm $0x1  }
0x97: {  	s17 =	sld [smem:$0x3FFB];
	_ =	sdelay $0x3  }
0x98: {  	_ =	strace s17  }
0x99: {  	s4 =	sld [smem:$0x3FFC];
	_ =	sdelay $0x3  }
0x9a: {  	_ =	strace s4  }
0x9b: {  	s4 =	sld [smem:$0x3FFD];
	_ =	sdelay $0x3  }
0x9c: {  	_ =	strace s4  }
0x9d: {  	_ =	strace $0x8FFFFFFF  }
0x9e: {  	s18 =	sld [smem:$0x3FDB];
	_ =	sdelay $0x1  }
0x9f: {  	s19 =	simm.s32 $_scs_section_size  }
0xa0: {  	s6 =	simm.s32 $_size__tile_overlayer_lowered;
	s7 =	simm.s32 $_tile_overlayer_lowered  }
0xa1: {  	s22 =	simm.s32 $0x1BFF;
	s21 =	sshll.u32 s7, $0x1;
	s4 =	sadd.s32 s19, s18  }
0xa2: {  	s8 =	simm.s32 $0x0;
	s20 =	sshll.u32 s6, $0x1;
	s6 =	sadd.s32 s21, s4  }
0xa3: {  	[timem:s8], [sflag:s22] =	dma.local [hbm:s6], s20  }
0xa4: {  	_ =	swait.ge [sflag:s22], s20  }
0xa5: {  	s5 =	ssub.s32 $0x0, s20;
	[sflag:s22] =	ssyncset.done $0x0  }
0xa6: {  	[sflag:s22] =	ssyncadd.s32 s5;
	_ =	sdelay $0x1  }
0xa7: {  	s23 =	simm.s32 $0x1B8B  }
0xa8: {  	_ =	swait.ge [sflag:s23], $0x1  }
0xa9: {  	[sflag:s23] =	ssyncset.done $0x0  }
0xaa: {  	s25 =	simm.s32 $0x1B8E;
	s24 =	sld [smem:$0x3FFE];
	[sflag:s23] =	ssyncadd.s32 $0xFFFFFFFF  }
0xab: {  	s26 =	simm.s32 $execute0_lowered;
	[smem:$0x3FD2] =	sst s25  }
0xac: {  	s6 =	sshll.u32 s26, $0x1;
	_ =	strace $0x80000061;
	[dreg:$0x1] =	wrdreg $0xFFFFFFFF  }
0xad: {  	s28 =	simm.s32 $_size_execute0_lowered;
	s4 =	sadd.s32 s4, s6;
	[dreg:$0x0] =	wrdreg $0x0  }
0xae: {  	s6 =	sshll.u32 s28, $0x1;
	[dreg:$0x2] =	wrdreg s4  }
0xaf: {  	[dreg:$0x3] =	wrdreg s6  }
0xb0: {  	[dreg:$0x4] =	wrdreg $0xC0  }
0xb1: {  	_ =	task [dreg:s8], $0x5FFFF  }
0xb2: {  	[dreg:$0x1] =	wrdreg $0xFFFFFFFF  }
0xb3: {  	[dreg:$0x0] =	wrdreg $0x60  }
0xb4: {  	[dreg:$0x2] =	wrdreg s16  }
0xb5: {  	[dreg:$0x3] =	wrdreg s15  }
0xb6: {  	[dreg:$0x4] =	wrdreg s24  }
0xb7: {  	[dreg:$0x5] =	wrdreg $0x9  }
0xb8: {  	_ =	task.clear_ibuf [dreg:s8], $0x6FFFF;
	_ =	strace $0x90000061  }
0xb9: {  	s29 =	simm.s32 $0x9;
	_ =	strace $0x80000063  }
0xba: {  	_ =	swait.ge [sflag:s29], $0x1  }
0xbb: {  	[sflag:s29] =	ssyncadd.s32 $0xFFFFFFFF  }
0xbc: {  	_ =	strace $0x90000063  }
0xbd: {  	_ =	sfence  }
0xbe: {  	s30 =	sld [smem:$0x0];
	_ =	sdelay $0x2  }
0xbf: {  	s31 =	sshll.u32 s1, $0xD;
	s1 =	sshrl.u32 s1, $0x2  }
0xc0: {  	s3 =	sand.u32 $0x4000, s31;
	s1 =	sadd.s32 s1, s30  }
0xc1: {  	s0 =	sor.u32 s3, s0;
	s1 =	sshll.u32 s1, $0x11  }
0xc2: {  	s0 =	sor.u32 s1, s0  }
0xc3: {  	s0 =	sadd.s32 $0x8F2B, s0  }
0xc4: {  	[sflag:s0] =	ssyncadd.remote.s32 $0x1  }
0xc5: {  	_ =	sfence.sel $0xFFFF  }
0xc6: {  	[dreg:$0x0] =	wrdreg $0xFFFFFFFF;
	(pc) =	sbr.abs _section_cstart, $3  }
0xc7: {  	[dreg:$0x1] =	wrdreg $0xFFFFFFFF  }
0xc8: {  	_ =	task.clear_ibuf [dreg:s8], $0x2FFFF;
	_ =	strace $0x9FFFFFFF  }
0xc9: {  	(tm) =	ssettm $0x7FFFFFFF  }
tec
execute0_lowered:
.L_overlay_start_1:
0x0: {  	(tag) =	ssettag $0x1  }
0x1: {  	s1 =	rddreg [dreg:$0x0]  }
0x2: {  	s2 =	srdreg.scid;
	s7 =	rddreg [dreg:$0x1]  }
0x3: {  	s0 =	stileid.u32;
	s6 =	rddreg [dreg:$0x2];
	s3 =	simm.s32 $0x0  }
0x4: {  	s11 =	simm.s32 $0x1;
	s4 =	sand.u32 $0x1, s2;
	s30 =	sshll.u32 s0, $0x1  }
0x5: {  	s12 =	simm.s32 $0x0;
	[smem:$0x7FF] =	sst s3;
	s5 =	sor.u32 s4, s30  }
0x6: {  	s2 =	rddreg [dreg:$0x3];
	_ =	strace $0x80000062;
	s8 =	smul.u32 $0x5F0, s5  }
0x7: {  	s31 =	ssub.s32 $0x2, s4;
	s4 =	simm.s32 $0x14;
	s9 =	smul.u32 $0x640, s5  }
0x8: {  	p0 =	slt.u32 s5, $0x11;
	s10 =	sshrl.u32 s31, $0x1;
	s8 =	sadd.s32 $0x550, s8  }
0x9: {  	s5 =	ssub.s32 s31, s10;
	s4 =	simm.s32 @!p0 $0x13;
	s8 =	smov.u32 @p0 s9  }
0xa: {  	s10 =	simm.s32 $0x80;
	s9 =	sshll.u32 s8, $0x4;
	s8 =	sshrl.u32 s8, $0x3  }
0xb: {  	s5 =	smax.u32 s5, $0x1;
	s6 =	sadd.s32 s9, s6;
	s7 =	sadd.s32 s8, s7  }
0xc: {  	s8 =	simm.s32 $0x2;
	s9 =	simm.s32 $0x50;
	s6 =	sadd.s32 $0x7600, s6  }
.LBB2_1:
0xd: {  	[tilespmem:s3], [sflag:$0x2] =	stream.linear.gather [hbm4b:s7+s3], $0x50, $0x38;
	[tilespmem:$0x2880] =	vst v63  }
0xe: {  	_ =	swait.ge [sflag:s8], $0x50  }
0xf: {  	[sflag:s8] =	ssyncset.done $0x0  }
0x10: {  	[sflag:s8] =	ssyncadd.s32 $0xFFFFFFB0  }
0x11: {  	[tilespmem:s10], [sflag:$0x1] =	stream.indirect.gather [hbm4b:s1+s9], $0x80, s3, s9, $0xb8;
	[tilespmem:$0x2880] =	vst v63  }
0x12: {  	p0 =	sne.s32 s4, $0x1;
	_ =	swait.ge [sflag:s11], $0x2800  }
.Ltmp0:
0x13: {  	[sflag:s11] =	ssyncset.done $0x0;
	(pc) =	sbr.rel @!p0 .LBB2_3-.Ltmp0, $4  }
0x14: {  	[sflag:s11] =	ssyncadd.s32 $0xFFFFD800  }
0x15: {  	[hbm4b:s6+s3] =	stream.linear.scatter [tilespmem:s10], [sflag:$0x2], $0x2800, $0x38;
	[tilespmem:$0x2880] =	vst v63  }
0x16: {  	s13 =	sadd.s32 $0xFFFFFFFF, s4;
	_ =	swait.ge [sflag:s8], $0x2800  }
0x17: {  	s14 =	smov.u32 s6;
	s15 =	smov.u32 s7;
	[sflag:s8] =	ssyncset.done $0x0  }
.LBB2_2:
0x18: {  	[sflag:s8] =	ssyncadd.s32 $0xFFFFD800;
	s14 =	sadd.s32 $0x500, s14;
	s15 =	sadd.s32 $0xA, s15  }
0x19: {  	[tilespmem:s3], [sflag:$0x2] =	stream.linear.gather [hbm4b:s15+s3], $0x50, $0x38;
	[tilespmem:$0x2880] =	vst v63  }
0x1a: {  	p0 =	sne.s32 s13, $0x1;
	s13 =	sadd.s32 $0xFFFFFFFF, s13;
	_ =	swait.ge [sflag:s8], $0x50  }
0x1b: {  	[sflag:s8] =	ssyncset.done $0x0  }
0x1c: {  	[sflag:s8] =	ssyncadd.s32 $0xFFFFFFB0  }
0x1d: {  	[tilespmem:s10], [sflag:$0x1] =	stream.indirect.gather [hbm4b:s1+s9], $0x80, s3, s9, $0xb8;
	[tilespmem:$0x2880] =	vst v63  }
0x1e: {  	_ =	swait.ge [sflag:s11], $0x2800  }
.Ltmp1:
0x1f: {  	[sflag:s11] =	ssyncset.done $0x0;
	(pc) =	sbr.rel @p0 .LBB2_2-.Ltmp1, $4  }
0x20: {  	[sflag:s11] =	ssyncadd.s32 $0xFFFFD800  }
0x21: {  	[hbm4b:s14+s3] =	stream.linear.scatter [tilespmem:s10], [sflag:$0x2], $0x2800, $0x38;
	[tilespmem:$0x2880] =	vst v63  }
0x22: {  	_ =	swait.ge [sflag:s8], $0x2800  }
0x23: {  	[sflag:s8] =	ssyncset.done $0x0  }
.LBB2_3:
0x24: {  	s12 =	sadd.s32 $0x1, s12  }
0x25: {  	p0 =	sne.s32 s12, s5  }
.Ltmp2:
0x26: {  	_ = 	snop;
	(pc) =	sbr.rel @p0 .LBB2_1-.Ltmp2, $2  }
0x27: {  	_ =	sdelay $0x2  }
0x28: {  	[sflag:s8] =	ssyncadd.s32 $0xFFFFD800  }
0x29: {  	_ =	sfence.sel $0x180000  }
0x2a: {  	[bflag:$0x0] =	sbarrier.arrive $0xFFFF  }
0x2b: {  	p0 =	sne.s32 s0, $0x0;
	_ =	strace $0x90000062  }
0x2c: {  	s0 =	sadd.s32 @!p0 $0x100000, s2;
	[bflag:$0x2] =	sbarrier.arrive $0xFFFF  }
0x2d: {  	[sflag:s0] =	ssyncadd.tile.s32 @!p0 $0x1;
	_ =	shalt  }
.Lfunc_end2:
_tile_overlayer_lowered:
.L_overlay_start_2:
0x2e: {  	(tag) =	ssettag $0x2  }
0x2f: {  	s0 =	rddreg [dreg:$0x0];
	s2 =	stileid.u32  }
0x30: {  	s1 =	rddreg [dreg:$0x1];
	p0 =	sne.s32 s2, $0x0  }
0x31: {  	s3 =	rddreg [dreg:$0x2];
	[bflag:$0x3] =	sbarrier.arrive $0xFFFF;
	s2 =	simm.s32 @!p0 $0x1C02  }
0x32: {  	[timem:s3], [sflag:s2] =	dma.local @!p0 [hbm:s0], s1  }
0x33: {  	s0 =	simm.s32 @!p0 $0x2  }
0x34: {  	_ =	swait.ge @!p0 [sflag:s0], s1  }
0x35: {  	s1 =	ssub.s32 @!p0 $0x0, s1;
	[sflag:s0] =	ssyncset.done @!p0 $0x0  }
0x36: {  	[sflag:s0] =	ssyncadd.s32 @!p0 s1  }
0x37: {  	[bflag:$0x3] =	sbarrier.arrive $0xFFFF  }
0x38: {  	_ =	shalt  }

</sc_bundles>
